<compile_context>
chip_gen: v7x
topology: tpu7x:2x2x1
jax: 0.10.2.dev20260603
libtpu: 0.0.44.dev20260713+nightly
codegen_flags: <defaults>
</compile_context>

<pallas_src>
import functools

import jax
import jax.numpy as jnp
from jax import lax
from jax.experimental import pallas as pl
from jax.experimental.pallas import tpu as pltpu
from jax.experimental.pallas import tpu_sc as plsc

N = 10000
E = 320000
D = 128
NC = 2
NS = 16
B = 128
EPAD = 327680
NBATCH = EPAD // B
TPB = NBATCH // NS
H = 5120
NR = 2
NOUT = H * NR
HPT = H // NS
ACC = 5248
APT = ACC // NS
DLOC = H
DUMMY = NOUT
NBUF = 2

_mesh1 = plsc.VectorSubcoreMesh(core_axis_name="c", subcore_axis_name="s",
                                num_cores=1)
_mesh2 = plsc.VectorSubcoreMesh(core_axis_name="c", subcore_axis_name="s")


def _zero_2d(ref, rows, width):
    z = jnp.zeros((16,), jnp.float32)

    def row(i, carry):
        for j in range(width // 16):
            ref[i, pl.ds(j * 16, 16)] = z
        return carry

    lax.fori_loop(0, rows, row, 0)


def _zero_1d(ref, n):
    z = jnp.zeros((16,), jnp.float32)

    def body(i, carry):
        ref[pl.ds(i * 16, 16)] = z
        return carry

    lax.fori_loop(0, n // 16, body, 0)


def _agg_round(r, x_hbm, src_hbm, dst_hbm, out_hbm, deg_hbm, sidx, didxr,
               didx, rows, esem, gsem, ssem, wbuf, accum, deg_part):
    s = lax.axis_index("s")
    lo = r * H

    pltpu.sync_copy(wbuf.at[pl.ds(0, APT)], accum.at[pl.ds(s * APT, APT)])
    if deg_part is not None:
        ones, dbuf, dacc = deg_part

        @pl.when(s == 0)
        def _():
            pltpu.sync_copy(dbuf, dacc)

    plsc.subcore_barrier()

    base = s * TPB

    def _drain(k):
        pltpu.make_async_copy(rows[k], accum.at[didx[k]], ssem[k]).wait()
        if deg_part is not None:
            ones, _, dacc = deg_part
            pltpu.make_async_copy(ones, dacc.at[didx[k]], ssem[k]).wait()

    def _load_idx(b, k):
        pltpu.async_copy(src_hbm.at[b], sidx[k], esem[k])
        pltpu.async_copy(dst_hbm.at[b], didxr[k], esem[k])

    def _wait_idx(b, k):
        pltpu.make_async_copy(src_hbm.at[b], sidx[k], esem[k]).wait()
        pltpu.make_async_copy(dst_hbm.at[b], didxr[k], esem[k]).wait()

    for k in range(NBUF):
        _load_idx(base + k, k)

    def batch(i, carry):
        for k in range(NBUF):
            b = i * NBUF + k

            @pl.when(i > 0)
            def _():
                _drain(k)

            _wait_idx(base + b, k)
            for j in range(B // 16):
                sl = pl.ds(j * 16, 16)
                u = didxr[k][sl]
                m = (u >= lo) & (u < lo + H)
                didx[k][sl] = jnp.where(m, u - lo, DLOC)
            pltpu.async_copy(x_hbm.at[sidx[k]], rows[k], gsem[k])

        for k in range(NBUF):
            b = i * NBUF + k
            pltpu.make_async_copy(x_hbm.at[sidx[k]], rows[k],
                                  gsem[k]).wait()

            @pl.when(b + NBUF < TPB)
            def _():
                _load_idx(base + b + NBUF, k)

            desc = pltpu.make_async_copy(rows[k], accum.at[didx[k]], ssem[k])
            desc.start(add=True)
            if deg_part is not None:
                ones, _, dacc = deg_part
                d2 = pltpu.make_async_copy(ones, dacc.at[didx[k]], ssem[k])
                d2.start(add=True)
        return carry

    lax.fori_loop(0, TPB // NBUF, batch, 0)
    for k in range(NBUF):
        _drain(k)

    plsc.subcore_barrier()

    pltpu.sync_copy(accum.at[pl.ds(s * HPT, HPT)], wbuf.at[pl.ds(0, HPT)])
    pltpu.sync_copy(wbuf.at[pl.ds(0, HPT)],
                    out_hbm.at[pl.ds(lo + s * HPT, HPT)])
    if deg_part is not None:
        ones, dbuf, dacc = deg_part
        pltpu.sync_copy(dacc.at[pl.ds(s * HPT, HPT)], dbuf.at[pl.ds(0, HPT)])
        pltpu.sync_copy(dbuf.at[pl.ds(0, HPT)],
                        deg_hbm.at[pl.ds(lo + s * HPT, HPT)])
    plsc.subcore_barrier()
    _zero_2d(wbuf, APT, D)
    if deg_part is not None:
        ones, dbuf, dacc = deg_part
        _zero_1d(dbuf, ACC)


_AGG_SCRATCH = (
    [pltpu.VMEM((B,), jnp.int32) for _ in range(3 * NBUF)]
    + [pltpu.VMEM((B, D), jnp.float32) for _ in range(NBUF)]
    + [pltpu.SemaphoreType.DMA for _ in range(3 * NBUF)]
    + [
        pltpu.VMEM((APT, D), jnp.float32),
        pltpu.VMEM_SHARED((ACC, D), jnp.float32),
    ]
)


@functools.partial(
    pl.kernel,
    out_type=[
        jax.ShapeDtypeStruct((NOUT, D), jnp.float32),
        jax.ShapeDtypeStruct((NOUT,), jnp.float32),
    ],
    mesh=_mesh1,
    scratch_types=_AGG_SCRATCH + [
        pltpu.VMEM((B,), jnp.float32),
        pltpu.VMEM((ACC,), jnp.float32),
        pltpu.VMEM_SHARED((ACC,), jnp.float32),
    ],
)
def _agg_deg(x_hbm, src_hbm, dst_hbm, out_hbm, deg_hbm, *refs):
    sidx = refs[0:NBUF]
    didxr = refs[NBUF:2 * NBUF]
    didx = refs[2 * NBUF:3 * NBUF]
    rows = refs[3 * NBUF:4 * NBUF]
    esem = refs[4 * NBUF:5 * NBUF]
    gsem = refs[5 * NBUF:6 * NBUF]
    ssem = refs[6 * NBUF:7 * NBUF]
    wbuf, accum, ones, dbuf, dacc = refs[7 * NBUF:]

    one = jnp.full((16,), 1.0, jnp.float32)
    for j in range(B // 16):
        ones[pl.ds(j * 16, 16)] = one
    _zero_2d(wbuf, APT, D)
    _zero_1d(dbuf, ACC)
    for r in range(NR):
        _agg_round(r, x_hbm, src_hbm, dst_hbm, out_hbm, deg_hbm, sidx, didxr,
                   didx, rows, esem, gsem, ssem, wbuf, accum,
                   (ones, dbuf, dacc))


@functools.partial(
    pl.kernel,
    out_type=jax.ShapeDtypeStruct((NOUT, D), jnp.float32),
    mesh=_mesh1,
    scratch_types=_AGG_SCRATCH,
)
def _agg(x_hbm, src_hbm, dst_hbm, out_hbm, *refs):
    sidx = refs[0:NBUF]
    didxr = refs[NBUF:2 * NBUF]
    didx = refs[2 * NBUF:3 * NBUF]
    rows = refs[3 * NBUF:4 * NBUF]
    esem = refs[4 * NBUF:5 * NBUF]
    gsem = refs[5 * NBUF:6 * NBUF]
    ssem = refs[6 * NBUF:7 * NBUF]
    wbuf, accum = refs[7 * NBUF:]

    _zero_2d(wbuf, APT, D)
    for r in range(NR):
        _agg_round(r, x_hbm, src_hbm, dst_hbm, out_hbm, None, sidx, didxr,
                   didx, rows, esem, gsem, ssem, wbuf, accum, None)


@functools.partial(
    pl.kernel,
    out_type=jax.ShapeDtypeStruct((EPAD,), jnp.float32),
    mesh=_mesh2,
    scratch_types=(
        [pltpu.VMEM((B,), jnp.int32) for _ in range(2 * NBUF)]
        + [pltpu.VMEM((B,), jnp.float32) for _ in range(3 * NBUF)]
        + [pltpu.SemaphoreType.DMA for _ in range(3 * NBUF)]
    ),
)
def _decode(s_hbm, t_hbm, src_hbm, dst_hbm, out_hbm, *refs):
    sidx = refs[0:NBUF]
    didx = refs[NBUF:2 * NBUF]
    sg = refs[2 * NBUF:3 * NBUF]
    tg = refs[3 * NBUF:4 * NBUF]
    ob = refs[4 * NBUF:5 * NBUF]
    esem = refs[5 * NBUF:6 * NBUF]
    gsem = refs[6 * NBUF:7 * NBUF]
    osem = refs[7 * NBUF:8 * NBUF]

    c = lax.axis_index("c")
    s = lax.axis_index("s")
    tpb = NBATCH // (NC * NS)
    base = (c * NS + s) * tpb

    def _load_idx(b, k):
        pltpu.async_copy(src_hbm.at[b], sidx[k], esem[k])
        pltpu.async_copy(dst_hbm.at[b], didx[k], esem[k])

    def _wait_idx(b, k):
        pltpu.make_async_copy(src_hbm.at[b], sidx[k], esem[k]).wait()
        pltpu.make_async_copy(dst_hbm.at[b], didx[k], esem[k]).wait()

    for k in range(NBUF):
        _load_idx(base + k, k)

    def batch(i, carry):
        for k in range(NBUF):
            b = i * NBUF + k
            _wait_idx(base + b, k)
            pltpu.async_copy(s_hbm.at[sidx[k]], sg[k], gsem[k])
            pltpu.async_copy(t_hbm.at[didx[k]], tg[k], gsem[k])
        for k in range(NBUF):
            b = i * NBUF + k
            pltpu.make_async_copy(s_hbm.at[sidx[k]], sg[k], gsem[k]).wait()
            pltpu.make_async_copy(t_hbm.at[didx[k]], tg[k], gsem[k]).wait()

            @pl.when(i > 0)
            def _():
                pltpu.make_async_copy(
                    ob[k], out_hbm.at[pl.ds(0, B)], osem[k]).wait()

            for j in range(B // 16):
                sl = pl.ds(j * 16, 16)
                v = sg[k][sl] + tg[k][sl]
                ob[k][sl] = 1.0 / (1.0 + jnp.exp(-v))

            @pl.when(b + NBUF < tpb)
            def _():
                _load_idx(base + b + NBUF, k)
            pltpu.async_copy(ob[k], out_hbm.at[pl.ds((base + b) * B, B)],
                             osem[k])
        return carry

    lax.fori_loop(0, tpb // NBUF, batch, 0)
    for k in range(NBUF):
        pltpu.make_async_copy(ob[k], out_hbm.at[pl.ds(0, B)], osem[k]).wait()


RB = 2000
GRID = N // RB


def _tc1_body(p_ref, dg_ref, x_ref, wl_ref, wr_ref, bl_ref, o_ref):
    inv = 1.0 / jnp.maximum(dg_ref[...], 1.0)
    agg = p_ref[...] * inv
    h = lax.dot_general(agg, wl_ref[...], (((1,), (1,)), ((), ())),
                        preferred_element_type=jnp.float32)
    h = h + bl_ref[...]
    h = h + lax.dot_general(x_ref[...], wr_ref[...], (((1,), (1,)), ((), ())),
                            preferred_element_type=jnp.float32)
    o_ref[...] = jnp.maximum(h, 0.0)


def _tc1(p, dg, x, Wl1, bl1, Wr1):
    return pl.pallas_call(
        _tc1_body,
        grid=(GRID,),
        in_specs=[
            pl.BlockSpec((RB, D), lambda i: (i, 0)),
            pl.BlockSpec((RB, 1), lambda i: (i, 0)),
            pl.BlockSpec((RB, D), lambda i: (i, 0)),
            pl.BlockSpec((D, D), lambda i: (0, 0)),
            pl.BlockSpec((D, D), lambda i: (0, 0)),
            pl.BlockSpec((1, D), lambda i: (0, 0)),
        ],
        out_specs=pl.BlockSpec((RB, D), lambda i: (i, 0)),
        out_shape=jax.ShapeDtypeStruct((N, D), jnp.float32),
    )(p, dg, x, Wl1, Wr1, bl1)


def _tc2_body(p_ref, dg_ref, h_ref, wl_ref, wr_ref, bl_ref, wd_ref, bv_ref,
              o_ref):
    inv = 1.0 / jnp.maximum(dg_ref[...], 1.0)
    agg = p_ref[...] * inv
    z = lax.dot_general(agg, wl_ref[...], (((1,), (1,)), ((), ())),
                        preferred_element_type=jnp.float32)
    z = z + bl_ref[...]
    z = z + lax.dot_general(h_ref[...], wr_ref[...], (((1,), (1,)), ((), ())),
                            preferred_element_type=jnp.float32)
    o_ref[...] = lax.dot_general(z, wd_ref[...], (((1,), (0,)), ((), ())),
                                 preferred_element_type=jnp.float32) + bv_ref[...]


def _tc2(p, dg, h, Wl2, bl2, Wr2, wd, bv):
    return pl.pallas_call(
        _tc2_body,
        grid=(GRID,),
        in_specs=[
            pl.BlockSpec((RB, D), lambda i: (i, 0)),
            pl.BlockSpec((RB, 1), lambda i: (i, 0)),
            pl.BlockSpec((RB, D), lambda i: (i, 0)),
            pl.BlockSpec((D, D), lambda i: (0, 0)),
            pl.BlockSpec((D, D), lambda i: (0, 0)),
            pl.BlockSpec((1, D), lambda i: (0, 0)),
            pl.BlockSpec((D, 2), lambda i: (0, 0)),
            pl.BlockSpec((1, 2), lambda i: (0, 0)),
        ],
        out_specs=pl.BlockSpec((RB, 2), lambda i: (i, 0)),
        out_shape=jax.ShapeDtypeStruct((N, 2), jnp.float32),
    )(p, dg, h, Wl2, Wr2, bl2, wd, bv)


def kernel(x, edge_index, Wl1, bl1, Wr1, Wl2, bl2, Wr2, Wlin, blin):
    src = edge_index[0].astype(jnp.int32)
    dst = edge_index[1].astype(jnp.int32)
    pad = EPAD - E
    src2d = jnp.concatenate([src, jnp.zeros((pad,), jnp.int32)]).reshape(
        NBATCH, B)
    dst2d = jnp.concatenate([dst, jnp.full((pad,), DUMMY, jnp.int32)]).reshape(
        NBATCH, B)

    p1, deg = _agg_deg(x, src2d, dst2d)
    dg = deg[:N].reshape(N, 1)
    h = _tc1(p1, dg, x, Wl1, bl1.reshape(1, D), Wr1)

    p2 = _agg(h, src2d, dst2d)
    wd = jnp.stack([Wlin[0, :D], Wlin[0, D:]], axis=1)
    bv = jnp.stack([blin[0], jnp.zeros((), jnp.float32)]).reshape(1, 2)
    st = _tc2(p2, dg, h, Wl2, bl2.reshape(1, D), Wr2, wd, bv)

    s_tab = jnp.pad(st[:, 0], (0, NOUT + B - N))
    t_tab = jnp.pad(st[:, 1], (0, NOUT + B - N))
    logits = _decode(s_tab, t_tab, src2d, dst2d)
    return logits[:E]

# --- scband reference (transcript-rebuilt; emitter-appended) ---
"""Pipeline reference for scband-simple-graph-sage-10050223473231 (READ-ONLY COPY).

The authoritative reference and input builder live on the scoring server;
editing this copy changes nothing except your own understanding.
"""

import jax, jax.numpy as jnp
import numpy as np

N_NODES = 10000
N_EDGES = 320000
D_IN = 128
D_HID = 128
D_OUT = 128


def setup_inputs(seed: int = 0) -> dict:
    key = jax.random.key(seed)
    ks = jax.random.split(key, 12)
    x = jax.random.normal(ks[0], (N_NODES, D_IN), dtype=jnp.float32)
    edge_index = jax.random.randint(ks[1], (2, N_EDGES), 0, N_NODES, dtype=jnp.int64 if jax.config.read('jax_enable_x64') else jnp.int32)
    # SAGEConv1 params: lin_l (aggregated neighbors), lin_r (root)
    Wl1 = jax.random.normal(ks[2], (D_HID, D_IN), dtype=jnp.float32) * 0.05
    bl1 = jnp.zeros((D_HID,), dtype=jnp.float32)
    Wr1 = jax.random.normal(ks[3], (D_HID, D_IN), dtype=jnp.float32) * 0.05
    # SAGEConv2 params
    Wl2 = jax.random.normal(ks[4], (D_OUT, D_HID), dtype=jnp.float32) * 0.05
    bl2 = jnp.zeros((D_OUT,), dtype=jnp.float32)
    Wr2 = jax.random.normal(ks[5], (D_OUT, D_HID), dtype=jnp.float32) * 0.05
    # decoder linear: out_channels*2 -> 1
    Wlin = jax.random.normal(ks[6], (1, D_OUT * 2), dtype=jnp.float32) * 0.05
    blin = jnp.zeros((1,), dtype=jnp.float32)
    return {"x": x, "edge_index": edge_index, "Wl1": Wl1, "bl1": bl1, "Wr1": Wr1,
            "Wl2": Wl2, "bl2": bl2, "Wr2": Wr2, "Wlin": Wlin, "blin": blin}


def _sage_conv(x, src, dst, n_nodes, Wl, bl, Wr):
    # PyG SAGEConv with mean aggregation: out = lin_l(mean_j x_j) + lin_r(x_i)
    msgs = jnp.take(x, src, axis=0)
    agg_sum = jax.ops.segment_sum(msgs, dst, num_segments=n_nodes)
    deg = jax.ops.segment_sum(jnp.ones((src.shape[0],), dtype=x.dtype), dst, num_segments=n_nodes)
    agg_mean = agg_sum / jnp.clip(deg, 1.0)[:, None]
    return agg_mean @ Wl.T + bl + x @ Wr.T


def reference(x, edge_index, Wl1, bl1, Wr1, Wl2, bl2, Wr2, Wlin, blin):
    src = edge_index[0]
    dst = edge_index[1]
    n_nodes = x.shape[0]
    # encode (eval mode: dropout is identity)
    h = _sage_conv(x, src, dst, n_nodes, Wl1, bl1, Wr1)
    h = jax.nn.relu(h)
    z = _sage_conv(h, src, dst, n_nodes, Wl2, bl2, Wr2)
    # decode: link prediction on the same edges
    edge_features = jnp.concatenate([jnp.take(z, src, axis=0), jnp.take(z, dst, axis=0)], axis=-1)
    logits = edge_features @ Wlin.T + blin
    return jax.nn.sigmoid(logits).squeeze(-1)

if __name__ == "__main__":
    import jax
    _d = setup_inputs()
    print(jax.jit(kernel)(*tuple(_d.values())))

</pallas_src>

<mosaic_0001>
#map = affine_map<(d0, d1) -> (0)>
#map1 = affine_map<(d0, d1) -> (0, 0)>
module attributes {stable_mosaic.version = 14 : i64} {
  func.func @_decode(%arg0: i32, %arg1: i32, %arg2: memref<10368xf32, #tpu.memory_space<hbm>>, %arg3: memref<10368xf32, #tpu.memory_space<hbm>>, %arg4: memref<2560x128xi32, #tpu.memory_space<hbm>>, %arg5: memref<2560x128xi32, #tpu.memory_space<hbm>>, %arg6: memref<327680xf32, #tpu.memory_space<hbm>>, %arg7: memref<128xi32, #tpu.memory_space<vmem>>, %arg8: memref<128xi32, #tpu.memory_space<vmem>>, %arg9: memref<128xi32, #tpu.memory_space<vmem>>, %arg10: memref<128xi32, #tpu.memory_space<vmem>>, %arg11: memref<128xf32, #tpu.memory_space<vmem>>, %arg12: memref<128xf32, #tpu.memory_space<vmem>>, %arg13: memref<128xf32, #tpu.memory_space<vmem>>, %arg14: memref<128xf32, #tpu.memory_space<vmem>>, %arg15: memref<128xf32, #tpu.memory_space<vmem>>, %arg16: memref<128xf32, #tpu.memory_space<vmem>>, %arg17: memref<!tpu.dma_semaphore, #tpu.memory_space<semaphore_mem>>, %arg18: memref<!tpu.dma_semaphore, #tpu.memory_space<semaphore_mem>>, %arg19: memref<!tpu.dma_semaphore, #tpu.memory_space<semaphore_mem>>, %arg20: memref<!tpu.dma_semaphore, #tpu.memory_space<semaphore_mem>>, %arg21: memref<!tpu.dma_semaphore, #tpu.memory_space<semaphore_mem>>, %arg22: memref<!tpu.dma_semaphore, #tpu.memory_space<semaphore_mem>>) attributes {dimension_semantics = [#tpu.dimension_semantics<core_parallel>, #tpu.dimension_semantics<subcore_parallel>], iteration_bounds = array<i64: 2, 16>, scalar_prefetch = 0 : i64, scratch_operands = 16 : i64, tpu.core_type = #tpu.core_type<sc_vector_subcore>, window_params = [{transform_indices = #map}, {transform_indices = #map}, {transform_indices = #map1}, {transform_indices = #map1}, {transform_indices = #map}]} {
    %mul3A = arith.constant 16 : i32
    %mul3A_0 = arith.muli %arg0, %mul3A : i32
    %add3A = arith.addi %mul3A_0, %arg1 : i32
    %mul3A_1 = arith.constant 80 : i32
    %mul3A_2 = arith.muli %add3A, %mul3A_1 : i32
    %add3A_3 = arith.constant 0 : i32
    %add3A_4 = arith.addi %mul3A_2, %add3A_3 : i32
    %dma_start3A = arith.constant 0 : i32
    %dma_start3A_5 = tpu.memref_slice %arg4[%add3A_4, %dma_start3A] : memref<2560x128xi32, #tpu.memory_space<hbm>> -> memref<1x128xi32, #tpu.memory_space<hbm>>
    %dma_start3A_6 = tpu.memref_squeeze %dma_start3A_5 : memref<1x128xi32, #tpu.memory_space<hbm>> -> memref<128xi32, #tpu.memory_space<hbm>>
    %dma_start3A_7 = arith.constant 0 : i32
    %dma_start3A_8 = tpu.memref_slice %arg4[%add3A_4, %dma_start3A_7] : memref<2560x128xi32, #tpu.memory_space<hbm>> -> memref<1x128xi32, #tpu.memory_space<hbm>>
    %dma_start3A_9 = tpu.memref_squeeze %dma_start3A_8 : memref<1x128xi32, #tpu.memory_space<hbm>> -> memref<128xi32, #tpu.memory_space<hbm>>
    tpu.enqueue_dma source(%dma_start3A_9 : memref<128xi32, #tpu.memory_space<hbm>>) target(%arg7 : memref<128xi32, #tpu.memory_space<vmem>>) target_semaphore(%arg17 : memref<!tpu.dma_semaphore, #tpu.memory_space<semaphore_mem>>)
    %dma_start3A_10 = arith.constant 0 : i32
    %dma_start3A_11 = tpu.memref_slice %arg5[%add3A_4, %dma_start3A_10] : memref<2560x128xi32, #tpu.memory_space<hbm>> -> memref<1x128xi32, #tpu.memory_space<hbm>>
    %dma_start3A_12 = tpu.memref_squeeze %dma_start3A_11 : memref<1x128xi32, #tpu.memory_space<hbm>> -> memref<128xi32, #tpu.memory_space<hbm>>
    %dma_start3A_13 = arith.constant 0 : i32
    %dma_start3A_14 = tpu.memref_slice %arg5[%add3A_4, %dma_start3A_13] : memref<2560x128xi32, #tpu.memory_space<hbm>> -> memref<1x128xi32, #tpu.memory_space<hbm>>
    %dma_start3A_15 = tpu.memref_squeeze %dma_start3A_14 : memref<1x128xi32, #tpu.memory_space<hbm>> -> memref<128xi32, #tpu.memory_space<hbm>>
    tpu.enqueue_dma source(%dma_start3A_15 : memref<128xi32, #tpu.memory_space<hbm>>) target(%arg9 : memref<128xi32, #tpu.memory_space<vmem>>) target_semaphore(%arg17 : memref<!tpu.dma_semaphore, #tpu.memory_space<semaphore_mem>>)
    %add3A_16 = arith.constant 1 : i32
    %add3A_17 = arith.addi %mul3A_2, %add3A_16 : i32
    %dma_start3A_18 = arith.constant 0 : i32
    %dma_start3A_19 = tpu.memref_slice %arg4[%add3A_17, %dma_start3A_18] : memref<2560x128xi32, #tpu.memory_space<hbm>> -> memref<1x128xi32, #tpu.memory_space<hbm>>
    %dma_start3A_20 = tpu.memref_squeeze %dma_start3A_19 : memref<1x128xi32, #tpu.memory_space<hbm>> -> memref<128xi32, #tpu.memory_space<hbm>>
    %dma_start3A_21 = arith.constant 0 : i32
    %dma_start3A_22 = tpu.memref_slice %arg4[%add3A_17, %dma_start3A_21] : memref<2560x128xi32, #tpu.memory_space<hbm>> -> memref<1x128xi32, #tpu.memory_space<hbm>>
    %dma_start3A_23 = tpu.memref_squeeze %dma_start3A_22 : memref<1x128xi32, #tpu.memory_space<hbm>> -> memref<128xi32, #tpu.memory_space<hbm>>
    tpu.enqueue_dma source(%dma_start3A_23 : memref<128xi32, #tpu.memory_space<hbm>>) target(%arg8 : memref<128xi32, #tpu.memory_space<vmem>>) target_semaphore(%arg18 : memref<!tpu.dma_semaphore, #tpu.memory_space<semaphore_mem>>)
    %dma_start3A_24 = arith.constant 0 : i32
    %dma_start3A_25 = tpu.memref_slice %arg5[%add3A_17, %dma_start3A_24] : memref<2560x128xi32, #tpu.memory_space<hbm>> -> memref<1x128xi32, #tpu.memory_space<hbm>>
    %dma_start3A_26 = tpu.memref_squeeze %dma_start3A_25 : memref<1x128xi32, #tpu.memory_space<hbm>> -> memref<128xi32, #tpu.memory_space<hbm>>
    %dma_start3A_27 = arith.constant 0 : i32
    %dma_start3A_28 = tpu.memref_slice %arg5[%add3A_17, %dma_start3A_27] : memref<2560x128xi32, #tpu.memory_space<hbm>> -> memref<1x128xi32, #tpu.memory_space<hbm>>
    %dma_start3A_29 = tpu.memref_squeeze %dma_start3A_28 : memref<1x128xi32, #tpu.memory_space<hbm>> -> memref<128xi32, #tpu.memory_space<hbm>>
    tpu.enqueue_dma source(%dma_start3A_29 : memref<128xi32, #tpu.memory_space<hbm>>) target(%arg10 : memref<128xi32, #tpu.memory_space<vmem>>) target_semaphore(%arg18 : memref<!tpu.dma_semaphore, #tpu.memory_space<semaphore_mem>>)
    %scan3A = arith.constant 0 : i32
    %scan3A_30 = arith.constant 0 : i32
    %scan3A_31 = arith.constant 40 : i32
    %scan3A_32 = arith.addi %scan3A_30, %scan3A_31 : i32
    %scan3A_33 = arith.constant 1 : i32
    scf.for %scan3A_42 = %scan3A_30 to %scan3A_32 step %scan3A_33  : i32 {
      %mul3A_43 = arith.constant 2 : i32
      %mul3A_44 = arith.muli %scan3A_42, %mul3A_43 : i32
      %add3A_45 = arith.constant 0 : i32
      %add3A_46 = arith.addi %mul3A_44, %add3A_45 : i32
      %add3A_47 = arith.addi %mul3A_2, %add3A_46 : i32
      %dma_wait3A_48 = arith.constant 0 : i32
      %dma_wait3A_49 = tpu.memref_slice %arg4[%add3A_47, %dma_wait3A_48] : memref<2560x128xi32, #tpu.memory_space<hbm>> -> memref<1x128xi32, #tpu.memory_space<hbm>>
      %dma_wait3A_50 = tpu.memref_squeeze %dma_wait3A_49 : memref<1x128xi32, #tpu.memory_space<hbm>> -> memref<128xi32, #tpu.memory_space<hbm>>
      %dma_wait3A_51 = arith.constant 0 : i32
      %dma_wait3A_52 = tpu.memref_slice %arg4[%add3A_47, %dma_wait3A_51] : memref<2560x128xi32, #tpu.memory_space<hbm>> -> memref<1x128xi32, #tpu.memory_space<hbm>>
      %dma_wait3A_53 = tpu.memref_squeeze %dma_wait3A_52 : memref<1x128xi32, #tpu.memory_space<hbm>> -> memref<128xi32, #tpu.memory_space<hbm>>
      tpu.wait_dma2 semaphore(%arg17 : memref<!tpu.dma_semaphore, #tpu.memory_space<semaphore_mem>>) src(%dma_wait3A_53 : memref<128xi32, #tpu.memory_space<hbm>>) dst(%arg7 : memref<128xi32, #tpu.memory_space<vmem>>)
      %dma_wait3A_54 = arith.constant 0 : i32
      %dma_wait3A_55 = tpu.memref_slice %arg5[%add3A_47, %dma_wait3A_54] : memref<2560x128xi32, #tpu.memory_space<hbm>> -> memref<1x128xi32, #tpu.memory_space<hbm>>
      %dma_wait3A_56 = tpu.memref_squeeze %dma_wait3A_55 : memref<1x128xi32, #tpu.memory_space<hbm>> -> memref<128xi32, #tpu.memory_space<hbm>>
      %dma_wait3A_57 = arith.constant 0 : i32
      %dma_wait3A_58 = tpu.memref_slice %arg5[%add3A_47, %dma_wait3A_57] : memref<2560x128xi32, #tpu.memory_space<hbm>> -> memref<1x128xi32, #tpu.memory_space<hbm>>
      %dma_wait3A_59 = tpu.memref_squeeze %dma_wait3A_58 : memref<1x128xi32, #tpu.memory_space<hbm>> -> memref<128xi32, #tpu.memory_space<hbm>>
      tpu.wait_dma2 semaphore(%arg17 : memref<!tpu.dma_semaphore, #tpu.memory_space<semaphore_mem>>) src(%dma_wait3A_59 : memref<128xi32, #tpu.memory_space<hbm>>) dst(%arg9 : memref<128xi32, #tpu.memory_space<vmem>>)
      %dma_start3A_60 = arith.constant 0 : i32
      %dma_start3A_61 = tpu.memref_slice %arg2[%dma_start3A_60] : memref<10368xf32, #tpu.memory_space<hbm>> -> memref<10368xf32, #tpu.memory_space<hbm>>
      tpu.enqueue_indirect_dma source(%dma_start3A_61 : memref<10368xf32, #tpu.memory_space<hbm>>) target(%arg11 : memref<128xf32, #tpu.memory_space<vmem>>) offsets(%arg7 : memref<128xi32, #tpu.memory_space<vmem>>) semaphore(%arg19 : memref<!tpu.dma_semaphore, #tpu.memory_space<semaphore_mem>>)
      %dma_start3A_62 = arith.constant 0 : i32
      %dma_start3A_63 = tpu.memref_slice %arg3[%dma_start3A_62] : memref<10368xf32, #tpu.memory_space<hbm>> -> memref<10368xf32, #tpu.memory_space<hbm>>
      tpu.enqueue_indirect_dma source(%dma_start3A_63 : memref<10368xf32, #tpu.memory_space<hbm>>) target(%arg13 : memref<128xf32, #tpu.memory_space<vmem>>) offsets(%arg9 : memref<128xi32, #tpu.memory_space<vmem>>) semaphore(%arg19 : memref<!tpu.dma_semaphore, #tpu.memory_space<semaphore_mem>>)
      %mul3A_64 = arith.constant 2 : i32
      %mul3A_65 = arith.muli %scan3A_42, %mul3A_64 : i32
      %add3A_66 = arith.constant 1 : i32
      %add3A_67 = arith.addi %mul3A_65, %add3A_66 : i32
      %add3A_68 = arith.addi %mul3A_2, %add3A_67 : i32
      %dma_wait3A_69 = arith.constant 0 : i32
      %dma_wait3A_70 = tpu.memref_slice %arg4[%add3A_68, %dma_wait3A_69] : memref<2560x128xi32, #tpu.memory_space<hbm>> -> memref<1x128xi32, #tpu.memory_space<hbm>>
      %dma_wait3A_71 = tpu.memref_squeeze %dma_wait3A_70 : memref<1x128xi32, #tpu.memory_space<hbm>> -> memref<128xi32, #tpu.memory_space<hbm>>
      %dma_wait3A_72 = arith.constant 0 : i32
      %dma_wait3A_73 = tpu.memref_slice %arg4[%add3A_68, %dma_wait3A_72] : memref<2560x128xi32, #tpu.memory_space<hbm>> -> memref<1x128xi32, #tpu.memory_space<hbm>>
      %dma_wait3A_74 = tpu.memref_squeeze %dma_wait3A_73 : memref<1x128xi32, #tpu.memory_space<hbm>> -> memref<128xi32, #tpu.memory_space<hbm>>
      tpu.wait_dma2 semaphore(%arg18 : memref<!tpu.dma_semaphore, #tpu.memory_space<semaphore_mem>>) src(%dma_wait3A_74 : memref<128xi32, #tpu.memory_space<hbm>>) dst(%arg8 : memref<128xi32, #tpu.memory_space<vmem>>)
      %dma_wait3A_75 = arith.constant 0 : i32
      %dma_wait3A_76 = tpu.memref_slice %arg5[%add3A_68, %dma_wait3A_75] : memref<2560x128xi32, #tpu.memory_space<hbm>> -> memref<1x128xi32, #tpu.memory_space<hbm>>
      %dma_wait3A_77 = tpu.memref_squeeze %dma_wait3A_76 : memref<1x128xi32, #tpu.memory_space<hbm>> -> memref<128xi32, #tpu.memory_space<hbm>>
      %dma_wait3A_78 = arith.constant 0 : i32
      %dma_wait3A_79 = tpu.memref_slice %arg5[%add3A_68, %dma_wait3A_78] : memref<2560x128xi32, #tpu.memory_space<hbm>> -> memref<1x128xi32, #tpu.memory_space<hbm>>
      %dma_wait3A_80 = tpu.memref_squeeze %dma_wait3A_79 : memref<1x128xi32, #tpu.memory_space<hbm>> -> memref<128xi32, #tpu.memory_space<hbm>>
      tpu.wait_dma2 semaphore(%arg18 : memref<!tpu.dma_semaphore, #tpu.memory_space<semaphore_mem>>) src(%dma_wait3A_80 : memref<128xi32, #tpu.memory_space<hbm>>) dst(%arg10 : memref<128xi32, #tpu.memory_space<vmem>>)
      %dma_start3A_81 = arith.constant 0 : i32
      %dma_start3A_82 = tpu.memref_slice %arg2[%dma_start3A_81] : memref<10368xf32, #tpu.memory_space<hbm>> -> memref<10368xf32, #tpu.memory_space<hbm>>
      tpu.enqueue_indirect_dma source(%dma_start3A_82 : memref<10368xf32, #tpu.memory_space<hbm>>) target(%arg12 : memref<128xf32, #tpu.memory_space<vmem>>) offsets(%arg8 : memref<128xi32, #tpu.memory_space<vmem>>) semaphore(%arg20 : memref<!tpu.dma_semaphore, #tpu.memory_space<semaphore_mem>>)
      %dma_start3A_83 = arith.constant 0 : i32
      %dma_start3A_84 = tpu.memref_slice %arg3[%dma_start3A_83] : memref<10368xf32, #tpu.memory_space<hbm>> -> memref<10368xf32, #tpu.memory_space<hbm>>
      tpu.enqueue_indirect_dma source(%dma_start3A_84 : memref<10368xf32, #tpu.memory_space<hbm>>) target(%arg14 : memref<128xf32, #tpu.memory_space<vmem>>) offsets(%arg10 : memref<128xi32, #tpu.memory_space<vmem>>) semaphore(%arg20 : memref<!tpu.dma_semaphore, #tpu.memory_space<semaphore_mem>>)
      %mul3A_85 = arith.constant 2 : i32
      %mul3A_86 = arith.muli %scan3A_42, %mul3A_85 : i32
      %add3A_87 = arith.constant 0 : i32
      %add3A_88 = arith.addi %mul3A_86, %add3A_87 : i32
      %dma_wait3A_89 = arith.constant 0 : i32
      %dma_wait3A_90 = tpu.memref_slice %arg2[%dma_wait3A_89] : memref<10368xf32, #tpu.memory_space<hbm>> -> memref<10368xf32, #tpu.memory_space<hbm>>
      tpu.wait_indirect_dma semaphore(%arg19 : memref<!tpu.dma_semaphore, #tpu.memory_space<semaphore_mem>>) src(%dma_wait3A_90 : memref<10368xf32, #tpu.memory_space<hbm>>) dst(%arg11 : memref<128xf32, #tpu.memory_space<vmem>>)
      %dma_wait3A_91 = arith.constant 0 : i32
      %dma_wait3A_92 = tpu.memref_slice %arg3[%dma_wait3A_91] : memref<10368xf32, #tpu.memory_space<hbm>> -> memref<10368xf32, #tpu.memory_space<hbm>>
      tpu.wait_indirect_dma semaphore(%arg19 : memref<!tpu.dma_semaphore, #tpu.memory_space<semaphore_mem>>) src(%dma_wait3A_92 : memref<10368xf32, #tpu.memory_space<hbm>>) dst(%arg13 : memref<128xf32, #tpu.memory_space<vmem>>)
      %gt3A = arith.constant 0 : i32
      %gt3A_93 = arith.cmpi sgt, %scan3A_42, %gt3A : i32
      %convert_element_type3A = arith.extui %gt3A_93 : i1 to i32
      %cond3A = arith.constant 0 : i32
      %cond3A_94 = arith.cmpi ne, %convert_element_type3A, %cond3A : i32
      scf.if %cond3A_94 {
        %dma_wait3A_462 = arith.constant 0 : i32
        %dma_wait3A_463 = tpu.memref_slice %arg6[%dma_wait3A_462] : memref<327680xf32, #tpu.memory_space<hbm>> -> memref<128xf32, #tpu.memory_space<hbm>>
        %dma_wait3A_464 = arith.constant 0 : i32
        %dma_wait3A_465 = tpu.memref_slice %arg6[%dma_wait3A_464] : memref<327680xf32, #tpu.memory_space<hbm>> -> memref<128xf32, #tpu.memory_space<hbm>>
        tpu.wait_dma2 semaphore(%arg21 : memref<!tpu.dma_semaphore, #tpu.memory_space<semaphore_mem>>) src(%arg15 : memref<128xf32, #tpu.memory_space<vmem>>) dst(%dma_wait3A_465 : memref<128xf32, #tpu.memory_space<hbm>>)
      } else {
      }
      %get3A = arith.constant 0 : index
      %get3A_95 = tpu.vector_load %arg11[%get3A] {strides = array<i32>} : memref<128xf32, #tpu.memory_space<vmem>>, vector<16xf32>,
      %get3A_96 = vector.shape_cast %get3A_95 : vector<16xf32> to vector<16xf32>
      %get3A_97 = arith.constant 0 : index
      %get3A_98 = tpu.vector_load %arg13[%get3A_97] {strides = array<i32>} : memref<128xf32, #tpu.memory_space<vmem>>, vector<16xf32>,
      %get3A_99 = vector.shape_cast %get3A_98 : vector<16xf32> to vector<16xf32>
      %add3A_100 = arith.addf %get3A_96, %get3A_99 : vector<16xf32>
      %neg3A = arith.constant 0.000000e+00 : f32
      %neg3A_101 = vector.broadcast %neg3A : f32 to vector<16xf32>
      %neg3A_102 = arith.subf %neg3A_101, %add3A_100 : vector<16xf32>
      %exp3A = math.exp %neg3A_102 : vector<16xf32>
      %add3A_103 = arith.constant 1.000000e+00 : f32
      %add3A_104 = vector.broadcast %add3A_103 : f32 to vector<16xf32>
      %add3A_105 = arith.addf %add3A_104, %exp3A : vector<16xf32>
      %div3A = arith.constant 1.000000e+00 : f32
      %div3A_106 = vector.broadcast %div3A : f32 to vector<16xf32>
      %div3A_107 = arith.divf %div3A_106, %add3A_105 : vector<16xf32>
      %swap3A = arith.constant 0 : index
      %swap3A_108 = tpu.vector_load %arg15[%swap3A] {strides = array<i32>} : memref<128xf32, #tpu.memory_space<vmem>>, vector<16xf32>,
      %swap3A_109 = vector.shape_cast %swap3A_108 : vector<16xf32> to vector<16xf32>
      %swap3A_110 = vector.shape_cast %div3A_107 : vector<16xf32> to vector<16xf32>
      tpu.vector_store %arg15[%swap3A], %swap3A_110 {strides = array<i32>} : memref<128xf32, #tpu.memory_space<vmem>>, vector<16xf32>,
      %get3A_111 = arith.constant 16 : index
      %get3A_112 = tpu.vector_load %arg11[%get3A_111] {strides = array<i32>} : memref<128xf32, #tpu.memory_space<vmem>>, vector<16xf32>,
      %get3A_113 = vector.shape_cast %get3A_112 : vector<16xf32> to vector<16xf32>
      %get3A_114 = arith.constant 16 : index
      %get3A_115 = tpu.vector_load %arg13[%get3A_114] {strides = array<i32>} : memref<128xf32, #tpu.memory_space<vmem>>, vector<16xf32>,
      %get3A_116 = vector.shape_cast %get3A_115 : vector<16xf32> to vector<16xf32>
      %add3A_117 = arith.addf %get3A_113, %get3A_116 : vector<16xf32>
      %neg3A_118 = arith.constant 0.000000e+00 : f32
      %neg3A_119 = vector.broadcast %neg3A_118 : f32 to vector<16xf32>
      %neg3A_120 = arith.subf %neg3A_119, %add3A_117 : vector<16xf32>
      %exp3A_121 = math.exp %neg3A_120 : vector<16xf32>
      %add3A_122 = arith.constant 1.000000e+00 : f32
      %add3A_123 = vector.broadcast %add3A_122 : f32 to vector<16xf32>
      %add3A_124 = arith.addf %add3A_123, %exp3A_121 : vector<16xf32>
      %div3A_125 = arith.constant 1.000000e+00 : f32
      %div3A_126 = vector.broadcast %div3A_125 : f32 to vector<16xf32>
      %div3A_127 = arith.divf %div3A_126, %add3A_124 : vector<16xf32>
      %swap3A_128 = arith.constant 16 : index
      %swap3A_129 = tpu.vector_load %arg15[%swap3A_128] {strides = array<i32>} : memref<128xf32, #tpu.memory_space<vmem>>, vector<16xf32>,
      %swap3A_130 = vector.shape_cast %swap3A_129 : vector<16xf32> to vector<16xf32>
      %swap3A_131 = vector.shape_cast %div3A_127 : vector<16xf32> to vector<16xf32>
      tpu.vector_store %arg15[%swap3A_128], %swap3A_131 {strides = array<i32>} : memref<128xf32, #tpu.memory_space<vmem>>, vector<16xf32>,
      %get3A_132 = arith.constant 32 : index
      %get3A_133 = tpu.vector_load %arg11[%get3A_132] {strides = array<i32>} : memref<128xf32, #tpu.memory_space<vmem>>, vector<16xf32>,
      %get3A_134 = vector.shape_cast %get3A_133 : vector<16xf32> to vector<16xf32>
      %get3A_135 = arith.constant 32 : index
      %get3A_136 = tpu.vector_load %arg13[%get3A_135] {strides = array<i32>} : memref<128xf32, #tpu.memory_space<vmem>>, vector<16xf32>,
      %get3A_137 = vector.shape_cast %get3A_136 : vector<16xf32> to vector<16xf32>
      %add3A_138 = arith.addf %get3A_134, %get3A_137 : vector<16xf32>
      %neg3A_139 = arith.constant 0.000000e+00 : f32
      %neg3A_140 = vector.broadcast %neg3A_139 : f32 to vector<16xf32>
      %neg3A_141 = arith.subf %neg3A_140, %add3A_138 : vector<16xf32>
      %exp3A_142 = math.exp %neg3A_141 : vector<16xf32>
      %add3A_143 = arith.constant 1.000000e+00 : f32
      %add3A_144 = vector.broadcast %add3A_143 : f32 to vector<16xf32>
      %add3A_145 = arith.addf %add3A_144, %exp3A_142 : vector<16xf32>
      %div3A_146 = arith.constant 1.000000e+00 : f32
      %div3A_147 = vector.broadcast %div3A_146 : f32 to vector<16xf32>
      %div3A_148 = arith.divf %div3A_147, %add3A_145 : vector<16xf32>
      %swap3A_149 = arith.constant 32 : index
      %swap3A_150 = tpu.vector_load %arg15[%swap3A_149] {strides = array<i32>} : memref<128xf32, #tpu.memory_space<vmem>>, vector<16xf32>,
      %swap3A_151 = vector.shape_cast %swap3A_150 : vector<16xf32> to vector<16xf32>
      %swap3A_152 = vector.shape_cast %div3A_148 : vector<16xf32> to vector<16xf32>
      tpu.vector_store %arg15[%swap3A_149], %swap3A_152 {strides = array<i32>} : memref<128xf32, #tpu.memory_space<vmem>>, vector<16xf32>,
      %get3A_153 = arith.constant 48 : index
      %get3A_154 = tpu.vector_load %arg11[%get3A_153] {strides = array<i32>} : memref<128xf32, #tpu.memory_space<vmem>>, vector<16xf32>,
      %get3A_155 = vector.shape_cast %get3A_154 : vector<16xf32> to vector<16xf32>
      %get3A_156 = arith.constant 48 : index
      %get3A_157 = tpu.vector_load %arg13[%get3A_156] {strides = array<i32>} : memref<128xf32, #tpu.memory_space<vmem>>, vector<16xf32>,
      %get3A_158 = vector.shape_cast %get3A_157 : vector<16xf32> to vector<16xf32>
      %add3A_159 = arith.addf %get3A_155, %get3A_158 : vector<16xf32>
      %neg3A_160 = arith.constant 0.000000e+00 : f32
      %neg3A_161 = vector.broadcast %neg3A_160 : f32 to vector<16xf32>
      %neg3A_162 = arith.subf %neg3A_161, %add3A_159 : vector<16xf32>
      %exp3A_163 = math.exp %neg3A_162 : vector<16xf32>
      %add3A_164 = arith.constant 1.000000e+00 : f32
      %add3A_165 = vector.broadcast %add3A_164 : f32 to vector<16xf32>
      %add3A_166 = arith.addf %add3A_165, %exp3A_163 : vector<16xf32>
      %div3A_167 = arith.constant 1.000000e+00 : f32
      %div3A_168 = vector.broadcast %div3A_167 : f32 to vector<16xf32>
      %div3A_169 = arith.divf %div3A_168, %add3A_166 : vector<16xf32>
      %swap3A_170 = arith.constant 48 : index
      %swap3A_171 = tpu.vector_load %arg15[%swap3A_170] {strides = array<i32>} : memref<128xf32, #tpu.memory_space<vmem>>, vector<16xf32>,
      %swap3A_172 = vector.shape_cast %swap3A_171 : vector<16xf32> to vector<16xf32>
      %swap3A_173 = vector.shape_cast %div3A_169 : vector<16xf32> to vector<16xf32>
      tpu.vector_store %arg15[%swap3A_170], %swap3A_173 {strides = array<i32>} : memref<128xf32, #tpu.memory_space<vmem>>, vector<16xf32>,
      %get3A_174 = arith.constant 64 : index
      %get3A_175 = tpu.vector_load %arg11[%get3A_174] {strides = array<i32>} : memref<128xf32, #tpu.memory_space<vmem>>, vector<16xf32>,
      %get3A_176 = vector.shape_cast %get3A_175 : vector<16xf32> to vector<16xf32>
      %get3A_177 = arith.constant 64 : index
      %get3A_178 = tpu.vector_load %arg13[%get3A_177] {strides = array<i32>} : memref<128xf32, #tpu.memory_space<vmem>>, vector<16xf32>,
      %get3A_179 = vector.shape_cast %get3A_178 : vector<16xf32> to vector<16xf32>
      %add3A_180 = arith.addf %get3A_176, %get3A_179 : vector<16xf32>
      %neg3A_181 = arith.constant 0.000000e+00 : f32
      %neg3A_182 = vector.broadcast %neg3A_181 : f32 to vector<16xf32>
      %neg3A_183 = arith.subf %neg3A_182, %add3A_180 : vector<16xf32>
      %exp3A_184 = math.exp %neg3A_183 : vector<16xf32>
      %add3A_185 = arith.constant 1.000000e+00 : f32
      %add3A_186 = vector.broadcast %add3A_185 : f32 to vector<16xf32>
      %add3A_187 = arith.addf %add3A_186, %exp3A_184 : vector<16xf32>
      %div3A_188 = arith.constant 1.000000e+00 : f32
      %div3A_189 = vector.broadcast %div3A_188 : f32 to vector<16xf32>
      %div3A_190 = arith.divf %div3A_189, %add3A_187 : vector<16xf32>
      %swap3A_191 = arith.constant 64 : index
      %swap3A_192 = tpu.vector_load %arg15[%swap3A_191] {strides = array<i32>} : memref<128xf32, #tpu.memory_space<vmem>>, vector<16xf32>,
      %swap3A_193 = vector.shape_cast %swap3A_192 : vector<16xf32> to vector<16xf32>
      %swap3A_194 = vector.shape_cast %div3A_190 : vector<16xf32> to vector<16xf32>
      tpu.vector_store %arg15[%swap3A_191], %swap3A_194 {strides = array<i32>} : memref<128xf32, #tpu.memory_space<vmem>>, vector<16xf32>,
      %get3A_195 = arith.constant 80 : index
      %get3A_196 = tpu.vector_load %arg11[%get3A_195] {strides = array<i32>} : memref<128xf32, #tpu.memory_space<vmem>>, vector<16xf32>,
      %get3A_197 = vector.shape_cast %get3A_196 : vector<16xf32> to vector<16xf32>
      %get3A_198 = arith.constant 80 : index
      %get3A_199 = tpu.vector_load %arg13[%get3A_198] {strides = array<i32>} : memref<128xf32, #tpu.memory_space<vmem>>, vector<16xf32>,
      %get3A_200 = vector.shape_cast %get3A_199 : vector<16xf32> to vector<16xf32>
      %add3A_201 = arith.addf %get3A_197, %get3A_200 : vector<16xf32>
      %neg3A_202 = arith.constant 0.000000e+00 : f32
      %neg3A_203 = vector.broadcast %neg3A_202 : f32 to vector<16xf32>
      %neg3A_204 = arith.subf %neg3A_203, %add3A_201 : vector<16xf32>
      %exp3A_205 = math.exp %neg3A_204 : vector<16xf32>
      %add3A_206 = arith.constant 1.000000e+00 : f32
      %add3A_207 = vector.broadcast %add3A_206 : f32 to vector<16xf32>
      %add3A_208 = arith.addf %add3A_207, %exp3A_205 : vector<16xf32>
      %div3A_209 = arith.constant 1.000000e+00 : f32
      %div3A_210 = vector.broadcast %div3A_209 : f32 to vector<16xf32>
      %div3A_211 = arith.divf %div3A_210, %add3A_208 : vector<16xf32>
      %swap3A_212 = arith.constant 80 : index
      %swap3A_213 = tpu.vector_load %arg15[%swap3A_212] {strides = array<i32>} : memref<128xf32, #tpu.memory_space<vmem>>, vector<16xf32>,
      %swap3A_214 = vector.shape_cast %swap3A_213 : vector<16xf32> to vector<16xf32>
      %swap3A_215 = vector.shape_cast %div3A_211 : vector<16xf32> to vector<16xf32>
      tpu.vector_store %arg15[%swap3A_212], %swap3A_215 {strides = array<i32>} : memref<128xf32, #tpu.memory_space<vmem>>, vector<16xf32>,
      %get3A_216 = arith.constant 96 : index
      %get3A_217 = tpu.vector_load %arg11[%get3A_216] {strides = array<i32>} : memref<128xf32, #tpu.memory_space<vmem>>, vector<16xf32>,
      %get3A_218 = vector.shape_cast %get3A_217 : vector<16xf32> to vector<16xf32>
      %get3A_219 = arith.constant 96 : index
      %get3A_220 = tpu.vector_load %arg13[%get3A_219] {strides = array<i32>} : memref<128xf32, #tpu.memory_space<vmem>>, vector<16xf32>,
      %get3A_221 = vector.shape_cast %get3A_220 : vector<16xf32> to vector<16xf32>
      %add3A_222 = arith.addf %get3A_218, %get3A_221 : vector<16xf32>
      %neg3A_223 = arith.constant 0.000000e+00 : f32
      %neg3A_224 = vector.broadcast %neg3A_223 : f32 to vector<16xf32>
      %neg3A_225 = arith.subf %neg3A_224, %add3A_222 : vector<16xf32>
      %exp3A_226 = math.exp %neg3A_225 : vector<16xf32>
      %add3A_227 = arith.constant 1.000000e+00 : f32
      %add3A_228 = vector.broadcast %add3A_227 : f32 to vector<16xf32>
      %add3A_229 = arith.addf %add3A_228, %exp3A_226 : vector<16xf32>
      %div3A_230 = arith.constant 1.000000e+00 : f32
      %div3A_231 = vector.broadcast %div3A_230 : f32 to vector<16xf32>
      %div3A_232 = arith.divf %div3A_231, %add3A_229 : vector<16xf32>
      %swap3A_233 = arith.constant 96 : index
      %swap3A_234 = tpu.vector_load %arg15[%swap3A_233] {strides = array<i32>} : memref<128xf32, #tpu.memory_space<vmem>>, vector<16xf32>,
      %swap3A_235 = vector.shape_cast %swap3A_234 : vector<16xf32> to vector<16xf32>
      %swap3A_236 = vector.shape_cast %div3A_232 : vector<16xf32> to vector<16xf32>
      tpu.vector_store %arg15[%swap3A_233], %swap3A_236 {strides = array<i32>} : memref<128xf32, #tpu.memory_space<vmem>>, vector<16xf32>,
      %get3A_237 = arith.constant 112 : index
      %get3A_238 = tpu.vector_load %arg11[%get3A_237] {strides = array<i32>} : memref<128xf32, #tpu.memory_space<vmem>>, vector<16xf32>,
      %get3A_239 = vector.shape_cast %get3A_238 : vector<16xf32> to vector<16xf32>
      %get3A_240 = arith.constant 112 : index
      %get3A_241 = tpu.vector_load %arg13[%get3A_240] {strides = array<i32>} : memref<128xf32, #tpu.memory_space<vmem>>, vector<16xf32>,
      %get3A_242 = vector.shape_cast %get3A_241 : vector<16xf32> to vector<16xf32>
      %add3A_243 = arith.addf %get3A_239, %get3A_242 : vector<16xf32>
      %neg3A_244 = arith.constant 0.000000e+00 : f32
      %neg3A_245 = vector.broadcast %neg3A_244 : f32 to vector<16xf32>
      %neg3A_246 = arith.subf %neg3A_245, %add3A_243 : vector<16xf32>
      %exp3A_247 = math.exp %neg3A_246 : vector<16xf32>
      %add3A_248 = arith.constant 1.000000e+00 : f32
      %add3A_249 = vector.broadcast %add3A_248 : f32 to vector<16xf32>
      %add3A_250 = arith.addf %add3A_249, %exp3A_247 : vector<16xf32>
      %div3A_251 = arith.constant 1.000000e+00 : f32
      %div3A_252 = vector.broadcast %div3A_251 : f32 to vector<16xf32>
      %div3A_253 = arith.divf %div3A_252, %add3A_250 : vector<16xf32>
      %swap3A_254 = arith.constant 112 : index
      %swap3A_255 = tpu.vector_load %arg15[%swap3A_254] {strides = array<i32>} : memref<128xf32, #tpu.memory_space<vmem>>, vector<16xf32>,
      %swap3A_256 = vector.shape_cast %swap3A_255 : vector<16xf32> to vector<16xf32>
      %swap3A_257 = vector.shape_cast %div3A_253 : vector<16xf32> to vector<16xf32>
      tpu.vector_store %arg15[%swap3A_254], %swap3A_257 {strides = array<i32>} : memref<128xf32, #tpu.memory_space<vmem>>, vector<16xf32>,
      %add3A_258 = arith.constant 2 : i32
      %add3A_259 = arith.addi %add3A_88, %add3A_258 : i32
      %lt3A = arith.constant 80 : i32
      %lt3A_260 = arith.cmpi slt, %add3A_259, %lt3A : i32
      %convert_element_type3A_261 = arith.extui %lt3A_260 : i1 to i32
      %cond3A_262 = arith.constant 0 : i32
      %cond3A_263 = arith.cmpi ne, %convert_element_type3A_261, %cond3A_262 : i32
      scf.if %cond3A_263 {
        %add3A_462 = arith.addi %mul3A_2, %add3A_88 : i32
        %add3A_463 = arith.constant 2 : i32
        %add3A_464 = arith.addi %add3A_462, %add3A_463 : i32
        %dma_start3A_465 = arith.constant 0 : i32
        %dma_start3A_466 = tpu.memref_slice %arg4[%add3A_464, %dma_start3A_465] : memref<2560x128xi32, #tpu.memory_space<hbm>> -> memref<1x128xi32, #tpu.memory_space<hbm>>
        %dma_start3A_467 = tpu.memref_squeeze %dma_start3A_466 : memref<1x128xi32, #tpu.memory_space<hbm>> -> memref<128xi32, #tpu.memory_space<hbm>>
        %dma_start3A_468 = arith.constant 0 : i32
        %dma_start3A_469 = tpu.memref_slice %arg4[%add3A_464, %dma_start3A_468] : memref<2560x128xi32, #tpu.memory_space<hbm>> -> memref<1x128xi32, #tpu.memory_space<hbm>>
        %dma_start3A_470 = tpu.memref_squeeze %dma_start3A_469 : memref<1x128xi32, #tpu.memory_space<hbm>> -> memref<128xi32, #tpu.memory_space<hbm>>
        tpu.enqueue_dma source(%dma_start3A_470 : memref<128xi32, #tpu.memory_space<hbm>>) target(%arg7 : memref<128xi32, #tpu.memory_space<vmem>>) target_semaphore(%arg17 : memref<!tpu.dma_semaphore, #tpu.memory_space<semaphore_mem>>)
        %dma_start3A_471 = arith.constant 0 : i32
        %dma_start3A_472 = tpu.memref_slice %arg5[%add3A_464, %dma_start3A_471] : memref<2560x128xi32, #tpu.memory_space<hbm>> -> memref<1x128xi32, #tpu.memory_space<hbm>>
        %dma_start3A_473 = tpu.memref_squeeze %dma_start3A_472 : memref<1x128xi32, #tpu.memory_space<hbm>> -> memref<128xi32, #tpu.memory_space<hbm>>
        %dma_start3A_474 = arith.constant 0 : i32
        %dma_start3A_475 = tpu.memref_slice %arg5[%add3A_464, %dma_start3A_474] : memref<2560x128xi32, #tpu.memory_space<hbm>> -> memref<1x128xi32, #tpu.memory_space<hbm>>
        %dma_start3A_476 = tpu.memref_squeeze %dma_start3A_475 : memref<1x128xi32, #tpu.memory_space<hbm>> -> memref<128xi32, #tpu.memory_space<hbm>>
        tpu.enqueue_dma source(%dma_start3A_476 : memref<128xi32, #tpu.memory_space<hbm>>) target(%arg9 : memref<128xi32, #tpu.memory_space<vmem>>) target_semaphore(%arg17 : memref<!tpu.dma_semaphore, #tpu.memory_space<semaphore_mem>>)
      } else {
      }
      %add3A_264 = arith.addi %mul3A_2, %add3A_88 : i32
      %mul3A_265 = arith.constant 128 : i32
      %mul3A_266 = arith.muli %add3A_264, %mul3A_265 : i32
      %dma_start3A_267 = tpu.memref_slice %arg6[%mul3A_266] : memref<327680xf32, #tpu.memory_space<hbm>> -> memref<128xf32, #tpu.memory_space<hbm>>
      %dma_start3A_268 = tpu.memref_slice %arg6[%mul3A_266] : memref<327680xf32, #tpu.memory_space<hbm>> -> memref<128xf32, #tpu.memory_space<hbm>>
      tpu.enqueue_dma source(%arg15 : memref<128xf32, #tpu.memory_space<vmem>>) target(%dma_start3A_268 : memref<128xf32, #tpu.memory_space<hbm>>) target_semaphore(%arg21 : memref<!tpu.dma_semaphore, #tpu.memory_space<semaphore_mem>>)
      %mul3A_269 = arith.constant 2 : i32
      %mul3A_270 = arith.muli %scan3A_42, %mul3A_269 : i32
      %add3A_271 = arith.constant 1 : i32
      %add3A_272 = arith.addi %mul3A_270, %add3A_271 : i32
      %dma_wait3A_273 = arith.constant 0 : i32
      %dma_wait3A_274 = tpu.memref_slice %arg2[%dma_wait3A_273] : memref<10368xf32, #tpu.memory_space<hbm>> -> memref<10368xf32, #tpu.memory_space<hbm>>
      tpu.wait_indirect_dma semaphore(%arg20 : memref<!tpu.dma_semaphore, #tpu.memory_space<semaphore_mem>>) src(%dma_wait3A_274 : memref<10368xf32, #tpu.memory_space<hbm>>) dst(%arg12 : memref<128xf32, #tpu.memory_space<vmem>>)
      %dma_wait3A_275 = arith.constant 0 : i32
      %dma_wait3A_276 = tpu.memref_slice %arg3[%dma_wait3A_275] : memref<10368xf32, #tpu.memory_space<hbm>> -> memref<10368xf32, #tpu.memory_space<hbm>>
      tpu.wait_indirect_dma semaphore(%arg20 : memref<!tpu.dma_semaphore, #tpu.memory_space<semaphore_mem>>) src(%dma_wait3A_276 : memref<10368xf32, #tpu.memory_space<hbm>>) dst(%arg14 : memref<128xf32, #tpu.memory_space<vmem>>)
      %gt3A_277 = arith.constant 0 : i32
      %gt3A_278 = arith.cmpi sgt, %scan3A_42, %gt3A_277 : i32
      %convert_element_type3A_279 = arith.extui %gt3A_278 : i1 to i32
      %cond3A_280 = arith.constant 0 : i32
      %cond3A_281 = arith.cmpi ne, %convert_element_type3A_279, %cond3A_280 : i32
      scf.if %cond3A_281 {
        %dma_wait3A_462 = arith.constant 0 : i32
        %dma_wait3A_463 = tpu.memref_slice %arg6[%dma_wait3A_462] : memref<327680xf32, #tpu.memory_space<hbm>> -> memref<128xf32, #tpu.memory_space<hbm>>
        %dma_wait3A_464 = arith.constant 0 : i32
        %dma_wait3A_465 = tpu.memref_slice %arg6[%dma_wait3A_464] : memref<327680xf32, #tpu.memory_space<hbm>> -> memref<128xf32, #tpu.memory_space<hbm>>
        tpu.wait_dma2 semaphore(%arg22 : memref<!tpu.dma_semaphore, #tpu.memory_space<semaphore_mem>>) src(%arg16 : memref<128xf32, #tpu.memory_space<vmem>>) dst(%dma_wait3A_465 : memref<128xf32, #tpu.memory_space<hbm>>)
      } else {
      }
      %get3A_282 = arith.constant 0 : index
      %get3A_283 = tpu.vector_load %arg12[%get3A_282] {strides = array<i32>} : memref<128xf32, #tpu.memory_space<vmem>>, vector<16xf32>,
      %get3A_284 = vector.shape_cast %get3A_283 : vector<16xf32> to vector<16xf32>
      %get3A_285 = arith.constant 0 : index
      %get3A_286 = tpu.vector_load %arg14[%get3A_285] {strides = array<i32>} : memref<128xf32, #tpu.memory_space<vmem>>, vector<16xf32>,
      %get3A_287 = vector.shape_cast %get3A_286 : vector<16xf32> to vector<16xf32>
      %add3A_288 = arith.addf %get3A_284, %get3A_287 : vector<16xf32>
      %neg3A_289 = arith.constant 0.000000e+00 : f32
      %neg3A_290 = vector.broadcast %neg3A_289 : f32 to vector<16xf32>
      %neg3A_291 = arith.subf %neg3A_290, %add3A_288 : vector<16xf32>
      %exp3A_292 = math.exp %neg3A_291 : vector<16xf32>
      %add3A_293 = arith.constant 1.000000e+00 : f32
      %add3A_294 = vector.broadcast %add3A_293 : f32 to vector<16xf32>
      %add3A_295 = arith.addf %add3A_294, %exp3A_292 : vector<16xf32>
      %div3A_296 = arith.constant 1.000000e+00 : f32
      %div3A_297 = vector.broadcast %div3A_296 : f32 to vector<16xf32>
      %div3A_298 = arith.divf %div3A_297, %add3A_295 : vector<16xf32>
      %swap3A_299 = arith.constant 0 : index
      %swap3A_300 = tpu.vector_load %arg16[%swap3A_299] {strides = array<i32>} : memref<128xf32, #tpu.memory_space<vmem>>, vector<16xf32>,
      %swap3A_301 = vector.shape_cast %swap3A_300 : vector<16xf32> to vector<16xf32>
      %swap3A_302 = vector.shape_cast %div3A_298 : vector<16xf32> to vector<16xf32>
      tpu.vector_store %arg16[%swap3A_299], %swap3A_302 {strides = array<i32>} : memref<128xf32, #tpu.memory_space<vmem>>, vector<16xf32>,
      %get3A_303 = arith.constant 16 : index
      %get3A_304 = tpu.vector_load %arg12[%get3A_303] {strides = array<i32>} : memref<128xf32, #tpu.memory_space<vmem>>, vector<16xf32>,
      %get3A_305 = vector.shape_cast %get3A_304 : vector<16xf32> to vector<16xf32>
      %get3A_306 = arith.constant 16 : index
      %get3A_307 = tpu.vector_load %arg14[%get3A_306] {strides = array<i32>} : memref<128xf32, #tpu.memory_space<vmem>>, vector<16xf32>,
      %get3A_308 = vector.shape_cast %get3A_307 : vector<16xf32> to vector<16xf32>
      %add3A_309 = arith.addf %get3A_305, %get3A_308 : vector<16xf32>
      %neg3A_310 = arith.constant 0.000000e+00 : f32
      %neg3A_311 = vector.broadcast %neg3A_310 : f32 to vector<16xf32>
      %neg3A_312 = arith.subf %neg3A_311, %add3A_309 : vector<16xf32>
      %exp3A_313 = math.exp %neg3A_312 : vector<16xf32>
      %add3A_314 = arith.constant 1.000000e+00 : f32
      %add3A_315 = vector.broadcast %add3A_314 : f32 to vector<16xf32>
      %add3A_316 = arith.addf %add3A_315, %exp3A_313 : vector<16xf32>
      %div3A_317 = arith.constant 1.000000e+00 : f32
      %div3A_318 = vector.broadcast %div3A_317 : f32 to vector<16xf32>
      %div3A_319 = arith.divf %div3A_318, %add3A_316 : vector<16xf32>
      %swap3A_320 = arith.constant 16 : index
      %swap3A_321 = tpu.vector_load %arg16[%swap3A_320] {strides = array<i32>} : memref<128xf32, #tpu.memory_space<vmem>>, vector<16xf32>,
      %swap3A_322 = vector.shape_cast %swap3A_321 : vector<16xf32> to vector<16xf32>
      %swap3A_323 = vector.shape_cast %div3A_319 : vector<16xf32> to vector<16xf32>
      tpu.vector_store %arg16[%swap3A_320], %swap3A_323 {strides = array<i32>} : memref<128xf32, #tpu.memory_space<vmem>>, vector<16xf32>,
      %get3A_324 = arith.constant 32 : index
      %get3A_325 = tpu.vector_load %arg12[%get3A_324] {strides = array<i32>} : memref<128xf32, #tpu.memory_space<vmem>>, vector<16xf32>,
      %get3A_326 = vector.shape_cast %get3A_325 : vector<16xf32> to vector<16xf32>
      %get3A_327 = arith.constant 32 : index
      %get3A_328 = tpu.vector_load %arg14[%get3A_327] {strides = array<i32>} : memref<128xf32, #tpu.memory_space<vmem>>, vector<16xf32>,
      %get3A_329 = vector.shape_cast %get3A_328 : vector<16xf32> to vector<16xf32>
      %add3A_330 = arith.addf %get3A_326, %get3A_329 : vector<16xf32>
      %neg3A_331 = arith.constant 0.000000e+00 : f32
      %neg3A_332 = vector.broadcast %neg3A_331 : f32 to vector<16xf32>
      %neg3A_333 = arith.subf %neg3A_332, %add3A_330 : vector<16xf32>
      %exp3A_334 = math.exp %neg3A_333 : vector<16xf32>
      %add3A_335 = arith.constant 1.000000e+00 : f32
      %add3A_336 = vector.broadcast %add3A_335 : f32 to vector<16xf32>
      %add3A_337 = arith.addf %add3A_336, %exp3A_334 : vector<16xf32>
      %div3A_338 = arith.constant 1.000000e+00 : f32
      %div3A_339 = vector.broadcast %div3A_338 : f32 to vector<16xf32>
      %div3A_340 = arith.divf %div3A_339, %add3A_337 : vector<16xf32>
      %swap3A_341 = arith.constant 32 : index
      %swap3A_342 = tpu.vector_load %arg16[%swap3A_341] {strides = array<i32>} : memref<128xf32, #tpu.memory_space<vmem>>, vector<16xf32>,
      %swap3A_343 = vector.shape_cast %swap3A_342 : vector<16xf32> to vector<16xf32>
      %swap3A_344 = vector.shape_cast %div3A_340 : vector<16xf32> to vector<16xf32>
      tpu.vector_store %arg16[%swap3A_341], %swap3A_344 {strides = array<i32>} : memref<128xf32, #tpu.memory_space<vmem>>, vector<16xf32>,
      %get3A_345 = arith.constant 48 : index
      %get3A_346 = tpu.vector_load %arg12[%get3A_345] {strides = array<i32>} : memref<128xf32, #tpu.memory_space<vmem>>, vector<16xf32>,
      %get3A_347 = vector.shape_cast %get3A_346 : vector<16xf32> to vector<16xf32>
      %get3A_348 = arith.constant 48 : index
      %get3A_349 = tpu.vector_load %arg14[%get3A_348] {strides = array<i32>} : memref<128xf32, #tpu.memory_space<vmem>>, vector<16xf32>,
      %get3A_350 = vector.shape_cast %get3A_349 : vector<16xf32> to vector<16xf32>
      %add3A_351 = arith.addf %get3A_347, %get3A_350 : vector<16xf32>
      %neg3A_352 = arith.constant 0.000000e+00 : f32
      %neg3A_353 = vector.broadcast %neg3A_352 : f32 to vector<16xf32>
      %neg3A_354 = arith.subf %neg3A_353, %add3A_351 : vector<16xf32>
      %exp3A_355 = math.exp %neg3A_354 : vector<16xf32>
      %add3A_356 = arith.constant 1.000000e+00 : f32
      %add3A_357 = vector.broadcast %add3A_356 : f32 to vector<16xf32>
      %add3A_358 = arith.addf %add3A_357, %exp3A_355 : vector<16xf32>
      %div3A_359 = arith.constant 1.000000e+00 : f32
      %div3A_360 = vector.broadcast %div3A_359 : f32 to vector<16xf32>
      %div3A_361 = arith.divf %div3A_360, %add3A_358 : vector<16xf32>
      %swap3A_362 = arith.constant 48 : index
      %swap3A_363 = tpu.vector_load %arg16[%swap3A_362] {strides = array<i32>} : memref<128xf32, #tpu.memory_space<vmem>>, vector<16xf32>,
      %swap3A_364 = vector.shape_cast %swap3A_363 : vector<16xf32> to vector<16xf32>
      %swap3A_365 = vector.shape_cast %div3A_361 : vector<16xf32> to vector<16xf32>
      tpu.vector_store %arg16[%swap3A_362], %swap3A_365 {strides = array<i32>} : memref<128xf32, #tpu.memory_space<vmem>>, vector<16xf32>,
      %get3A_366 = arith.constant 64 : index
      %get3A_367 = tpu.vector_load %arg12[%get3A_366] {strides = array<i32>} : memref<128xf32, #tpu.memory_space<vmem>>, vector<16xf32>,
      %get3A_368 = vector.shape_cast %get3A_367 : vector<16xf32> to vector<16xf32>
      %get3A_369 = arith.constant 64 : index
      %get3A_370 = tpu.vector_load %arg14[%get3A_369] {strides = array<i32>} : memref<128xf32, #tpu.memory_space<vmem>>, vector<16xf32>,
      %get3A_371 = vector.shape_cast %get3A_370 : vector<16xf32> to vector<16xf32>
      %add3A_372 = arith.addf %get3A_368, %get3A_371 : vector<16xf32>
      %neg3A_373 = arith.constant 0.000000e+00 : f32
      %neg3A_374 = vector.broadcast %neg3A_373 : f32 to vector<16xf32>
      %neg3A_375 = arith.subf %neg3A_374, %add3A_372 : vector<16xf32>
      %exp3A_376 = math.exp %neg3A_375 : vector<16xf32>
      %add3A_377 = arith.constant 1.000000e+00 : f32
      %add3A_378 = vector.broadcast %add3A_377 : f32 to vector<16xf32>
      %add3A_379 = arith.addf %add3A_378, %exp3A_376 : vector<16xf32>
      %div3A_380 = arith.constant 1.000000e+00 : f32
      %div3A_381 = vector.broadcast %div3A_380 : f32 to vector<16xf32>
      %div3A_382 = arith.divf %div3A_381, %add3A_379 : vector<16xf32>
      %swap3A_383 = arith.constant 64 : index
      %swap3A_384 = tpu.vector_load %arg16[%swap3A_383] {strides = array<i32>} : memref<128xf32, #tpu.memory_space<vmem>>, vector<16xf32>,
      %swap3A_385 = vector.shape_cast %swap3A_384 : vector<16xf32> to vector<16xf32>
      %swap3A_386 = vector.shape_cast %div3A_382 : vector<16xf32> to vector<16xf32>
      tpu.vector_store %arg16[%swap3A_383], %swap3A_386 {strides = array<i32>} : memref<128xf32, #tpu.memory_space<vmem>>, vector<16xf32>,
      %get3A_387 = arith.constant 80 : index
      %get3A_388 = tpu.vector_load %arg12[%get3A_387] {strides = array<i32>} : memref<128xf32, #tpu.memory_space<vmem>>, vector<16xf32>,
      %get3A_389 = vector.shape_cast %get3A_388 : vector<16xf32> to vector<16xf32>
      %get3A_390 = arith.constant 80 : index
      %get3A_391 = tpu.vector_load %arg14[%get3A_390] {strides = array<i32>} : memref<128xf32, #tpu.memory_space<vmem>>, vector<16xf32>,
      %get3A_392 = vector.shape_cast %get3A_391 : vector<16xf32> to vector<16xf32>
      %add3A_393 = arith.addf %get3A_389, %get3A_392 : vector<16xf32>
      %neg3A_394 = arith.constant 0.000000e+00 : f32
      %neg3A_395 = vector.broadcast %neg3A_394 : f32 to vector<16xf32>
      %neg3A_396 = arith.subf %neg3A_395, %add3A_393 : vector<16xf32>
      %exp3A_397 = math.exp %neg3A_396 : vector<16xf32>
      %add3A_398 = arith.constant 1.000000e+00 : f32
      %add3A_399 = vector.broadcast %add3A_398 : f32 to vector<16xf32>
      %add3A_400 = arith.addf %add3A_399, %exp3A_397 : vector<16xf32>
      %div3A_401 = arith.constant 1.000000e+00 : f32
      %div3A_402 = vector.broadcast %div3A_401 : f32 to vector<16xf32>
      %div3A_403 = arith.divf %div3A_402, %add3A_400 : vector<16xf32>
      %swap3A_404 = arith.constant 80 : index
      %swap3A_405 = tpu.vector_load %arg16[%swap3A_404] {strides = array<i32>} : memref<128xf32, #tpu.memory_space<vmem>>, vector<16xf32>,
      %swap3A_406 = vector.shape_cast %swap3A_405 : vector<16xf32> to vector<16xf32>
      %swap3A_407 = vector.shape_cast %div3A_403 : vector<16xf32> to vector<16xf32>
      tpu.vector_store %arg16[%swap3A_404], %swap3A_407 {strides = array<i32>} : memref<128xf32, #tpu.memory_space<vmem>>, vector<16xf32>,
      %get3A_408 = arith.constant 96 : index
      %get3A_409 = tpu.vector_load %arg12[%get3A_408] {strides = array<i32>} : memref<128xf32, #tpu.memory_space<vmem>>, vector<16xf32>,
      %get3A_410 = vector.shape_cast %get3A_409 : vector<16xf32> to vector<16xf32>
      %get3A_411 = arith.constant 96 : index
      %get3A_412 = tpu.vector_load %arg14[%get3A_411] {strides = array<i32>} : memref<128xf32, #tpu.memory_space<vmem>>, vector<16xf32>,
      %get3A_413 = vector.shape_cast %get3A_412 : vector<16xf32> to vector<16xf32>
      %add3A_414 = arith.addf %get3A_410, %get3A_413 : vector<16xf32>
      %neg3A_415 = arith.constant 0.000000e+00 : f32
      %neg3A_416 = vector.broadcast %neg3A_415 : f32 to vector<16xf32>
      %neg3A_417 = arith.subf %neg3A_416, %add3A_414 : vector<16xf32>
      %exp3A_418 = math.exp %neg3A_417 : vector<16xf32>
      %add3A_419 = arith.constant 1.000000e+00 : f32
      %add3A_420 = vector.broadcast %add3A_419 : f32 to vector<16xf32>
      %add3A_421 = arith.addf %add3A_420, %exp3A_418 : vector<16xf32>
      %div3A_422 = arith.constant 1.000000e+00 : f32
      %div3A_423 = vector.broadcast %div3A_422 : f32 to vector<16xf32>
      %div3A_424 = arith.divf %div3A_423, %add3A_421 : vector<16xf32>
      %swap3A_425 = arith.constant 96 : index
      %swap3A_426 = tpu.vector_load %arg16[%swap3A_425] {strides = array<i32>} : memref<128xf32, #tpu.memory_space<vmem>>, vector<16xf32>,
      %swap3A_427 = vector.shape_cast %swap3A_426 : vector<16xf32> to vector<16xf32>
      %swap3A_428 = vector.shape_cast %div3A_424 : vector<16xf32> to vector<16xf32>
      tpu.vector_store %arg16[%swap3A_425], %swap3A_428 {strides = array<i32>} : memref<128xf32, #tpu.memory_space<vmem>>, vector<16xf32>,
      %get3A_429 = arith.constant 112 : index
      %get3A_430 = tpu.vector_load %arg12[%get3A_429] {strides = array<i32>} : memref<128xf32, #tpu.memory_space<vmem>>, vector<16xf32>,
      %get3A_431 = vector.shape_cast %get3A_430 : vector<16xf32> to vector<16xf32>
      %get3A_432 = arith.constant 112 : index
      %get3A_433 = tpu.vector_load %arg14[%get3A_432] {strides = array<i32>} : memref<128xf32, #tpu.memory_space<vmem>>, vector<16xf32>,
      %get3A_434 = vector.shape_cast %get3A_433 : vector<16xf32> to vector<16xf32>
      %add3A_435 = arith.addf %get3A_431, %get3A_434 : vector<16xf32>
      %neg3A_436 = arith.constant 0.000000e+00 : f32
      %neg3A_437 = vector.broadcast %neg3A_436 : f32 to vector<16xf32>
      %neg3A_438 = arith.subf %neg3A_437, %add3A_435 : vector<16xf32>
      %exp3A_439 = math.exp %neg3A_438 : vector<16xf32>
      %add3A_440 = arith.constant 1.000000e+00 : f32
      %add3A_441 = vector.broadcast %add3A_440 : f32 to vector<16xf32>
      %add3A_442 = arith.addf %add3A_441, %exp3A_439 : vector<16xf32>
      %div3A_443 = arith.constant 1.000000e+00 : f32
      %div3A_444 = vector.broadcast %div3A_443 : f32 to vector<16xf32>
      %div3A_445 = arith.divf %div3A_444, %add3A_442 : vector<16xf32>
      %swap3A_446 = arith.constant 112 : index
      %swap3A_447 = tpu.vector_load %arg16[%swap3A_446] {strides = array<i32>} : memref<128xf32, #tpu.memory_space<vmem>>, vector<16xf32>,
      %swap3A_448 = vector.shape_cast %swap3A_447 : vector<16xf32> to vector<16xf32>
      %swap3A_449 = vector.shape_cast %div3A_445 : vector<16xf32> to vector<16xf32>
      tpu.vector_store %arg16[%swap3A_446], %swap3A_449 {strides = array<i32>} : memref<128xf32, #tpu.memory_space<vmem>>, vector<16xf32>,
      %add3A_450 = arith.constant 2 : i32
      %add3A_451 = arith.addi %add3A_272, %add3A_450 : i32
      %lt3A_452 = arith.constant 80 : i32
      %lt3A_453 = arith.cmpi slt, %add3A_451, %lt3A_452 : i32
      %convert_element_type3A_454 = arith.extui %lt3A_453 : i1 to i32
      %cond3A_455 = arith.constant 0 : i32
      %cond3A_456 = arith.cmpi ne, %convert_element_type3A_454, %cond3A_455 : i32
      scf.if %cond3A_456 {
        %add3A_462 = arith.addi %mul3A_2, %add3A_272 : i32
        %add3A_463 = arith.constant 2 : i32
        %add3A_464 = arith.addi %add3A_462, %add3A_463 : i32
        %dma_start3A_465 = arith.constant 0 : i32
        %dma_start3A_466 = tpu.memref_slice %arg4[%add3A_464, %dma_start3A_465] : memref<2560x128xi32, #tpu.memory_space<hbm>> -> memref<1x128xi32, #tpu.memory_space<hbm>>
        %dma_start3A_467 = tpu.memref_squeeze %dma_start3A_466 : memref<1x128xi32, #tpu.memory_space<hbm>> -> memref<128xi32, #tpu.memory_space<hbm>>
        %dma_start3A_468 = arith.constant 0 : i32
        %dma_start3A_469 = tpu.memref_slice %arg4[%add3A_464, %dma_start3A_468] : memref<2560x128xi32, #tpu.memory_space<hbm>> -> memref<1x128xi32, #tpu.memory_space<hbm>>
        %dma_start3A_470 = tpu.memref_squeeze %dma_start3A_469 : memref<1x128xi32, #tpu.memory_space<hbm>> -> memref<128xi32, #tpu.memory_space<hbm>>
        tpu.enqueue_dma source(%dma_start3A_470 : memref<128xi32, #tpu.memory_space<hbm>>) target(%arg8 : memref<128xi32, #tpu.memory_space<vmem>>) target_semaphore(%arg18 : memref<!tpu.dma_semaphore, #tpu.memory_space<semaphore_mem>>)
        %dma_start3A_471 = arith.constant 0 : i32
        %dma_start3A_472 = tpu.memref_slice %arg5[%add3A_464, %dma_start3A_471] : memref<2560x128xi32, #tpu.memory_space<hbm>> -> memref<1x128xi32, #tpu.memory_space<hbm>>
        %dma_start3A_473 = tpu.memref_squeeze %dma_start3A_472 : memref<1x128xi32, #tpu.memory_space<hbm>> -> memref<128xi32, #tpu.memory_space<hbm>>
        %dma_start3A_474 = arith.constant 0 : i32
        %dma_start3A_475 = tpu.memref_slice %arg5[%add3A_464, %dma_start3A_474] : memref<2560x128xi32, #tpu.memory_space<hbm>> -> memref<1x128xi32, #tpu.memory_space<hbm>>
        %dma_start3A_476 = tpu.memref_squeeze %dma_start3A_475 : memref<1x128xi32, #tpu.memory_space<hbm>> -> memref<128xi32, #tpu.memory_space<hbm>>
        tpu.enqueue_dma source(%dma_start3A_476 : memref<128xi32, #tpu.memory_space<hbm>>) target(%arg10 : memref<128xi32, #tpu.memory_space<vmem>>) target_semaphore(%arg18 : memref<!tpu.dma_semaphore, #tpu.memory_space<semaphore_mem>>)
      } else {
      }
      %add3A_457 = arith.addi %mul3A_2, %add3A_272 : i32
      %mul3A_458 = arith.constant 128 : i32
      %mul3A_459 = arith.muli %add3A_457, %mul3A_458 : i32
      %dma_start3A_460 = tpu.memref_slice %arg6[%mul3A_459] : memref<327680xf32, #tpu.memory_space<hbm>> -> memref<128xf32, #tpu.memory_space<hbm>>
      %dma_start3A_461 = tpu.memref_slice %arg6[%mul3A_459] : memref<327680xf32, #tpu.memory_space<hbm>> -> memref<128xf32, #tpu.memory_space<hbm>>
      tpu.enqueue_dma source(%arg16 : memref<128xf32, #tpu.memory_space<vmem>>) target(%dma_start3A_461 : memref<128xf32, #tpu.memory_space<hbm>>) target_semaphore(%arg22 : memref<!tpu.dma_semaphore, #tpu.memory_space<semaphore_mem>>)
    }
    %scan3A_34 = arith.constant 40 : i32
    %dma_wait3A = arith.constant 0 : i32
    %dma_wait3A_35 = tpu.memref_slice %arg6[%dma_wait3A] : memref<327680xf32, #tpu.memory_space<hbm>> -> memref<128xf32, #tpu.memory_space<hbm>>
    %dma_wait3A_36 = arith.constant 0 : i32
    %dma_wait3A_37 = tpu.memref_slice %arg6[%dma_wait3A_36] : memref<327680xf32, #tpu.memory_space<hbm>> -> memref<128xf32, #tpu.memory_space<hbm>>
    tpu.wait_dma2 semaphore(%arg21 : memref<!tpu.dma_semaphore, #tpu.memory_space<semaphore_mem>>) src(%arg15 : memref<128xf32, #tpu.memory_space<vmem>>) dst(%dma_wait3A_37 : memref<128xf32, #tpu.memory_space<hbm>>)
    %dma_wait3A_38 = arith.constant 0 : i32
    %dma_wait3A_39 = tpu.memref_slice %arg6[%dma_wait3A_38] : memref<327680xf32, #tpu.memory_space<hbm>> -> memref<128xf32, #tpu.memory_space<hbm>>
    %dma_wait3A_40 = arith.constant 0 : i32
    %dma_wait3A_41 = tpu.memref_slice %arg6[%dma_wait3A_40] : memref<327680xf32, #tpu.memory_space<hbm>> -> memref<128xf32, #tpu.memory_space<hbm>>
    tpu.wait_dma2 semaphore(%arg22 : memref<!tpu.dma_semaphore, #tpu.memory_space<semaphore_mem>>) src(%arg16 : memref<128xf32, #tpu.memory_space<vmem>>) dst(%dma_wait3A_41 : memref<128xf32, #tpu.memory_space<hbm>>)
    return
  }
}

#map = affine_map<(d0, d1) -> (0, 0)>
module attributes {stable_mosaic.version = 14 : i64} {
  func.func @_agg(%arg0: i32, %arg1: i32, %arg2: memref<10000x128xf32, #tpu.memory_space<hbm>>, %arg3: memref<2560x128xi32, #tpu.memory_space<hbm>>, %arg4: memref<2560x128xi32, #tpu.memory_space<hbm>>, %arg5: memref<10240x128xf32, #tpu.memory_space<hbm>>, %arg6: memref<128xi32, #tpu.memory_space<vmem>>, %arg7: memref<128xi32, #tpu.memory_space<vmem>>, %arg8: memref<128xi32, #tpu.memory_space<vmem>>, %arg9: memref<128xi32, #tpu.memory_space<vmem>>, %arg10: memref<128xi32, #tpu.memory_space<vmem>>, %arg11: memref<128xi32, #tpu.memory_space<vmem>>, %arg12: memref<128x128xf32, #tpu.memory_space<vmem>>, %arg13: memref<128x128xf32, #tpu.memory_space<vmem>>, %arg14: memref<!tpu.dma_semaphore, #tpu.memory_space<semaphore_mem>>, %arg15: memref<!tpu.dma_semaphore, #tpu.memory_space<semaphore_mem>>, %arg16: memref<!tpu.dma_semaphore, #tpu.memory_space<semaphore_mem>>, %arg17: memref<!tpu.dma_semaphore, #tpu.memory_space<semaphore_mem>>, %arg18: memref<!tpu.dma_semaphore, #tpu.memory_space<semaphore_mem>>, %arg19: memref<!tpu.dma_semaphore, #tpu.memory_space<semaphore_mem>>, %arg20: memref<328x128xf32, #tpu.memory_space<vmem>>, %arg21: memref<5248x128xf32, #tpu.memory_space<vmem_shared>>) attributes {dimension_semantics = [#tpu.dimension_semantics<core_parallel>, #tpu.dimension_semantics<subcore_parallel>], iteration_bounds = array<i64: 1, 16>, scalar_prefetch = 0 : i64, scratch_operands = 16 : i64, tpu.core_type = #tpu.core_type<sc_vector_subcore>, window_params = [{transform_indices = #map}, {transform_indices = #map}, {transform_indices = #map}, {transform_indices = #map}]} {
    %broadcast_in_dim3A = arith.constant 0.000000e+00 : f32
    %broadcast_in_dim3A_0 = vector.broadcast %broadcast_in_dim3A : f32 to vector<16xf32>
    %scan3A = arith.constant 0 : i32
    %scan3A_1 = arith.constant 0 : i32
    %scan3A_2 = arith.constant 328 : i32
    %scan3A_3 = arith.addi %scan3A_1, %scan3A_2 : i32
    %scan3A_4 = arith.constant 1 : i32
    scf.for %scan3A_123 = %scan3A_1 to %scan3A_3 step %scan3A_4  : i32 {
      %swap3A = arith.index_cast %scan3A_123 : i32 to index
      %swap3A_124 = arith.constant 0 : index
      %swap3A_125 = tpu.vector_load %arg20[%swap3A, %swap3A_124] {strides = array<i32>} : memref<328x128xf32, #tpu.memory_space<vmem>>, vector<1x16xf32>,
      %swap3A_126 = vector.shape_cast %swap3A_125 : vector<1x16xf32> to vector<16xf32>
      %swap3A_127 = vector.shape_cast %broadcast_in_dim3A_0 : vector<16xf32> to vector<1x16xf32>
      tpu.vector_store %arg20[%swap3A, %swap3A_124], %swap3A_127 {strides = array<i32>} : memref<328x128xf32, #tpu.memory_space<vmem>>, vector<1x16xf32>,
      %swap3A_128 = arith.index_cast %scan3A_123 : i32 to index
      %swap3A_129 = arith.constant 16 : index
      %swap3A_130 = tpu.vector_load %arg20[%swap3A_128, %swap3A_129] {strides = array<i32>} : memref<328x128xf32, #tpu.memory_space<vmem>>, vector<1x16xf32>,
      %swap3A_131 = vector.shape_cast %swap3A_130 : vector<1x16xf32> to vector<16xf32>
      %swap3A_132 = vector.shape_cast %broadcast_in_dim3A_0 : vector<16xf32> to vector<1x16xf32>
      tpu.vector_store %arg20[%swap3A_128, %swap3A_129], %swap3A_132 {strides = array<i32>} : memref<328x128xf32, #tpu.memory_space<vmem>>, vector<1x16xf32>,
      %swap3A_133 = arith.index_cast %scan3A_123 : i32 to index
      %swap3A_134 = arith.constant 32 : index
      %swap3A_135 = tpu.vector_load %arg20[%swap3A_133, %swap3A_134] {strides = array<i32>} : memref<328x128xf32, #tpu.memory_space<vmem>>, vector<1x16xf32>,
      %swap3A_136 = vector.shape_cast %swap3A_135 : vector<1x16xf32> to vector<16xf32>
      %swap3A_137 = vector.shape_cast %broadcast_in_dim3A_0 : vector<16xf32> to vector<1x16xf32>
      tpu.vector_store %arg20[%swap3A_133, %swap3A_134], %swap3A_137 {strides = array<i32>} : memref<328x128xf32, #tpu.memory_space<vmem>>, vector<1x16xf32>,
      %swap3A_138 = arith.index_cast %scan3A_123 : i32 to index
      %swap3A_139 = arith.constant 48 : index
      %swap3A_140 = tpu.vector_load %arg20[%swap3A_138, %swap3A_139] {strides = array<i32>} : memref<328x128xf32, #tpu.memory_space<vmem>>, vector<1x16xf32>,
      %swap3A_141 = vector.shape_cast %swap3A_140 : vector<1x16xf32> to vector<16xf32>
      %swap3A_142 = vector.shape_cast %broadcast_in_dim3A_0 : vector<16xf32> to vector<1x16xf32>
      tpu.vector_store %arg20[%swap3A_138, %swap3A_139], %swap3A_142 {strides = array<i32>} : memref<328x128xf32, #tpu.memory_space<vmem>>, vector<1x16xf32>,
      %swap3A_143 = arith.index_cast %scan3A_123 : i32 to index
      %swap3A_144 = arith.constant 64 : index
      %swap3A_145 = tpu.vector_load %arg20[%swap3A_143, %swap3A_144] {strides = array<i32>} : memref<328x128xf32, #tpu.memory_space<vmem>>, vector<1x16xf32>,
      %swap3A_146 = vector.shape_cast %swap3A_145 : vector<1x16xf32> to vector<16xf32>
      %swap3A_147 = vector.shape_cast %broadcast_in_dim3A_0 : vector<16xf32> to vector<1x16xf32>
      tpu.vector_store %arg20[%swap3A_143, %swap3A_144], %swap3A_147 {strides = array<i32>} : memref<328x128xf32, #tpu.memory_space<vmem>>, vector<1x16xf32>,
      %swap3A_148 = arith.index_cast %scan3A_123 : i32 to index
      %swap3A_149 = arith.constant 80 : index
      %swap3A_150 = tpu.vector_load %arg20[%swap3A_148, %swap3A_149] {strides = array<i32>} : memref<328x128xf32, #tpu.memory_space<vmem>>, vector<1x16xf32>,
      %swap3A_151 = vector.shape_cast %swap3A_150 : vector<1x16xf32> to vector<16xf32>
      %swap3A_152 = vector.shape_cast %broadcast_in_dim3A_0 : vector<16xf32> to vector<1x16xf32>
      tpu.vector_store %arg20[%swap3A_148, %swap3A_149], %swap3A_152 {strides = array<i32>} : memref<328x128xf32, #tpu.memory_space<vmem>>, vector<1x16xf32>,
      %swap3A_153 = arith.index_cast %scan3A_123 : i32 to index
      %swap3A_154 = arith.constant 96 : index
      %swap3A_155 = tpu.vector_load %arg20[%swap3A_153, %swap3A_154] {strides = array<i32>} : memref<328x128xf32, #tpu.memory_space<vmem>>, vector<1x16xf32>,
      %swap3A_156 = vector.shape_cast %swap3A_155 : vector<1x16xf32> to vector<16xf32>
      %swap3A_157 = vector.shape_cast %broadcast_in_dim3A_0 : vector<16xf32> to vector<1x16xf32>
      tpu.vector_store %arg20[%swap3A_153, %swap3A_154], %swap3A_157 {strides = array<i32>} : memref<328x128xf32, #tpu.memory_space<vmem>>, vector<1x16xf32>,
      %swap3A_158 = arith.index_cast %scan3A_123 : i32 to index
      %swap3A_159 = arith.constant 112 : index
      %swap3A_160 = tpu.vector_load %arg20[%swap3A_158, %swap3A_159] {strides = array<i32>} : memref<328x128xf32, #tpu.memory_space<vmem>>, vector<1x16xf32>,
      %swap3A_161 = vector.shape_cast %swap3A_160 : vector<1x16xf32> to vector<16xf32>
      %swap3A_162 = vector.shape_cast %broadcast_in_dim3A_0 : vector<16xf32> to vector<1x16xf32>
      tpu.vector_store %arg20[%swap3A_158, %swap3A_159], %swap3A_162 {strides = array<i32>} : memref<328x128xf32, #tpu.memory_space<vmem>>, vector<1x16xf32>,
    }
    %scan3A_5 = arith.constant 328 : i32
    %mul3A = arith.constant 328 : i32
    %mul3A_6 = arith.muli %arg1, %mul3A : i32
    "tpu.region"() ({
      %run_scoped3A = tpu.sem_alloc : memref<!tpu.dma_semaphore, #tpu.memory_space<semaphore_mem>>
      %dma_start3A_123 = arith.constant 0 : i32
      %dma_start3A_124 = arith.constant 0 : i32
      %dma_start3A_125 = tpu.memref_slice %arg20[%dma_start3A_123, %dma_start3A_124] : memref<328x128xf32, #tpu.memory_space<vmem>> -> memref<328x128xf32, #tpu.memory_space<vmem>>
      %dma_start3A_126 = arith.constant 0 : i32
      %dma_start3A_127 = tpu.memref_slice %arg21[%mul3A_6, %dma_start3A_126] : memref<5248x128xf32, #tpu.memory_space<vmem_shared>> -> memref<328x128xf32, #tpu.memory_space<vmem_shared>>
      %dma_start3A_128 = arith.constant 0 : i32
      %dma_start3A_129 = tpu.memref_slice %arg21[%mul3A_6, %dma_start3A_128] : memref<5248x128xf32, #tpu.memory_space<vmem_shared>> -> memref<328x128xf32, #tpu.memory_space<vmem_shared>>
      %dma_start3A_130 = arith.constant 0 : i32
      %dma_start3A_131 = arith.constant 0 : i32
      %dma_start3A_132 = tpu.memref_slice %arg20[%dma_start3A_130, %dma_start3A_131] : memref<328x128xf32, #tpu.memory_space<vmem>> -> memref<328x128xf32, #tpu.memory_space<vmem>>
      tpu.enqueue_dma source(%dma_start3A_132 : memref<328x128xf32, #tpu.memory_space<vmem>>) target(%dma_start3A_129 : memref<328x128xf32, #tpu.memory_space<vmem_shared>>) target_semaphore(%run_scoped3A : memref<!tpu.dma_semaphore, #tpu.memory_space<semaphore_mem>>)
      %dma_wait3A_133 = arith.constant 0 : i32
      %dma_wait3A_134 = arith.constant 0 : i32
      %dma_wait3A_135 = tpu.memref_slice %arg20[%dma_wait3A_133, %dma_wait3A_134] : memref<328x128xf32, #tpu.memory_space<vmem>> -> memref<328x128xf32, #tpu.memory_space<vmem>>
      %dma_wait3A_136 = arith.constant 0 : i32
      %dma_wait3A_137 = tpu.memref_slice %arg21[%mul3A_6, %dma_wait3A_136] : memref<5248x128xf32, #tpu.memory_space<vmem_shared>> -> memref<328x128xf32, #tpu.memory_space<vmem_shared>>
      %dma_wait3A_138 = arith.constant 0 : i32
      %dma_wait3A_139 = tpu.memref_slice %arg21[%mul3A_6, %dma_wait3A_138] : memref<5248x128xf32, #tpu.memory_space<vmem_shared>> -> memref<328x128xf32, #tpu.memory_space<vmem_shared>>
      %dma_wait3A_140 = arith.constant 0 : i32
      %dma_wait3A_141 = arith.constant 0 : i32
      %dma_wait3A_142 = tpu.memref_slice %arg20[%dma_wait3A_140, %dma_wait3A_141] : memref<328x128xf32, #tpu.memory_space<vmem>> -> memref<328x128xf32, #tpu.memory_space<vmem>>
      tpu.wait_dma2 semaphore(%run_scoped3A : memref<!tpu.dma_semaphore, #tpu.memory_space<semaphore_mem>>) src(%dma_wait3A_142 : memref<328x128xf32, #tpu.memory_space<vmem>>) dst(%dma_wait3A_139 : memref<328x128xf32, #tpu.memory_space<vmem_shared>>)
      tpu.yield
    }) : () -> ()
    %barrier3A = arith.constant 0 : index
    tpu.barrier barrier_id(%barrier3A)
    %mul3A_7 = arith.constant 160 : i32
    %mul3A_8 = arith.muli %arg1, %mul3A_7 : i32
    %add3A = arith.constant 0 : i32
    %add3A_9 = arith.addi %mul3A_8, %add3A : i32
    %dma_start3A = arith.constant 0 : i32
    %dma_start3A_10 = tpu.memref_slice %arg3[%add3A_9, %dma_start3A] : memref<2560x128xi32, #tpu.memory_space<hbm>> -> memref<1x128xi32, #tpu.memory_space<hbm>>
    %dma_start3A_11 = tpu.memref_squeeze %dma_start3A_10 : memref<1x128xi32, #tpu.memory_space<hbm>> -> memref<128xi32, #tpu.memory_space<hbm>>
    %dma_start3A_12 = arith.constant 0 : i32
    %dma_start3A_13 = tpu.memref_slice %arg3[%add3A_9, %dma_start3A_12] : memref<2560x128xi32, #tpu.memory_space<hbm>> -> memref<1x128xi32, #tpu.memory_space<hbm>>
    %dma_start3A_14 = tpu.memref_squeeze %dma_start3A_13 : memref<1x128xi32, #tpu.memory_space<hbm>> -> memref<128xi32, #tpu.memory_space<hbm>>
    tpu.enqueue_dma source(%dma_start3A_14 : memref<128xi32, #tpu.memory_space<hbm>>) target(%arg6 : memref<128xi32, #tpu.memory_space<vmem>>) target_semaphore(%arg14 : memref<!tpu.dma_semaphore, #tpu.memory_space<semaphore_mem>>)
    %dma_start3A_15 = arith.constant 0 : i32
    %dma_start3A_16 = tpu.memref_slice %arg4[%add3A_9, %dma_start3A_15] : memref<2560x128xi32, #tpu.memory_space<hbm>> -> memref<1x128xi32, #tpu.memory_space<hbm>>
    %dma_start3A_17 = tpu.memref_squeeze %dma_start3A_16 : memref<1x128xi32, #tpu.memory_space<hbm>> -> memref<128xi32, #tpu.memory_space<hbm>>
    %dma_start3A_18 = arith.constant 0 : i32
    %dma_start3A_19 = tpu.memref_slice %arg4[%add3A_9, %dma_start3A_18] : memref<2560x128xi32, #tpu.memory_space<hbm>> -> memref<1x128xi32, #tpu.memory_space<hbm>>
    %dma_start3A_20 = tpu.memref_squeeze %dma_start3A_19 : memref<1x128xi32, #tpu.memory_space<hbm>> -> memref<128xi32, #tpu.memory_space<hbm>>
    tpu.enqueue_dma source(%dma_start3A_20 : memref<128xi32, #tpu.memory_space<hbm>>) target(%arg8 : memref<128xi32, #tpu.memory_space<vmem>>) target_semaphore(%arg14 : memref<!tpu.dma_semaphore, #tpu.memory_space<semaphore_mem>>)
    %add3A_21 = arith.constant 1 : i32
    %add3A_22 = arith.addi %mul3A_8, %add3A_21 : i32
    %dma_start3A_23 = arith.constant 0 : i32
    %dma_start3A_24 = tpu.memref_slice %arg3[%add3A_22, %dma_start3A_23] : memref<2560x128xi32, #tpu.memory_space<hbm>> -> memref<1x128xi32, #tpu.memory_space<hbm>>
    %dma_start3A_25 = tpu.memref_squeeze %dma_start3A_24 : memref<1x128xi32, #tpu.memory_space<hbm>> -> memref<128xi32, #tpu.memory_space<hbm>>
    %dma_start3A_26 = arith.constant 0 : i32
    %dma_start3A_27 = tpu.memref_slice %arg3[%add3A_22, %dma_start3A_26] : memref<2560x128xi32, #tpu.memory_space<hbm>> -> memref<1x128xi32, #tpu.memory_space<hbm>>
    %dma_start3A_28 = tpu.memref_squeeze %dma_start3A_27 : memref<1x128xi32, #tpu.memory_space<hbm>> -> memref<128xi32, #tpu.memory_space<hbm>>
    tpu.enqueue_dma source(%dma_start3A_28 : memref<128xi32, #tpu.memory_space<hbm>>) target(%arg7 : memref<128xi32, #tpu.memory_space<vmem>>) target_semaphore(%arg15 : memref<!tpu.dma_semaphore, #tpu.memory_space<semaphore_mem>>)
    %dma_start3A_29 = arith.constant 0 : i32
    %dma_start3A_30 = tpu.memref_slice %arg4[%add3A_22, %dma_start3A_29] : memref<2560x128xi32, #tpu.memory_space<hbm>> -> memref<1x128xi32, #tpu.memory_space<hbm>>
    %dma_start3A_31 = tpu.memref_squeeze %dma_start3A_30 : memref<1x128xi32, #tpu.memory_space<hbm>> -> memref<128xi32, #tpu.memory_space<hbm>>
    %dma_start3A_32 = arith.constant 0 : i32
    %dma_start3A_33 = tpu.memref_slice %arg4[%add3A_22, %dma_start3A_32] : memref<2560x128xi32, #tpu.memory_space<hbm>> -> memref<1x128xi32, #tpu.memory_space<hbm>>
    %dma_start3A_34 = tpu.memref_squeeze %dma_start3A_33 : memref<1x128xi32, #tpu.memory_space<hbm>> -> memref<128xi32, #tpu.memory_space<hbm>>
    tpu.enqueue_dma source(%dma_start3A_34 : memref<128xi32, #tpu.memory_space<hbm>>) target(%arg9 : memref<128xi32, #tpu.memory_space<vmem>>) target_semaphore(%arg15 : memref<!tpu.dma_semaphore, #tpu.memory_space<semaphore_mem>>)
    %scan3A_35 = arith.constant 0 : i32
    %scan3A_36 = arith.constant 0 : i32
    %scan3A_37 = arith.constant 80 : i32
    %scan3A_38 = arith.addi %scan3A_36, %scan3A_37 : i32
    %scan3A_39 = arith.constant 1 : i32
    scf.for %scan3A_123 = %scan3A_36 to %scan3A_38 step %scan3A_39  : i32 {
      %mul3A_124 = arith.constant 2 : i32
      %mul3A_125 = arith.muli %scan3A_123, %mul3A_124 : i32
      %add3A_126 = arith.constant 0 : i32
      %add3A_127 = arith.addi %mul3A_125, %add3A_126 : i32
      %gt3A = arith.constant 0 : i32
      %gt3A_128 = arith.cmpi sgt, %scan3A_123, %gt3A : i32
      %convert_element_type3A = arith.extui %gt3A_128 : i1 to i32
      %cond3A = arith.constant 0 : i32
      %cond3A_129 = arith.cmpi ne, %convert_element_type3A, %cond3A : i32
      scf.if %cond3A_129 {
        %dma_wait3A_517 = arith.constant 0 : i32
        %dma_wait3A_518 = arith.constant 0 : i32
        %dma_wait3A_519 = tpu.memref_slice %arg21[%dma_wait3A_517, %dma_wait3A_518] : memref<5248x128xf32, #tpu.memory_space<vmem_shared>> -> memref<5248x128xf32, #tpu.memory_space<vmem_shared>>
        tpu.wait_indirect_dma semaphore(%arg18 : memref<!tpu.dma_semaphore, #tpu.memory_space<semaphore_mem>>) src(%arg12 : memref<128x128xf32, #tpu.memory_space<vmem>>) dst(%dma_wait3A_519 : memref<5248x128xf32, #tpu.memory_space<vmem_shared>>)
      } else {
      }
      %add3A_130 = arith.addi %mul3A_8, %add3A_127 : i32
      %dma_wait3A_131 = arith.constant 0 : i32
      %dma_wait3A_132 = tpu.memref_slice %arg3[%add3A_130, %dma_wait3A_131] : memref<2560x128xi32, #tpu.memory_space<hbm>> -> memref<1x128xi32, #tpu.memory_space<hbm>>
      %dma_wait3A_133 = tpu.memref_squeeze %dma_wait3A_132 : memref<1x128xi32, #tpu.memory_space<hbm>> -> memref<128xi32, #tpu.memory_space<hbm>>
      %dma_wait3A_134 = arith.constant 0 : i32
      %dma_wait3A_135 = tpu.memref_slice %arg3[%add3A_130, %dma_wait3A_134] : memref<2560x128xi32, #tpu.memory_space<hbm>> -> memref<1x128xi32, #tpu.memory_space<hbm>>
      %dma_wait3A_136 = tpu.memref_squeeze %dma_wait3A_135 : memref<1x128xi32, #tpu.memory_space<hbm>> -> memref<128xi32, #tpu.memory_space<hbm>>
      tpu.wait_dma2 semaphore(%arg14 : memref<!tpu.dma_semaphore, #tpu.memory_space<semaphore_mem>>) src(%dma_wait3A_136 : memref<128xi32, #tpu.memory_space<hbm>>) dst(%arg6 : memref<128xi32, #tpu.memory_space<vmem>>)
      %dma_wait3A_137 = arith.constant 0 : i32
      %dma_wait3A_138 = tpu.memref_slice %arg4[%add3A_130, %dma_wait3A_137] : memref<2560x128xi32, #tpu.memory_space<hbm>> -> memref<1x128xi32, #tpu.memory_space<hbm>>
      %dma_wait3A_139 = tpu.memref_squeeze %dma_wait3A_138 : memref<1x128xi32, #tpu.memory_space<hbm>> -> memref<128xi32, #tpu.memory_space<hbm>>
      %dma_wait3A_140 = arith.constant 0 : i32
      %dma_wait3A_141 = tpu.memref_slice %arg4[%add3A_130, %dma_wait3A_140] : memref<2560x128xi32, #tpu.memory_space<hbm>> -> memref<1x128xi32, #tpu.memory_space<hbm>>
      %dma_wait3A_142 = tpu.memref_squeeze %dma_wait3A_141 : memref<1x128xi32, #tpu.memory_space<hbm>> -> memref<128xi32, #tpu.memory_space<hbm>>
      tpu.wait_dma2 semaphore(%arg14 : memref<!tpu.dma_semaphore, #tpu.memory_space<semaphore_mem>>) src(%dma_wait3A_142 : memref<128xi32, #tpu.memory_space<hbm>>) dst(%arg8 : memref<128xi32, #tpu.memory_space<vmem>>)
      %get3A = arith.constant 0 : index
      %get3A_143 = tpu.vector_load %arg8[%get3A] {strides = array<i32>} : memref<128xi32, #tpu.memory_space<vmem>>, vector<16xi32>,
      %get3A_144 = vector.shape_cast %get3A_143 : vector<16xi32> to vector<16xi32>
      %ge3A = arith.constant 0 : i32
      %ge3A_145 = vector.broadcast %ge3A : i32 to vector<16xi32>
      %ge3A_146 = arith.cmpi sge, %get3A_144, %ge3A_145 : vector<16xi32>
      %lt3A = arith.constant 5120 : i32
      %lt3A_147 = vector.broadcast %lt3A : i32 to vector<16xi32>
      %lt3A_148 = arith.cmpi slt, %get3A_144, %lt3A_147 : vector<16xi32>
      %and3A = arith.andi %ge3A_146, %lt3A_148 : vector<16xi1>
      %sub3A = arith.constant 0 : i32
      %sub3A_149 = vector.broadcast %sub3A : i32 to vector<16xi32>
      %sub3A_150 = arith.subi %get3A_144, %sub3A_149 : vector<16xi32>
      %jit3A = arith.constant 5120 : i32
      %broadcast_in_dim3A_151 = vector.broadcast %jit3A : i32 to vector<16xi32>
      %select_n3A = arith.select %and3A, %sub3A_150, %broadcast_in_dim3A_151 : vector<16xi1>, vector<16xi32>
      %swap3A = arith.constant 0 : index
      %swap3A_152 = tpu.vector_load %arg10[%swap3A] {strides = array<i32>} : memref<128xi32, #tpu.memory_space<vmem>>, vector<16xi32>,
      %swap3A_153 = vector.shape_cast %swap3A_152 : vector<16xi32> to vector<16xi32>
      %swap3A_154 = vector.shape_cast %select_n3A : vector<16xi32> to vector<16xi32>
      tpu.vector_store %arg10[%swap3A], %swap3A_154 {strides = array<i32>} : memref<128xi32, #tpu.memory_space<vmem>>, vector<16xi32>,
      %get3A_155 = arith.constant 16 : index
      %get3A_156 = tpu.vector_load %arg8[%get3A_155] {strides = array<i32>} : memref<128xi32, #tpu.memory_space<vmem>>, vector<16xi32>,
      %get3A_157 = vector.shape_cast %get3A_156 : vector<16xi32> to vector<16xi32>
      %ge3A_158 = arith.constant 0 : i32
      %ge3A_159 = vector.broadcast %ge3A_158 : i32 to vector<16xi32>
      %ge3A_160 = arith.cmpi sge, %get3A_157, %ge3A_159 : vector<16xi32>
      %lt3A_161 = arith.constant 5120 : i32
      %lt3A_162 = vector.broadcast %lt3A_161 : i32 to vector<16xi32>
      %lt3A_163 = arith.cmpi slt, %get3A_157, %lt3A_162 : vector<16xi32>
      %and3A_164 = arith.andi %ge3A_160, %lt3A_163 : vector<16xi1>
      %sub3A_165 = arith.constant 0 : i32
      %sub3A_166 = vector.broadcast %sub3A_165 : i32 to vector<16xi32>
      %sub3A_167 = arith.subi %get3A_157, %sub3A_166 : vector<16xi32>
      %jit3A_168 = arith.constant 5120 : i32
      %broadcast_in_dim3A_169 = vector.broadcast %jit3A_168 : i32 to vector<16xi32>
      %select_n3A_170 = arith.select %and3A_164, %sub3A_167, %broadcast_in_dim3A_169 : vector<16xi1>, vector<16xi32>
      %swap3A_171 = arith.constant 16 : index
      %swap3A_172 = tpu.vector_load %arg10[%swap3A_171] {strides = array<i32>} : memref<128xi32, #tpu.memory_space<vmem>>, vector<16xi32>,
      %swap3A_173 = vector.shape_cast %swap3A_172 : vector<16xi32> to vector<16xi32>
      %swap3A_174 = vector.shape_cast %select_n3A_170 : vector<16xi32> to vector<16xi32>
      tpu.vector_store %arg10[%swap3A_171], %swap3A_174 {strides = array<i32>} : memref<128xi32, #tpu.memory_space<vmem>>, vector<16xi32>,
      %get3A_175 = arith.constant 32 : index
      %get3A_176 = tpu.vector_load %arg8[%get3A_175] {strides = array<i32>} : memref<128xi32, #tpu.memory_space<vmem>>, vector<16xi32>,
      %get3A_177 = vector.shape_cast %get3A_176 : vector<16xi32> to vector<16xi32>
      %ge3A_178 = arith.constant 0 : i32
      %ge3A_179 = vector.broadcast %ge3A_178 : i32 to vector<16xi32>
      %ge3A_180 = arith.cmpi sge, %get3A_177, %ge3A_179 : vector<16xi32>
      %lt3A_181 = arith.constant 5120 : i32
      %lt3A_182 = vector.broadcast %lt3A_181 : i32 to vector<16xi32>
      %lt3A_183 = arith.cmpi slt, %get3A_177, %lt3A_182 : vector<16xi32>
      %and3A_184 = arith.andi %ge3A_180, %lt3A_183 : vector<16xi1>
      %sub3A_185 = arith.constant 0 : i32
      %sub3A_186 = vector.broadcast %sub3A_185 : i32 to vector<16xi32>
      %sub3A_187 = arith.subi %get3A_177, %sub3A_186 : vector<16xi32>
      %jit3A_188 = arith.constant 5120 : i32
      %broadcast_in_dim3A_189 = vector.broadcast %jit3A_188 : i32 to vector<16xi32>
      %select_n3A_190 = arith.select %and3A_184, %sub3A_187, %broadcast_in_dim3A_189 : vector<16xi1>, vector<16xi32>
      %swap3A_191 = arith.constant 32 : index
      %swap3A_192 = tpu.vector_load %arg10[%swap3A_191] {strides = array<i32>} : memref<128xi32, #tpu.memory_space<vmem>>, vector<16xi32>,
      %swap3A_193 = vector.shape_cast %swap3A_192 : vector<16xi32> to vector<16xi32>
      %swap3A_194 = vector.shape_cast %select_n3A_190 : vector<16xi32> to vector<16xi32>
      tpu.vector_store %arg10[%swap3A_191], %swap3A_194 {strides = array<i32>} : memref<128xi32, #tpu.memory_space<vmem>>, vector<16xi32>,
      %get3A_195 = arith.constant 48 : index
      %get3A_196 = tpu.vector_load %arg8[%get3A_195] {strides = array<i32>} : memref<128xi32, #tpu.memory_space<vmem>>, vector<16xi32>,
      %get3A_197 = vector.shape_cast %get3A_196 : vector<16xi32> to vector<16xi32>
      %ge3A_198 = arith.constant 0 : i32
      %ge3A_199 = vector.broadcast %ge3A_198 : i32 to vector<16xi32>
      %ge3A_200 = arith.cmpi sge, %get3A_197, %ge3A_199 : vector<16xi32>
      %lt3A_201 = arith.constant 5120 : i32
      %lt3A_202 = vector.broadcast %lt3A_201 : i32 to vector<16xi32>
      %lt3A_203 = arith.cmpi slt, %get3A_197, %lt3A_202 : vector<16xi32>
      %and3A_204 = arith.andi %ge3A_200, %lt3A_203 : vector<16xi1>
      %sub3A_205 = arith.constant 0 : i32
      %sub3A_206 = vector.broadcast %sub3A_205 : i32 to vector<16xi32>
      %sub3A_207 = arith.subi %get3A_197, %sub3A_206 : vector<16xi32>
      %jit3A_208 = arith.constant 5120 : i32
      %broadcast_in_dim3A_209 = vector.broadcast %jit3A_208 : i32 to vector<16xi32>
      %select_n3A_210 = arith.select %and3A_204, %sub3A_207, %broadcast_in_dim3A_209 : vector<16xi1>, vector<16xi32>
      %swap3A_211 = arith.constant 48 : index
      %swap3A_212 = tpu.vector_load %arg10[%swap3A_211] {strides = array<i32>} : memref<128xi32, #tpu.memory_space<vmem>>, vector<16xi32>,
      %swap3A_213 = vector.shape_cast %swap3A_212 : vector<16xi32> to vector<16xi32>
      %swap3A_214 = vector.shape_cast %select_n3A_210 : vector<16xi32> to vector<16xi32>
      tpu.vector_store %arg10[%swap3A_211], %swap3A_214 {strides = array<i32>} : memref<128xi32, #tpu.memory_space<vmem>>, vector<16xi32>,
      %get3A_215 = arith.constant 64 : index
      %get3A_216 = tpu.vector_load %arg8[%get3A_215] {strides = array<i32>} : memref<128xi32, #tpu.memory_space<vmem>>, vector<16xi32>,
      %get3A_217 = vector.shape_cast %get3A_216 : vector<16xi32> to vector<16xi32>
      %ge3A_218 = arith.constant 0 : i32
      %ge3A_219 = vector.broadcast %ge3A_218 : i32 to vector<16xi32>
      %ge3A_220 = arith.cmpi sge, %get3A_217, %ge3A_219 : vector<16xi32>
      %lt3A_221 = arith.constant 5120 : i32
      %lt3A_222 = vector.broadcast %lt3A_221 : i32 to vector<16xi32>
      %lt3A_223 = arith.cmpi slt, %get3A_217, %lt3A_222 : vector<16xi32>
      %and3A_224 = arith.andi %ge3A_220, %lt3A_223 : vector<16xi1>
      %sub3A_225 = arith.constant 0 : i32
      %sub3A_226 = vector.broadcast %sub3A_225 : i32 to vector<16xi32>
      %sub3A_227 = arith.subi %get3A_217, %sub3A_226 : vector<16xi32>
      %jit3A_228 = arith.constant 5120 : i32
      %broadcast_in_dim3A_229 = vector.broadcast %jit3A_228 : i32 to vector<16xi32>
      %select_n3A_230 = arith.select %and3A_224, %sub3A_227, %broadcast_in_dim3A_229 : vector<16xi1>, vector<16xi32>
      %swap3A_231 = arith.constant 64 : index
      %swap3A_232 = tpu.vector_load %arg10[%swap3A_231] {strides = array<i32>} : memref<128xi32, #tpu.memory_space<vmem>>, vector<16xi32>,
      %swap3A_233 = vector.shape_cast %swap3A_232 : vector<16xi32> to vector<16xi32>
      %swap3A_234 = vector.shape_cast %select_n3A_230 : vector<16xi32> to vector<16xi32>
      tpu.vector_store %arg10[%swap3A_231], %swap3A_234 {strides = array<i32>} : memref<128xi32, #tpu.memory_space<vmem>>, vector<16xi32>,
      %get3A_235 = arith.constant 80 : index
      %get3A_236 = tpu.vector_load %arg8[%get3A_235] {strides = array<i32>} : memref<128xi32, #tpu.memory_space<vmem>>, vector<16xi32>,
      %get3A_237 = vector.shape_cast %get3A_236 : vector<16xi32> to vector<16xi32>
      %ge3A_238 = arith.constant 0 : i32
      %ge3A_239 = vector.broadcast %ge3A_238 : i32 to vector<16xi32>
      %ge3A_240 = arith.cmpi sge, %get3A_237, %ge3A_239 : vector<16xi32>
      %lt3A_241 = arith.constant 5120 : i32
      %lt3A_242 = vector.broadcast %lt3A_241 : i32 to vector<16xi32>
      %lt3A_243 = arith.cmpi slt, %get3A_237, %lt3A_242 : vector<16xi32>
      %and3A_244 = arith.andi %ge3A_240, %lt3A_243 : vector<16xi1>
      %sub3A_245 = arith.constant 0 : i32
      %sub3A_246 = vector.broadcast %sub3A_245 : i32 to vector<16xi32>
      %sub3A_247 = arith.subi %get3A_237, %sub3A_246 : vector<16xi32>
      %jit3A_248 = arith.constant 5120 : i32
      %broadcast_in_dim3A_249 = vector.broadcast %jit3A_248 : i32 to vector<16xi32>
      %select_n3A_250 = arith.select %and3A_244, %sub3A_247, %broadcast_in_dim3A_249 : vector<16xi1>, vector<16xi32>
      %swap3A_251 = arith.constant 80 : index
      %swap3A_252 = tpu.vector_load %arg10[%swap3A_251] {strides = array<i32>} : memref<128xi32, #tpu.memory_space<vmem>>, vector<16xi32>,
      %swap3A_253 = vector.shape_cast %swap3A_252 : vector<16xi32> to vector<16xi32>
      %swap3A_254 = vector.shape_cast %select_n3A_250 : vector<16xi32> to vector<16xi32>
      tpu.vector_store %arg10[%swap3A_251], %swap3A_254 {strides = array<i32>} : memref<128xi32, #tpu.memory_space<vmem>>, vector<16xi32>,
      %get3A_255 = arith.constant 96 : index
      %get3A_256 = tpu.vector_load %arg8[%get3A_255] {strides = array<i32>} : memref<128xi32, #tpu.memory_space<vmem>>, vector<16xi32>,
      %get3A_257 = vector.shape_cast %get3A_256 : vector<16xi32> to vector<16xi32>
      %ge3A_258 = arith.constant 0 : i32
      %ge3A_259 = vector.broadcast %ge3A_258 : i32 to vector<16xi32>
      %ge3A_260 = arith.cmpi sge, %get3A_257, %ge3A_259 : vector<16xi32>
      %lt3A_261 = arith.constant 5120 : i32
      %lt3A_262 = vector.broadcast %lt3A_261 : i32 to vector<16xi32>
      %lt3A_263 = arith.cmpi slt, %get3A_257, %lt3A_262 : vector<16xi32>
      %and3A_264 = arith.andi %ge3A_260, %lt3A_263 : vector<16xi1>
      %sub3A_265 = arith.constant 0 : i32
      %sub3A_266 = vector.broadcast %sub3A_265 : i32 to vector<16xi32>
      %sub3A_267 = arith.subi %get3A_257, %sub3A_266 : vector<16xi32>
      %jit3A_268 = arith.constant 5120 : i32
      %broadcast_in_dim3A_269 = vector.broadcast %jit3A_268 : i32 to vector<16xi32>
      %select_n3A_270 = arith.select %and3A_264, %sub3A_267, %broadcast_in_dim3A_269 : vector<16xi1>, vector<16xi32>
      %swap3A_271 = arith.constant 96 : index
      %swap3A_272 = tpu.vector_load %arg10[%swap3A_271] {strides = array<i32>} : memref<128xi32, #tpu.memory_space<vmem>>, vector<16xi32>,
      %swap3A_273 = vector.shape_cast %swap3A_272 : vector<16xi32> to vector<16xi32>
      %swap3A_274 = vector.shape_cast %select_n3A_270 : vector<16xi32> to vector<16xi32>
      tpu.vector_store %arg10[%swap3A_271], %swap3A_274 {strides = array<i32>} : memref<128xi32, #tpu.memory_space<vmem>>, vector<16xi32>,
      %get3A_275 = arith.constant 112 : index
      %get3A_276 = tpu.vector_load %arg8[%get3A_275] {strides = array<i32>} : memref<128xi32, #tpu.memory_space<vmem>>, vector<16xi32>,
      %get3A_277 = vector.shape_cast %get3A_276 : vector<16xi32> to vector<16xi32>
      %ge3A_278 = arith.constant 0 : i32
      %ge3A_279 = vector.broadcast %ge3A_278 : i32 to vector<16xi32>
      %ge3A_280 = arith.cmpi sge, %get3A_277, %ge3A_279 : vector<16xi32>
      %lt3A_281 = arith.constant 5120 : i32
      %lt3A_282 = vector.broadcast %lt3A_281 : i32 to vector<16xi32>
      %lt3A_283 = arith.cmpi slt, %get3A_277, %lt3A_282 : vector<16xi32>
      %and3A_284 = arith.andi %ge3A_280, %lt3A_283 : vector<16xi1>
      %sub3A_285 = arith.constant 0 : i32
      %sub3A_286 = vector.broadcast %sub3A_285 : i32 to vector<16xi32>
      %sub3A_287 = arith.subi %get3A_277, %sub3A_286 : vector<16xi32>
      %jit3A_288 = arith.constant 5120 : i32
      %broadcast_in_dim3A_289 = vector.broadcast %jit3A_288 : i32 to vector<16xi32>
      %select_n3A_290 = arith.select %and3A_284, %sub3A_287, %broadcast_in_dim3A_289 : vector<16xi1>, vector<16xi32>
      %swap3A_291 = arith.constant 112 : index
      %swap3A_292 = tpu.vector_load %arg10[%swap3A_291] {strides = array<i32>} : memref<128xi32, #tpu.memory_space<vmem>>, vector<16xi32>,
      %swap3A_293 = vector.shape_cast %swap3A_292 : vector<16xi32> to vector<16xi32>
      %swap3A_294 = vector.shape_cast %select_n3A_290 : vector<16xi32> to vector<16xi32>
      tpu.vector_store %arg10[%swap3A_291], %swap3A_294 {strides = array<i32>} : memref<128xi32, #tpu.memory_space<vmem>>, vector<16xi32>,
      %dma_start3A_295 = arith.constant 0 : i32
      %dma_start3A_296 = arith.constant 0 : i32
      %dma_start3A_297 = tpu.memref_slice %arg2[%dma_start3A_295, %dma_start3A_296] : memref<10000x128xf32, #tpu.memory_space<hbm>> -> memref<10000x128xf32, #tpu.memory_space<hbm>>
      tpu.enqueue_indirect_dma source(%dma_start3A_297 : memref<10000x128xf32, #tpu.memory_space<hbm>>) target(%arg12 : memref<128x128xf32, #tpu.memory_space<vmem>>) offsets(%arg6 : memref<128xi32, #tpu.memory_space<vmem>>) semaphore(%arg16 : memref<!tpu.dma_semaphore, #tpu.memory_space<semaphore_mem>>)
      %mul3A_298 = arith.constant 2 : i32
      %mul3A_299 = arith.muli %scan3A_123, %mul3A_298 : i32
      %add3A_300 = arith.constant 1 : i32
      %add3A_301 = arith.addi %mul3A_299, %add3A_300 : i32
      %gt3A_302 = arith.constant 0 : i32
      %gt3A_303 = arith.cmpi sgt, %scan3A_123, %gt3A_302 : i32
      %convert_element_type3A_304 = arith.extui %gt3A_303 : i1 to i32
      %cond3A_305 = arith.constant 0 : i32
      %cond3A_306 = arith.cmpi ne, %convert_element_type3A_304, %cond3A_305 : i32
      scf.if %cond3A_306 {
        %dma_wait3A_517 = arith.constant 0 : i32
        %dma_wait3A_518 = arith.constant 0 : i32
        %dma_wait3A_519 = tpu.memref_slice %arg21[%dma_wait3A_517, %dma_wait3A_518] : memref<5248x128xf32, #tpu.memory_space<vmem_shared>> -> memref<5248x128xf32, #tpu.memory_space<vmem_shared>>
        tpu.wait_indirect_dma semaphore(%arg19 : memref<!tpu.dma_semaphore, #tpu.memory_space<semaphore_mem>>) src(%arg13 : memref<128x128xf32, #tpu.memory_space<vmem>>) dst(%dma_wait3A_519 : memref<5248x128xf32, #tpu.memory_space<vmem_shared>>)
      } else {
      }
      %add3A_307 = arith.addi %mul3A_8, %add3A_301 : i32
      %dma_wait3A_308 = arith.constant 0 : i32
      %dma_wait3A_309 = tpu.memref_slice %arg3[%add3A_307, %dma_wait3A_308] : memref<2560x128xi32, #tpu.memory_space<hbm>> -> memref<1x128xi32, #tpu.memory_space<hbm>>
      %dma_wait3A_310 = tpu.memref_squeeze %dma_wait3A_309 : memref<1x128xi32, #tpu.memory_space<hbm>> -> memref<128xi32, #tpu.memory_space<hbm>>
      %dma_wait3A_311 = arith.constant 0 : i32
      %dma_wait3A_312 = tpu.memref_slice %arg3[%add3A_307, %dma_wait3A_311] : memref<2560x128xi32, #tpu.memory_space<hbm>> -> memref<1x128xi32, #tpu.memory_space<hbm>>
      %dma_wait3A_313 = tpu.memref_squeeze %dma_wait3A_312 : memref<1x128xi32, #tpu.memory_space<hbm>> -> memref<128xi32, #tpu.memory_space<hbm>>
      tpu.wait_dma2 semaphore(%arg15 : memref<!tpu.dma_semaphore, #tpu.memory_space<semaphore_mem>>) src(%dma_wait3A_313 : memref<128xi32, #tpu.memory_space<hbm>>) dst(%arg7 : memref<128xi32, #tpu.memory_space<vmem>>)
      %dma_wait3A_314 = arith.constant 0 : i32
      %dma_wait3A_315 = tpu.memref_slice %arg4[%add3A_307, %dma_wait3A_314] : memref<2560x128xi32, #tpu.memory_space<hbm>> -> memref<1x128xi32, #tpu.memory_space<hbm>>
      %dma_wait3A_316 = tpu.memref_squeeze %dma_wait3A_315 : memref<1x128xi32, #tpu.memory_space<hbm>> -> memref<128xi32, #tpu.memory_space<hbm>>
      %dma_wait3A_317 = arith.constant 0 : i32
      %dma_wait3A_318 = tpu.memref_slice %arg4[%add3A_307, %dma_wait3A_317] : memref<2560x128xi32, #tpu.memory_space<hbm>> -> memref<1x128xi32, #tpu.memory_space<hbm>>
      %dma_wait3A_319 = tpu.memref_squeeze %dma_wait3A_318 : memref<1x128xi32, #tpu.memory_space<hbm>> -> memref<128xi32, #tpu.memory_space<hbm>>
      tpu.wait_dma2 semaphore(%arg15 : memref<!tpu.dma_semaphore, #tpu.memory_space<semaphore_mem>>) src(%dma_wait3A_319 : memref<128xi32, #tpu.memory_space<hbm>>) dst(%arg9 : memref<128xi32, #tpu.memory_space<vmem>>)
      %get3A_320 = arith.constant 0 : index
      %get3A_321 = tpu.vector_load %arg9[%get3A_320] {strides = array<i32>} : memref<128xi32, #tpu.memory_space<vmem>>, vector<16xi32>,
      %get3A_322 = vector.shape_cast %get3A_321 : vector<16xi32> to vector<16xi32>
      %ge3A_323 = arith.constant 0 : i32
      %ge3A_324 = vector.broadcast %ge3A_323 : i32 to vector<16xi32>
      %ge3A_325 = arith.cmpi sge, %get3A_322, %ge3A_324 : vector<16xi32>
      %lt3A_326 = arith.constant 5120 : i32
      %lt3A_327 = vector.broadcast %lt3A_326 : i32 to vector<16xi32>
      %lt3A_328 = arith.cmpi slt, %get3A_322, %lt3A_327 : vector<16xi32>
      %and3A_329 = arith.andi %ge3A_325, %lt3A_328 : vector<16xi1>
      %sub3A_330 = arith.constant 0 : i32
      %sub3A_331 = vector.broadcast %sub3A_330 : i32 to vector<16xi32>
      %sub3A_332 = arith.subi %get3A_322, %sub3A_331 : vector<16xi32>
      %jit3A_333 = arith.constant 5120 : i32
      %broadcast_in_dim3A_334 = vector.broadcast %jit3A_333 : i32 to vector<16xi32>
      %select_n3A_335 = arith.select %and3A_329, %sub3A_332, %broadcast_in_dim3A_334 : vector<16xi1>, vector<16xi32>
      %swap3A_336 = arith.constant 0 : index
      %swap3A_337 = tpu.vector_load %arg11[%swap3A_336] {strides = array<i32>} : memref<128xi32, #tpu.memory_space<vmem>>, vector<16xi32>,
      %swap3A_338 = vector.shape_cast %swap3A_337 : vector<16xi32> to vector<16xi32>
      %swap3A_339 = vector.shape_cast %select_n3A_335 : vector<16xi32> to vector<16xi32>
      tpu.vector_store %arg11[%swap3A_336], %swap3A_339 {strides = array<i32>} : memref<128xi32, #tpu.memory_space<vmem>>, vector<16xi32>,
      %get3A_340 = arith.constant 16 : index
      %get3A_341 = tpu.vector_load %arg9[%get3A_340] {strides = array<i32>} : memref<128xi32, #tpu.memory_space<vmem>>, vector<16xi32>,
      %get3A_342 = vector.shape_cast %get3A_341 : vector<16xi32> to vector<16xi32>
      %ge3A_343 = arith.constant 0 : i32
      %ge3A_344 = vector.broadcast %ge3A_343 : i32 to vector<16xi32>
      %ge3A_345 = arith.cmpi sge, %get3A_342, %ge3A_344 : vector<16xi32>
      %lt3A_346 = arith.constant 5120 : i32
      %lt3A_347 = vector.broadcast %lt3A_346 : i32 to vector<16xi32>
      %lt3A_348 = arith.cmpi slt, %get3A_342, %lt3A_347 : vector<16xi32>
      %and3A_349 = arith.andi %ge3A_345, %lt3A_348 : vector<16xi1>
      %sub3A_350 = arith.constant 0 : i32
      %sub3A_351 = vector.broadcast %sub3A_350 : i32 to vector<16xi32>
      %sub3A_352 = arith.subi %get3A_342, %sub3A_351 : vector<16xi32>
      %jit3A_353 = arith.constant 5120 : i32
      %broadcast_in_dim3A_354 = vector.broadcast %jit3A_353 : i32 to vector<16xi32>
      %select_n3A_355 = arith.select %and3A_349, %sub3A_352, %broadcast_in_dim3A_354 : vector<16xi1>, vector<16xi32>
      %swap3A_356 = arith.constant 16 : index
      %swap3A_357 = tpu.vector_load %arg11[%swap3A_356] {strides = array<i32>} : memref<128xi32, #tpu.memory_space<vmem>>, vector<16xi32>,
      %swap3A_358 = vector.shape_cast %swap3A_357 : vector<16xi32> to vector<16xi32>
      %swap3A_359 = vector.shape_cast %select_n3A_355 : vector<16xi32> to vector<16xi32>
      tpu.vector_store %arg11[%swap3A_356], %swap3A_359 {strides = array<i32>} : memref<128xi32, #tpu.memory_space<vmem>>, vector<16xi32>,
      %get3A_360 = arith.constant 32 : index
      %get3A_361 = tpu.vector_load %arg9[%get3A_360] {strides = array<i32>} : memref<128xi32, #tpu.memory_space<vmem>>, vector<16xi32>,
      %get3A_362 = vector.shape_cast %get3A_361 : vector<16xi32> to vector<16xi32>
      %ge3A_363 = arith.constant 0 : i32
      %ge3A_364 = vector.broadcast %ge3A_363 : i32 to vector<16xi32>
      %ge3A_365 = arith.cmpi sge, %get3A_362, %ge3A_364 : vector<16xi32>
      %lt3A_366 = arith.constant 5120 : i32
      %lt3A_367 = vector.broadcast %lt3A_366 : i32 to vector<16xi32>
      %lt3A_368 = arith.cmpi slt, %get3A_362, %lt3A_367 : vector<16xi32>
      %and3A_369 = arith.andi %ge3A_365, %lt3A_368 : vector<16xi1>
      %sub3A_370 = arith.constant 0 : i32
      %sub3A_371 = vector.broadcast %sub3A_370 : i32 to vector<16xi32>
      %sub3A_372 = arith.subi %get3A_362, %sub3A_371 : vector<16xi32>
      %jit3A_373 = arith.constant 5120 : i32
      %broadcast_in_dim3A_374 = vector.broadcast %jit3A_373 : i32 to vector<16xi32>
      %select_n3A_375 = arith.select %and3A_369, %sub3A_372, %broadcast_in_dim3A_374 : vector<16xi1>, vector<16xi32>
      %swap3A_376 = arith.constant 32 : index
      %swap3A_377 = tpu.vector_load %arg11[%swap3A_376] {strides = array<i32>} : memref<128xi32, #tpu.memory_space<vmem>>, vector<16xi32>,
      %swap3A_378 = vector.shape_cast %swap3A_377 : vector<16xi32> to vector<16xi32>
      %swap3A_379 = vector.shape_cast %select_n3A_375 : vector<16xi32> to vector<16xi32>
      tpu.vector_store %arg11[%swap3A_376], %swap3A_379 {strides = array<i32>} : memref<128xi32, #tpu.memory_space<vmem>>, vector<16xi32>,
      %get3A_380 = arith.constant 48 : index
      %get3A_381 = tpu.vector_load %arg9[%get3A_380] {strides = array<i32>} : memref<128xi32, #tpu.memory_space<vmem>>, vector<16xi32>,
      %get3A_382 = vector.shape_cast %get3A_381 : vector<16xi32> to vector<16xi32>
      %ge3A_383 = arith.constant 0 : i32
      %ge3A_384 = vector.broadcast %ge3A_383 : i32 to vector<16xi32>
      %ge3A_385 = arith.cmpi sge, %get3A_382, %ge3A_384 : vector<16xi32>
      %lt3A_386 = arith.constant 5120 : i32
      %lt3A_387 = vector.broadcast %lt3A_386 : i32 to vector<16xi32>
      %lt3A_388 = arith.cmpi slt, %get3A_382, %lt3A_387 : vector<16xi32>
      %and3A_389 = arith.andi %ge3A_385, %lt3A_388 : vector<16xi1>
      %sub3A_390 = arith.constant 0 : i32
      %sub3A_391 = vector.broadcast %sub3A_390 : i32 to vector<16xi32>
      %sub3A_392 = arith.subi %get3A_382, %sub3A_391 : vector<16xi32>
      %jit3A_393 = arith.constant 5120 : i32
      %broadcast_in_dim3A_394 = vector.broadcast %jit3A_393 : i32 to vector<16xi32>
      %select_n3A_395 = arith.select %and3A_389, %sub3A_392, %broadcast_in_dim3A_394 : vector<16xi1>, vector<16xi32>
      %swap3A_396 = arith.constant 48 : index
      %swap3A_397 = tpu.vector_load %arg11[%swap3A_396] {strides = array<i32>} : memref<128xi32, #tpu.memory_space<vmem>>, vector<16xi32>,
      %swap3A_398 = vector.shape_cast %swap3A_397 : vector<16xi32> to vector<16xi32>
      %swap3A_399 = vector.shape_cast %select_n3A_395 : vector<16xi32> to vector<16xi32>
      tpu.vector_store %arg11[%swap3A_396], %swap3A_399 {strides = array<i32>} : memref<128xi32, #tpu.memory_space<vmem>>, vector<16xi32>,
      %get3A_400 = arith.constant 64 : index
      %get3A_401 = tpu.vector_load %arg9[%get3A_400] {strides = array<i32>} : memref<128xi32, #tpu.memory_space<vmem>>, vector<16xi32>,
      %get3A_402 = vector.shape_cast %get3A_401 : vector<16xi32> to vector<16xi32>
      %ge3A_403 = arith.constant 0 : i32
      %ge3A_404 = vector.broadcast %ge3A_403 : i32 to vector<16xi32>
      %ge3A_405 = arith.cmpi sge, %get3A_402, %ge3A_404 : vector<16xi32>
      %lt3A_406 = arith.constant 5120 : i32
      %lt3A_407 = vector.broadcast %lt3A_406 : i32 to vector<16xi32>
      %lt3A_408 = arith.cmpi slt, %get3A_402, %lt3A_407 : vector<16xi32>
      %and3A_409 = arith.andi %ge3A_405, %lt3A_408 : vector<16xi1>
      %sub3A_410 = arith.constant 0 : i32
      %sub3A_411 = vector.broadcast %sub3A_410 : i32 to vector<16xi32>
      %sub3A_412 = arith.subi %get3A_402, %sub3A_411 : vector<16xi32>
      %jit3A_413 = arith.constant 5120 : i32
      %broadcast_in_dim3A_414 = vector.broadcast %jit3A_413 : i32 to vector<16xi32>
      %select_n3A_415 = arith.select %and3A_409, %sub3A_412, %broadcast_in_dim3A_414 : vector<16xi1>, vector<16xi32>
      %swap3A_416 = arith.constant 64 : index
      %swap3A_417 = tpu.vector_load %arg11[%swap3A_416] {strides = array<i32>} : memref<128xi32, #tpu.memory_space<vmem>>, vector<16xi32>,
      %swap3A_418 = vector.shape_cast %swap3A_417 : vector<16xi32> to vector<16xi32>
      %swap3A_419 = vector.shape_cast %select_n3A_415 : vector<16xi32> to vector<16xi32>
      tpu.vector_store %arg11[%swap3A_416], %swap3A_419 {strides = array<i32>} : memref<128xi32, #tpu.memory_space<vmem>>, vector<16xi32>,
      %get3A_420 = arith.constant 80 : index
      %get3A_421 = tpu.vector_load %arg9[%get3A_420] {strides = array<i32>} : memref<128xi32, #tpu.memory_space<vmem>>, vector<16xi32>,
      %get3A_422 = vector.shape_cast %get3A_421 : vector<16xi32> to vector<16xi32>
      %ge3A_423 = arith.constant 0 : i32
      %ge3A_424 = vector.broadcast %ge3A_423 : i32 to vector<16xi32>
      %ge3A_425 = arith.cmpi sge, %get3A_422, %ge3A_424 : vector<16xi32>
      %lt3A_426 = arith.constant 5120 : i32
      %lt3A_427 = vector.broadcast %lt3A_426 : i32 to vector<16xi32>
      %lt3A_428 = arith.cmpi slt, %get3A_422, %lt3A_427 : vector<16xi32>
      %and3A_429 = arith.andi %ge3A_425, %lt3A_428 : vector<16xi1>
      %sub3A_430 = arith.constant 0 : i32
      %sub3A_431 = vector.broadcast %sub3A_430 : i32 to vector<16xi32>
      %sub3A_432 = arith.subi %get3A_422, %sub3A_431 : vector<16xi32>
      %jit3A_433 = arith.constant 5120 : i32
      %broadcast_in_dim3A_434 = vector.broadcast %jit3A_433 : i32 to vector<16xi32>
      %select_n3A_435 = arith.select %and3A_429, %sub3A_432, %broadcast_in_dim3A_434 : vector<16xi1>, vector<16xi32>
      %swap3A_436 = arith.constant 80 : index
      %swap3A_437 = tpu.vector_load %arg11[%swap3A_436] {strides = array<i32>} : memref<128xi32, #tpu.memory_space<vmem>>, vector<16xi32>,
      %swap3A_438 = vector.shape_cast %swap3A_437 : vector<16xi32> to vector<16xi32>
      %swap3A_439 = vector.shape_cast %select_n3A_435 : vector<16xi32> to vector<16xi32>
      tpu.vector_store %arg11[%swap3A_436], %swap3A_439 {strides = array<i32>} : memref<128xi32, #tpu.memory_space<vmem>>, vector<16xi32>,
      %get3A_440 = arith.constant 96 : index
      %get3A_441 = tpu.vector_load %arg9[%get3A_440] {strides = array<i32>} : memref<128xi32, #tpu.memory_space<vmem>>, vector<16xi32>,
      %get3A_442 = vector.shape_cast %get3A_441 : vector<16xi32> to vector<16xi32>
      %ge3A_443 = arith.constant 0 : i32
      %ge3A_444 = vector.broadcast %ge3A_443 : i32 to vector<16xi32>
      %ge3A_445 = arith.cmpi sge, %get3A_442, %ge3A_444 : vector<16xi32>
      %lt3A_446 = arith.constant 5120 : i32
      %lt3A_447 = vector.broadcast %lt3A_446 : i32 to vector<16xi32>
      %lt3A_448 = arith.cmpi slt, %get3A_442, %lt3A_447 : vector<16xi32>
      %and3A_449 = arith.andi %ge3A_445, %lt3A_448 : vector<16xi1>
      %sub3A_450 = arith.constant 0 : i32
      %sub3A_451 = vector.broadcast %sub3A_450 : i32 to vector<16xi32>
      %sub3A_452 = arith.subi %get3A_442, %sub3A_451 : vector<16xi32>
      %jit3A_453 = arith.constant 5120 : i32
      %broadcast_in_dim3A_454 = vector.broadcast %jit3A_453 : i32 to vector<16xi32>
      %select_n3A_455 = arith.select %and3A_449, %sub3A_452, %broadcast_in_dim3A_454 : vector<16xi1>, vector<16xi32>
      %swap3A_456 = arith.constant 96 : index
      %swap3A_457 = tpu.vector_load %arg11[%swap3A_456] {strides = array<i32>} : memref<128xi32, #tpu.memory_space<vmem>>, vector<16xi32>,
      %swap3A_458 = vector.shape_cast %swap3A_457 : vector<16xi32> to vector<16xi32>
      %swap3A_459 = vector.shape_cast %select_n3A_455 : vector<16xi32> to vector<16xi32>
      tpu.vector_store %arg11[%swap3A_456], %swap3A_459 {strides = array<i32>} : memref<128xi32, #tpu.memory_space<vmem>>, vector<16xi32>,
      %get3A_460 = arith.constant 112 : index
      %get3A_461 = tpu.vector_load %arg9[%get3A_460] {strides = array<i32>} : memref<128xi32, #tpu.memory_space<vmem>>, vector<16xi32>,
      %get3A_462 = vector.shape_cast %get3A_461 : vector<16xi32> to vector<16xi32>
      %ge3A_463 = arith.constant 0 : i32
      %ge3A_464 = vector.broadcast %ge3A_463 : i32 to vector<16xi32>
      %ge3A_465 = arith.cmpi sge, %get3A_462, %ge3A_464 : vector<16xi32>
      %lt3A_466 = arith.constant 5120 : i32
      %lt3A_467 = vector.broadcast %lt3A_466 : i32 to vector<16xi32>
      %lt3A_468 = arith.cmpi slt, %get3A_462, %lt3A_467 : vector<16xi32>
      %and3A_469 = arith.andi %ge3A_465, %lt3A_468 : vector<16xi1>
      %sub3A_470 = arith.constant 0 : i32
      %sub3A_471 = vector.broadcast %sub3A_470 : i32 to vector<16xi32>
      %sub3A_472 = arith.subi %get3A_462, %sub3A_471 : vector<16xi32>
      %jit3A_473 = arith.constant 5120 : i32
      %broadcast_in_dim3A_474 = vector.broadcast %jit3A_473 : i32 to vector<16xi32>
      %select_n3A_475 = arith.select %and3A_469, %sub3A_472, %broadcast_in_dim3A_474 : vector<16xi1>, vector<16xi32>
      %swap3A_476 = arith.constant 112 : index
      %swap3A_477 = tpu.vector_load %arg11[%swap3A_476] {strides = array<i32>} : memref<128xi32, #tpu.memory_space<vmem>>, vector<16xi32>,
      %swap3A_478 = vector.shape_cast %swap3A_477 : vector<16xi32> to vector<16xi32>
      %swap3A_479 = vector.shape_cast %select_n3A_475 : vector<16xi32> to vector<16xi32>
      tpu.vector_store %arg11[%swap3A_476], %swap3A_479 {strides = array<i32>} : memref<128xi32, #tpu.memory_space<vmem>>, vector<16xi32>,
      %dma_start3A_480 = arith.constant 0 : i32
      %dma_start3A_481 = arith.constant 0 : i32
      %dma_start3A_482 = tpu.memref_slice %arg2[%dma_start3A_480, %dma_start3A_481] : memref<10000x128xf32, #tpu.memory_space<hbm>> -> memref<10000x128xf32, #tpu.memory_space<hbm>>
      tpu.enqueue_indirect_dma source(%dma_start3A_482 : memref<10000x128xf32, #tpu.memory_space<hbm>>) target(%arg13 : memref<128x128xf32, #tpu.memory_space<vmem>>) offsets(%arg7 : memref<128xi32, #tpu.memory_space<vmem>>) semaphore(%arg17 : memref<!tpu.dma_semaphore, #tpu.memory_space<semaphore_mem>>)
      %mul3A_483 = arith.constant 2 : i32
      %mul3A_484 = arith.muli %scan3A_123, %mul3A_483 : i32
      %add3A_485 = arith.constant 0 : i32
      %add3A_486 = arith.addi %mul3A_484, %add3A_485 : i32
      %dma_wait3A_487 = arith.constant 0 : i32
      %dma_wait3A_488 = arith.constant 0 : i32
      %dma_wait3A_489 = tpu.memref_slice %arg2[%dma_wait3A_487, %dma_wait3A_488] : memref<10000x128xf32, #tpu.memory_space<hbm>> -> memref<10000x128xf32, #tpu.memory_space<hbm>>
      tpu.wait_indirect_dma semaphore(%arg16 : memref<!tpu.dma_semaphore, #tpu.memory_space<semaphore_mem>>) src(%dma_wait3A_489 : memref<10000x128xf32, #tpu.memory_space<hbm>>) dst(%arg12 : memref<128x128xf32, #tpu.memory_space<vmem>>)
      %add3A_490 = arith.constant 2 : i32
      %add3A_491 = arith.addi %add3A_486, %add3A_490 : i32
      %lt3A_492 = arith.constant 160 : i32
      %lt3A_493 = arith.cmpi slt, %add3A_491, %lt3A_492 : i32
      %convert_element_type3A_494 = arith.extui %lt3A_493 : i1 to i32
      %cond3A_495 = arith.constant 0 : i32
      %cond3A_496 = arith.cmpi ne, %convert_element_type3A_494, %cond3A_495 : i32
      scf.if %cond3A_496 {
        %add3A_517 = arith.addi %mul3A_8, %add3A_486 : i32
        %add3A_518 = arith.constant 2 : i32
        %add3A_519 = arith.addi %add3A_517, %add3A_518 : i32
        %dma_start3A_520 = arith.constant 0 : i32
        %dma_start3A_521 = tpu.memref_slice %arg3[%add3A_519, %dma_start3A_520] : memref<2560x128xi32, #tpu.memory_space<hbm>> -> memref<1x128xi32, #tpu.memory_space<hbm>>
        %dma_start3A_522 = tpu.memref_squeeze %dma_start3A_521 : memref<1x128xi32, #tpu.memory_space<hbm>> -> memref<128xi32, #tpu.memory_space<hbm>>
        %dma_start3A_523 = arith.constant 0 : i32
        %dma_start3A_524 = tpu.memref_slice %arg3[%add3A_519, %dma_start3A_523] : memref<2560x128xi32, #tpu.memory_space<hbm>> -> memref<1x128xi32, #tpu.memory_space<hbm>>
        %dma_start3A_525 = tpu.memref_squeeze %dma_start3A_524 : memref<1x128xi32, #tpu.memory_space<hbm>> -> memref<128xi32, #tpu.memory_space<hbm>>
        tpu.enqueue_dma source(%dma_start3A_525 : memref<128xi32, #tpu.memory_space<hbm>>) target(%arg6 : memref<128xi32, #tpu.memory_space<vmem>>) target_semaphore(%arg14 : memref<!tpu.dma_semaphore, #tpu.memory_space<semaphore_mem>>)
        %dma_start3A_526 = arith.constant 0 : i32
        %dma_start3A_527 = tpu.memref_slice %arg4[%add3A_519, %dma_start3A_526] : memref<2560x128xi32, #tpu.memory_space<hbm>> -> memref<1x128xi32, #tpu.memory_space<hbm>>
        %dma_start3A_528 = tpu.memref_squeeze %dma_start3A_527 : memref<1x128xi32, #tpu.memory_space<hbm>> -> memref<128xi32, #tpu.memory_space<hbm>>
        %dma_start3A_529 = arith.constant 0 : i32
        %dma_start3A_530 = tpu.memref_slice %arg4[%add3A_519, %dma_start3A_529] : memref<2560x128xi32, #tpu.memory_space<hbm>> -> memref<1x128xi32, #tpu.memory_space<hbm>>
        %dma_start3A_531 = tpu.memref_squeeze %dma_start3A_530 : memref<1x128xi32, #tpu.memory_space<hbm>> -> memref<128xi32, #tpu.memory_space<hbm>>
        tpu.enqueue_dma source(%dma_start3A_531 : memref<128xi32, #tpu.memory_space<hbm>>) target(%arg8 : memref<128xi32, #tpu.memory_space<vmem>>) target_semaphore(%arg14 : memref<!tpu.dma_semaphore, #tpu.memory_space<semaphore_mem>>)
      } else {
      }
      %dma_start3A_497 = arith.constant 0 : i32
      %dma_start3A_498 = arith.constant 0 : i32
      %dma_start3A_499 = tpu.memref_slice %arg21[%dma_start3A_497, %dma_start3A_498] : memref<5248x128xf32, #tpu.memory_space<vmem_shared>> -> memref<5248x128xf32, #tpu.memory_space<vmem_shared>>
      tpu.enqueue_indirect_dma source(%arg12 : memref<128x128xf32, #tpu.memory_space<vmem>>) target(%dma_start3A_499 : memref<5248x128xf32, #tpu.memory_space<vmem_shared>>) offsets(%arg10 : memref<128xi32, #tpu.memory_space<vmem>>) semaphore(%arg18 : memref<!tpu.dma_semaphore, #tpu.memory_space<semaphore_mem>>) {add = true}
      %mul3A_500 = arith.constant 2 : i32
      %mul3A_501 = arith.muli %scan3A_123, %mul3A_500 : i32
      %add3A_502 = arith.constant 1 : i32
      %add3A_503 = arith.addi %mul3A_501, %add3A_502 : i32
      %dma_wait3A_504 = arith.constant 0 : i32
      %dma_wait3A_505 = arith.constant 0 : i32
      %dma_wait3A_506 = tpu.memref_slice %arg2[%dma_wait3A_504, %dma_wait3A_505] : memref<10000x128xf32, #tpu.memory_space<hbm>> -> memref<10000x128xf32, #tpu.memory_space<hbm>>
      tpu.wait_indirect_dma semaphore(%arg17 : memref<!tpu.dma_semaphore, #tpu.memory_space<semaphore_mem>>) src(%dma_wait3A_506 : memref<10000x128xf32, #tpu.memory_space<hbm>>) dst(%arg13 : memref<128x128xf32, #tpu.memory_space<vmem>>)
      %add3A_507 = arith.constant 2 : i32
      %add3A_508 = arith.addi %add3A_503, %add3A_507 : i32
      %lt3A_509 = arith.constant 160 : i32
      %lt3A_510 = arith.cmpi slt, %add3A_508, %lt3A_509 : i32
      %convert_element_type3A_511 = arith.extui %lt3A_510 : i1 to i32
      %cond3A_512 = arith.constant 0 : i32
      %cond3A_513 = arith.cmpi ne, %convert_element_type3A_511, %cond3A_512 : i32
      scf.if %cond3A_513 {
        %add3A_517 = arith.addi %mul3A_8, %add3A_503 : i32
        %add3A_518 = arith.constant 2 : i32
        %add3A_519 = arith.addi %add3A_517, %add3A_518 : i32
        %dma_start3A_520 = arith.constant 0 : i32
        %dma_start3A_521 = tpu.memref_slice %arg3[%add3A_519, %dma_start3A_520] : memref<2560x128xi32, #tpu.memory_space<hbm>> -> memref<1x128xi32, #tpu.memory_space<hbm>>
        %dma_start3A_522 = tpu.memref_squeeze %dma_start3A_521 : memref<1x128xi32, #tpu.memory_space<hbm>> -> memref<128xi32, #tpu.memory_space<hbm>>
        %dma_start3A_523 = arith.constant 0 : i32
        %dma_start3A_524 = tpu.memref_slice %arg3[%add3A_519, %dma_start3A_523] : memref<2560x128xi32, #tpu.memory_space<hbm>> -> memref<1x128xi32, #tpu.memory_space<hbm>>
        %dma_start3A_525 = tpu.memref_squeeze %dma_start3A_524 : memref<1x128xi32, #tpu.memory_space<hbm>> -> memref<128xi32, #tpu.memory_space<hbm>>
        tpu.enqueue_dma source(%dma_start3A_525 : memref<128xi32, #tpu.memory_space<hbm>>) target(%arg7 : memref<128xi32, #tpu.memory_space<vmem>>) target_semaphore(%arg15 : memref<!tpu.dma_semaphore, #tpu.memory_space<semaphore_mem>>)
        %dma_start3A_526 = arith.constant 0 : i32
        %dma_start3A_527 = tpu.memref_slice %arg4[%add3A_519, %dma_start3A_526] : memref<2560x128xi32, #tpu.memory_space<hbm>> -> memref<1x128xi32, #tpu.memory_space<hbm>>
        %dma_start3A_528 = tpu.memref_squeeze %dma_start3A_527 : memref<1x128xi32, #tpu.memory_space<hbm>> -> memref<128xi32, #tpu.memory_space<hbm>>
        %dma_start3A_529 = arith.constant 0 : i32
        %dma_start3A_530 = tpu.memref_slice %arg4[%add3A_519, %dma_start3A_529] : memref<2560x128xi32, #tpu.memory_space<hbm>> -> memref<1x128xi32, #tpu.memory_space<hbm>>
        %dma_start3A_531 = tpu.memref_squeeze %dma_start3A_530 : memref<1x128xi32, #tpu.memory_space<hbm>> -> memref<128xi32, #tpu.memory_space<hbm>>
        tpu.enqueue_dma source(%dma_start3A_531 : memref<128xi32, #tpu.memory_space<hbm>>) target(%arg9 : memref<128xi32, #tpu.memory_space<vmem>>) target_semaphore(%arg15 : memref<!tpu.dma_semaphore, #tpu.memory_space<semaphore_mem>>)
      } else {
      }
      %dma_start3A_514 = arith.constant 0 : i32
      %dma_start3A_515 = arith.constant 0 : i32
      %dma_start3A_516 = tpu.memref_slice %arg21[%dma_start3A_514, %dma_start3A_515] : memref<5248x128xf32, #tpu.memory_space<vmem_shared>> -> memref<5248x128xf32, #tpu.memory_space<vmem_shared>>
      tpu.enqueue_indirect_dma source(%arg13 : memref<128x128xf32, #tpu.memory_space<vmem>>) target(%dma_start3A_516 : memref<5248x128xf32, #tpu.memory_space<vmem_shared>>) offsets(%arg11 : memref<128xi32, #tpu.memory_space<vmem>>) semaphore(%arg19 : memref<!tpu.dma_semaphore, #tpu.memory_space<semaphore_mem>>) {add = true}
    }
    %scan3A_40 = arith.constant 80 : i32
    %dma_wait3A = arith.constant 0 : i32
    %dma_wait3A_41 = arith.constant 0 : i32
    %dma_wait3A_42 = tpu.memref_slice %arg21[%dma_wait3A, %dma_wait3A_41] : memref<5248x128xf32, #tpu.memory_space<vmem_shared>> -> memref<5248x128xf32, #tpu.memory_space<vmem_shared>>
    tpu.wait_indirect_dma semaphore(%arg18 : memref<!tpu.dma_semaphore, #tpu.memory_space<semaphore_mem>>) src(%arg12 : memref<128x128xf32, #tpu.memory_space<vmem>>) dst(%dma_wait3A_42 : memref<5248x128xf32, #tpu.memory_space<vmem_shared>>)
    %dma_wait3A_43 = arith.constant 0 : i32
    %dma_wait3A_44 = arith.constant 0 : i32
    %dma_wait3A_45 = tpu.memref_slice %arg21[%dma_wait3A_43, %dma_wait3A_44] : memref<5248x128xf32, #tpu.memory_space<vmem_shared>> -> memref<5248x128xf32, #tpu.memory_space<vmem_shared>>
    tpu.wait_indirect_dma semaphore(%arg19 : memref<!tpu.dma_semaphore, #tpu.memory_space<semaphore_mem>>) src(%arg13 : memref<128x128xf32, #tpu.memory_space<vmem>>) dst(%dma_wait3A_45 : memref<5248x128xf32, #tpu.memory_space<vmem_shared>>)
    %barrier3A_46 = arith.constant 0 : index
    tpu.barrier barrier_id(%barrier3A_46)
    %mul3A_47 = arith.constant 320 : i32
    %mul3A_48 = arith.muli %arg1, %mul3A_47 : i32
    "tpu.region"() ({
      %run_scoped3A = tpu.sem_alloc : memref<!tpu.dma_semaphore, #tpu.memory_space<semaphore_mem>>
      %dma_start3A_123 = arith.constant 0 : i32
      %dma_start3A_124 = arith.constant 0 : i32
      %dma_start3A_125 = tpu.memref_slice %arg20[%dma_start3A_123, %dma_start3A_124] : memref<328x128xf32, #tpu.memory_space<vmem>> -> memref<320x128xf32, #tpu.memory_space<vmem>>
      %dma_start3A_126 = arith.constant 0 : i32
      %dma_start3A_127 = tpu.memref_slice %arg21[%mul3A_48, %dma_start3A_126] : memref<5248x128xf32, #tpu.memory_space<vmem_shared>> -> memref<320x128xf32, #tpu.memory_space<vmem_shared>>
      %dma_start3A_128 = arith.constant 0 : i32
      %dma_start3A_129 = arith.constant 0 : i32
      %dma_start3A_130 = tpu.memref_slice %arg20[%dma_start3A_128, %dma_start3A_129] : memref<328x128xf32, #tpu.memory_space<vmem>> -> memref<320x128xf32, #tpu.memory_space<vmem>>
      %dma_start3A_131 = arith.constant 0 : i32
      %dma_start3A_132 = tpu.memref_slice %arg21[%mul3A_48, %dma_start3A_131] : memref<5248x128xf32, #tpu.memory_space<vmem_shared>> -> memref<320x128xf32, #tpu.memory_space<vmem_shared>>
      tpu.enqueue_dma source(%dma_start3A_132 : memref<320x128xf32, #tpu.memory_space<vmem_shared>>) target(%dma_start3A_130 : memref<320x128xf32, #tpu.memory_space<vmem>>) target_semaphore(%run_scoped3A : memref<!tpu.dma_semaphore, #tpu.memory_space<semaphore_mem>>)
      %dma_wait3A_133 = arith.constant 0 : i32
      %dma_wait3A_134 = arith.constant 0 : i32
      %dma_wait3A_135 = tpu.memref_slice %arg20[%dma_wait3A_133, %dma_wait3A_134] : memref<328x128xf32, #tpu.memory_space<vmem>> -> memref<320x128xf32, #tpu.memory_space<vmem>>
      %dma_wait3A_136 = arith.constant 0 : i32
      %dma_wait3A_137 = tpu.memref_slice %arg21[%mul3A_48, %dma_wait3A_136] : memref<5248x128xf32, #tpu.memory_space<vmem_shared>> -> memref<320x128xf32, #tpu.memory_space<vmem_shared>>
      %dma_wait3A_138 = arith.constant 0 : i32
      %dma_wait3A_139 = arith.constant 0 : i32
      %dma_wait3A_140 = tpu.memref_slice %arg20[%dma_wait3A_138, %dma_wait3A_139] : memref<328x128xf32, #tpu.memory_space<vmem>> -> memref<320x128xf32, #tpu.memory_space<vmem>>
      %dma_wait3A_141 = arith.constant 0 : i32
      %dma_wait3A_142 = tpu.memref_slice %arg21[%mul3A_48, %dma_wait3A_141] : memref<5248x128xf32, #tpu.memory_space<vmem_shared>> -> memref<320x128xf32, #tpu.memory_space<vmem_shared>>
      tpu.wait_dma2 semaphore(%run_scoped3A : memref<!tpu.dma_semaphore, #tpu.memory_space<semaphore_mem>>) src(%dma_wait3A_142 : memref<320x128xf32, #tpu.memory_space<vmem_shared>>) dst(%dma_wait3A_140 : memref<320x128xf32, #tpu.memory_space<vmem>>)
      tpu.yield
    }) : () -> ()
    %mul3A_49 = arith.constant 320 : i32
    %mul3A_50 = arith.muli %arg1, %mul3A_49 : i32
    %add3A_51 = arith.constant 0 : i32
    %add3A_52 = arith.addi %add3A_51, %mul3A_50 : i32
    "tpu.region"() ({
      %run_scoped3A = tpu.sem_alloc : memref<!tpu.dma_semaphore, #tpu.memory_space<semaphore_mem>>
      %dma_start3A_123 = arith.constant 0 : i32
      %dma_start3A_124 = arith.constant 0 : i32
      %dma_start3A_125 = tpu.memref_slice %arg20[%dma_start3A_123, %dma_start3A_124] : memref<328x128xf32, #tpu.memory_space<vmem>> -> memref<320x128xf32, #tpu.memory_space<vmem>>
      %dma_start3A_126 = arith.constant 0 : i32
      %dma_start3A_127 = tpu.memref_slice %arg5[%add3A_52, %dma_start3A_126] : memref<10240x128xf32, #tpu.memory_space<hbm>> -> memref<320x128xf32, #tpu.memory_space<hbm>>
      %dma_start3A_128 = arith.constant 0 : i32
      %dma_start3A_129 = tpu.memref_slice %arg5[%add3A_52, %dma_start3A_128] : memref<10240x128xf32, #tpu.memory_space<hbm>> -> memref<320x128xf32, #tpu.memory_space<hbm>>
      %dma_start3A_130 = arith.constant 0 : i32
      %dma_start3A_131 = arith.constant 0 : i32
      %dma_start3A_132 = tpu.memref_slice %arg20[%dma_start3A_130, %dma_start3A_131] : memref<328x128xf32, #tpu.memory_space<vmem>> -> memref<320x128xf32, #tpu.memory_space<vmem>>
      tpu.enqueue_dma source(%dma_start3A_132 : memref<320x128xf32, #tpu.memory_space<vmem>>) target(%dma_start3A_129 : memref<320x128xf32, #tpu.memory_space<hbm>>) target_semaphore(%run_scoped3A : memref<!tpu.dma_semaphore, #tpu.memory_space<semaphore_mem>>)
      %dma_wait3A_133 = arith.constant 0 : i32
      %dma_wait3A_134 = arith.constant 0 : i32
      %dma_wait3A_135 = tpu.memref_slice %arg20[%dma_wait3A_133, %dma_wait3A_134] : memref<328x128xf32, #tpu.memory_space<vmem>> -> memref<320x128xf32, #tpu.memory_space<vmem>>
      %dma_wait3A_136 = arith.constant 0 : i32
      %dma_wait3A_137 = tpu.memref_slice %arg5[%add3A_52, %dma_wait3A_136] : memref<10240x128xf32, #tpu.memory_space<hbm>> -> memref<320x128xf32, #tpu.memory_space<hbm>>
      %dma_wait3A_138 = arith.constant 0 : i32
      %dma_wait3A_139 = tpu.memref_slice %arg5[%add3A_52, %dma_wait3A_138] : memref<10240x128xf32, #tpu.memory_space<hbm>> -> memref<320x128xf32, #tpu.memory_space<hbm>>
      %dma_wait3A_140 = arith.constant 0 : i32
      %dma_wait3A_141 = arith.constant 0 : i32
      %dma_wait3A_142 = tpu.memref_slice %arg20[%dma_wait3A_140, %dma_wait3A_141] : memref<328x128xf32, #tpu.memory_space<vmem>> -> memref<320x128xf32, #tpu.memory_space<vmem>>
      tpu.wait_dma2 semaphore(%run_scoped3A : memref<!tpu.dma_semaphore, #tpu.memory_space<semaphore_mem>>) src(%dma_wait3A_142 : memref<320x128xf32, #tpu.memory_space<vmem>>) dst(%dma_wait3A_139 : memref<320x128xf32, #tpu.memory_space<hbm>>)
      tpu.yield
    }) : () -> ()
    %barrier3A_53 = arith.constant 0 : index
    tpu.barrier barrier_id(%barrier3A_53)
    %broadcast_in_dim3A_54 = arith.constant 0.000000e+00 : f32
    %broadcast_in_dim3A_55 = vector.broadcast %broadcast_in_dim3A_54 : f32 to vector<16xf32>
    %scan3A_56 = arith.constant 0 : i32
    %scan3A_57 = arith.constant 0 : i32
    %scan3A_58 = arith.constant 328 : i32
    %scan3A_59 = arith.addi %scan3A_57, %scan3A_58 : i32
    %scan3A_60 = arith.constant 1 : i32
    scf.for %scan3A_123 = %scan3A_57 to %scan3A_59 step %scan3A_60  : i32 {
      %swap3A = arith.index_cast %scan3A_123 : i32 to index
      %swap3A_124 = arith.constant 0 : index
      %swap3A_125 = tpu.vector_load %arg20[%swap3A, %swap3A_124] {strides = array<i32>} : memref<328x128xf32, #tpu.memory_space<vmem>>, vector<1x16xf32>,
      %swap3A_126 = vector.shape_cast %swap3A_125 : vector<1x16xf32> to vector<16xf32>
      %swap3A_127 = vector.shape_cast %broadcast_in_dim3A_55 : vector<16xf32> to vector<1x16xf32>
      tpu.vector_store %arg20[%swap3A, %swap3A_124], %swap3A_127 {strides = array<i32>} : memref<328x128xf32, #tpu.memory_space<vmem>>, vector<1x16xf32>,
      %swap3A_128 = arith.index_cast %scan3A_123 : i32 to index
      %swap3A_129 = arith.constant 16 : index
      %swap3A_130 = tpu.vector_load %arg20[%swap3A_128, %swap3A_129] {strides = array<i32>} : memref<328x128xf32, #tpu.memory_space<vmem>>, vector<1x16xf32>,
      %swap3A_131 = vector.shape_cast %swap3A_130 : vector<1x16xf32> to vector<16xf32>
      %swap3A_132 = vector.shape_cast %broadcast_in_dim3A_55 : vector<16xf32> to vector<1x16xf32>
      tpu.vector_store %arg20[%swap3A_128, %swap3A_129], %swap3A_132 {strides = array<i32>} : memref<328x128xf32, #tpu.memory_space<vmem>>, vector<1x16xf32>,
      %swap3A_133 = arith.index_cast %scan3A_123 : i32 to index
      %swap3A_134 = arith.constant 32 : index
      %swap3A_135 = tpu.vector_load %arg20[%swap3A_133, %swap3A_134] {strides = array<i32>} : memref<328x128xf32, #tpu.memory_space<vmem>>, vector<1x16xf32>,
      %swap3A_136 = vector.shape_cast %swap3A_135 : vector<1x16xf32> to vector<16xf32>
      %swap3A_137 = vector.shape_cast %broadcast_in_dim3A_55 : vector<16xf32> to vector<1x16xf32>
      tpu.vector_store %arg20[%swap3A_133, %swap3A_134], %swap3A_137 {strides = array<i32>} : memref<328x128xf32, #tpu.memory_space<vmem>>, vector<1x16xf32>,
      %swap3A_138 = arith.index_cast %scan3A_123 : i32 to index
      %swap3A_139 = arith.constant 48 : index
      %swap3A_140 = tpu.vector_load %arg20[%swap3A_138, %swap3A_139] {strides = array<i32>} : memref<328x128xf32, #tpu.memory_space<vmem>>, vector<1x16xf32>,
      %swap3A_141 = vector.shape_cast %swap3A_140 : vector<1x16xf32> to vector<16xf32>
      %swap3A_142 = vector.shape_cast %broadcast_in_dim3A_55 : vector<16xf32> to vector<1x16xf32>
      tpu.vector_store %arg20[%swap3A_138, %swap3A_139], %swap3A_142 {strides = array<i32>} : memref<328x128xf32, #tpu.memory_space<vmem>>, vector<1x16xf32>,
      %swap3A_143 = arith.index_cast %scan3A_123 : i32 to index
      %swap3A_144 = arith.constant 64 : index
      %swap3A_145 = tpu.vector_load %arg20[%swap3A_143, %swap3A_144] {strides = array<i32>} : memref<328x128xf32, #tpu.memory_space<vmem>>, vector<1x16xf32>,
      %swap3A_146 = vector.shape_cast %swap3A_145 : vector<1x16xf32> to vector<16xf32>
      %swap3A_147 = vector.shape_cast %broadcast_in_dim3A_55 : vector<16xf32> to vector<1x16xf32>
      tpu.vector_store %arg20[%swap3A_143, %swap3A_144], %swap3A_147 {strides = array<i32>} : memref<328x128xf32, #tpu.memory_space<vmem>>, vector<1x16xf32>,
      %swap3A_148 = arith.index_cast %scan3A_123 : i32 to index
      %swap3A_149 = arith.constant 80 : index
      %swap3A_150 = tpu.vector_load %arg20[%swap3A_148, %swap3A_149] {strides = array<i32>} : memref<328x128xf32, #tpu.memory_space<vmem>>, vector<1x16xf32>,
      %swap3A_151 = vector.shape_cast %swap3A_150 : vector<1x16xf32> to vector<16xf32>
      %swap3A_152 = vector.shape_cast %broadcast_in_dim3A_55 : vector<16xf32> to vector<1x16xf32>
      tpu.vector_store %arg20[%swap3A_148, %swap3A_149], %swap3A_152 {strides = array<i32>} : memref<328x128xf32, #tpu.memory_space<vmem>>, vector<1x16xf32>,
      %swap3A_153 = arith.index_cast %scan3A_123 : i32 to index
      %swap3A_154 = arith.constant 96 : index
      %swap3A_155 = tpu.vector_load %arg20[%swap3A_153, %swap3A_154] {strides = array<i32>} : memref<328x128xf32, #tpu.memory_space<vmem>>, vector<1x16xf32>,
      %swap3A_156 = vector.shape_cast %swap3A_155 : vector<1x16xf32> to vector<16xf32>
      %swap3A_157 = vector.shape_cast %broadcast_in_dim3A_55 : vector<16xf32> to vector<1x16xf32>
      tpu.vector_store %arg20[%swap3A_153, %swap3A_154], %swap3A_157 {strides = array<i32>} : memref<328x128xf32, #tpu.memory_space<vmem>>, vector<1x16xf32>,
      %swap3A_158 = arith.index_cast %scan3A_123 : i32 to index
      %swap3A_159 = arith.constant 112 : index
      %swap3A_160 = tpu.vector_load %arg20[%swap3A_158, %swap3A_159] {strides = array<i32>} : memref<328x128xf32, #tpu.memory_space<vmem>>, vector<1x16xf32>,
      %swap3A_161 = vector.shape_cast %swap3A_160 : vector<1x16xf32> to vector<16xf32>
      %swap3A_162 = vector.shape_cast %broadcast_in_dim3A_55 : vector<16xf32> to vector<1x16xf32>
      tpu.vector_store %arg20[%swap3A_158, %swap3A_159], %swap3A_162 {strides = array<i32>} : memref<328x128xf32, #tpu.memory_space<vmem>>, vector<1x16xf32>,
    }
    %scan3A_61 = arith.constant 328 : i32
    %mul3A_62 = arith.constant 328 : i32
    %mul3A_63 = arith.muli %arg1, %mul3A_62 : i32
    "tpu.region"() ({
      %run_scoped3A = tpu.sem_alloc : memref<!tpu.dma_semaphore, #tpu.memory_space<semaphore_mem>>
      %dma_start3A_123 = arith.constant 0 : i32
      %dma_start3A_124 = arith.constant 0 : i32
      %dma_start3A_125 = tpu.memref_slice %arg20[%dma_start3A_123, %dma_start3A_124] : memref<328x128xf32, #tpu.memory_space<vmem>> -> memref<328x128xf32, #tpu.memory_space<vmem>>
      %dma_start3A_126 = arith.constant 0 : i32
      %dma_start3A_127 = tpu.memref_slice %arg21[%mul3A_63, %dma_start3A_126] : memref<5248x128xf32, #tpu.memory_space<vmem_shared>> -> memref<328x128xf32, #tpu.memory_space<vmem_shared>>
      %dma_start3A_128 = arith.constant 0 : i32
      %dma_start3A_129 = tpu.memref_slice %arg21[%mul3A_63, %dma_start3A_128] : memref<5248x128xf32, #tpu.memory_space<vmem_shared>> -> memref<328x128xf32, #tpu.memory_space<vmem_shared>>
      %dma_start3A_130 = arith.constant 0 : i32
      %dma_start3A_131 = arith.constant 0 : i32
      %dma_start3A_132 = tpu.memref_slice %arg20[%dma_start3A_130, %dma_start3A_131] : memref<328x128xf32, #tpu.memory_space<vmem>> -> memref<328x128xf32, #tpu.memory_space<vmem>>
      tpu.enqueue_dma source(%dma_start3A_132 : memref<328x128xf32, #tpu.memory_space<vmem>>) target(%dma_start3A_129 : memref<328x128xf32, #tpu.memory_space<vmem_shared>>) target_semaphore(%run_scoped3A : memref<!tpu.dma_semaphore, #tpu.memory_space<semaphore_mem>>)
      %dma_wait3A_133 = arith.constant 0 : i32
      %dma_wait3A_134 = arith.constant 0 : i32
      %dma_wait3A_135 = tpu.memref_slice %arg20[%dma_wait3A_133, %dma_wait3A_134] : memref<328x128xf32, #tpu.memory_space<vmem>> -> memref<328x128xf32, #tpu.memory_space<vmem>>
      %dma_wait3A_136 = arith.constant 0 : i32
      %dma_wait3A_137 = tpu.memref_slice %arg21[%mul3A_63, %dma_wait3A_136] : memref<5248x128xf32, #tpu.memory_space<vmem_shared>> -> memref<328x128xf32, #tpu.memory_space<vmem_shared>>
      %dma_wait3A_138 = arith.constant 0 : i32
      %dma_wait3A_139 = tpu.memref_slice %arg21[%mul3A_63, %dma_wait3A_138] : memref<5248x128xf32, #tpu.memory_space<vmem_shared>> -> memref<328x128xf32, #tpu.memory_space<vmem_shared>>
      %dma_wait3A_140 = arith.constant 0 : i32
      %dma_wait3A_141 = arith.constant 0 : i32
      %dma_wait3A_142 = tpu.memref_slice %arg20[%dma_wait3A_140, %dma_wait3A_141] : memref<328x128xf32, #tpu.memory_space<vmem>> -> memref<328x128xf32, #tpu.memory_space<vmem>>
      tpu.wait_dma2 semaphore(%run_scoped3A : memref<!tpu.dma_semaphore, #tpu.memory_space<semaphore_mem>>) src(%dma_wait3A_142 : memref<328x128xf32, #tpu.memory_space<vmem>>) dst(%dma_wait3A_139 : memref<328x128xf32, #tpu.memory_space<vmem_shared>>)
      tpu.yield
    }) : () -> ()
    %barrier3A_64 = arith.constant 0 : index
    tpu.barrier barrier_id(%barrier3A_64)
    %mul3A_65 = arith.constant 160 : i32
    %mul3A_66 = arith.muli %arg1, %mul3A_65 : i32
    %add3A_67 = arith.constant 0 : i32
    %add3A_68 = arith.addi %mul3A_66, %add3A_67 : i32
    %dma_start3A_69 = arith.constant 0 : i32
    %dma_start3A_70 = tpu.memref_slice %arg3[%add3A_68, %dma_start3A_69] : memref<2560x128xi32, #tpu.memory_space<hbm>> -> memref<1x128xi32, #tpu.memory_space<hbm>>
    %dma_start3A_71 = tpu.memref_squeeze %dma_start3A_70 : memref<1x128xi32, #tpu.memory_space<hbm>> -> memref<128xi32, #tpu.memory_space<hbm>>
    %dma_start3A_72 = arith.constant 0 : i32
    %dma_start3A_73 = tpu.memref_slice %arg3[%add3A_68, %dma_start3A_72] : memref<2560x128xi32, #tpu.memory_space<hbm>> -> memref<1x128xi32, #tpu.memory_space<hbm>>
    %dma_start3A_74 = tpu.memref_squeeze %dma_start3A_73 : memref<1x128xi32, #tpu.memory_space<hbm>> -> memref<128xi32, #tpu.memory_space<hbm>>
    tpu.enqueue_dma source(%dma_start3A_74 : memref<128xi32, #tpu.memory_space<hbm>>) target(%arg6 : memref<128xi32, #tpu.memory_space<vmem>>) target_semaphore(%arg14 : memref<!tpu.dma_semaphore, #tpu.memory_space<semaphore_mem>>)
    %dma_start3A_75 = arith.constant 0 : i32
    %dma_start3A_76 = tpu.memref_slice %arg4[%add3A_68, %dma_start3A_75] : memref<2560x128xi32, #tpu.memory_space<hbm>> -> memref<1x128xi32, #tpu.memory_space<hbm>>
    %dma_start3A_77 = tpu.memref_squeeze %dma_start3A_76 : memref<1x128xi32, #tpu.memory_space<hbm>> -> memref<128xi32, #tpu.memory_space<hbm>>
    %dma_start3A_78 = arith.constant 0 : i32
    %dma_start3A_79 = tpu.memref_slice %arg4[%add3A_68, %dma_start3A_78] : memref<2560x128xi32, #tpu.memory_space<hbm>> -> memref<1x128xi32, #tpu.memory_space<hbm>>
    %dma_start3A_80 = tpu.memref_squeeze %dma_start3A_79 : memref<1x128xi32, #tpu.memory_space<hbm>> -> memref<128xi32, #tpu.memory_space<hbm>>
    tpu.enqueue_dma source(%dma_start3A_80 : memref<128xi32, #tpu.memory_space<hbm>>) target(%arg8 : memref<128xi32, #tpu.memory_space<vmem>>) target_semaphore(%arg14 : memref<!tpu.dma_semaphore, #tpu.memory_space<semaphore_mem>>)
    %add3A_81 = arith.constant 1 : i32
    %add3A_82 = arith.addi %mul3A_66, %add3A_81 : i32
    %dma_start3A_83 = arith.constant 0 : i32
    %dma_start3A_84 = tpu.memref_slice %arg3[%add3A_82, %dma_start3A_83] : memref<2560x128xi32, #tpu.memory_space<hbm>> -> memref<1x128xi32, #tpu.memory_space<hbm>>
    %dma_start3A_85 = tpu.memref_squeeze %dma_start3A_84 : memref<1x128xi32, #tpu.memory_space<hbm>> -> memref<128xi32, #tpu.memory_space<hbm>>
    %dma_start3A_86 = arith.constant 0 : i32
    %dma_start3A_87 = tpu.memref_slice %arg3[%add3A_82, %dma_start3A_86] : memref<2560x128xi32, #tpu.memory_space<hbm>> -> memref<1x128xi32, #tpu.memory_space<hbm>>
    %dma_start3A_88 = tpu.memref_squeeze %dma_start3A_87 : memref<1x128xi32, #tpu.memory_space<hbm>> -> memref<128xi32, #tpu.memory_space<hbm>>
    tpu.enqueue_dma source(%dma_start3A_88 : memref<128xi32, #tpu.memory_space<hbm>>) target(%arg7 : memref<128xi32, #tpu.memory_space<vmem>>) target_semaphore(%arg15 : memref<!tpu.dma_semaphore, #tpu.memory_space<semaphore_mem>>)
    %dma_start3A_89 = arith.constant 0 : i32
    %dma_start3A_90 = tpu.memref_slice %arg4[%add3A_82, %dma_start3A_89] : memref<2560x128xi32, #tpu.memory_space<hbm>> -> memref<1x128xi32, #tpu.memory_space<hbm>>
    %dma_start3A_91 = tpu.memref_squeeze %dma_start3A_90 : memref<1x128xi32, #tpu.memory_space<hbm>> -> memref<128xi32, #tpu.memory_space<hbm>>
    %dma_start3A_92 = arith.constant 0 : i32
    %dma_start3A_93 = tpu.memref_slice %arg4[%add3A_82, %dma_start3A_92] : memref<2560x128xi32, #tpu.memory_space<hbm>> -> memref<1x128xi32, #tpu.memory_space<hbm>>
    %dma_start3A_94 = tpu.memref_squeeze %dma_start3A_93 : memref<1x128xi32, #tpu.memory_space<hbm>> -> memref<128xi32, #tpu.memory_space<hbm>>
    tpu.enqueue_dma source(%dma_start3A_94 : memref<128xi32, #tpu.memory_space<hbm>>) target(%arg9 : memref<128xi32, #tpu.memory_space<vmem>>) target_semaphore(%arg15 : memref<!tpu.dma_semaphore, #tpu.memory_space<semaphore_mem>>)
    %scan3A_95 = arith.constant 0 : i32
    %scan3A_96 = arith.constant 0 : i32
    %scan3A_97 = arith.constant 80 : i32
    %scan3A_98 = arith.addi %scan3A_96, %scan3A_97 : i32
    %scan3A_99 = arith.constant 1 : i32
    scf.for %scan3A_123 = %scan3A_96 to %scan3A_98 step %scan3A_99  : i32 {
      %mul3A_124 = arith.constant 2 : i32
      %mul3A_125 = arith.muli %scan3A_123, %mul3A_124 : i32
      %add3A_126 = arith.constant 0 : i32
      %add3A_127 = arith.addi %mul3A_125, %add3A_126 : i32
      %gt3A = arith.constant 0 : i32
      %gt3A_128 = arith.cmpi sgt, %scan3A_123, %gt3A : i32
      %convert_element_type3A = arith.extui %gt3A_128 : i1 to i32
      %cond3A = arith.constant 0 : i32
      %cond3A_129 = arith.cmpi ne, %convert_element_type3A, %cond3A : i32
      scf.if %cond3A_129 {
        %dma_wait3A_517 = arith.constant 0 : i32
        %dma_wait3A_518 = arith.constant 0 : i32
        %dma_wait3A_519 = tpu.memref_slice %arg21[%dma_wait3A_517, %dma_wait3A_518] : memref<5248x128xf32, #tpu.memory_space<vmem_shared>> -> memref<5248x128xf32, #tpu.memory_space<vmem_shared>>
        tpu.wait_indirect_dma semaphore(%arg18 : memref<!tpu.dma_semaphore, #tpu.memory_space<semaphore_mem>>) src(%arg12 : memref<128x128xf32, #tpu.memory_space<vmem>>) dst(%dma_wait3A_519 : memref<5248x128xf32, #tpu.memory_space<vmem_shared>>)
      } else {
      }
      %add3A_130 = arith.addi %mul3A_66, %add3A_127 : i32
      %dma_wait3A_131 = arith.constant 0 : i32
      %dma_wait3A_132 = tpu.memref_slice %arg3[%add3A_130, %dma_wait3A_131] : memref<2560x128xi32, #tpu.memory_space<hbm>> -> memref<1x128xi32, #tpu.memory_space<hbm>>
      %dma_wait3A_133 = tpu.memref_squeeze %dma_wait3A_132 : memref<1x128xi32, #tpu.memory_space<hbm>> -> memref<128xi32, #tpu.memory_space<hbm>>
      %dma_wait3A_134 = arith.constant 0 : i32
      %dma_wait3A_135 = tpu.memref_slice %arg3[%add3A_130, %dma_wait3A_134] : memref<2560x128xi32, #tpu.memory_space<hbm>> -> memref<1x128xi32, #tpu.memory_space<hbm>>
      %dma_wait3A_136 = tpu.memref_squeeze %dma_wait3A_135 : memref<1x128xi32, #tpu.memory_space<hbm>> -> memref<128xi32, #tpu.memory_space<hbm>>
      tpu.wait_dma2 semaphore(%arg14 : memref<!tpu.dma_semaphore, #tpu.memory_space<semaphore_mem>>) src(%dma_wait3A_136 : memref<128xi32, #tpu.memory_space<hbm>>) dst(%arg6 : memref<128xi32, #tpu.memory_space<vmem>>)
      %dma_wait3A_137 = arith.constant 0 : i32
      %dma_wait3A_138 = tpu.memref_slice %arg4[%add3A_130, %dma_wait3A_137] : memref<2560x128xi32, #tpu.memory_space<hbm>> -> memref<1x128xi32, #tpu.memory_space<hbm>>
      %dma_wait3A_139 = tpu.memref_squeeze %dma_wait3A_138 : memref<1x128xi32, #tpu.memory_space<hbm>> -> memref<128xi32, #tpu.memory_space<hbm>>
      %dma_wait3A_140 = arith.constant 0 : i32
      %dma_wait3A_141 = tpu.memref_slice %arg4[%add3A_130, %dma_wait3A_140] : memref<2560x128xi32, #tpu.memory_space<hbm>> -> memref<1x128xi32, #tpu.memory_space<hbm>>
      %dma_wait3A_142 = tpu.memref_squeeze %dma_wait3A_141 : memref<1x128xi32, #tpu.memory_space<hbm>> -> memref<128xi32, #tpu.memory_space<hbm>>
      tpu.wait_dma2 semaphore(%arg14 : memref<!tpu.dma_semaphore, #tpu.memory_space<semaphore_mem>>) src(%dma_wait3A_142 : memref<128xi32, #tpu.memory_space<hbm>>) dst(%arg8 : memref<128xi32, #tpu.memory_space<vmem>>)
      %get3A = arith.constant 0 : index
      %get3A_143 = tpu.vector_load %arg8[%get3A] {strides = array<i32>} : memref<128xi32, #tpu.memory_space<vmem>>, vector<16xi32>,
      %get3A_144 = vector.shape_cast %get3A_143 : vector<16xi32> to vector<16xi32>
      %ge3A = arith.constant 5120 : i32
      %ge3A_145 = vector.broadcast %ge3A : i32 to vector<16xi32>
      %ge3A_146 = arith.cmpi sge, %get3A_144, %ge3A_145 : vector<16xi32>
      %lt3A = arith.constant 10240 : i32
      %lt3A_147 = vector.broadcast %lt3A : i32 to vector<16xi32>
      %lt3A_148 = arith.cmpi slt, %get3A_144, %lt3A_147 : vector<16xi32>
      %and3A = arith.andi %ge3A_146, %lt3A_148 : vector<16xi1>
      %sub3A = arith.constant 5120 : i32
      %sub3A_149 = vector.broadcast %sub3A : i32 to vector<16xi32>
      %sub3A_150 = arith.subi %get3A_144, %sub3A_149 : vector<16xi32>
      %jit3A = arith.constant 5120 : i32
      %broadcast_in_dim3A_151 = vector.broadcast %jit3A : i32 to vector<16xi32>
      %select_n3A = arith.select %and3A, %sub3A_150, %broadcast_in_dim3A_151 : vector<16xi1>, vector<16xi32>
      %swap3A = arith.constant 0 : index
      %swap3A_152 = tpu.vector_load %arg10[%swap3A] {strides = array<i32>} : memref<128xi32, #tpu.memory_space<vmem>>, vector<16xi32>,
      %swap3A_153 = vector.shape_cast %swap3A_152 : vector<16xi32> to vector<16xi32>
      %swap3A_154 = vector.shape_cast %select_n3A : vector<16xi32> to vector<16xi32>
      tpu.vector_store %arg10[%swap3A], %swap3A_154 {strides = array<i32>} : memref<128xi32, #tpu.memory_space<vmem>>, vector<16xi32>,
      %get3A_155 = arith.constant 16 : index
      %get3A_156 = tpu.vector_load %arg8[%get3A_155] {strides = array<i32>} : memref<128xi32, #tpu.memory_space<vmem>>, vector<16xi32>,
      %get3A_157 = vector.shape_cast %get3A_156 : vector<16xi32> to vector<16xi32>
      %ge3A_158 = arith.constant 5120 : i32
      %ge3A_159 = vector.broadcast %ge3A_158 : i32 to vector<16xi32>
      %ge3A_160 = arith.cmpi sge, %get3A_157, %ge3A_159 : vector<16xi32>
      %lt3A_161 = arith.constant 10240 : i32
      %lt3A_162 = vector.broadcast %lt3A_161 : i32 to vector<16xi32>
      %lt3A_163 = arith.cmpi slt, %get3A_157, %lt3A_162 : vector<16xi32>
      %and3A_164 = arith.andi %ge3A_160, %lt3A_163 : vector<16xi1>
      %sub3A_165 = arith.constant 5120 : i32
      %sub3A_166 = vector.broadcast %sub3A_165 : i32 to vector<16xi32>
      %sub3A_167 = arith.subi %get3A_157, %sub3A_166 : vector<16xi32>
      %jit3A_168 = arith.constant 5120 : i32
      %broadcast_in_dim3A_169 = vector.broadcast %jit3A_168 : i32 to vector<16xi32>
      %select_n3A_170 = arith.select %and3A_164, %sub3A_167, %broadcast_in_dim3A_169 : vector<16xi1>, vector<16xi32>
      %swap3A_171 = arith.constant 16 : index
      %swap3A_172 = tpu.vector_load %arg10[%swap3A_171] {strides = array<i32>} : memref<128xi32, #tpu.memory_space<vmem>>, vector<16xi32>,
      %swap3A_173 = vector.shape_cast %swap3A_172 : vector<16xi32> to vector<16xi32>
      %swap3A_174 = vector.shape_cast %select_n3A_170 : vector<16xi32> to vector<16xi32>
      tpu.vector_store %arg10[%swap3A_171], %swap3A_174 {strides = array<i32>} : memref<128xi32, #tpu.memory_space<vmem>>, vector<16xi32>,
      %get3A_175 = arith.constant 32 : index
      %get3A_176 = tpu.vector_load %arg8[%get3A_175] {strides = array<i32>} : memref<128xi32, #tpu.memory_space<vmem>>, vector<16xi32>,
      %get3A_177 = vector.shape_cast %get3A_176 : vector<16xi32> to vector<16xi32>
      %ge3A_178 = arith.constant 5120 : i32
      %ge3A_179 = vector.broadcast %ge3A_178 : i32 to vector<16xi32>
      %ge3A_180 = arith.cmpi sge, %get3A_177, %ge3A_179 : vector<16xi32>
      %lt3A_181 = arith.constant 10240 : i32
      %lt3A_182 = vector.broadcast %lt3A_181 : i32 to vector<16xi32>
      %lt3A_183 = arith.cmpi slt, %get3A_177, %lt3A_182 : vector<16xi32>
      %and3A_184 = arith.andi %ge3A_180, %lt3A_183 : vector<16xi1>
      %sub3A_185 = arith.constant 5120 : i32
      %sub3A_186 = vector.broadcast %sub3A_185 : i32 to vector<16xi32>
      %sub3A_187 = arith.subi %get3A_177, %sub3A_186 : vector<16xi32>
      %jit3A_188 = arith.constant 5120 : i32
      %broadcast_in_dim3A_189 = vector.broadcast %jit3A_188 : i32 to vector<16xi32>
      %select_n3A_190 = arith.select %and3A_184, %sub3A_187, %broadcast_in_dim3A_189 : vector<16xi1>, vector<16xi32>
      %swap3A_191 = arith.constant 32 : index
      %swap3A_192 = tpu.vector_load %arg10[%swap3A_191] {strides = array<i32>} : memref<128xi32, #tpu.memory_space<vmem>>, vector<16xi32>,
      %swap3A_193 = vector.shape_cast %swap3A_192 : vector<16xi32> to vector<16xi32>
      %swap3A_194 = vector.shape_cast %select_n3A_190 : vector<16xi32> to vector<16xi32>
      tpu.vector_store %arg10[%swap3A_191], %swap3A_194 {strides = array<i32>} : memref<128xi32, #tpu.memory_space<vmem>>, vector<16xi32>,
      %get3A_195 = arith.constant 48 : index
      %get3A_196 = tpu.vector_load %arg8[%get3A_195] {strides = array<i32>} : memref<128xi32, #tpu.memory_space<vmem>>, vector<16xi32>,
      %get3A_197 = vector.shape_cast %get3A_196 : vector<16xi32> to vector<16xi32>
      %ge3A_198 = arith.constant 5120 : i32
      %ge3A_199 = vector.broadcast %ge3A_198 : i32 to vector<16xi32>
      %ge3A_200 = arith.cmpi sge, %get3A_197, %ge3A_199 : vector<16xi32>
      %lt3A_201 = arith.constant 10240 : i32
      %lt3A_202 = vector.broadcast %lt3A_201 : i32 to vector<16xi32>
      %lt3A_203 = arith.cmpi slt, %get3A_197, %lt3A_202 : vector<16xi32>
      %and3A_204 = arith.andi %ge3A_200, %lt3A_203 : vector<16xi1>
      %sub3A_205 = arith.constant 5120 : i32
      %sub3A_206 = vector.broadcast %sub3A_205 : i32 to vector<16xi32>
      %sub3A_207 = arith.subi %get3A_197, %sub3A_206 : vector<16xi32>
      %jit3A_208 = arith.constant 5120 : i32
      %broadcast_in_dim3A_209 = vector.broadcast %jit3A_208 : i32 to vector<16xi32>
      %select_n3A_210 = arith.select %and3A_204, %sub3A_207, %broadcast_in_dim3A_209 : vector<16xi1>, vector<16xi32>
      %swap3A_211 = arith.constant 48 : index
      %swap3A_212 = tpu.vector_load %arg10[%swap3A_211] {strides = array<i32>} : memref<128xi32, #tpu.memory_space<vmem>>, vector<16xi32>,
      %swap3A_213 = vector.shape_cast %swap3A_212 : vector<16xi32> to vector<16xi32>
      %swap3A_214 = vector.shape_cast %select_n3A_210 : vector<16xi32> to vector<16xi32>
      tpu.vector_store %arg10[%swap3A_211], %swap3A_214 {strides = array<i32>} : memref<128xi32, #tpu.memory_space<vmem>>, vector<16xi32>,
      %get3A_215 = arith.constant 64 : index
      %get3A_216 = tpu.vector_load %arg8[%get3A_215] {strides = array<i32>} : memref<128xi32, #tpu.memory_space<vmem>>, vector<16xi32>,
      %get3A_217 = vector.shape_cast %get3A_216 : vector<16xi32> to vector<16xi32>
      %ge3A_218 = arith.constant 5120 : i32
      %ge3A_219 = vector.broadcast %ge3A_218 : i32 to vector<16xi32>
      %ge3A_220 = arith.cmpi sge, %get3A_217, %ge3A_219 : vector<16xi32>
      %lt3A_221 = arith.constant 10240 : i32
      %lt3A_222 = vector.broadcast %lt3A_221 : i32 to vector<16xi32>
      %lt3A_223 = arith.cmpi slt, %get3A_217, %lt3A_222 : vector<16xi32>
      %and3A_224 = arith.andi %ge3A_220, %lt3A_223 : vector<16xi1>
      %sub3A_225 = arith.constant 5120 : i32
      %sub3A_226 = vector.broadcast %sub3A_225 : i32 to vector<16xi32>
      %sub3A_227 = arith.subi %get3A_217, %sub3A_226 : vector<16xi32>
      %jit3A_228 = arith.constant 5120 : i32
      %broadcast_in_dim3A_229 = vector.broadcast %jit3A_228 : i32 to vector<16xi32>
      %select_n3A_230 = arith.select %and3A_224, %sub3A_227, %broadcast_in_dim3A_229 : vector<16xi1>, vector<16xi32>
      %swap3A_231 = arith.constant 64 : index
      %swap3A_232 = tpu.vector_load %arg10[%swap3A_231] {strides = array<i32>} : memref<128xi32, #tpu.memory_space<vmem>>, vector<16xi32>,
      %swap3A_233 = vector.shape_cast %swap3A_232 : vector<16xi32> to vector<16xi32>
      %swap3A_234 = vector.shape_cast %select_n3A_230 : vector<16xi32> to vector<16xi32>
      tpu.vector_store %arg10[%swap3A_231], %swap3A_234 {strides = array<i32>} : memref<128xi32, #tpu.memory_space<vmem>>, vector<16xi32>,
      %get3A_235 = arith.constant 80 : index
      %get3A_236 = tpu.vector_load %arg8[%get3A_235] {strides = array<i32>} : memref<128xi32, #tpu.memory_space<vmem>>, vector<16xi32>,
      %get3A_237 = vector.shape_cast %get3A_236 : vector<16xi32> to vector<16xi32>
      %ge3A_238 = arith.constant 5120 : i32
      %ge3A_239 = vector.broadcast %ge3A_238 : i32 to vector<16xi32>
      %ge3A_240 = arith.cmpi sge, %get3A_237, %ge3A_239 : vector<16xi32>
      %lt3A_241 = arith.constant 10240 : i32
      %lt3A_242 = vector.broadcast %lt3A_241 : i32 to vector<16xi32>
      %lt3A_243 = arith.cmpi slt, %get3A_237, %lt3A_242 : vector<16xi32>
      %and3A_244 = arith.andi %ge3A_240, %lt3A_243 : vector<16xi1>
      %sub3A_245 = arith.constant 5120 : i32
      %sub3A_246 = vector.broadcast %sub3A_245 : i32 to vector<16xi32>
      %sub3A_247 = arith.subi %get3A_237, %sub3A_246 : vector<16xi32>
      %jit3A_248 = arith.constant 5120 : i32
      %broadcast_in_dim3A_249 = vector.broadcast %jit3A_248 : i32 to vector<16xi32>
      %select_n3A_250 = arith.select %and3A_244, %sub3A_247, %broadcast_in_dim3A_249 : vector<16xi1>, vector<16xi32>
      %swap3A_251 = arith.constant 80 : index
      %swap3A_252 = tpu.vector_load %arg10[%swap3A_251] {strides = array<i32>} : memref<128xi32, #tpu.memory_space<vmem>>, vector<16xi32>,
      %swap3A_253 = vector.shape_cast %swap3A_252 : vector<16xi32> to vector<16xi32>
      %swap3A_254 = vector.shape_cast %select_n3A_250 : vector<16xi32> to vector<16xi32>
      tpu.vector_store %arg10[%swap3A_251], %swap3A_254 {strides = array<i32>} : memref<128xi32, #tpu.memory_space<vmem>>, vector<16xi32>,
      %get3A_255 = arith.constant 96 : index
      %get3A_256 = tpu.vector_load %arg8[%get3A_255] {strides = array<i32>} : memref<128xi32, #tpu.memory_space<vmem>>, vector<16xi32>,
      %get3A_257 = vector.shape_cast %get3A_256 : vector<16xi32> to vector<16xi32>
      %ge3A_258 = arith.constant 5120 : i32
      %ge3A_259 = vector.broadcast %ge3A_258 : i32 to vector<16xi32>
      %ge3A_260 = arith.cmpi sge, %get3A_257, %ge3A_259 : vector<16xi32>
      %lt3A_261 = arith.constant 10240 : i32
      %lt3A_262 = vector.broadcast %lt3A_261 : i32 to vector<16xi32>
      %lt3A_263 = arith.cmpi slt, %get3A_257, %lt3A_262 : vector<16xi32>
      %and3A_264 = arith.andi %ge3A_260, %lt3A_263 : vector<16xi1>
      %sub3A_265 = arith.constant 5120 : i32
      %sub3A_266 = vector.broadcast %sub3A_265 : i32 to vector<16xi32>
      %sub3A_267 = arith.subi %get3A_257, %sub3A_266 : vector<16xi32>
      %jit3A_268 = arith.constant 5120 : i32
      %broadcast_in_dim3A_269 = vector.broadcast %jit3A_268 : i32 to vector<16xi32>
      %select_n3A_270 = arith.select %and3A_264, %sub3A_267, %broadcast_in_dim3A_269 : vector<16xi1>, vector<16xi32>
      %swap3A_271 = arith.constant 96 : index
      %swap3A_272 = tpu.vector_load %arg10[%swap3A_271] {strides = array<i32>} : memref<128xi32, #tpu.memory_space<vmem>>, vector<16xi32>,
      %swap3A_273 = vector.shape_cast %swap3A_272 : vector<16xi32> to vector<16xi32>
      %swap3A_274 = vector.shape_cast %select_n3A_270 : vector<16xi32> to vector<16xi32>
      tpu.vector_store %arg10[%swap3A_271], %swap3A_274 {strides = array<i32>} : memref<128xi32, #tpu.memory_space<vmem>>, vector<16xi32>,
      %get3A_275 = arith.constant 112 : index
      %get3A_276 = tpu.vector_load %arg8[%get3A_275] {strides = array<i32>} : memref<128xi32, #tpu.memory_space<vmem>>, vector<16xi32>,
      %get3A_277 = vector.shape_cast %get3A_276 : vector<16xi32> to vector<16xi32>
      %ge3A_278 = arith.constant 5120 : i32
      %ge3A_279 = vector.broadcast %ge3A_278 : i32 to vector<16xi32>
      %ge3A_280 = arith.cmpi sge, %get3A_277, %ge3A_279 : vector<16xi32>
      %lt3A_281 = arith.constant 10240 : i32
      %lt3A_282 = vector.broadcast %lt3A_281 : i32 to vector<16xi32>
      %lt3A_283 = arith.cmpi slt, %get3A_277, %lt3A_282 : vector<16xi32>
      %and3A_284 = arith.andi %ge3A_280, %lt3A_283 : vector<16xi1>
      %sub3A_285 = arith.constant 5120 : i32
      %sub3A_286 = vector.broadcast %sub3A_285 : i32 to vector<16xi32>
      %sub3A_287 = arith.subi %get3A_277, %sub3A_286 : vector<16xi32>
      %jit3A_288 = arith.constant 5120 : i32
      %broadcast_in_dim3A_289 = vector.broadcast %jit3A_288 : i32 to vector<16xi32>
      %select_n3A_290 = arith.select %and3A_284, %sub3A_287, %broadcast_in_dim3A_289 : vector<16xi1>, vector<16xi32>
      %swap3A_291 = arith.constant 112 : index
      %swap3A_292 = tpu.vector_load %arg10[%swap3A_291] {strides = array<i32>} : memref<128xi32, #tpu.memory_space<vmem>>, vector<16xi32>,
      %swap3A_293 = vector.shape_cast %swap3A_292 : vector<16xi32> to vector<16xi32>
      %swap3A_294 = vector.shape_cast %select_n3A_290 : vector<16xi32> to vector<16xi32>
      tpu.vector_store %arg10[%swap3A_291], %swap3A_294 {strides = array<i32>} : memref<128xi32, #tpu.memory_space<vmem>>, vector<16xi32>,
      %dma_start3A_295 = arith.constant 0 : i32
      %dma_start3A_296 = arith.constant 0 : i32
      %dma_start3A_297 = tpu.memref_slice %arg2[%dma_start3A_295, %dma_start3A_296] : memref<10000x128xf32, #tpu.memory_space<hbm>> -> memref<10000x128xf32, #tpu.memory_space<hbm>>
      tpu.enqueue_indirect_dma source(%dma_start3A_297 : memref<10000x128xf32, #tpu.memory_space<hbm>>) target(%arg12 : memref<128x128xf32, #tpu.memory_space<vmem>>) offsets(%arg6 : memref<128xi32, #tpu.memory_space<vmem>>) semaphore(%arg16 : memref<!tpu.dma_semaphore, #tpu.memory_space<semaphore_mem>>)
      %mul3A_298 = arith.constant 2 : i32
      %mul3A_299 = arith.muli %scan3A_123, %mul3A_298 : i32
      %add3A_300 = arith.constant 1 : i32
      %add3A_301 = arith.addi %mul3A_299, %add3A_300 : i32
      %gt3A_302 = arith.constant 0 : i32
      %gt3A_303 = arith.cmpi sgt, %scan3A_123, %gt3A_302 : i32
      %convert_element_type3A_304 = arith.extui %gt3A_303 : i1 to i32
      %cond3A_305 = arith.constant 0 : i32
      %cond3A_306 = arith.cmpi ne, %convert_element_type3A_304, %cond3A_305 : i32
      scf.if %cond3A_306 {
        %dma_wait3A_517 = arith.constant 0 : i32
        %dma_wait3A_518 = arith.constant 0 : i32
        %dma_wait3A_519 = tpu.memref_slice %arg21[%dma_wait3A_517, %dma_wait3A_518] : memref<5248x128xf32, #tpu.memory_space<vmem_shared>> -> memref<5248x128xf32, #tpu.memory_space<vmem_shared>>
        tpu.wait_indirect_dma semaphore(%arg19 : memref<!tpu.dma_semaphore, #tpu.memory_space<semaphore_mem>>) src(%arg13 : memref<128x128xf32, #tpu.memory_space<vmem>>) dst(%dma_wait3A_519 : memref<5248x128xf32, #tpu.memory_space<vmem_shared>>)
      } else {
      }
      %add3A_307 = arith.addi %mul3A_66, %add3A_301 : i32
      %dma_wait3A_308 = arith.constant 0 : i32
      %dma_wait3A_309 = tpu.memref_slice %arg3[%add3A_307, %dma_wait3A_308] : memref<2560x128xi32, #tpu.memory_space<hbm>> -> memref<1x128xi32, #tpu.memory_space<hbm>>
      %dma_wait3A_310 = tpu.memref_squeeze %dma_wait3A_309 : memref<1x128xi32, #tpu.memory_space<hbm>> -> memref<128xi32, #tpu.memory_space<hbm>>
      %dma_wait3A_311 = arith.constant 0 : i32
      %dma_wait3A_312 = tpu.memref_slice %arg3[%add3A_307, %dma_wait3A_311] : memref<2560x128xi32, #tpu.memory_space<hbm>> -> memref<1x128xi32, #tpu.memory_space<hbm>>
      %dma_wait3A_313 = tpu.memref_squeeze %dma_wait3A_312 : memref<1x128xi32, #tpu.memory_space<hbm>> -> memref<128xi32, #tpu.memory_space<hbm>>
      tpu.wait_dma2 semaphore(%arg15 : memref<!tpu.dma_semaphore, #tpu.memory_space<semaphore_mem>>) src(%dma_wait3A_313 : memref<128xi32, #tpu.memory_space<hbm>>) dst(%arg7 : memref<128xi32, #tpu.memory_space<vmem>>)
      %dma_wait3A_314 = arith.constant 0 : i32
      %dma_wait3A_315 = tpu.memref_slice %arg4[%add3A_307, %dma_wait3A_314] : memref<2560x128xi32, #tpu.memory_space<hbm>> -> memref<1x128xi32, #tpu.memory_space<hbm>>
      %dma_wait3A_316 = tpu.memref_squeeze %dma_wait3A_315 : memref<1x128xi32, #tpu.memory_space<hbm>> -> memref<128xi32, #tpu.memory_space<hbm>>
      %dma_wait3A_317 = arith.constant 0 : i32
      %dma_wait3A_318 = tpu.memref_slice %arg4[%add3A_307, %dma_wait3A_317] : memref<2560x128xi32, #tpu.memory_space<hbm>> -> memref<1x128xi32, #tpu.memory_space<hbm>>
      %dma_wait3A_319 = tpu.memref_squeeze %dma_wait3A_318 : memref<1x128xi32, #tpu.memory_space<hbm>> -> memref<128xi32, #tpu.memory_space<hbm>>
      tpu.wait_dma2 semaphore(%arg15 : memref<!tpu.dma_semaphore, #tpu.memory_space<semaphore_mem>>) src(%dma_wait3A_319 : memref<128xi32, #tpu.memory_space<hbm>>) dst(%arg9 : memref<128xi32, #tpu.memory_space<vmem>>)
      %get3A_320 = arith.constant 0 : index
      %get3A_321 = tpu.vector_load %arg9[%get3A_320] {strides = array<i32>} : memref<128xi32, #tpu.memory_space<vmem>>, vector<16xi32>,
      %get3A_322 = vector.shape_cast %get3A_321 : vector<16xi32> to vector<16xi32>
      %ge3A_323 = arith.constant 5120 : i32
      %ge3A_324 = vector.broadcast %ge3A_323 : i32 to vector<16xi32>
      %ge3A_325 = arith.cmpi sge, %get3A_322, %ge3A_324 : vector<16xi32>
      %lt3A_326 = arith.constant 10240 : i32
      %lt3A_327 = vector.broadcast %lt3A_326 : i32 to vector<16xi32>
      %lt3A_328 = arith.cmpi slt, %get3A_322, %lt3A_327 : vector<16xi32>
      %and3A_329 = arith.andi %ge3A_325, %lt3A_328 : vector<16xi1>
      %sub3A_330 = arith.constant 5120 : i32
      %sub3A_331 = vector.broadcast %sub3A_330 : i32 to vector<16xi32>
      %sub3A_332 = arith.subi %get3A_322, %sub3A_331 : vector<16xi32>
      %jit3A_333 = arith.constant 5120 : i32
      %broadcast_in_dim3A_334 = vector.broadcast %jit3A_333 : i32 to vector<16xi32>
      %select_n3A_335 = arith.select %and3A_329, %sub3A_332, %broadcast_in_dim3A_334 : vector<16xi1>, vector<16xi32>
      %swap3A_336 = arith.constant 0 : index
      %swap3A_337 = tpu.vector_load %arg11[%swap3A_336] {strides = array<i32>} : memref<128xi32, #tpu.memory_space<vmem>>, vector<16xi32>,
      %swap3A_338 = vector.shape_cast %swap3A_337 : vector<16xi32> to vector<16xi32>
      %swap3A_339 = vector.shape_cast %select_n3A_335 : vector<16xi32> to vector<16xi32>
      tpu.vector_store %arg11[%swap3A_336], %swap3A_339 {strides = array<i32>} : memref<128xi32, #tpu.memory_space<vmem>>, vector<16xi32>,
      %get3A_340 = arith.constant 16 : index
      %get3A_341 = tpu.vector_load %arg9[%get3A_340] {strides = array<i32>} : memref<128xi32, #tpu.memory_space<vmem>>, vector<16xi32>,
      %get3A_342 = vector.shape_cast %get3A_341 : vector<16xi32> to vector<16xi32>
      %ge3A_343 = arith.constant 5120 : i32
      %ge3A_344 = vector.broadcast %ge3A_343 : i32 to vector<16xi32>
      %ge3A_345 = arith.cmpi sge, %get3A_342, %ge3A_344 : vector<16xi32>
      %lt3A_346 = arith.constant 10240 : i32
      %lt3A_347 = vector.broadcast %lt3A_346 : i32 to vector<16xi32>
      %lt3A_348 = arith.cmpi slt, %get3A_342, %lt3A_347 : vector<16xi32>
      %and3A_349 = arith.andi %ge3A_345, %lt3A_348 : vector<16xi1>
      %sub3A_350 = arith.constant 5120 : i32
      %sub3A_351 = vector.broadcast %sub3A_350 : i32 to vector<16xi32>
      %sub3A_352 = arith.subi %get3A_342, %sub3A_351 : vector<16xi32>
      %jit3A_353 = arith.constant 5120 : i32
      %broadcast_in_dim3A_354 = vector.broadcast %jit3A_353 : i32 to vector<16xi32>
      %select_n3A_355 = arith.select %and3A_349, %sub3A_352, %broadcast_in_dim3A_354 : vector<16xi1>, vector<16xi32>
      %swap3A_356 = arith.constant 16 : index
      %swap3A_357 = tpu.vector_load %arg11[%swap3A_356] {strides = array<i32>} : memref<128xi32, #tpu.memory_space<vmem>>, vector<16xi32>,
      %swap3A_358 = vector.shape_cast %swap3A_357 : vector<16xi32> to vector<16xi32>
      %swap3A_359 = vector.shape_cast %select_n3A_355 : vector<16xi32> to vector<16xi32>
      tpu.vector_store %arg11[%swap3A_356], %swap3A_359 {strides = array<i32>} : memref<128xi32, #tpu.memory_space<vmem>>, vector<16xi32>,
      %get3A_360 = arith.constant 32 : index
      %get3A_361 = tpu.vector_load %arg9[%get3A_360] {strides = array<i32>} : memref<128xi32, #tpu.memory_space<vmem>>, vector<16xi32>,
      %get3A_362 = vector.shape_cast %get3A_361 : vector<16xi32> to vector<16xi32>
      %ge3A_363 = arith.constant 5120 : i32
      %ge3A_364 = vector.broadcast %ge3A_363 : i32 to vector<16xi32>
      %ge3A_365 = arith.cmpi sge, %get3A_362, %ge3A_364 : vector<16xi32>
      %lt3A_366 = arith.constant 10240 : i32
      %lt3A_367 = vector.broadcast %lt3A_366 : i32 to vector<16xi32>
      %lt3A_368 = arith.cmpi slt, %get3A_362, %lt3A_367 : vector<16xi32>
      %and3A_369 = arith.andi %ge3A_365, %lt3A_368 : vector<16xi1>
      %sub3A_370 = arith.constant 5120 : i32
      %sub3A_371 = vector.broadcast %sub3A_370 : i32 to vector<16xi32>
      %sub3A_372 = arith.subi %get3A_362, %sub3A_371 : vector<16xi32>
      %jit3A_373 = arith.constant 5120 : i32
      %broadcast_in_dim3A_374 = vector.broadcast %jit3A_373 : i32 to vector<16xi32>
      %select_n3A_375 = arith.select %and3A_369, %sub3A_372, %broadcast_in_dim3A_374 : vector<16xi1>, vector<16xi32>
      %swap3A_376 = arith.constant 32 : index
      %swap3A_377 = tpu.vector_load %arg11[%swap3A_376] {strides = array<i32>} : memref<128xi32, #tpu.memory_space<vmem>>, vector<16xi32>,
      %swap3A_378 = vector.shape_cast %swap3A_377 : vector<16xi32> to vector<16xi32>
      %swap3A_379 = vector.shape_cast %select_n3A_375 : vector<16xi32> to vector<16xi32>
      tpu.vector_store %arg11[%swap3A_376], %swap3A_379 {strides = array<i32>} : memref<128xi32, #tpu.memory_space<vmem>>, vector<16xi32>,
      %get3A_380 = arith.constant 48 : index
      %get3A_381 = tpu.vector_load %arg9[%get3A_380] {strides = array<i32>} : memref<128xi32, #tpu.memory_space<vmem>>, vector<16xi32>,
      %get3A_382 = vector.shape_cast %get3A_381 : vector<16xi32> to vector<16xi32>
      %ge3A_383 = arith.constant 5120 : i32
      %ge3A_384 = vector.broadcast %ge3A_383 : i32 to vector<16xi32>
      %ge3A_385 = arith.cmpi sge, %get3A_382, %ge3A_384 : vector<16xi32>
      %lt3A_386 = arith.constant 10240 : i32
      %lt3A_387 = vector.broadcast %lt3A_386 : i32 to vector<16xi32>
      %lt3A_388 = arith.cmpi slt, %get3A_382, %lt3A_387 : vector<16xi32>
      %and3A_389 = arith.andi %ge3A_385, %lt3A_388 : vector<16xi1>
      %sub3A_390 = arith.constant 5120 : i32
      %sub3A_391 = vector.broadcast %sub3A_390 : i32 to vector<16xi32>
      %sub3A_392 = arith.subi %get3A_382, %sub3A_391 : vector<16xi32>
      %jit3A_393 = arith.constant 5120 : i32
      %broadcast_in_dim3A_394 = vector.broadcast %jit3A_393 : i32 to vector<16xi32>
      %select_n3A_395 = arith.select %and3A_389, %sub3A_392, %broadcast_in_dim3A_394 : vector<16xi1>, vector<16xi32>
      %swap3A_396 = arith.constant 48 : index
      %swap3A_397 = tpu.vector_load %arg11[%swap3A_396] {strides = array<i32>} : memref<128xi32, #tpu.memory_space<vmem>>, vector<16xi32>,
      %swap3A_398 = vector.shape_cast %swap3A_397 : vector<16xi32> to vector<16xi32>
      %swap3A_399 = vector.shape_cast %select_n3A_395 : vector<16xi32> to vector<16xi32>
      tpu.vector_store %arg11[%swap3A_396], %swap3A_399 {strides = array<i32>} : memref<128xi32, #tpu.memory_space<vmem>>, vector<16xi32>,
      %get3A_400 = arith.constant 64 : index
      %get3A_401 = tpu.vector_load %arg9[%get3A_400] {strides = array<i32>} : memref<128xi32, #tpu.memory_space<vmem>>, vector<16xi32>,
      %get3A_402 = vector.shape_cast %get3A_401 : vector<16xi32> to vector<16xi32>
      %ge3A_403 = arith.constant 5120 : i32
      %ge3A_404 = vector.broadcast %ge3A_403 : i32 to vector<16xi32>
      %ge3A_405 = arith.cmpi sge, %get3A_402, %ge3A_404 : vector<16xi32>
      %lt3A_406 = arith.constant 10240 : i32
      %lt3A_407 = vector.broadcast %lt3A_406 : i32 to vector<16xi32>
      %lt3A_408 = arith.cmpi slt, %get3A_402, %lt3A_407 : vector<16xi32>
      %and3A_409 = arith.andi %ge3A_405, %lt3A_408 : vector<16xi1>
      %sub3A_410 = arith.constant 5120 : i32
      %sub3A_411 = vector.broadcast %sub3A_410 : i32 to vector<16xi32>
      %sub3A_412 = arith.subi %get3A_402, %sub3A_411 : vector<16xi32>
      %jit3A_413 = arith.constant 5120 : i32
      %broadcast_in_dim3A_414 = vector.broadcast %jit3A_413 : i32 to vector<16xi32>
      %select_n3A_415 = arith.select %and3A_409, %sub3A_412, %broadcast_in_dim3A_414 : vector<16xi1>, vector<16xi32>
      %swap3A_416 = arith.constant 64 : index
      %swap3A_417 = tpu.vector_load %arg11[%swap3A_416] {strides = array<i32>} : memref<128xi32, #tpu.memory_space<vmem>>, vector<16xi32>,
      %swap3A_418 = vector.shape_cast %swap3A_417 : vector<16xi32> to vector<16xi32>
      %swap3A_419 = vector.shape_cast %select_n3A_415 : vector<16xi32> to vector<16xi32>
      tpu.vector_store %arg11[%swap3A_416], %swap3A_419 {strides = array<i32>} : memref<128xi32, #tpu.memory_space<vmem>>, vector<16xi32>,
      %get3A_420 = arith.constant 80 : index
      %get3A_421 = tpu.vector_load %arg9[%get3A_420] {strides = array<i32>} : memref<128xi32, #tpu.memory_space<vmem>>, vector<16xi32>,
      %get3A_422 = vector.shape_cast %get3A_421 : vector<16xi32> to vector<16xi32>
      %ge3A_423 = arith.constant 5120 : i32
      %ge3A_424 = vector.broadcast %ge3A_423 : i32 to vector<16xi32>
      %ge3A_425 = arith.cmpi sge, %get3A_422, %ge3A_424 : vector<16xi32>
      %lt3A_426 = arith.constant 10240 : i32
      %lt3A_427 = vector.broadcast %lt3A_426 : i32 to vector<16xi32>
      %lt3A_428 = arith.cmpi slt, %get3A_422, %lt3A_427 : vector<16xi32>
      %and3A_429 = arith.andi %ge3A_425, %lt3A_428 : vector<16xi1>
      %sub3A_430 = arith.constant 5120 : i32
      %sub3A_431 = vector.broadcast %sub3A_430 : i32 to vector<16xi32>
      %sub3A_432 = arith.subi %get3A_422, %sub3A_431 : vector<16xi32>
      %jit3A_433 = arith.constant 5120 : i32
      %broadcast_in_dim3A_434 = vector.broadcast %jit3A_433 : i32 to vector<16xi32>
      %select_n3A_435 = arith.select %and3A_429, %sub3A_432, %broadcast_in_dim3A_434 : vector<16xi1>, vector<16xi32>
      %swap3A_436 = arith.constant 80 : index
      %swap3A_437 = tpu.vector_load %arg11[%swap3A_436] {strides = array<i32>} : memref<128xi32, #tpu.memory_space<vmem>>, vector<16xi32>,
      %swap3A_438 = vector.shape_cast %swap3A_437 : vector<16xi32> to vector<16xi32>
      %swap3A_439 = vector.shape_cast %select_n3A_435 : vector<16xi32> to vector<16xi32>
      tpu.vector_store %arg11[%swap3A_436], %swap3A_439 {strides = array<i32>} : memref<128xi32, #tpu.memory_space<vmem>>, vector<16xi32>,
      %get3A_440 = arith.constant 96 : index
      %get3A_441 = tpu.vector_load %arg9[%get3A_440] {strides = array<i32>} : memref<128xi32, #tpu.memory_space<vmem>>, vector<16xi32>,
      %get3A_442 = vector.shape_cast %get3A_441 : vector<16xi32> to vector<16xi32>
      %ge3A_443 = arith.constant 5120 : i32
      %ge3A_444 = vector.broadcast %ge3A_443 : i32 to vector<16xi32>
      %ge3A_445 = arith.cmpi sge, %get3A_442, %ge3A_444 : vector<16xi32>
      %lt3A_446 = arith.constant 10240 : i32
      %lt3A_447 = vector.broadcast %lt3A_446 : i32 to vector<16xi32>
      %lt3A_448 = arith.cmpi slt, %get3A_442, %lt3A_447 : vector<16xi32>
      %and3A_449 = arith.andi %ge3A_445, %lt3A_448 : vector<16xi1>
      %sub3A_450 = arith.constant 5120 : i32
      %sub3A_451 = vector.broadcast %sub3A_450 : i32 to vector<16xi32>
      %sub3A_452 = arith.subi %get3A_442, %sub3A_451 : vector<16xi32>
      %jit3A_453 = arith.constant 5120 : i32
      %broadcast_in_dim3A_454 = vector.broadcast %jit3A_453 : i32 to vector<16xi32>
      %select_n3A_455 = arith.select %and3A_449, %sub3A_452, %broadcast_in_dim3A_454 : vector<16xi1>, vector<16xi32>
      %swap3A_456 = arith.constant 96 : index
      %swap3A_457 = tpu.vector_load %arg11[%swap3A_456] {strides = array<i32>} : memref<128xi32, #tpu.memory_space<vmem>>, vector<16xi32>,
      %swap3A_458 = vector.shape_cast %swap3A_457 : vector<16xi32> to vector<16xi32>
      %swap3A_459 = vector.shape_cast %select_n3A_455 : vector<16xi32> to vector<16xi32>
      tpu.vector_store %arg11[%swap3A_456], %swap3A_459 {strides = array<i32>} : memref<128xi32, #tpu.memory_space<vmem>>, vector<16xi32>,
      %get3A_460 = arith.constant 112 : index
      %get3A_461 = tpu.vector_load %arg9[%get3A_460] {strides = array<i32>} : memref<128xi32, #tpu.memory_space<vmem>>, vector<16xi32>,
      %get3A_462 = vector.shape_cast %get3A_461 : vector<16xi32> to vector<16xi32>
      %ge3A_463 = arith.constant 5120 : i32
      %ge3A_464 = vector.broadcast %ge3A_463 : i32 to vector<16xi32>
      %ge3A_465 = arith.cmpi sge, %get3A_462, %ge3A_464 : vector<16xi32>
      %lt3A_466 = arith.constant 10240 : i32
      %lt3A_467 = vector.broadcast %lt3A_466 : i32 to vector<16xi32>
      %lt3A_468 = arith.cmpi slt, %get3A_462, %lt3A_467 : vector<16xi32>
      %and3A_469 = arith.andi %ge3A_465, %lt3A_468 : vector<16xi1>
      %sub3A_470 = arith.constant 5120 : i32
      %sub3A_471 = vector.broadcast %sub3A_470 : i32 to vector<16xi32>
      %sub3A_472 = arith.subi %get3A_462, %sub3A_471 : vector<16xi32>
      %jit3A_473 = arith.constant 5120 : i32
      %broadcast_in_dim3A_474 = vector.broadcast %jit3A_473 : i32 to vector<16xi32>
      %select_n3A_475 = arith.select %and3A_469, %sub3A_472, %broadcast_in_dim3A_474 : vector<16xi1>, vector<16xi32>
      %swap3A_476 = arith.constant 112 : index
      %swap3A_477 = tpu.vector_load %arg11[%swap3A_476] {strides = array<i32>} : memref<128xi32, #tpu.memory_space<vmem>>, vector<16xi32>,
      %swap3A_478 = vector.shape_cast %swap3A_477 : vector<16xi32> to vector<16xi32>
      %swap3A_479 = vector.shape_cast %select_n3A_475 : vector<16xi32> to vector<16xi32>
      tpu.vector_store %arg11[%swap3A_476], %swap3A_479 {strides = array<i32>} : memref<128xi32, #tpu.memory_space<vmem>>, vector<16xi32>,
      %dma_start3A_480 = arith.constant 0 : i32
      %dma_start3A_481 = arith.constant 0 : i32
      %dma_start3A_482 = tpu.memref_slice %arg2[%dma_start3A_480, %dma_start3A_481] : memref<10000x128xf32, #tpu.memory_space<hbm>> -> memref<10000x128xf32, #tpu.memory_space<hbm>>
      tpu.enqueue_indirect_dma source(%dma_start3A_482 : memref<10000x128xf32, #tpu.memory_space<hbm>>) target(%arg13 : memref<128x128xf32, #tpu.memory_space<vmem>>) offsets(%arg7 : memref<128xi32, #tpu.memory_space<vmem>>) semaphore(%arg17 : memref<!tpu.dma_semaphore, #tpu.memory_space<semaphore_mem>>)
      %mul3A_483 = arith.constant 2 : i32
      %mul3A_484 = arith.muli %scan3A_123, %mul3A_483 : i32
      %add3A_485 = arith.constant 0 : i32
      %add3A_486 = arith.addi %mul3A_484, %add3A_485 : i32
      %dma_wait3A_487 = arith.constant 0 : i32
      %dma_wait3A_488 = arith.constant 0 : i32
      %dma_wait3A_489 = tpu.memref_slice %arg2[%dma_wait3A_487, %dma_wait3A_488] : memref<10000x128xf32, #tpu.memory_space<hbm>> -> memref<10000x128xf32, #tpu.memory_space<hbm>>
      tpu.wait_indirect_dma semaphore(%arg16 : memref<!tpu.dma_semaphore, #tpu.memory_space<semaphore_mem>>) src(%dma_wait3A_489 : memref<10000x128xf32, #tpu.memory_space<hbm>>) dst(%arg12 : memref<128x128xf32, #tpu.memory_space<vmem>>)
      %add3A_490 = arith.constant 2 : i32
      %add3A_491 = arith.addi %add3A_486, %add3A_490 : i32
      %lt3A_492 = arith.constant 160 : i32
      %lt3A_493 = arith.cmpi slt, %add3A_491, %lt3A_492 : i32
      %convert_element_type3A_494 = arith.extui %lt3A_493 : i1 to i32
      %cond3A_495 = arith.constant 0 : i32
      %cond3A_496 = arith.cmpi ne, %convert_element_type3A_494, %cond3A_495 : i32
      scf.if %cond3A_496 {
        %add3A_517 = arith.addi %mul3A_66, %add3A_486 : i32
        %add3A_518 = arith.constant 2 : i32
        %add3A_519 = arith.addi %add3A_517, %add3A_518 : i32
        %dma_start3A_520 = arith.constant 0 : i32
        %dma_start3A_521 = tpu.memref_slice %arg3[%add3A_519, %dma_start3A_520] : memref<2560x128xi32, #tpu.memory_space<hbm>> -> memref<1x128xi32, #tpu.memory_space<hbm>>
        %dma_start3A_522 = tpu.memref_squeeze %dma_start3A_521 : memref<1x128xi32, #tpu.memory_space<hbm>> -> memref<128xi32, #tpu.memory_space<hbm>>
        %dma_start3A_523 = arith.constant 0 : i32
        %dma_start3A_524 = tpu.memref_slice %arg3[%add3A_519, %dma_start3A_523] : memref<2560x128xi32, #tpu.memory_space<hbm>> -> memref<1x128xi32, #tpu.memory_space<hbm>>
        %dma_start3A_525 = tpu.memref_squeeze %dma_start3A_524 : memref<1x128xi32, #tpu.memory_space<hbm>> -> memref<128xi32, #tpu.memory_space<hbm>>
        tpu.enqueue_dma source(%dma_start3A_525 : memref<128xi32, #tpu.memory_space<hbm>>) target(%arg6 : memref<128xi32, #tpu.memory_space<vmem>>) target_semaphore(%arg14 : memref<!tpu.dma_semaphore, #tpu.memory_space<semaphore_mem>>)
        %dma_start3A_526 = arith.constant 0 : i32
        %dma_start3A_527 = tpu.memref_slice %arg4[%add3A_519, %dma_start3A_526] : memref<2560x128xi32, #tpu.memory_space<hbm>> -> memref<1x128xi32, #tpu.memory_space<hbm>>
        %dma_start3A_528 = tpu.memref_squeeze %dma_start3A_527 : memref<1x128xi32, #tpu.memory_space<hbm>> -> memref<128xi32, #tpu.memory_space<hbm>>
        %dma_start3A_529 = arith.constant 0 : i32
        %dma_start3A_530 = tpu.memref_slice %arg4[%add3A_519, %dma_start3A_529] : memref<2560x128xi32, #tpu.memory_space<hbm>> -> memref<1x128xi32, #tpu.memory_space<hbm>>
        %dma_start3A_531 = tpu.memref_squeeze %dma_start3A_530 : memref<1x128xi32, #tpu.memory_space<hbm>> -> memref<128xi32, #tpu.memory_space<hbm>>
        tpu.enqueue_dma source(%dma_start3A_531 : memref<128xi32, #tpu.memory_space<hbm>>) target(%arg8 : memref<128xi32, #tpu.memory_space<vmem>>) target_semaphore(%arg14 : memref<!tpu.dma_semaphore, #tpu.memory_space<semaphore_mem>>)
      } else {
      }
      %dma_start3A_497 = arith.constant 0 : i32
      %dma_start3A_498 = arith.constant 0 : i32
      %dma_start3A_499 = tpu.memref_slice %arg21[%dma_start3A_497, %dma_start3A_498] : memref<5248x128xf32, #tpu.memory_space<vmem_shared>> -> memref<5248x128xf32, #tpu.memory_space<vmem_shared>>
      tpu.enqueue_indirect_dma source(%arg12 : memref<128x128xf32, #tpu.memory_space<vmem>>) target(%dma_start3A_499 : memref<5248x128xf32, #tpu.memory_space<vmem_shared>>) offsets(%arg10 : memref<128xi32, #tpu.memory_space<vmem>>) semaphore(%arg18 : memref<!tpu.dma_semaphore, #tpu.memory_space<semaphore_mem>>) {add = true}
      %mul3A_500 = arith.constant 2 : i32
      %mul3A_501 = arith.muli %scan3A_123, %mul3A_500 : i32
      %add3A_502 = arith.constant 1 : i32
      %add3A_503 = arith.addi %mul3A_501, %add3A_502 : i32
      %dma_wait3A_504 = arith.constant 0 : i32
      %dma_wait3A_505 = arith.constant 0 : i32
      %dma_wait3A_506 = tpu.memref_slice %arg2[%dma_wait3A_504, %dma_wait3A_505] : memref<10000x128xf32, #tpu.memory_space<hbm>> -> memref<10000x128xf32, #tpu.memory_space<hbm>>
      tpu.wait_indirect_dma semaphore(%arg17 : memref<!tpu.dma_semaphore, #tpu.memory_space<semaphore_mem>>) src(%dma_wait3A_506 : memref<10000x128xf32, #tpu.memory_space<hbm>>) dst(%arg13 : memref<128x128xf32, #tpu.memory_space<vmem>>)
      %add3A_507 = arith.constant 2 : i32
      %add3A_508 = arith.addi %add3A_503, %add3A_507 : i32
      %lt3A_509 = arith.constant 160 : i32
      %lt3A_510 = arith.cmpi slt, %add3A_508, %lt3A_509 : i32
      %convert_element_type3A_511 = arith.extui %lt3A_510 : i1 to i32
      %cond3A_512 = arith.constant 0 : i32
      %cond3A_513 = arith.cmpi ne, %convert_element_type3A_511, %cond3A_512 : i32
      scf.if %cond3A_513 {
        %add3A_517 = arith.addi %mul3A_66, %add3A_503 : i32
        %add3A_518 = arith.constant 2 : i32
        %add3A_519 = arith.addi %add3A_517, %add3A_518 : i32
        %dma_start3A_520 = arith.constant 0 : i32
        %dma_start3A_521 = tpu.memref_slice %arg3[%add3A_519, %dma_start3A_520] : memref<2560x128xi32, #tpu.memory_space<hbm>> -> memref<1x128xi32, #tpu.memory_space<hbm>>
        %dma_start3A_522 = tpu.memref_squeeze %dma_start3A_521 : memref<1x128xi32, #tpu.memory_space<hbm>> -> memref<128xi32, #tpu.memory_space<hbm>>
        %dma_start3A_523 = arith.constant 0 : i32
        %dma_start3A_524 = tpu.memref_slice %arg3[%add3A_519, %dma_start3A_523] : memref<2560x128xi32, #tpu.memory_space<hbm>> -> memref<1x128xi32, #tpu.memory_space<hbm>>
        %dma_start3A_525 = tpu.memref_squeeze %dma_start3A_524 : memref<1x128xi32, #tpu.memory_space<hbm>> -> memref<128xi32, #tpu.memory_space<hbm>>
        tpu.enqueue_dma source(%dma_start3A_525 : memref<128xi32, #tpu.memory_space<hbm>>) target(%arg7 : memref<128xi32, #tpu.memory_space<vmem>>) target_semaphore(%arg15 : memref<!tpu.dma_semaphore, #tpu.memory_space<semaphore_mem>>)
        %dma_start3A_526 = arith.constant 0 : i32
        %dma_start3A_527 = tpu.memref_slice %arg4[%add3A_519, %dma_start3A_526] : memref<2560x128xi32, #tpu.memory_space<hbm>> -> memref<1x128xi32, #tpu.memory_space<hbm>>
        %dma_start3A_528 = tpu.memref_squeeze %dma_start3A_527 : memref<1x128xi32, #tpu.memory_space<hbm>> -> memref<128xi32, #tpu.memory_space<hbm>>
        %dma_start3A_529 = arith.constant 0 : i32
        %dma_start3A_530 = tpu.memref_slice %arg4[%add3A_519, %dma_start3A_529] : memref<2560x128xi32, #tpu.memory_space<hbm>> -> memref<1x128xi32, #tpu.memory_space<hbm>>
        %dma_start3A_531 = tpu.memref_squeeze %dma_start3A_530 : memref<1x128xi32, #tpu.memory_space<hbm>> -> memref<128xi32, #tpu.memory_space<hbm>>
        tpu.enqueue_dma source(%dma_start3A_531 : memref<128xi32, #tpu.memory_space<hbm>>) target(%arg9 : memref<128xi32, #tpu.memory_space<vmem>>) target_semaphore(%arg15 : memref<!tpu.dma_semaphore, #tpu.memory_space<semaphore_mem>>)
      } else {
      }
      %dma_start3A_514 = arith.constant 0 : i32
      %dma_start3A_515 = arith.constant 0 : i32
      %dma_start3A_516 = tpu.memref_slice %arg21[%dma_start3A_514, %dma_start3A_515] : memref<5248x128xf32, #tpu.memory_space<vmem_shared>> -> memref<5248x128xf32, #tpu.memory_space<vmem_shared>>
      tpu.enqueue_indirect_dma source(%arg13 : memref<128x128xf32, #tpu.memory_space<vmem>>) target(%dma_start3A_516 : memref<5248x128xf32, #tpu.memory_space<vmem_shared>>) offsets(%arg11 : memref<128xi32, #tpu.memory_space<vmem>>) semaphore(%arg19 : memref<!tpu.dma_semaphore, #tpu.memory_space<semaphore_mem>>) {add = true}
    }
    %scan3A_100 = arith.constant 80 : i32
    %dma_wait3A_101 = arith.constant 0 : i32
    %dma_wait3A_102 = arith.constant 0 : i32
    %dma_wait3A_103 = tpu.memref_slice %arg21[%dma_wait3A_101, %dma_wait3A_102] : memref<5248x128xf32, #tpu.memory_space<vmem_shared>> -> memref<5248x128xf32, #tpu.memory_space<vmem_shared>>
    tpu.wait_indirect_dma semaphore(%arg18 : memref<!tpu.dma_semaphore, #tpu.memory_space<semaphore_mem>>) src(%arg12 : memref<128x128xf32, #tpu.memory_space<vmem>>) dst(%dma_wait3A_103 : memref<5248x128xf32, #tpu.memory_space<vmem_shared>>)
    %dma_wait3A_104 = arith.constant 0 : i32
    %dma_wait3A_105 = arith.constant 0 : i32
    %dma_wait3A_106 = tpu.memref_slice %arg21[%dma_wait3A_104, %dma_wait3A_105] : memref<5248x128xf32, #tpu.memory_space<vmem_shared>> -> memref<5248x128xf32, #tpu.memory_space<vmem_shared>>
    tpu.wait_indirect_dma semaphore(%arg19 : memref<!tpu.dma_semaphore, #tpu.memory_space<semaphore_mem>>) src(%arg13 : memref<128x128xf32, #tpu.memory_space<vmem>>) dst(%dma_wait3A_106 : memref<5248x128xf32, #tpu.memory_space<vmem_shared>>)
    %barrier3A_107 = arith.constant 0 : index
    tpu.barrier barrier_id(%barrier3A_107)
    %mul3A_108 = arith.constant 320 : i32
    %mul3A_109 = arith.muli %arg1, %mul3A_108 : i32
    "tpu.region"() ({
      %run_scoped3A = tpu.sem_alloc : memref<!tpu.dma_semaphore, #tpu.memory_space<semaphore_mem>>
      %dma_start3A_123 = arith.constant 0 : i32
      %dma_start3A_124 = arith.constant 0 : i32
      %dma_start3A_125 = tpu.memref_slice %arg20[%dma_start3A_123, %dma_start3A_124] : memref<328x128xf32, #tpu.memory_space<vmem>> -> memref<320x128xf32, #tpu.memory_space<vmem>>
      %dma_start3A_126 = arith.constant 0 : i32
      %dma_start3A_127 = tpu.memref_slice %arg21[%mul3A_109, %dma_start3A_126] : memref<5248x128xf32, #tpu.memory_space<vmem_shared>> -> memref<320x128xf32, #tpu.memory_space<vmem_shared>>
      %dma_start3A_128 = arith.constant 0 : i32
      %dma_start3A_129 = arith.constant 0 : i32
      %dma_start3A_130 = tpu.memref_slice %arg20[%dma_start3A_128, %dma_start3A_129] : memref<328x128xf32, #tpu.memory_space<vmem>> -> memref<320x128xf32, #tpu.memory_space<vmem>>
      %dma_start3A_131 = arith.constant 0 : i32
      %dma_start3A_132 = tpu.memref_slice %arg21[%mul3A_109, %dma_start3A_131] : memref<5248x128xf32, #tpu.memory_space<vmem_shared>> -> memref<320x128xf32, #tpu.memory_space<vmem_shared>>
      tpu.enqueue_dma source(%dma_start3A_132 : memref<320x128xf32, #tpu.memory_space<vmem_shared>>) target(%dma_start3A_130 : memref<320x128xf32, #tpu.memory_space<vmem>>) target_semaphore(%run_scoped3A : memref<!tpu.dma_semaphore, #tpu.memory_space<semaphore_mem>>)
      %dma_wait3A_133 = arith.constant 0 : i32
      %dma_wait3A_134 = arith.constant 0 : i32
      %dma_wait3A_135 = tpu.memref_slice %arg20[%dma_wait3A_133, %dma_wait3A_134] : memref<328x128xf32, #tpu.memory_space<vmem>> -> memref<320x128xf32, #tpu.memory_space<vmem>>
      %dma_wait3A_136 = arith.constant 0 : i32
      %dma_wait3A_137 = tpu.memref_slice %arg21[%mul3A_109, %dma_wait3A_136] : memref<5248x128xf32, #tpu.memory_space<vmem_shared>> -> memref<320x128xf32, #tpu.memory_space<vmem_shared>>
      %dma_wait3A_138 = arith.constant 0 : i32
      %dma_wait3A_139 = arith.constant 0 : i32
      %dma_wait3A_140 = tpu.memref_slice %arg20[%dma_wait3A_138, %dma_wait3A_139] : memref<328x128xf32, #tpu.memory_space<vmem>> -> memref<320x128xf32, #tpu.memory_space<vmem>>
      %dma_wait3A_141 = arith.constant 0 : i32
      %dma_wait3A_142 = tpu.memref_slice %arg21[%mul3A_109, %dma_wait3A_141] : memref<5248x128xf32, #tpu.memory_space<vmem_shared>> -> memref<320x128xf32, #tpu.memory_space<vmem_shared>>
      tpu.wait_dma2 semaphore(%run_scoped3A : memref<!tpu.dma_semaphore, #tpu.memory_space<semaphore_mem>>) src(%dma_wait3A_142 : memref<320x128xf32, #tpu.memory_space<vmem_shared>>) dst(%dma_wait3A_140 : memref<320x128xf32, #tpu.memory_space<vmem>>)
      tpu.yield
    }) : () -> ()
    %mul3A_110 = arith.constant 320 : i32
    %mul3A_111 = arith.muli %arg1, %mul3A_110 : i32
    %add3A_112 = arith.constant 5120 : i32
    %add3A_113 = arith.addi %add3A_112, %mul3A_111 : i32
    "tpu.region"() ({
      %run_scoped3A = tpu.sem_alloc : memref<!tpu.dma_semaphore, #tpu.memory_space<semaphore_mem>>
      %dma_start3A_123 = arith.constant 0 : i32
      %dma_start3A_124 = arith.constant 0 : i32
      %dma_start3A_125 = tpu.memref_slice %arg20[%dma_start3A_123, %dma_start3A_124] : memref<328x128xf32, #tpu.memory_space<vmem>> -> memref<320x128xf32, #tpu.memory_space<vmem>>
      %dma_start3A_126 = arith.constant 0 : i32
      %dma_start3A_127 = tpu.memref_slice %arg5[%add3A_113, %dma_start3A_126] : memref<10240x128xf32, #tpu.memory_space<hbm>> -> memref<320x128xf32, #tpu.memory_space<hbm>>
      %dma_start3A_128 = arith.constant 0 : i32
      %dma_start3A_129 = tpu.memref_slice %arg5[%add3A_113, %dma_start3A_128] : memref<10240x128xf32, #tpu.memory_space<hbm>> -> memref<320x128xf32, #tpu.memory_space<hbm>>
      %dma_start3A_130 = arith.constant 0 : i32
      %dma_start3A_131 = arith.constant 0 : i32
      %dma_start3A_132 = tpu.memref_slice %arg20[%dma_start3A_130, %dma_start3A_131] : memref<328x128xf32, #tpu.memory_space<vmem>> -> memref<320x128xf32, #tpu.memory_space<vmem>>
      tpu.enqueue_dma source(%dma_start3A_132 : memref<320x128xf32, #tpu.memory_space<vmem>>) target(%dma_start3A_129 : memref<320x128xf32, #tpu.memory_space<hbm>>) target_semaphore(%run_scoped3A : memref<!tpu.dma_semaphore, #tpu.memory_space<semaphore_mem>>)
      %dma_wait3A_133 = arith.constant 0 : i32
      %dma_wait3A_134 = arith.constant 0 : i32
      %dma_wait3A_135 = tpu.memref_slice %arg20[%dma_wait3A_133, %dma_wait3A_134] : memref<328x128xf32, #tpu.memory_space<vmem>> -> memref<320x128xf32, #tpu.memory_space<vmem>>
      %dma_wait3A_136 = arith.constant 0 : i32
      %dma_wait3A_137 = tpu.memref_slice %arg5[%add3A_113, %dma_wait3A_136] : memref<10240x128xf32, #tpu.memory_space<hbm>> -> memref<320x128xf32, #tpu.memory_space<hbm>>
      %dma_wait3A_138 = arith.constant 0 : i32
      %dma_wait3A_139 = tpu.memref_slice %arg5[%add3A_113, %dma_wait3A_138] : memref<10240x128xf32, #tpu.memory_space<hbm>> -> memref<320x128xf32, #tpu.memory_space<hbm>>
      %dma_wait3A_140 = arith.constant 0 : i32
      %dma_wait3A_141 = arith.constant 0 : i32
      %dma_wait3A_142 = tpu.memref_slice %arg20[%dma_wait3A_140, %dma_wait3A_141] : memref<328x128xf32, #tpu.memory_space<vmem>> -> memref<320x128xf32, #tpu.memory_space<vmem>>
      tpu.wait_dma2 semaphore(%run_scoped3A : memref<!tpu.dma_semaphore, #tpu.memory_space<semaphore_mem>>) src(%dma_wait3A_142 : memref<320x128xf32, #tpu.memory_space<vmem>>) dst(%dma_wait3A_139 : memref<320x128xf32, #tpu.memory_space<hbm>>)
      tpu.yield
    }) : () -> ()
    %barrier3A_114 = arith.constant 0 : index
    tpu.barrier barrier_id(%barrier3A_114)
    %broadcast_in_dim3A_115 = arith.constant 0.000000e+00 : f32
    %broadcast_in_dim3A_116 = vector.broadcast %broadcast_in_dim3A_115 : f32 to vector<16xf32>
    %scan3A_117 = arith.constant 0 : i32
    %scan3A_118 = arith.constant 0 : i32
    %scan3A_119 = arith.constant 328 : i32
    %scan3A_120 = arith.addi %scan3A_118, %scan3A_119 : i32
    %scan3A_121 = arith.constant 1 : i32
    scf.for %scan3A_123 = %scan3A_118 to %scan3A_120 step %scan3A_121  : i32 {
      %swap3A = arith.index_cast %scan3A_123 : i32 to index
      %swap3A_124 = arith.constant 0 : index
      %swap3A_125 = tpu.vector_load %arg20[%swap3A, %swap3A_124] {strides = array<i32>} : memref<328x128xf32, #tpu.memory_space<vmem>>, vector<1x16xf32>,
      %swap3A_126 = vector.shape_cast %swap3A_125 : vector<1x16xf32> to vector<16xf32>
      %swap3A_127 = vector.shape_cast %broadcast_in_dim3A_116 : vector<16xf32> to vector<1x16xf32>
      tpu.vector_store %arg20[%swap3A, %swap3A_124], %swap3A_127 {strides = array<i32>} : memref<328x128xf32, #tpu.memory_space<vmem>>, vector<1x16xf32>,
      %swap3A_128 = arith.index_cast %scan3A_123 : i32 to index
      %swap3A_129 = arith.constant 16 : index
      %swap3A_130 = tpu.vector_load %arg20[%swap3A_128, %swap3A_129] {strides = array<i32>} : memref<328x128xf32, #tpu.memory_space<vmem>>, vector<1x16xf32>,
      %swap3A_131 = vector.shape_cast %swap3A_130 : vector<1x16xf32> to vector<16xf32>
      %swap3A_132 = vector.shape_cast %broadcast_in_dim3A_116 : vector<16xf32> to vector<1x16xf32>
      tpu.vector_store %arg20[%swap3A_128, %swap3A_129], %swap3A_132 {strides = array<i32>} : memref<328x128xf32, #tpu.memory_space<vmem>>, vector<1x16xf32>,
      %swap3A_133 = arith.index_cast %scan3A_123 : i32 to index
      %swap3A_134 = arith.constant 32 : index
      %swap3A_135 = tpu.vector_load %arg20[%swap3A_133, %swap3A_134] {strides = array<i32>} : memref<328x128xf32, #tpu.memory_space<vmem>>, vector<1x16xf32>,
      %swap3A_136 = vector.shape_cast %swap3A_135 : vector<1x16xf32> to vector<16xf32>
      %swap3A_137 = vector.shape_cast %broadcast_in_dim3A_116 : vector<16xf32> to vector<1x16xf32>
      tpu.vector_store %arg20[%swap3A_133, %swap3A_134], %swap3A_137 {strides = array<i32>} : memref<328x128xf32, #tpu.memory_space<vmem>>, vector<1x16xf32>,
      %swap3A_138 = arith.index_cast %scan3A_123 : i32 to index
      %swap3A_139 = arith.constant 48 : index
      %swap3A_140 = tpu.vector_load %arg20[%swap3A_138, %swap3A_139] {strides = array<i32>} : memref<328x128xf32, #tpu.memory_space<vmem>>, vector<1x16xf32>,
      %swap3A_141 = vector.shape_cast %swap3A_140 : vector<1x16xf32> to vector<16xf32>
      %swap3A_142 = vector.shape_cast %broadcast_in_dim3A_116 : vector<16xf32> to vector<1x16xf32>
      tpu.vector_store %arg20[%swap3A_138, %swap3A_139], %swap3A_142 {strides = array<i32>} : memref<328x128xf32, #tpu.memory_space<vmem>>, vector<1x16xf32>,
      %swap3A_143 = arith.index_cast %scan3A_123 : i32 to index
      %swap3A_144 = arith.constant 64 : index
      %swap3A_145 = tpu.vector_load %arg20[%swap3A_143, %swap3A_144] {strides = array<i32>} : memref<328x128xf32, #tpu.memory_space<vmem>>, vector<1x16xf32>,
      %swap3A_146 = vector.shape_cast %swap3A_145 : vector<1x16xf32> to vector<16xf32>
      %swap3A_147 = vector.shape_cast %broadcast_in_dim3A_116 : vector<16xf32> to vector<1x16xf32>
      tpu.vector_store %arg20[%swap3A_143, %swap3A_144], %swap3A_147 {strides = array<i32>} : memref<328x128xf32, #tpu.memory_space<vmem>>, vector<1x16xf32>,
      %swap3A_148 = arith.index_cast %scan3A_123 : i32 to index
      %swap3A_149 = arith.constant 80 : index
      %swap3A_150 = tpu.vector_load %arg20[%swap3A_148, %swap3A_149] {strides = array<i32>} : memref<328x128xf32, #tpu.memory_space<vmem>>, vector<1x16xf32>,
      %swap3A_151 = vector.shape_cast %swap3A_150 : vector<1x16xf32> to vector<16xf32>
      %swap3A_152 = vector.shape_cast %broadcast_in_dim3A_116 : vector<16xf32> to vector<1x16xf32>
      tpu.vector_store %arg20[%swap3A_148, %swap3A_149], %swap3A_152 {strides = array<i32>} : memref<328x128xf32, #tpu.memory_space<vmem>>, vector<1x16xf32>,
      %swap3A_153 = arith.index_cast %scan3A_123 : i32 to index
      %swap3A_154 = arith.constant 96 : index
      %swap3A_155 = tpu.vector_load %arg20[%swap3A_153, %swap3A_154] {strides = array<i32>} : memref<328x128xf32, #tpu.memory_space<vmem>>, vector<1x16xf32>,
      %swap3A_156 = vector.shape_cast %swap3A_155 : vector<1x16xf32> to vector<16xf32>
      %swap3A_157 = vector.shape_cast %broadcast_in_dim3A_116 : vector<16xf32> to vector<1x16xf32>
      tpu.vector_store %arg20[%swap3A_153, %swap3A_154], %swap3A_157 {strides = array<i32>} : memref<328x128xf32, #tpu.memory_space<vmem>>, vector<1x16xf32>,
      %swap3A_158 = arith.index_cast %scan3A_123 : i32 to index
      %swap3A_159 = arith.constant 112 : index
      %swap3A_160 = tpu.vector_load %arg20[%swap3A_158, %swap3A_159] {strides = array<i32>} : memref<328x128xf32, #tpu.memory_space<vmem>>, vector<1x16xf32>,
      %swap3A_161 = vector.shape_cast %swap3A_160 : vector<1x16xf32> to vector<16xf32>
      %swap3A_162 = vector.shape_cast %broadcast_in_dim3A_116 : vector<16xf32> to vector<1x16xf32>
      tpu.vector_store %arg20[%swap3A_158, %swap3A_159], %swap3A_162 {strides = array<i32>} : memref<328x128xf32, #tpu.memory_space<vmem>>, vector<1x16xf32>,
    }
    %scan3A_122 = arith.constant 328 : i32
    return
  }
}

#map = affine_map<(d0, d1) -> (0, 0)>
#map1 = affine_map<(d0, d1) -> (0)>
module attributes {stable_mosaic.version = 14 : i64} {
  func.func @_agg_deg(%arg0: i32, %arg1: i32, %arg2: memref<10000x128xf32, #tpu.memory_space<hbm>>, %arg3: memref<2560x128xi32, #tpu.memory_space<hbm>>, %arg4: memref<2560x128xi32, #tpu.memory_space<hbm>>, %arg5: memref<10240x128xf32, #tpu.memory_space<hbm>>, %arg6: memref<10240xf32, #tpu.memory_space<hbm>>, %arg7: memref<128xi32, #tpu.memory_space<vmem>>, %arg8: memref<128xi32, #tpu.memory_space<vmem>>, %arg9: memref<128xi32, #tpu.memory_space<vmem>>, %arg10: memref<128xi32, #tpu.memory_space<vmem>>, %arg11: memref<128xi32, #tpu.memory_space<vmem>>, %arg12: memref<128xi32, #tpu.memory_space<vmem>>, %arg13: memref<128x128xf32, #tpu.memory_space<vmem>>, %arg14: memref<128x128xf32, #tpu.memory_space<vmem>>, %arg15: memref<!tpu.dma_semaphore, #tpu.memory_space<semaphore_mem>>, %arg16: memref<!tpu.dma_semaphore, #tpu.memory_space<semaphore_mem>>, %arg17: memref<!tpu.dma_semaphore, #tpu.memory_space<semaphore_mem>>, %arg18: memref<!tpu.dma_semaphore, #tpu.memory_space<semaphore_mem>>, %arg19: memref<!tpu.dma_semaphore, #tpu.memory_space<semaphore_mem>>, %arg20: memref<!tpu.dma_semaphore, #tpu.memory_space<semaphore_mem>>, %arg21: memref<328x128xf32, #tpu.memory_space<vmem>>, %arg22: memref<5248x128xf32, #tpu.memory_space<vmem_shared>>, %arg23: memref<128xf32, #tpu.memory_space<vmem>>, %arg24: memref<5248xf32, #tpu.memory_space<vmem>>, %arg25: memref<5248xf32, #tpu.memory_space<vmem_shared>>) attributes {dimension_semantics = [#tpu.dimension_semantics<core_parallel>, #tpu.dimension_semantics<subcore_parallel>], iteration_bounds = array<i64: 1, 16>, scalar_prefetch = 0 : i64, scratch_operands = 19 : i64, tpu.core_type = #tpu.core_type<sc_vector_subcore>, window_params = [{transform_indices = #map}, {transform_indices = #map}, {transform_indices = #map}, {transform_indices = #map}, {transform_indices = #map1}]} {
    %broadcast_in_dim3A = arith.constant 1.000000e+00 : f32
    %broadcast_in_dim3A_0 = vector.broadcast %broadcast_in_dim3A : f32 to vector<16xf32>
    %swap3A = arith.constant 0 : index
    %swap3A_1 = tpu.vector_load %arg23[%swap3A] {strides = array<i32>} : memref<128xf32, #tpu.memory_space<vmem>>, vector<16xf32>,
    %swap3A_2 = vector.shape_cast %swap3A_1 : vector<16xf32> to vector<16xf32>
    %swap3A_3 = vector.shape_cast %broadcast_in_dim3A_0 : vector<16xf32> to vector<16xf32>
    tpu.vector_store %arg23[%swap3A], %swap3A_3 {strides = array<i32>} : memref<128xf32, #tpu.memory_space<vmem>>, vector<16xf32>,
    %swap3A_4 = arith.constant 16 : index
    %swap3A_5 = tpu.vector_load %arg23[%swap3A_4] {strides = array<i32>} : memref<128xf32, #tpu.memory_space<vmem>>, vector<16xf32>,
    %swap3A_6 = vector.shape_cast %swap3A_5 : vector<16xf32> to vector<16xf32>
    %swap3A_7 = vector.shape_cast %broadcast_in_dim3A_0 : vector<16xf32> to vector<16xf32>
    tpu.vector_store %arg23[%swap3A_4], %swap3A_7 {strides = array<i32>} : memref<128xf32, #tpu.memory_space<vmem>>, vector<16xf32>,
    %swap3A_8 = arith.constant 32 : index
    %swap3A_9 = tpu.vector_load %arg23[%swap3A_8] {strides = array<i32>} : memref<128xf32, #tpu.memory_space<vmem>>, vector<16xf32>,
    %swap3A_10 = vector.shape_cast %swap3A_9 : vector<16xf32> to vector<16xf32>
    %swap3A_11 = vector.shape_cast %broadcast_in_dim3A_0 : vector<16xf32> to vector<16xf32>
    tpu.vector_store %arg23[%swap3A_8], %swap3A_11 {strides = array<i32>} : memref<128xf32, #tpu.memory_space<vmem>>, vector<16xf32>,
    %swap3A_12 = arith.constant 48 : index
    %swap3A_13 = tpu.vector_load %arg23[%swap3A_12] {strides = array<i32>} : memref<128xf32, #tpu.memory_space<vmem>>, vector<16xf32>,
    %swap3A_14 = vector.shape_cast %swap3A_13 : vector<16xf32> to vector<16xf32>
    %swap3A_15 = vector.shape_cast %broadcast_in_dim3A_0 : vector<16xf32> to vector<16xf32>
    tpu.vector_store %arg23[%swap3A_12], %swap3A_15 {strides = array<i32>} : memref<128xf32, #tpu.memory_space<vmem>>, vector<16xf32>,
    %swap3A_16 = arith.constant 64 : index
    %swap3A_17 = tpu.vector_load %arg23[%swap3A_16] {strides = array<i32>} : memref<128xf32, #tpu.memory_space<vmem>>, vector<16xf32>,
    %swap3A_18 = vector.shape_cast %swap3A_17 : vector<16xf32> to vector<16xf32>
    %swap3A_19 = vector.shape_cast %broadcast_in_dim3A_0 : vector<16xf32> to vector<16xf32>
    tpu.vector_store %arg23[%swap3A_16], %swap3A_19 {strides = array<i32>} : memref<128xf32, #tpu.memory_space<vmem>>, vector<16xf32>,
    %swap3A_20 = arith.constant 80 : index
    %swap3A_21 = tpu.vector_load %arg23[%swap3A_20] {strides = array<i32>} : memref<128xf32, #tpu.memory_space<vmem>>, vector<16xf32>,
    %swap3A_22 = vector.shape_cast %swap3A_21 : vector<16xf32> to vector<16xf32>
    %swap3A_23 = vector.shape_cast %broadcast_in_dim3A_0 : vector<16xf32> to vector<16xf32>
    tpu.vector_store %arg23[%swap3A_20], %swap3A_23 {strides = array<i32>} : memref<128xf32, #tpu.memory_space<vmem>>, vector<16xf32>,
    %swap3A_24 = arith.constant 96 : index
    %swap3A_25 = tpu.vector_load %arg23[%swap3A_24] {strides = array<i32>} : memref<128xf32, #tpu.memory_space<vmem>>, vector<16xf32>,
    %swap3A_26 = vector.shape_cast %swap3A_25 : vector<16xf32> to vector<16xf32>
    %swap3A_27 = vector.shape_cast %broadcast_in_dim3A_0 : vector<16xf32> to vector<16xf32>
    tpu.vector_store %arg23[%swap3A_24], %swap3A_27 {strides = array<i32>} : memref<128xf32, #tpu.memory_space<vmem>>, vector<16xf32>,
    %swap3A_28 = arith.constant 112 : index
    %swap3A_29 = tpu.vector_load %arg23[%swap3A_28] {strides = array<i32>} : memref<128xf32, #tpu.memory_space<vmem>>, vector<16xf32>,
    %swap3A_30 = vector.shape_cast %swap3A_29 : vector<16xf32> to vector<16xf32>
    %swap3A_31 = vector.shape_cast %broadcast_in_dim3A_0 : vector<16xf32> to vector<16xf32>
    tpu.vector_store %arg23[%swap3A_28], %swap3A_31 {strides = array<i32>} : memref<128xf32, #tpu.memory_space<vmem>>, vector<16xf32>,
    %broadcast_in_dim3A_32 = arith.constant 0.000000e+00 : f32
    %broadcast_in_dim3A_33 = vector.broadcast %broadcast_in_dim3A_32 : f32 to vector<16xf32>
    %scan3A = arith.constant 0 : i32
    %scan3A_34 = arith.constant 0 : i32
    %scan3A_35 = arith.constant 328 : i32
    %scan3A_36 = arith.addi %scan3A_34, %scan3A_35 : i32
    %scan3A_37 = arith.constant 1 : i32
    scf.for %scan3A_207 = %scan3A_34 to %scan3A_36 step %scan3A_37  : i32 {
      %swap3A_208 = arith.index_cast %scan3A_207 : i32 to index
      %swap3A_209 = arith.constant 0 : index
      %swap3A_210 = tpu.vector_load %arg21[%swap3A_208, %swap3A_209] {strides = array<i32>} : memref<328x128xf32, #tpu.memory_space<vmem>>, vector<1x16xf32>,
      %swap3A_211 = vector.shape_cast %swap3A_210 : vector<1x16xf32> to vector<16xf32>
      %swap3A_212 = vector.shape_cast %broadcast_in_dim3A_33 : vector<16xf32> to vector<1x16xf32>
      tpu.vector_store %arg21[%swap3A_208, %swap3A_209], %swap3A_212 {strides = array<i32>} : memref<328x128xf32, #tpu.memory_space<vmem>>, vector<1x16xf32>,
      %swap3A_213 = arith.index_cast %scan3A_207 : i32 to index
      %swap3A_214 = arith.constant 16 : index
      %swap3A_215 = tpu.vector_load %arg21[%swap3A_213, %swap3A_214] {strides = array<i32>} : memref<328x128xf32, #tpu.memory_space<vmem>>, vector<1x16xf32>,
      %swap3A_216 = vector.shape_cast %swap3A_215 : vector<1x16xf32> to vector<16xf32>
      %swap3A_217 = vector.shape_cast %broadcast_in_dim3A_33 : vector<16xf32> to vector<1x16xf32>
      tpu.vector_store %arg21[%swap3A_213, %swap3A_214], %swap3A_217 {strides = array<i32>} : memref<328x128xf32, #tpu.memory_space<vmem>>, vector<1x16xf32>,
      %swap3A_218 = arith.index_cast %scan3A_207 : i32 to index
      %swap3A_219 = arith.constant 32 : index
      %swap3A_220 = tpu.vector_load %arg21[%swap3A_218, %swap3A_219] {strides = array<i32>} : memref<328x128xf32, #tpu.memory_space<vmem>>, vector<1x16xf32>,
      %swap3A_221 = vector.shape_cast %swap3A_220 : vector<1x16xf32> to vector<16xf32>
      %swap3A_222 = vector.shape_cast %broadcast_in_dim3A_33 : vector<16xf32> to vector<1x16xf32>
      tpu.vector_store %arg21[%swap3A_218, %swap3A_219], %swap3A_222 {strides = array<i32>} : memref<328x128xf32, #tpu.memory_space<vmem>>, vector<1x16xf32>,
      %swap3A_223 = arith.index_cast %scan3A_207 : i32 to index
      %swap3A_224 = arith.constant 48 : index
      %swap3A_225 = tpu.vector_load %arg21[%swap3A_223, %swap3A_224] {strides = array<i32>} : memref<328x128xf32, #tpu.memory_space<vmem>>, vector<1x16xf32>,
      %swap3A_226 = vector.shape_cast %swap3A_225 : vector<1x16xf32> to vector<16xf32>
      %swap3A_227 = vector.shape_cast %broadcast_in_dim3A_33 : vector<16xf32> to vector<1x16xf32>
      tpu.vector_store %arg21[%swap3A_223, %swap3A_224], %swap3A_227 {strides = array<i32>} : memref<328x128xf32, #tpu.memory_space<vmem>>, vector<1x16xf32>,
      %swap3A_228 = arith.index_cast %scan3A_207 : i32 to index
      %swap3A_229 = arith.constant 64 : index
      %swap3A_230 = tpu.vector_load %arg21[%swap3A_228, %swap3A_229] {strides = array<i32>} : memref<328x128xf32, #tpu.memory_space<vmem>>, vector<1x16xf32>,
      %swap3A_231 = vector.shape_cast %swap3A_230 : vector<1x16xf32> to vector<16xf32>
      %swap3A_232 = vector.shape_cast %broadcast_in_dim3A_33 : vector<16xf32> to vector<1x16xf32>
      tpu.vector_store %arg21[%swap3A_228, %swap3A_229], %swap3A_232 {strides = array<i32>} : memref<328x128xf32, #tpu.memory_space<vmem>>, vector<1x16xf32>,
      %swap3A_233 = arith.index_cast %scan3A_207 : i32 to index
      %swap3A_234 = arith.constant 80 : index
      %swap3A_235 = tpu.vector_load %arg21[%swap3A_233, %swap3A_234] {strides = array<i32>} : memref<328x128xf32, #tpu.memory_space<vmem>>, vector<1x16xf32>,
      %swap3A_236 = vector.shape_cast %swap3A_235 : vector<1x16xf32> to vector<16xf32>
      %swap3A_237 = vector.shape_cast %broadcast_in_dim3A_33 : vector<16xf32> to vector<1x16xf32>
      tpu.vector_store %arg21[%swap3A_233, %swap3A_234], %swap3A_237 {strides = array<i32>} : memref<328x128xf32, #tpu.memory_space<vmem>>, vector<1x16xf32>,
      %swap3A_238 = arith.index_cast %scan3A_207 : i32 to index
      %swap3A_239 = arith.constant 96 : index
      %swap3A_240 = tpu.vector_load %arg21[%swap3A_238, %swap3A_239] {strides = array<i32>} : memref<328x128xf32, #tpu.memory_space<vmem>>, vector<1x16xf32>,
      %swap3A_241 = vector.shape_cast %swap3A_240 : vector<1x16xf32> to vector<16xf32>
      %swap3A_242 = vector.shape_cast %broadcast_in_dim3A_33 : vector<16xf32> to vector<1x16xf32>
      tpu.vector_store %arg21[%swap3A_238, %swap3A_239], %swap3A_242 {strides = array<i32>} : memref<328x128xf32, #tpu.memory_space<vmem>>, vector<1x16xf32>,
      %swap3A_243 = arith.index_cast %scan3A_207 : i32 to index
      %swap3A_244 = arith.constant 112 : index
      %swap3A_245 = tpu.vector_load %arg21[%swap3A_243, %swap3A_244] {strides = array<i32>} : memref<328x128xf32, #tpu.memory_space<vmem>>, vector<1x16xf32>,
      %swap3A_246 = vector.shape_cast %swap3A_245 : vector<1x16xf32> to vector<16xf32>
      %swap3A_247 = vector.shape_cast %broadcast_in_dim3A_33 : vector<16xf32> to vector<1x16xf32>
      tpu.vector_store %arg21[%swap3A_243, %swap3A_244], %swap3A_247 {strides = array<i32>} : memref<328x128xf32, #tpu.memory_space<vmem>>, vector<1x16xf32>,
    }
    %scan3A_38 = arith.constant 328 : i32
    %broadcast_in_dim3A_39 = arith.constant 0.000000e+00 : f32
    %broadcast_in_dim3A_40 = vector.broadcast %broadcast_in_dim3A_39 : f32 to vector<16xf32>
    %scan3A_41 = arith.constant 0 : i32
    %scan3A_42 = arith.constant 0 : i32
    %scan3A_43 = arith.constant 328 : i32
    %scan3A_44 = arith.addi %scan3A_42, %scan3A_43 : i32
    %scan3A_45 = arith.constant 1 : i32
    scf.for %scan3A_207 = %scan3A_42 to %scan3A_44 step %scan3A_45  : i32 {
      %mul3A_208 = arith.constant 16 : i32
      %mul3A_209 = arith.muli %scan3A_207, %mul3A_208 : i32
      %swap3A_210 = arith.index_cast %mul3A_209 : i32 to index
      %swap3A_211 = tpu.vector_load %arg24[%swap3A_210] {strides = array<i32>} : memref<5248xf32, #tpu.memory_space<vmem>>, vector<16xf32>,
      %swap3A_212 = vector.shape_cast %swap3A_211 : vector<16xf32> to vector<16xf32>
      %swap3A_213 = vector.shape_cast %broadcast_in_dim3A_40 : vector<16xf32> to vector<16xf32>
      tpu.vector_store %arg24[%swap3A_210], %swap3A_213 {strides = array<i32>} : memref<5248xf32, #tpu.memory_space<vmem>>, vector<16xf32>,
    }
    %scan3A_46 = arith.constant 328 : i32
    %mul3A = arith.constant 328 : i32
    %mul3A_47 = arith.muli %arg1, %mul3A : i32
    "tpu.region"() ({
      %run_scoped3A = tpu.sem_alloc : memref<!tpu.dma_semaphore, #tpu.memory_space<semaphore_mem>>
      %dma_start3A_207 = arith.constant 0 : i32
      %dma_start3A_208 = arith.constant 0 : i32
      %dma_start3A_209 = tpu.memref_slice %arg21[%dma_start3A_207, %dma_start3A_208] : memref<328x128xf32, #tpu.memory_space<vmem>> -> memref<328x128xf32, #tpu.memory_space<vmem>>
      %dma_start3A_210 = arith.constant 0 : i32
      %dma_start3A_211 = tpu.memref_slice %arg22[%mul3A_47, %dma_start3A_210] : memref<5248x128xf32, #tpu.memory_space<vmem_shared>> -> memref<328x128xf32, #tpu.memory_space<vmem_shared>>
      %dma_start3A_212 = arith.constant 0 : i32
      %dma_start3A_213 = tpu.memref_slice %arg22[%mul3A_47, %dma_start3A_212] : memref<5248x128xf32, #tpu.memory_space<vmem_shared>> -> memref<328x128xf32, #tpu.memory_space<vmem_shared>>
      %dma_start3A_214 = arith.constant 0 : i32
      %dma_start3A_215 = arith.constant 0 : i32
      %dma_start3A_216 = tpu.memref_slice %arg21[%dma_start3A_214, %dma_start3A_215] : memref<328x128xf32, #tpu.memory_space<vmem>> -> memref<328x128xf32, #tpu.memory_space<vmem>>
      tpu.enqueue_dma source(%dma_start3A_216 : memref<328x128xf32, #tpu.memory_space<vmem>>) target(%dma_start3A_213 : memref<328x128xf32, #tpu.memory_space<vmem_shared>>) target_semaphore(%run_scoped3A : memref<!tpu.dma_semaphore, #tpu.memory_space<semaphore_mem>>)
      %dma_wait3A_217 = arith.constant 0 : i32
      %dma_wait3A_218 = arith.constant 0 : i32
      %dma_wait3A_219 = tpu.memref_slice %arg21[%dma_wait3A_217, %dma_wait3A_218] : memref<328x128xf32, #tpu.memory_space<vmem>> -> memref<328x128xf32, #tpu.memory_space<vmem>>
      %dma_wait3A_220 = arith.constant 0 : i32
      %dma_wait3A_221 = tpu.memref_slice %arg22[%mul3A_47, %dma_wait3A_220] : memref<5248x128xf32, #tpu.memory_space<vmem_shared>> -> memref<328x128xf32, #tpu.memory_space<vmem_shared>>
      %dma_wait3A_222 = arith.constant 0 : i32
      %dma_wait3A_223 = tpu.memref_slice %arg22[%mul3A_47, %dma_wait3A_222] : memref<5248x128xf32, #tpu.memory_space<vmem_shared>> -> memref<328x128xf32, #tpu.memory_space<vmem_shared>>
      %dma_wait3A_224 = arith.constant 0 : i32
      %dma_wait3A_225 = arith.constant 0 : i32
      %dma_wait3A_226 = tpu.memref_slice %arg21[%dma_wait3A_224, %dma_wait3A_225] : memref<328x128xf32, #tpu.memory_space<vmem>> -> memref<328x128xf32, #tpu.memory_space<vmem>>
      tpu.wait_dma2 semaphore(%run_scoped3A : memref<!tpu.dma_semaphore, #tpu.memory_space<semaphore_mem>>) src(%dma_wait3A_226 : memref<328x128xf32, #tpu.memory_space<vmem>>) dst(%dma_wait3A_223 : memref<328x128xf32, #tpu.memory_space<vmem_shared>>)
      tpu.yield
    }) : () -> ()
    %eq3A = arith.constant 0 : i32
    %eq3A_48 = arith.cmpi eq, %arg1, %eq3A : i32
    %convert_element_type3A = arith.extui %eq3A_48 : i1 to i32
    %cond3A = arith.constant 0 : i32
    %cond3A_49 = arith.cmpi ne, %convert_element_type3A, %cond3A : i32
    scf.if %cond3A_49 {
      "tpu.region"() ({
        %run_scoped3A = tpu.sem_alloc : memref<!tpu.dma_semaphore, #tpu.memory_space<semaphore_mem>>
        tpu.enqueue_dma source(%arg24 : memref<5248xf32, #tpu.memory_space<vmem>>) target(%arg25 : memref<5248xf32, #tpu.memory_space<vmem_shared>>) target_semaphore(%run_scoped3A : memref<!tpu.dma_semaphore, #tpu.memory_space<semaphore_mem>>)
        tpu.wait_dma2 semaphore(%run_scoped3A : memref<!tpu.dma_semaphore, #tpu.memory_space<semaphore_mem>>) src(%arg24 : memref<5248xf32, #tpu.memory_space<vmem>>) dst(%arg25 : memref<5248xf32, #tpu.memory_space<vmem_shared>>)
        tpu.yield
      }) : () -> ()
    } else {
    }
    %barrier3A = arith.constant 0 : index
    tpu.barrier barrier_id(%barrier3A)
    %mul3A_50 = arith.constant 160 : i32
    %mul3A_51 = arith.muli %arg1, %mul3A_50 : i32
    %add3A = arith.constant 0 : i32
    %add3A_52 = arith.addi %mul3A_51, %add3A : i32
    %dma_start3A = arith.constant 0 : i32
    %dma_start3A_53 = tpu.memref_slice %arg3[%add3A_52, %dma_start3A] : memref<2560x128xi32, #tpu.memory_space<hbm>> -> memref<1x128xi32, #tpu.memory_space<hbm>>
    %dma_start3A_54 = tpu.memref_squeeze %dma_start3A_53 : memref<1x128xi32, #tpu.memory_space<hbm>> -> memref<128xi32, #tpu.memory_space<hbm>>
    %dma_start3A_55 = arith.constant 0 : i32
    %dma_start3A_56 = tpu.memref_slice %arg3[%add3A_52, %dma_start3A_55] : memref<2560x128xi32, #tpu.memory_space<hbm>> -> memref<1x128xi32, #tpu.memory_space<hbm>>
    %dma_start3A_57 = tpu.memref_squeeze %dma_start3A_56 : memref<1x128xi32, #tpu.memory_space<hbm>> -> memref<128xi32, #tpu.memory_space<hbm>>
    tpu.enqueue_dma source(%dma_start3A_57 : memref<128xi32, #tpu.memory_space<hbm>>) target(%arg7 : memref<128xi32, #tpu.memory_space<vmem>>) target_semaphore(%arg15 : memref<!tpu.dma_semaphore, #tpu.memory_space<semaphore_mem>>)
    %dma_start3A_58 = arith.constant 0 : i32
    %dma_start3A_59 = tpu.memref_slice %arg4[%add3A_52, %dma_start3A_58] : memref<2560x128xi32, #tpu.memory_space<hbm>> -> memref<1x128xi32, #tpu.memory_space<hbm>>
    %dma_start3A_60 = tpu.memref_squeeze %dma_start3A_59 : memref<1x128xi32, #tpu.memory_space<hbm>> -> memref<128xi32, #tpu.memory_space<hbm>>
    %dma_start3A_61 = arith.constant 0 : i32
    %dma_start3A_62 = tpu.memref_slice %arg4[%add3A_52, %dma_start3A_61] : memref<2560x128xi32, #tpu.memory_space<hbm>> -> memref<1x128xi32, #tpu.memory_space<hbm>>
    %dma_start3A_63 = tpu.memref_squeeze %dma_start3A_62 : memref<1x128xi32, #tpu.memory_space<hbm>> -> memref<128xi32, #tpu.memory_space<hbm>>
    tpu.enqueue_dma source(%dma_start3A_63 : memref<128xi32, #tpu.memory_space<hbm>>) target(%arg9 : memref<128xi32, #tpu.memory_space<vmem>>) target_semaphore(%arg15 : memref<!tpu.dma_semaphore, #tpu.memory_space<semaphore_mem>>)
    %add3A_64 = arith.constant 1 : i32
    %add3A_65 = arith.addi %mul3A_51, %add3A_64 : i32
    %dma_start3A_66 = arith.constant 0 : i32
    %dma_start3A_67 = tpu.memref_slice %arg3[%add3A_65, %dma_start3A_66] : memref<2560x128xi32, #tpu.memory_space<hbm>> -> memref<1x128xi32, #tpu.memory_space<hbm>>
    %dma_start3A_68 = tpu.memref_squeeze %dma_start3A_67 : memref<1x128xi32, #tpu.memory_space<hbm>> -> memref<128xi32, #tpu.memory_space<hbm>>
    %dma_start3A_69 = arith.constant 0 : i32
    %dma_start3A_70 = tpu.memref_slice %arg3[%add3A_65, %dma_start3A_69] : memref<2560x128xi32, #tpu.memory_space<hbm>> -> memref<1x128xi32, #tpu.memory_space<hbm>>
    %dma_start3A_71 = tpu.memref_squeeze %dma_start3A_70 : memref<1x128xi32, #tpu.memory_space<hbm>> -> memref<128xi32, #tpu.memory_space<hbm>>
    tpu.enqueue_dma source(%dma_start3A_71 : memref<128xi32, #tpu.memory_space<hbm>>) target(%arg8 : memref<128xi32, #tpu.memory_space<vmem>>) target_semaphore(%arg16 : memref<!tpu.dma_semaphore, #tpu.memory_space<semaphore_mem>>)
    %dma_start3A_72 = arith.constant 0 : i32
    %dma_start3A_73 = tpu.memref_slice %arg4[%add3A_65, %dma_start3A_72] : memref<2560x128xi32, #tpu.memory_space<hbm>> -> memref<1x128xi32, #tpu.memory_space<hbm>>
    %dma_start3A_74 = tpu.memref_squeeze %dma_start3A_73 : memref<1x128xi32, #tpu.memory_space<hbm>> -> memref<128xi32, #tpu.memory_space<hbm>>
    %dma_start3A_75 = arith.constant 0 : i32
    %dma_start3A_76 = tpu.memref_slice %arg4[%add3A_65, %dma_start3A_75] : memref<2560x128xi32, #tpu.memory_space<hbm>> -> memref<1x128xi32, #tpu.memory_space<hbm>>
    %dma_start3A_77 = tpu.memref_squeeze %dma_start3A_76 : memref<1x128xi32, #tpu.memory_space<hbm>> -> memref<128xi32, #tpu.memory_space<hbm>>
    tpu.enqueue_dma source(%dma_start3A_77 : memref<128xi32, #tpu.memory_space<hbm>>) target(%arg10 : memref<128xi32, #tpu.memory_space<vmem>>) target_semaphore(%arg16 : memref<!tpu.dma_semaphore, #tpu.memory_space<semaphore_mem>>)
    %scan3A_78 = arith.constant 0 : i32
    %scan3A_79 = arith.constant 0 : i32
    %scan3A_80 = arith.constant 80 : i32
    %scan3A_81 = arith.addi %scan3A_79, %scan3A_80 : i32
    %scan3A_82 = arith.constant 1 : i32
    scf.for %scan3A_207 = %scan3A_79 to %scan3A_81 step %scan3A_82  : i32 {
      %mul3A_208 = arith.constant 2 : i32
      %mul3A_209 = arith.muli %scan3A_207, %mul3A_208 : i32
      %add3A_210 = arith.constant 0 : i32
      %add3A_211 = arith.addi %mul3A_209, %add3A_210 : i32
      %gt3A = arith.constant 0 : i32
      %gt3A_212 = arith.cmpi sgt, %scan3A_207, %gt3A : i32
      %convert_element_type3A_213 = arith.extui %gt3A_212 : i1 to i32
      %cond3A_214 = arith.constant 0 : i32
      %cond3A_215 = arith.cmpi ne, %convert_element_type3A_213, %cond3A_214 : i32
      scf.if %cond3A_215 {
        %dma_wait3A_608 = arith.constant 0 : i32
        %dma_wait3A_609 = arith.constant 0 : i32
        %dma_wait3A_610 = tpu.memref_slice %arg22[%dma_wait3A_608, %dma_wait3A_609] : memref<5248x128xf32, #tpu.memory_space<vmem_shared>> -> memref<5248x128xf32, #tpu.memory_space<vmem_shared>>
        tpu.wait_indirect_dma semaphore(%arg19 : memref<!tpu.dma_semaphore, #tpu.memory_space<semaphore_mem>>) src(%arg13 : memref<128x128xf32, #tpu.memory_space<vmem>>) dst(%dma_wait3A_610 : memref<5248x128xf32, #tpu.memory_space<vmem_shared>>)
        %dma_wait3A_611 = arith.constant 0 : i32
        %dma_wait3A_612 = tpu.memref_slice %arg25[%dma_wait3A_611] : memref<5248xf32, #tpu.memory_space<vmem_shared>> -> memref<5248xf32, #tpu.memory_space<vmem_shared>>
        tpu.wait_indirect_dma semaphore(%arg19 : memref<!tpu.dma_semaphore, #tpu.memory_space<semaphore_mem>>) src(%arg23 : memref<128xf32, #tpu.memory_space<vmem>>) dst(%dma_wait3A_612 : memref<5248xf32, #tpu.memory_space<vmem_shared>>)
      } else {
      }
      %add3A_216 = arith.addi %mul3A_51, %add3A_211 : i32
      %dma_wait3A_217 = arith.constant 0 : i32
      %dma_wait3A_218 = tpu.memref_slice %arg3[%add3A_216, %dma_wait3A_217] : memref<2560x128xi32, #tpu.memory_space<hbm>> -> memref<1x128xi32, #tpu.memory_space<hbm>>
      %dma_wait3A_219 = tpu.memref_squeeze %dma_wait3A_218 : memref<1x128xi32, #tpu.memory_space<hbm>> -> memref<128xi32, #tpu.memory_space<hbm>>
      %dma_wait3A_220 = arith.constant 0 : i32
      %dma_wait3A_221 = tpu.memref_slice %arg3[%add3A_216, %dma_wait3A_220] : memref<2560x128xi32, #tpu.memory_space<hbm>> -> memref<1x128xi32, #tpu.memory_space<hbm>>
      %dma_wait3A_222 = tpu.memref_squeeze %dma_wait3A_221 : memref<1x128xi32, #tpu.memory_space<hbm>> -> memref<128xi32, #tpu.memory_space<hbm>>
      tpu.wait_dma2 semaphore(%arg15 : memref<!tpu.dma_semaphore, #tpu.memory_space<semaphore_mem>>) src(%dma_wait3A_222 : memref<128xi32, #tpu.memory_space<hbm>>) dst(%arg7 : memref<128xi32, #tpu.memory_space<vmem>>)
      %dma_wait3A_223 = arith.constant 0 : i32
      %dma_wait3A_224 = tpu.memref_slice %arg4[%add3A_216, %dma_wait3A_223] : memref<2560x128xi32, #tpu.memory_space<hbm>> -> memref<1x128xi32, #tpu.memory_space<hbm>>
      %dma_wait3A_225 = tpu.memref_squeeze %dma_wait3A_224 : memref<1x128xi32, #tpu.memory_space<hbm>> -> memref<128xi32, #tpu.memory_space<hbm>>
      %dma_wait3A_226 = arith.constant 0 : i32
      %dma_wait3A_227 = tpu.memref_slice %arg4[%add3A_216, %dma_wait3A_226] : memref<2560x128xi32, #tpu.memory_space<hbm>> -> memref<1x128xi32, #tpu.memory_space<hbm>>
      %dma_wait3A_228 = tpu.memref_squeeze %dma_wait3A_227 : memref<1x128xi32, #tpu.memory_space<hbm>> -> memref<128xi32, #tpu.memory_space<hbm>>
      tpu.wait_dma2 semaphore(%arg15 : memref<!tpu.dma_semaphore, #tpu.memory_space<semaphore_mem>>) src(%dma_wait3A_228 : memref<128xi32, #tpu.memory_space<hbm>>) dst(%arg9 : memref<128xi32, #tpu.memory_space<vmem>>)
      %get3A = arith.constant 0 : index
      %get3A_229 = tpu.vector_load %arg9[%get3A] {strides = array<i32>} : memref<128xi32, #tpu.memory_space<vmem>>, vector<16xi32>,
      %get3A_230 = vector.shape_cast %get3A_229 : vector<16xi32> to vector<16xi32>
      %ge3A = arith.constant 0 : i32
      %ge3A_231 = vector.broadcast %ge3A : i32 to vector<16xi32>
      %ge3A_232 = arith.cmpi sge, %get3A_230, %ge3A_231 : vector<16xi32>
      %lt3A = arith.constant 5120 : i32
      %lt3A_233 = vector.broadcast %lt3A : i32 to vector<16xi32>
      %lt3A_234 = arith.cmpi slt, %get3A_230, %lt3A_233 : vector<16xi32>
      %and3A = arith.andi %ge3A_232, %lt3A_234 : vector<16xi1>
      %sub3A = arith.constant 0 : i32
      %sub3A_235 = vector.broadcast %sub3A : i32 to vector<16xi32>
      %sub3A_236 = arith.subi %get3A_230, %sub3A_235 : vector<16xi32>
      %jit3A = arith.constant 5120 : i32
      %broadcast_in_dim3A_237 = vector.broadcast %jit3A : i32 to vector<16xi32>
      %select_n3A = arith.select %and3A, %sub3A_236, %broadcast_in_dim3A_237 : vector<16xi1>, vector<16xi32>
      %swap3A_238 = arith.constant 0 : index
      %swap3A_239 = tpu.vector_load %arg11[%swap3A_238] {strides = array<i32>} : memref<128xi32, #tpu.memory_space<vmem>>, vector<16xi32>,
      %swap3A_240 = vector.shape_cast %swap3A_239 : vector<16xi32> to vector<16xi32>
      %swap3A_241 = vector.shape_cast %select_n3A : vector<16xi32> to vector<16xi32>
      tpu.vector_store %arg11[%swap3A_238], %swap3A_241 {strides = array<i32>} : memref<128xi32, #tpu.memory_space<vmem>>, vector<16xi32>,
      %get3A_242 = arith.constant 16 : index
      %get3A_243 = tpu.vector_load %arg9[%get3A_242] {strides = array<i32>} : memref<128xi32, #tpu.memory_space<vmem>>, vector<16xi32>,
      %get3A_244 = vector.shape_cast %get3A_243 : vector<16xi32> to vector<16xi32>
      %ge3A_245 = arith.constant 0 : i32
      %ge3A_246 = vector.broadcast %ge3A_245 : i32 to vector<16xi32>
      %ge3A_247 = arith.cmpi sge, %get3A_244, %ge3A_246 : vector<16xi32>
      %lt3A_248 = arith.constant 5120 : i32
      %lt3A_249 = vector.broadcast %lt3A_248 : i32 to vector<16xi32>
      %lt3A_250 = arith.cmpi slt, %get3A_244, %lt3A_249 : vector<16xi32>
      %and3A_251 = arith.andi %ge3A_247, %lt3A_250 : vector<16xi1>
      %sub3A_252 = arith.constant 0 : i32
      %sub3A_253 = vector.broadcast %sub3A_252 : i32 to vector<16xi32>
      %sub3A_254 = arith.subi %get3A_244, %sub3A_253 : vector<16xi32>
      %jit3A_255 = arith.constant 5120 : i32
      %broadcast_in_dim3A_256 = vector.broadcast %jit3A_255 : i32 to vector<16xi32>
      %select_n3A_257 = arith.select %and3A_251, %sub3A_254, %broadcast_in_dim3A_256 : vector<16xi1>, vector<16xi32>
      %swap3A_258 = arith.constant 16 : index
      %swap3A_259 = tpu.vector_load %arg11[%swap3A_258] {strides = array<i32>} : memref<128xi32, #tpu.memory_space<vmem>>, vector<16xi32>,
      %swap3A_260 = vector.shape_cast %swap3A_259 : vector<16xi32> to vector<16xi32>
      %swap3A_261 = vector.shape_cast %select_n3A_257 : vector<16xi32> to vector<16xi32>
      tpu.vector_store %arg11[%swap3A_258], %swap3A_261 {strides = array<i32>} : memref<128xi32, #tpu.memory_space<vmem>>, vector<16xi32>,
      %get3A_262 = arith.constant 32 : index
      %get3A_263 = tpu.vector_load %arg9[%get3A_262] {strides = array<i32>} : memref<128xi32, #tpu.memory_space<vmem>>, vector<16xi32>,
      %get3A_264 = vector.shape_cast %get3A_263 : vector<16xi32> to vector<16xi32>
      %ge3A_265 = arith.constant 0 : i32
      %ge3A_266 = vector.broadcast %ge3A_265 : i32 to vector<16xi32>
      %ge3A_267 = arith.cmpi sge, %get3A_264, %ge3A_266 : vector<16xi32>
      %lt3A_268 = arith.constant 5120 : i32
      %lt3A_269 = vector.broadcast %lt3A_268 : i32 to vector<16xi32>
      %lt3A_270 = arith.cmpi slt, %get3A_264, %lt3A_269 : vector<16xi32>
      %and3A_271 = arith.andi %ge3A_267, %lt3A_270 : vector<16xi1>
      %sub3A_272 = arith.constant 0 : i32
      %sub3A_273 = vector.broadcast %sub3A_272 : i32 to vector<16xi32>
      %sub3A_274 = arith.subi %get3A_264, %sub3A_273 : vector<16xi32>
      %jit3A_275 = arith.constant 5120 : i32
      %broadcast_in_dim3A_276 = vector.broadcast %jit3A_275 : i32 to vector<16xi32>
      %select_n3A_277 = arith.select %and3A_271, %sub3A_274, %broadcast_in_dim3A_276 : vector<16xi1>, vector<16xi32>
      %swap3A_278 = arith.constant 32 : index
      %swap3A_279 = tpu.vector_load %arg11[%swap3A_278] {strides = array<i32>} : memref<128xi32, #tpu.memory_space<vmem>>, vector<16xi32>,
      %swap3A_280 = vector.shape_cast %swap3A_279 : vector<16xi32> to vector<16xi32>
      %swap3A_281 = vector.shape_cast %select_n3A_277 : vector<16xi32> to vector<16xi32>
      tpu.vector_store %arg11[%swap3A_278], %swap3A_281 {strides = array<i32>} : memref<128xi32, #tpu.memory_space<vmem>>, vector<16xi32>,
      %get3A_282 = arith.constant 48 : index
      %get3A_283 = tpu.vector_load %arg9[%get3A_282] {strides = array<i32>} : memref<128xi32, #tpu.memory_space<vmem>>, vector<16xi32>,
      %get3A_284 = vector.shape_cast %get3A_283 : vector<16xi32> to vector<16xi32>
      %ge3A_285 = arith.constant 0 : i32
      %ge3A_286 = vector.broadcast %ge3A_285 : i32 to vector<16xi32>
      %ge3A_287 = arith.cmpi sge, %get3A_284, %ge3A_286 : vector<16xi32>
      %lt3A_288 = arith.constant 5120 : i32
      %lt3A_289 = vector.broadcast %lt3A_288 : i32 to vector<16xi32>
      %lt3A_290 = arith.cmpi slt, %get3A_284, %lt3A_289 : vector<16xi32>
      %and3A_291 = arith.andi %ge3A_287, %lt3A_290 : vector<16xi1>
      %sub3A_292 = arith.constant 0 : i32
      %sub3A_293 = vector.broadcast %sub3A_292 : i32 to vector<16xi32>
      %sub3A_294 = arith.subi %get3A_284, %sub3A_293 : vector<16xi32>
      %jit3A_295 = arith.constant 5120 : i32
      %broadcast_in_dim3A_296 = vector.broadcast %jit3A_295 : i32 to vector<16xi32>
      %select_n3A_297 = arith.select %and3A_291, %sub3A_294, %broadcast_in_dim3A_296 : vector<16xi1>, vector<16xi32>
      %swap3A_298 = arith.constant 48 : index
      %swap3A_299 = tpu.vector_load %arg11[%swap3A_298] {strides = array<i32>} : memref<128xi32, #tpu.memory_space<vmem>>, vector<16xi32>,
      %swap3A_300 = vector.shape_cast %swap3A_299 : vector<16xi32> to vector<16xi32>
      %swap3A_301 = vector.shape_cast %select_n3A_297 : vector<16xi32> to vector<16xi32>
      tpu.vector_store %arg11[%swap3A_298], %swap3A_301 {strides = array<i32>} : memref<128xi32, #tpu.memory_space<vmem>>, vector<16xi32>,
      %get3A_302 = arith.constant 64 : index
      %get3A_303 = tpu.vector_load %arg9[%get3A_302] {strides = array<i32>} : memref<128xi32, #tpu.memory_space<vmem>>, vector<16xi32>,
      %get3A_304 = vector.shape_cast %get3A_303 : vector<16xi32> to vector<16xi32>
      %ge3A_305 = arith.constant 0 : i32
      %ge3A_306 = vector.broadcast %ge3A_305 : i32 to vector<16xi32>
      %ge3A_307 = arith.cmpi sge, %get3A_304, %ge3A_306 : vector<16xi32>
      %lt3A_308 = arith.constant 5120 : i32
      %lt3A_309 = vector.broadcast %lt3A_308 : i32 to vector<16xi32>
      %lt3A_310 = arith.cmpi slt, %get3A_304, %lt3A_309 : vector<16xi32>
      %and3A_311 = arith.andi %ge3A_307, %lt3A_310 : vector<16xi1>
      %sub3A_312 = arith.constant 0 : i32
      %sub3A_313 = vector.broadcast %sub3A_312 : i32 to vector<16xi32>
      %sub3A_314 = arith.subi %get3A_304, %sub3A_313 : vector<16xi32>
      %jit3A_315 = arith.constant 5120 : i32
      %broadcast_in_dim3A_316 = vector.broadcast %jit3A_315 : i32 to vector<16xi32>
      %select_n3A_317 = arith.select %and3A_311, %sub3A_314, %broadcast_in_dim3A_316 : vector<16xi1>, vector<16xi32>
      %swap3A_318 = arith.constant 64 : index
      %swap3A_319 = tpu.vector_load %arg11[%swap3A_318] {strides = array<i32>} : memref<128xi32, #tpu.memory_space<vmem>>, vector<16xi32>,
      %swap3A_320 = vector.shape_cast %swap3A_319 : vector<16xi32> to vector<16xi32>
      %swap3A_321 = vector.shape_cast %select_n3A_317 : vector<16xi32> to vector<16xi32>
      tpu.vector_store %arg11[%swap3A_318], %swap3A_321 {strides = array<i32>} : memref<128xi32, #tpu.memory_space<vmem>>, vector<16xi32>,
      %get3A_322 = arith.constant 80 : index
      %get3A_323 = tpu.vector_load %arg9[%get3A_322] {strides = array<i32>} : memref<128xi32, #tpu.memory_space<vmem>>, vector<16xi32>,
      %get3A_324 = vector.shape_cast %get3A_323 : vector<16xi32> to vector<16xi32>
      %ge3A_325 = arith.constant 0 : i32
      %ge3A_326 = vector.broadcast %ge3A_325 : i32 to vector<16xi32>
      %ge3A_327 = arith.cmpi sge, %get3A_324, %ge3A_326 : vector<16xi32>
      %lt3A_328 = arith.constant 5120 : i32
      %lt3A_329 = vector.broadcast %lt3A_328 : i32 to vector<16xi32>
      %lt3A_330 = arith.cmpi slt, %get3A_324, %lt3A_329 : vector<16xi32>
      %and3A_331 = arith.andi %ge3A_327, %lt3A_330 : vector<16xi1>
      %sub3A_332 = arith.constant 0 : i32
      %sub3A_333 = vector.broadcast %sub3A_332 : i32 to vector<16xi32>
      %sub3A_334 = arith.subi %get3A_324, %sub3A_333 : vector<16xi32>
      %jit3A_335 = arith.constant 5120 : i32
      %broadcast_in_dim3A_336 = vector.broadcast %jit3A_335 : i32 to vector<16xi32>
      %select_n3A_337 = arith.select %and3A_331, %sub3A_334, %broadcast_in_dim3A_336 : vector<16xi1>, vector<16xi32>
      %swap3A_338 = arith.constant 80 : index
      %swap3A_339 = tpu.vector_load %arg11[%swap3A_338] {strides = array<i32>} : memref<128xi32, #tpu.memory_space<vmem>>, vector<16xi32>,
      %swap3A_340 = vector.shape_cast %swap3A_339 : vector<16xi32> to vector<16xi32>
      %swap3A_341 = vector.shape_cast %select_n3A_337 : vector<16xi32> to vector<16xi32>
      tpu.vector_store %arg11[%swap3A_338], %swap3A_341 {strides = array<i32>} : memref<128xi32, #tpu.memory_space<vmem>>, vector<16xi32>,
      %get3A_342 = arith.constant 96 : index
      %get3A_343 = tpu.vector_load %arg9[%get3A_342] {strides = array<i32>} : memref<128xi32, #tpu.memory_space<vmem>>, vector<16xi32>,
      %get3A_344 = vector.shape_cast %get3A_343 : vector<16xi32> to vector<16xi32>
      %ge3A_345 = arith.constant 0 : i32
      %ge3A_346 = vector.broadcast %ge3A_345 : i32 to vector<16xi32>
      %ge3A_347 = arith.cmpi sge, %get3A_344, %ge3A_346 : vector<16xi32>
      %lt3A_348 = arith.constant 5120 : i32
      %lt3A_349 = vector.broadcast %lt3A_348 : i32 to vector<16xi32>
      %lt3A_350 = arith.cmpi slt, %get3A_344, %lt3A_349 : vector<16xi32>
      %and3A_351 = arith.andi %ge3A_347, %lt3A_350 : vector<16xi1>
      %sub3A_352 = arith.constant 0 : i32
      %sub3A_353 = vector.broadcast %sub3A_352 : i32 to vector<16xi32>
      %sub3A_354 = arith.subi %get3A_344, %sub3A_353 : vector<16xi32>
      %jit3A_355 = arith.constant 5120 : i32
      %broadcast_in_dim3A_356 = vector.broadcast %jit3A_355 : i32 to vector<16xi32>
      %select_n3A_357 = arith.select %and3A_351, %sub3A_354, %broadcast_in_dim3A_356 : vector<16xi1>, vector<16xi32>
      %swap3A_358 = arith.constant 96 : index
      %swap3A_359 = tpu.vector_load %arg11[%swap3A_358] {strides = array<i32>} : memref<128xi32, #tpu.memory_space<vmem>>, vector<16xi32>,
      %swap3A_360 = vector.shape_cast %swap3A_359 : vector<16xi32> to vector<16xi32>
      %swap3A_361 = vector.shape_cast %select_n3A_357 : vector<16xi32> to vector<16xi32>
      tpu.vector_store %arg11[%swap3A_358], %swap3A_361 {strides = array<i32>} : memref<128xi32, #tpu.memory_space<vmem>>, vector<16xi32>,
      %get3A_362 = arith.constant 112 : index
      %get3A_363 = tpu.vector_load %arg9[%get3A_362] {strides = array<i32>} : memref<128xi32, #tpu.memory_space<vmem>>, vector<16xi32>,
      %get3A_364 = vector.shape_cast %get3A_363 : vector<16xi32> to vector<16xi32>
      %ge3A_365 = arith.constant 0 : i32
      %ge3A_366 = vector.broadcast %ge3A_365 : i32 to vector<16xi32>
      %ge3A_367 = arith.cmpi sge, %get3A_364, %ge3A_366 : vector<16xi32>
      %lt3A_368 = arith.constant 5120 : i32
      %lt3A_369 = vector.broadcast %lt3A_368 : i32 to vector<16xi32>
      %lt3A_370 = arith.cmpi slt, %get3A_364, %lt3A_369 : vector<16xi32>
      %and3A_371 = arith.andi %ge3A_367, %lt3A_370 : vector<16xi1>
      %sub3A_372 = arith.constant 0 : i32
      %sub3A_373 = vector.broadcast %sub3A_372 : i32 to vector<16xi32>
      %sub3A_374 = arith.subi %get3A_364, %sub3A_373 : vector<16xi32>
      %jit3A_375 = arith.constant 5120 : i32
      %broadcast_in_dim3A_376 = vector.broadcast %jit3A_375 : i32 to vector<16xi32>
      %select_n3A_377 = arith.select %and3A_371, %sub3A_374, %broadcast_in_dim3A_376 : vector<16xi1>, vector<16xi32>
      %swap3A_378 = arith.constant 112 : index
      %swap3A_379 = tpu.vector_load %arg11[%swap3A_378] {strides = array<i32>} : memref<128xi32, #tpu.memory_space<vmem>>, vector<16xi32>,
      %swap3A_380 = vector.shape_cast %swap3A_379 : vector<16xi32> to vector<16xi32>
      %swap3A_381 = vector.shape_cast %select_n3A_377 : vector<16xi32> to vector<16xi32>
      tpu.vector_store %arg11[%swap3A_378], %swap3A_381 {strides = array<i32>} : memref<128xi32, #tpu.memory_space<vmem>>, vector<16xi32>,
      %dma_start3A_382 = arith.constant 0 : i32
      %dma_start3A_383 = arith.constant 0 : i32
      %dma_start3A_384 = tpu.memref_slice %arg2[%dma_start3A_382, %dma_start3A_383] : memref<10000x128xf32, #tpu.memory_space<hbm>> -> memref<10000x128xf32, #tpu.memory_space<hbm>>
      tpu.enqueue_indirect_dma source(%dma_start3A_384 : memref<10000x128xf32, #tpu.memory_space<hbm>>) target(%arg13 : memref<128x128xf32, #tpu.memory_space<vmem>>) offsets(%arg7 : memref<128xi32, #tpu.memory_space<vmem>>) semaphore(%arg17 : memref<!tpu.dma_semaphore, #tpu.memory_space<semaphore_mem>>)
      %mul3A_385 = arith.constant 2 : i32
      %mul3A_386 = arith.muli %scan3A_207, %mul3A_385 : i32
      %add3A_387 = arith.constant 1 : i32
      %add3A_388 = arith.addi %mul3A_386, %add3A_387 : i32
      %gt3A_389 = arith.constant 0 : i32
      %gt3A_390 = arith.cmpi sgt, %scan3A_207, %gt3A_389 : i32
      %convert_element_type3A_391 = arith.extui %gt3A_390 : i1 to i32
      %cond3A_392 = arith.constant 0 : i32
      %cond3A_393 = arith.cmpi ne, %convert_element_type3A_391, %cond3A_392 : i32
      scf.if %cond3A_393 {
        %dma_wait3A_608 = arith.constant 0 : i32
        %dma_wait3A_609 = arith.constant 0 : i32
        %dma_wait3A_610 = tpu.memref_slice %arg22[%dma_wait3A_608, %dma_wait3A_609] : memref<5248x128xf32, #tpu.memory_space<vmem_shared>> -> memref<5248x128xf32, #tpu.memory_space<vmem_shared>>
        tpu.wait_indirect_dma semaphore(%arg20 : memref<!tpu.dma_semaphore, #tpu.memory_space<semaphore_mem>>) src(%arg14 : memref<128x128xf32, #tpu.memory_space<vmem>>) dst(%dma_wait3A_610 : memref<5248x128xf32, #tpu.memory_space<vmem_shared>>)
        %dma_wait3A_611 = arith.constant 0 : i32
        %dma_wait3A_612 = tpu.memref_slice %arg25[%dma_wait3A_611] : memref<5248xf32, #tpu.memory_space<vmem_shared>> -> memref<5248xf32, #tpu.memory_space<vmem_shared>>
        tpu.wait_indirect_dma semaphore(%arg20 : memref<!tpu.dma_semaphore, #tpu.memory_space<semaphore_mem>>) src(%arg23 : memref<128xf32, #tpu.memory_space<vmem>>) dst(%dma_wait3A_612 : memref<5248xf32, #tpu.memory_space<vmem_shared>>)
      } else {
      }
      %add3A_394 = arith.addi %mul3A_51, %add3A_388 : i32
      %dma_wait3A_395 = arith.constant 0 : i32
      %dma_wait3A_396 = tpu.memref_slice %arg3[%add3A_394, %dma_wait3A_395] : memref<2560x128xi32, #tpu.memory_space<hbm>> -> memref<1x128xi32, #tpu.memory_space<hbm>>
      %dma_wait3A_397 = tpu.memref_squeeze %dma_wait3A_396 : memref<1x128xi32, #tpu.memory_space<hbm>> -> memref<128xi32, #tpu.memory_space<hbm>>
      %dma_wait3A_398 = arith.constant 0 : i32
      %dma_wait3A_399 = tpu.memref_slice %arg3[%add3A_394, %dma_wait3A_398] : memref<2560x128xi32, #tpu.memory_space<hbm>> -> memref<1x128xi32, #tpu.memory_space<hbm>>
      %dma_wait3A_400 = tpu.memref_squeeze %dma_wait3A_399 : memref<1x128xi32, #tpu.memory_space<hbm>> -> memref<128xi32, #tpu.memory_space<hbm>>
      tpu.wait_dma2 semaphore(%arg16 : memref<!tpu.dma_semaphore, #tpu.memory_space<semaphore_mem>>) src(%dma_wait3A_400 : memref<128xi32, #tpu.memory_space<hbm>>) dst(%arg8 : memref<128xi32, #tpu.memory_space<vmem>>)
      %dma_wait3A_401 = arith.constant 0 : i32
      %dma_wait3A_402 = tpu.memref_slice %arg4[%add3A_394, %dma_wait3A_401] : memref<2560x128xi32, #tpu.memory_space<hbm>> -> memref<1x128xi32, #tpu.memory_space<hbm>>
      %dma_wait3A_403 = tpu.memref_squeeze %dma_wait3A_402 : memref<1x128xi32, #tpu.memory_space<hbm>> -> memref<128xi32, #tpu.memory_space<hbm>>
      %dma_wait3A_404 = arith.constant 0 : i32
      %dma_wait3A_405 = tpu.memref_slice %arg4[%add3A_394, %dma_wait3A_404] : memref<2560x128xi32, #tpu.memory_space<hbm>> -> memref<1x128xi32, #tpu.memory_space<hbm>>
      %dma_wait3A_406 = tpu.memref_squeeze %dma_wait3A_405 : memref<1x128xi32, #tpu.memory_space<hbm>> -> memref<128xi32, #tpu.memory_space<hbm>>
      tpu.wait_dma2 semaphore(%arg16 : memref<!tpu.dma_semaphore, #tpu.memory_space<semaphore_mem>>) src(%dma_wait3A_406 : memref<128xi32, #tpu.memory_space<hbm>>) dst(%arg10 : memref<128xi32, #tpu.memory_space<vmem>>)
      %get3A_407 = arith.constant 0 : index
      %get3A_408 = tpu.vector_load %arg10[%get3A_407] {strides = array<i32>} : memref<128xi32, #tpu.memory_space<vmem>>, vector<16xi32>,
      %get3A_409 = vector.shape_cast %get3A_408 : vector<16xi32> to vector<16xi32>
      %ge3A_410 = arith.constant 0 : i32
      %ge3A_411 = vector.broadcast %ge3A_410 : i32 to vector<16xi32>
      %ge3A_412 = arith.cmpi sge, %get3A_409, %ge3A_411 : vector<16xi32>
      %lt3A_413 = arith.constant 5120 : i32
      %lt3A_414 = vector.broadcast %lt3A_413 : i32 to vector<16xi32>
      %lt3A_415 = arith.cmpi slt, %get3A_409, %lt3A_414 : vector<16xi32>
      %and3A_416 = arith.andi %ge3A_412, %lt3A_415 : vector<16xi1>
      %sub3A_417 = arith.constant 0 : i32
      %sub3A_418 = vector.broadcast %sub3A_417 : i32 to vector<16xi32>
      %sub3A_419 = arith.subi %get3A_409, %sub3A_418 : vector<16xi32>
      %jit3A_420 = arith.constant 5120 : i32
      %broadcast_in_dim3A_421 = vector.broadcast %jit3A_420 : i32 to vector<16xi32>
      %select_n3A_422 = arith.select %and3A_416, %sub3A_419, %broadcast_in_dim3A_421 : vector<16xi1>, vector<16xi32>
      %swap3A_423 = arith.constant 0 : index
      %swap3A_424 = tpu.vector_load %arg12[%swap3A_423] {strides = array<i32>} : memref<128xi32, #tpu.memory_space<vmem>>, vector<16xi32>,
      %swap3A_425 = vector.shape_cast %swap3A_424 : vector<16xi32> to vector<16xi32>
      %swap3A_426 = vector.shape_cast %select_n3A_422 : vector<16xi32> to vector<16xi32>
      tpu.vector_store %arg12[%swap3A_423], %swap3A_426 {strides = array<i32>} : memref<128xi32, #tpu.memory_space<vmem>>, vector<16xi32>,
      %get3A_427 = arith.constant 16 : index
      %get3A_428 = tpu.vector_load %arg10[%get3A_427] {strides = array<i32>} : memref<128xi32, #tpu.memory_space<vmem>>, vector<16xi32>,
      %get3A_429 = vector.shape_cast %get3A_428 : vector<16xi32> to vector<16xi32>
      %ge3A_430 = arith.constant 0 : i32
      %ge3A_431 = vector.broadcast %ge3A_430 : i32 to vector<16xi32>
      %ge3A_432 = arith.cmpi sge, %get3A_429, %ge3A_431 : vector<16xi32>
      %lt3A_433 = arith.constant 5120 : i32
      %lt3A_434 = vector.broadcast %lt3A_433 : i32 to vector<16xi32>
      %lt3A_435 = arith.cmpi slt, %get3A_429, %lt3A_434 : vector<16xi32>
      %and3A_436 = arith.andi %ge3A_432, %lt3A_435 : vector<16xi1>
      %sub3A_437 = arith.constant 0 : i32
      %sub3A_438 = vector.broadcast %sub3A_437 : i32 to vector<16xi32>
      %sub3A_439 = arith.subi %get3A_429, %sub3A_438 : vector<16xi32>
      %jit3A_440 = arith.constant 5120 : i32
      %broadcast_in_dim3A_441 = vector.broadcast %jit3A_440 : i32 to vector<16xi32>
      %select_n3A_442 = arith.select %and3A_436, %sub3A_439, %broadcast_in_dim3A_441 : vector<16xi1>, vector<16xi32>
      %swap3A_443 = arith.constant 16 : index
      %swap3A_444 = tpu.vector_load %arg12[%swap3A_443] {strides = array<i32>} : memref<128xi32, #tpu.memory_space<vmem>>, vector<16xi32>,
      %swap3A_445 = vector.shape_cast %swap3A_444 : vector<16xi32> to vector<16xi32>
      %swap3A_446 = vector.shape_cast %select_n3A_442 : vector<16xi32> to vector<16xi32>
      tpu.vector_store %arg12[%swap3A_443], %swap3A_446 {strides = array<i32>} : memref<128xi32, #tpu.memory_space<vmem>>, vector<16xi32>,
      %get3A_447 = arith.constant 32 : index
      %get3A_448 = tpu.vector_load %arg10[%get3A_447] {strides = array<i32>} : memref<128xi32, #tpu.memory_space<vmem>>, vector<16xi32>,
      %get3A_449 = vector.shape_cast %get3A_448 : vector<16xi32> to vector<16xi32>
      %ge3A_450 = arith.constant 0 : i32
      %ge3A_451 = vector.broadcast %ge3A_450 : i32 to vector<16xi32>
      %ge3A_452 = arith.cmpi sge, %get3A_449, %ge3A_451 : vector<16xi32>
      %lt3A_453 = arith.constant 5120 : i32
      %lt3A_454 = vector.broadcast %lt3A_453 : i32 to vector<16xi32>
      %lt3A_455 = arith.cmpi slt, %get3A_449, %lt3A_454 : vector<16xi32>
      %and3A_456 = arith.andi %ge3A_452, %lt3A_455 : vector<16xi1>
      %sub3A_457 = arith.constant 0 : i32
      %sub3A_458 = vector.broadcast %sub3A_457 : i32 to vector<16xi32>
      %sub3A_459 = arith.subi %get3A_449, %sub3A_458 : vector<16xi32>
      %jit3A_460 = arith.constant 5120 : i32
      %broadcast_in_dim3A_461 = vector.broadcast %jit3A_460 : i32 to vector<16xi32>
      %select_n3A_462 = arith.select %and3A_456, %sub3A_459, %broadcast_in_dim3A_461 : vector<16xi1>, vector<16xi32>
      %swap3A_463 = arith.constant 32 : index
      %swap3A_464 = tpu.vector_load %arg12[%swap3A_463] {strides = array<i32>} : memref<128xi32, #tpu.memory_space<vmem>>, vector<16xi32>,
      %swap3A_465 = vector.shape_cast %swap3A_464 : vector<16xi32> to vector<16xi32>
      %swap3A_466 = vector.shape_cast %select_n3A_462 : vector<16xi32> to vector<16xi32>
      tpu.vector_store %arg12[%swap3A_463], %swap3A_466 {strides = array<i32>} : memref<128xi32, #tpu.memory_space<vmem>>, vector<16xi32>,
      %get3A_467 = arith.constant 48 : index
      %get3A_468 = tpu.vector_load %arg10[%get3A_467] {strides = array<i32>} : memref<128xi32, #tpu.memory_space<vmem>>, vector<16xi32>,
      %get3A_469 = vector.shape_cast %get3A_468 : vector<16xi32> to vector<16xi32>
      %ge3A_470 = arith.constant 0 : i32
      %ge3A_471 = vector.broadcast %ge3A_470 : i32 to vector<16xi32>
      %ge3A_472 = arith.cmpi sge, %get3A_469, %ge3A_471 : vector<16xi32>
      %lt3A_473 = arith.constant 5120 : i32
      %lt3A_474 = vector.broadcast %lt3A_473 : i32 to vector<16xi32>
      %lt3A_475 = arith.cmpi slt, %get3A_469, %lt3A_474 : vector<16xi32>
      %and3A_476 = arith.andi %ge3A_472, %lt3A_475 : vector<16xi1>
      %sub3A_477 = arith.constant 0 : i32
      %sub3A_478 = vector.broadcast %sub3A_477 : i32 to vector<16xi32>
      %sub3A_479 = arith.subi %get3A_469, %sub3A_478 : vector<16xi32>
      %jit3A_480 = arith.constant 5120 : i32
      %broadcast_in_dim3A_481 = vector.broadcast %jit3A_480 : i32 to vector<16xi32>
      %select_n3A_482 = arith.select %and3A_476, %sub3A_479, %broadcast_in_dim3A_481 : vector<16xi1>, vector<16xi32>
      %swap3A_483 = arith.constant 48 : index
      %swap3A_484 = tpu.vector_load %arg12[%swap3A_483] {strides = array<i32>} : memref<128xi32, #tpu.memory_space<vmem>>, vector<16xi32>,
      %swap3A_485 = vector.shape_cast %swap3A_484 : vector<16xi32> to vector<16xi32>
      %swap3A_486 = vector.shape_cast %select_n3A_482 : vector<16xi32> to vector<16xi32>
      tpu.vector_store %arg12[%swap3A_483], %swap3A_486 {strides = array<i32>} : memref<128xi32, #tpu.memory_space<vmem>>, vector<16xi32>,
      %get3A_487 = arith.constant 64 : index
      %get3A_488 = tpu.vector_load %arg10[%get3A_487] {strides = array<i32>} : memref<128xi32, #tpu.memory_space<vmem>>, vector<16xi32>,
      %get3A_489 = vector.shape_cast %get3A_488 : vector<16xi32> to vector<16xi32>
      %ge3A_490 = arith.constant 0 : i32
      %ge3A_491 = vector.broadcast %ge3A_490 : i32 to vector<16xi32>
      %ge3A_492 = arith.cmpi sge, %get3A_489, %ge3A_491 : vector<16xi32>
      %lt3A_493 = arith.constant 5120 : i32
      %lt3A_494 = vector.broadcast %lt3A_493 : i32 to vector<16xi32>
      %lt3A_495 = arith.cmpi slt, %get3A_489, %lt3A_494 : vector<16xi32>
      %and3A_496 = arith.andi %ge3A_492, %lt3A_495 : vector<16xi1>
      %sub3A_497 = arith.constant 0 : i32
      %sub3A_498 = vector.broadcast %sub3A_497 : i32 to vector<16xi32>
      %sub3A_499 = arith.subi %get3A_489, %sub3A_498 : vector<16xi32>
      %jit3A_500 = arith.constant 5120 : i32
      %broadcast_in_dim3A_501 = vector.broadcast %jit3A_500 : i32 to vector<16xi32>
      %select_n3A_502 = arith.select %and3A_496, %sub3A_499, %broadcast_in_dim3A_501 : vector<16xi1>, vector<16xi32>
      %swap3A_503 = arith.constant 64 : index
      %swap3A_504 = tpu.vector_load %arg12[%swap3A_503] {strides = array<i32>} : memref<128xi32, #tpu.memory_space<vmem>>, vector<16xi32>,
      %swap3A_505 = vector.shape_cast %swap3A_504 : vector<16xi32> to vector<16xi32>
      %swap3A_506 = vector.shape_cast %select_n3A_502 : vector<16xi32> to vector<16xi32>
      tpu.vector_store %arg12[%swap3A_503], %swap3A_506 {strides = array<i32>} : memref<128xi32, #tpu.memory_space<vmem>>, vector<16xi32>,
      %get3A_507 = arith.constant 80 : index
      %get3A_508 = tpu.vector_load %arg10[%get3A_507] {strides = array<i32>} : memref<128xi32, #tpu.memory_space<vmem>>, vector<16xi32>,
      %get3A_509 = vector.shape_cast %get3A_508 : vector<16xi32> to vector<16xi32>
      %ge3A_510 = arith.constant 0 : i32
      %ge3A_511 = vector.broadcast %ge3A_510 : i32 to vector<16xi32>
      %ge3A_512 = arith.cmpi sge, %get3A_509, %ge3A_511 : vector<16xi32>
      %lt3A_513 = arith.constant 5120 : i32
      %lt3A_514 = vector.broadcast %lt3A_513 : i32 to vector<16xi32>
      %lt3A_515 = arith.cmpi slt, %get3A_509, %lt3A_514 : vector<16xi32>
      %and3A_516 = arith.andi %ge3A_512, %lt3A_515 : vector<16xi1>
      %sub3A_517 = arith.constant 0 : i32
      %sub3A_518 = vector.broadcast %sub3A_517 : i32 to vector<16xi32>
      %sub3A_519 = arith.subi %get3A_509, %sub3A_518 : vector<16xi32>
      %jit3A_520 = arith.constant 5120 : i32
      %broadcast_in_dim3A_521 = vector.broadcast %jit3A_520 : i32 to vector<16xi32>
      %select_n3A_522 = arith.select %and3A_516, %sub3A_519, %broadcast_in_dim3A_521 : vector<16xi1>, vector<16xi32>
      %swap3A_523 = arith.constant 80 : index
      %swap3A_524 = tpu.vector_load %arg12[%swap3A_523] {strides = array<i32>} : memref<128xi32, #tpu.memory_space<vmem>>, vector<16xi32>,
      %swap3A_525 = vector.shape_cast %swap3A_524 : vector<16xi32> to vector<16xi32>
      %swap3A_526 = vector.shape_cast %select_n3A_522 : vector<16xi32> to vector<16xi32>
      tpu.vector_store %arg12[%swap3A_523], %swap3A_526 {strides = array<i32>} : memref<128xi32, #tpu.memory_space<vmem>>, vector<16xi32>,
      %get3A_527 = arith.constant 96 : index
      %get3A_528 = tpu.vector_load %arg10[%get3A_527] {strides = array<i32>} : memref<128xi32, #tpu.memory_space<vmem>>, vector<16xi32>,
      %get3A_529 = vector.shape_cast %get3A_528 : vector<16xi32> to vector<16xi32>
      %ge3A_530 = arith.constant 0 : i32
      %ge3A_531 = vector.broadcast %ge3A_530 : i32 to vector<16xi32>
      %ge3A_532 = arith.cmpi sge, %get3A_529, %ge3A_531 : vector<16xi32>
      %lt3A_533 = arith.constant 5120 : i32
      %lt3A_534 = vector.broadcast %lt3A_533 : i32 to vector<16xi32>
      %lt3A_535 = arith.cmpi slt, %get3A_529, %lt3A_534 : vector<16xi32>
      %and3A_536 = arith.andi %ge3A_532, %lt3A_535 : vector<16xi1>
      %sub3A_537 = arith.constant 0 : i32
      %sub3A_538 = vector.broadcast %sub3A_537 : i32 to vector<16xi32>
      %sub3A_539 = arith.subi %get3A_529, %sub3A_538 : vector<16xi32>
      %jit3A_540 = arith.constant 5120 : i32
      %broadcast_in_dim3A_541 = vector.broadcast %jit3A_540 : i32 to vector<16xi32>
      %select_n3A_542 = arith.select %and3A_536, %sub3A_539, %broadcast_in_dim3A_541 : vector<16xi1>, vector<16xi32>
      %swap3A_543 = arith.constant 96 : index
      %swap3A_544 = tpu.vector_load %arg12[%swap3A_543] {strides = array<i32>} : memref<128xi32, #tpu.memory_space<vmem>>, vector<16xi32>,
      %swap3A_545 = vector.shape_cast %swap3A_544 : vector<16xi32> to vector<16xi32>
      %swap3A_546 = vector.shape_cast %select_n3A_542 : vector<16xi32> to vector<16xi32>
      tpu.vector_store %arg12[%swap3A_543], %swap3A_546 {strides = array<i32>} : memref<128xi32, #tpu.memory_space<vmem>>, vector<16xi32>,
      %get3A_547 = arith.constant 112 : index
      %get3A_548 = tpu.vector_load %arg10[%get3A_547] {strides = array<i32>} : memref<128xi32, #tpu.memory_space<vmem>>, vector<16xi32>,
      %get3A_549 = vector.shape_cast %get3A_548 : vector<16xi32> to vector<16xi32>
      %ge3A_550 = arith.constant 0 : i32
      %ge3A_551 = vector.broadcast %ge3A_550 : i32 to vector<16xi32>
      %ge3A_552 = arith.cmpi sge, %get3A_549, %ge3A_551 : vector<16xi32>
      %lt3A_553 = arith.constant 5120 : i32
      %lt3A_554 = vector.broadcast %lt3A_553 : i32 to vector<16xi32>
      %lt3A_555 = arith.cmpi slt, %get3A_549, %lt3A_554 : vector<16xi32>
      %and3A_556 = arith.andi %ge3A_552, %lt3A_555 : vector<16xi1>
      %sub3A_557 = arith.constant 0 : i32
      %sub3A_558 = vector.broadcast %sub3A_557 : i32 to vector<16xi32>
      %sub3A_559 = arith.subi %get3A_549, %sub3A_558 : vector<16xi32>
      %jit3A_560 = arith.constant 5120 : i32
      %broadcast_in_dim3A_561 = vector.broadcast %jit3A_560 : i32 to vector<16xi32>
      %select_n3A_562 = arith.select %and3A_556, %sub3A_559, %broadcast_in_dim3A_561 : vector<16xi1>, vector<16xi32>
      %swap3A_563 = arith.constant 112 : index
      %swap3A_564 = tpu.vector_load %arg12[%swap3A_563] {strides = array<i32>} : memref<128xi32, #tpu.memory_space<vmem>>, vector<16xi32>,
      %swap3A_565 = vector.shape_cast %swap3A_564 : vector<16xi32> to vector<16xi32>
      %swap3A_566 = vector.shape_cast %select_n3A_562 : vector<16xi32> to vector<16xi32>
      tpu.vector_store %arg12[%swap3A_563], %swap3A_566 {strides = array<i32>} : memref<128xi32, #tpu.memory_space<vmem>>, vector<16xi32>,
      %dma_start3A_567 = arith.constant 0 : i32
      %dma_start3A_568 = arith.constant 0 : i32
      %dma_start3A_569 = tpu.memref_slice %arg2[%dma_start3A_567, %dma_start3A_568] : memref<10000x128xf32, #tpu.memory_space<hbm>> -> memref<10000x128xf32, #tpu.memory_space<hbm>>
      tpu.enqueue_indirect_dma source(%dma_start3A_569 : memref<10000x128xf32, #tpu.memory_space<hbm>>) target(%arg14 : memref<128x128xf32, #tpu.memory_space<vmem>>) offsets(%arg8 : memref<128xi32, #tpu.memory_space<vmem>>) semaphore(%arg18 : memref<!tpu.dma_semaphore, #tpu.memory_space<semaphore_mem>>)
      %mul3A_570 = arith.constant 2 : i32
      %mul3A_571 = arith.muli %scan3A_207, %mul3A_570 : i32
      %add3A_572 = arith.constant 0 : i32
      %add3A_573 = arith.addi %mul3A_571, %add3A_572 : i32
      %dma_wait3A_574 = arith.constant 0 : i32
      %dma_wait3A_575 = arith.constant 0 : i32
      %dma_wait3A_576 = tpu.memref_slice %arg2[%dma_wait3A_574, %dma_wait3A_575] : memref<10000x128xf32, #tpu.memory_space<hbm>> -> memref<10000x128xf32, #tpu.memory_space<hbm>>
      tpu.wait_indirect_dma semaphore(%arg17 : memref<!tpu.dma_semaphore, #tpu.memory_space<semaphore_mem>>) src(%dma_wait3A_576 : memref<10000x128xf32, #tpu.memory_space<hbm>>) dst(%arg13 : memref<128x128xf32, #tpu.memory_space<vmem>>)
      %add3A_577 = arith.constant 2 : i32
      %add3A_578 = arith.addi %add3A_573, %add3A_577 : i32
      %lt3A_579 = arith.constant 160 : i32
      %lt3A_580 = arith.cmpi slt, %add3A_578, %lt3A_579 : i32
      %convert_element_type3A_581 = arith.extui %lt3A_580 : i1 to i32
      %cond3A_582 = arith.constant 0 : i32
      %cond3A_583 = arith.cmpi ne, %convert_element_type3A_581, %cond3A_582 : i32
      scf.if %cond3A_583 {
        %add3A_608 = arith.addi %mul3A_51, %add3A_573 : i32
        %add3A_609 = arith.constant 2 : i32
        %add3A_610 = arith.addi %add3A_608, %add3A_609 : i32
        %dma_start3A_611 = arith.constant 0 : i32
        %dma_start3A_612 = tpu.memref_slice %arg3[%add3A_610, %dma_start3A_611] : memref<2560x128xi32, #tpu.memory_space<hbm>> -> memref<1x128xi32, #tpu.memory_space<hbm>>
        %dma_start3A_613 = tpu.memref_squeeze %dma_start3A_612 : memref<1x128xi32, #tpu.memory_space<hbm>> -> memref<128xi32, #tpu.memory_space<hbm>>
        %dma_start3A_614 = arith.constant 0 : i32
        %dma_start3A_615 = tpu.memref_slice %arg3[%add3A_610, %dma_start3A_614] : memref<2560x128xi32, #tpu.memory_space<hbm>> -> memref<1x128xi32, #tpu.memory_space<hbm>>
        %dma_start3A_616 = tpu.memref_squeeze %dma_start3A_615 : memref<1x128xi32, #tpu.memory_space<hbm>> -> memref<128xi32, #tpu.memory_space<hbm>>
        tpu.enqueue_dma source(%dma_start3A_616 : memref<128xi32, #tpu.memory_space<hbm>>) target(%arg7 : memref<128xi32, #tpu.memory_space<vmem>>) target_semaphore(%arg15 : memref<!tpu.dma_semaphore, #tpu.memory_space<semaphore_mem>>)
        %dma_start3A_617 = arith.constant 0 : i32
        %dma_start3A_618 = tpu.memref_slice %arg4[%add3A_610, %dma_start3A_617] : memref<2560x128xi32, #tpu.memory_space<hbm>> -> memref<1x128xi32, #tpu.memory_space<hbm>>
        %dma_start3A_619 = tpu.memref_squeeze %dma_start3A_618 : memref<1x128xi32, #tpu.memory_space<hbm>> -> memref<128xi32, #tpu.memory_space<hbm>>
        %dma_start3A_620 = arith.constant 0 : i32
        %dma_start3A_621 = tpu.memref_slice %arg4[%add3A_610, %dma_start3A_620] : memref<2560x128xi32, #tpu.memory_space<hbm>> -> memref<1x128xi32, #tpu.memory_space<hbm>>
        %dma_start3A_622 = tpu.memref_squeeze %dma_start3A_621 : memref<1x128xi32, #tpu.memory_space<hbm>> -> memref<128xi32, #tpu.memory_space<hbm>>
        tpu.enqueue_dma source(%dma_start3A_622 : memref<128xi32, #tpu.memory_space<hbm>>) target(%arg9 : memref<128xi32, #tpu.memory_space<vmem>>) target_semaphore(%arg15 : memref<!tpu.dma_semaphore, #tpu.memory_space<semaphore_mem>>)
      } else {
      }
      %dma_start3A_584 = arith.constant 0 : i32
      %dma_start3A_585 = arith.constant 0 : i32
      %dma_start3A_586 = tpu.memref_slice %arg22[%dma_start3A_584, %dma_start3A_585] : memref<5248x128xf32, #tpu.memory_space<vmem_shared>> -> memref<5248x128xf32, #tpu.memory_space<vmem_shared>>
      tpu.enqueue_indirect_dma source(%arg13 : memref<128x128xf32, #tpu.memory_space<vmem>>) target(%dma_start3A_586 : memref<5248x128xf32, #tpu.memory_space<vmem_shared>>) offsets(%arg11 : memref<128xi32, #tpu.memory_space<vmem>>) semaphore(%arg19 : memref<!tpu.dma_semaphore, #tpu.memory_space<semaphore_mem>>) {add = true}
      %dma_start3A_587 = arith.constant 0 : i32
      %dma_start3A_588 = tpu.memref_slice %arg25[%dma_start3A_587] : memref<5248xf32, #tpu.memory_space<vmem_shared>> -> memref<5248xf32, #tpu.memory_space<vmem_shared>>
      tpu.enqueue_indirect_dma source(%arg23 : memref<128xf32, #tpu.memory_space<vmem>>) target(%dma_start3A_588 : memref<5248xf32, #tpu.memory_space<vmem_shared>>) offsets(%arg11 : memref<128xi32, #tpu.memory_space<vmem>>) semaphore(%arg19 : memref<!tpu.dma_semaphore, #tpu.memory_space<semaphore_mem>>) {add = true}
      %mul3A_589 = arith.constant 2 : i32
      %mul3A_590 = arith.muli %scan3A_207, %mul3A_589 : i32
      %add3A_591 = arith.constant 1 : i32
      %add3A_592 = arith.addi %mul3A_590, %add3A_591 : i32
      %dma_wait3A_593 = arith.constant 0 : i32
      %dma_wait3A_594 = arith.constant 0 : i32
      %dma_wait3A_595 = tpu.memref_slice %arg2[%dma_wait3A_593, %dma_wait3A_594] : memref<10000x128xf32, #tpu.memory_space<hbm>> -> memref<10000x128xf32, #tpu.memory_space<hbm>>
      tpu.wait_indirect_dma semaphore(%arg18 : memref<!tpu.dma_semaphore, #tpu.memory_space<semaphore_mem>>) src(%dma_wait3A_595 : memref<10000x128xf32, #tpu.memory_space<hbm>>) dst(%arg14 : memref<128x128xf32, #tpu.memory_space<vmem>>)
      %add3A_596 = arith.constant 2 : i32
      %add3A_597 = arith.addi %add3A_592, %add3A_596 : i32
      %lt3A_598 = arith.constant 160 : i32
      %lt3A_599 = arith.cmpi slt, %add3A_597, %lt3A_598 : i32
      %convert_element_type3A_600 = arith.extui %lt3A_599 : i1 to i32
      %cond3A_601 = arith.constant 0 : i32
      %cond3A_602 = arith.cmpi ne, %convert_element_type3A_600, %cond3A_601 : i32
      scf.if %cond3A_602 {
        %add3A_608 = arith.addi %mul3A_51, %add3A_592 : i32
        %add3A_609 = arith.constant 2 : i32
        %add3A_610 = arith.addi %add3A_608, %add3A_609 : i32
        %dma_start3A_611 = arith.constant 0 : i32
        %dma_start3A_612 = tpu.memref_slice %arg3[%add3A_610, %dma_start3A_611] : memref<2560x128xi32, #tpu.memory_space<hbm>> -> memref<1x128xi32, #tpu.memory_space<hbm>>
        %dma_start3A_613 = tpu.memref_squeeze %dma_start3A_612 : memref<1x128xi32, #tpu.memory_space<hbm>> -> memref<128xi32, #tpu.memory_space<hbm>>
        %dma_start3A_614 = arith.constant 0 : i32
        %dma_start3A_615 = tpu.memref_slice %arg3[%add3A_610, %dma_start3A_614] : memref<2560x128xi32, #tpu.memory_space<hbm>> -> memref<1x128xi32, #tpu.memory_space<hbm>>
        %dma_start3A_616 = tpu.memref_squeeze %dma_start3A_615 : memref<1x128xi32, #tpu.memory_space<hbm>> -> memref<128xi32, #tpu.memory_space<hbm>>
        tpu.enqueue_dma source(%dma_start3A_616 : memref<128xi32, #tpu.memory_space<hbm>>) target(%arg8 : memref<128xi32, #tpu.memory_space<vmem>>) target_semaphore(%arg16 : memref<!tpu.dma_semaphore, #tpu.memory_space<semaphore_mem>>)
        %dma_start3A_617 = arith.constant 0 : i32
        %dma_start3A_618 = tpu.memref_slice %arg4[%add3A_610, %dma_start3A_617] : memref<2560x128xi32, #tpu.memory_space<hbm>> -> memref<1x128xi32, #tpu.memory_space<hbm>>
        %dma_start3A_619 = tpu.memref_squeeze %dma_start3A_618 : memref<1x128xi32, #tpu.memory_space<hbm>> -> memref<128xi32, #tpu.memory_space<hbm>>
        %dma_start3A_620 = arith.constant 0 : i32
        %dma_start3A_621 = tpu.memref_slice %arg4[%add3A_610, %dma_start3A_620] : memref<2560x128xi32, #tpu.memory_space<hbm>> -> memref<1x128xi32, #tpu.memory_space<hbm>>
        %dma_start3A_622 = tpu.memref_squeeze %dma_start3A_621 : memref<1x128xi32, #tpu.memory_space<hbm>> -> memref<128xi32, #tpu.memory_space<hbm>>
        tpu.enqueue_dma source(%dma_start3A_622 : memref<128xi32, #tpu.memory_space<hbm>>) target(%arg10 : memref<128xi32, #tpu.memory_space<vmem>>) target_semaphore(%arg16 : memref<!tpu.dma_semaphore, #tpu.memory_space<semaphore_mem>>)
      } else {
      }
      %dma_start3A_603 = arith.constant 0 : i32
      %dma_start3A_604 = arith.constant 0 : i32
      %dma_start3A_605 = tpu.memref_slice %arg22[%dma_start3A_603, %dma_start3A_604] : memref<5248x128xf32, #tpu.memory_space<vmem_shared>> -> memref<5248x128xf32, #tpu.memory_space<vmem_shared>>
      tpu.enqueue_indirect_dma source(%arg14 : memref<128x128xf32, #tpu.memory_space<vmem>>) target(%dma_start3A_605 : memref<5248x128xf32, #tpu.memory_space<vmem_shared>>) offsets(%arg12 : memref<128xi32, #tpu.memory_space<vmem>>) semaphore(%arg20 : memref<!tpu.dma_semaphore, #tpu.memory_space<semaphore_mem>>) {add = true}
      %dma_start3A_606 = arith.constant 0 : i32
      %dma_start3A_607 = tpu.memref_slice %arg25[%dma_start3A_606] : memref<5248xf32, #tpu.memory_space<vmem_shared>> -> memref<5248xf32, #tpu.memory_space<vmem_shared>>
      tpu.enqueue_indirect_dma source(%arg23 : memref<128xf32, #tpu.memory_space<vmem>>) target(%dma_start3A_607 : memref<5248xf32, #tpu.memory_space<vmem_shared>>) offsets(%arg12 : memref<128xi32, #tpu.memory_space<vmem>>) semaphore(%arg20 : memref<!tpu.dma_semaphore, #tpu.memory_space<semaphore_mem>>) {add = true}
    }
    %scan3A_83 = arith.constant 80 : i32
    %dma_wait3A = arith.constant 0 : i32
    %dma_wait3A_84 = arith.constant 0 : i32
    %dma_wait3A_85 = tpu.memref_slice %arg22[%dma_wait3A, %dma_wait3A_84] : memref<5248x128xf32, #tpu.memory_space<vmem_shared>> -> memref<5248x128xf32, #tpu.memory_space<vmem_shared>>
    tpu.wait_indirect_dma semaphore(%arg19 : memref<!tpu.dma_semaphore, #tpu.memory_space<semaphore_mem>>) src(%arg13 : memref<128x128xf32, #tpu.memory_space<vmem>>) dst(%dma_wait3A_85 : memref<5248x128xf32, #tpu.memory_space<vmem_shared>>)
    %dma_wait3A_86 = arith.constant 0 : i32
    %dma_wait3A_87 = tpu.memref_slice %arg25[%dma_wait3A_86] : memref<5248xf32, #tpu.memory_space<vmem_shared>> -> memref<5248xf32, #tpu.memory_space<vmem_shared>>
    tpu.wait_indirect_dma semaphore(%arg19 : memref<!tpu.dma_semaphore, #tpu.memory_space<semaphore_mem>>) src(%arg23 : memref<128xf32, #tpu.memory_space<vmem>>) dst(%dma_wait3A_87 : memref<5248xf32, #tpu.memory_space<vmem_shared>>)
    %dma_wait3A_88 = arith.constant 0 : i32
    %dma_wait3A_89 = arith.constant 0 : i32
    %dma_wait3A_90 = tpu.memref_slice %arg22[%dma_wait3A_88, %dma_wait3A_89] : memref<5248x128xf32, #tpu.memory_space<vmem_shared>> -> memref<5248x128xf32, #tpu.memory_space<vmem_shared>>
    tpu.wait_indirect_dma semaphore(%arg20 : memref<!tpu.dma_semaphore, #tpu.memory_space<semaphore_mem>>) src(%arg14 : memref<128x128xf32, #tpu.memory_space<vmem>>) dst(%dma_wait3A_90 : memref<5248x128xf32, #tpu.memory_space<vmem_shared>>)
    %dma_wait3A_91 = arith.constant 0 : i32
    %dma_wait3A_92 = tpu.memref_slice %arg25[%dma_wait3A_91] : memref<5248xf32, #tpu.memory_space<vmem_shared>> -> memref<5248xf32, #tpu.memory_space<vmem_shared>>
    tpu.wait_indirect_dma semaphore(%arg20 : memref<!tpu.dma_semaphore, #tpu.memory_space<semaphore_mem>>) src(%arg23 : memref<128xf32, #tpu.memory_space<vmem>>) dst(%dma_wait3A_92 : memref<5248xf32, #tpu.memory_space<vmem_shared>>)
    %barrier3A_93 = arith.constant 0 : index
    tpu.barrier barrier_id(%barrier3A_93)
    %mul3A_94 = arith.constant 320 : i32
    %mul3A_95 = arith.muli %arg1, %mul3A_94 : i32
    "tpu.region"() ({
      %run_scoped3A = tpu.sem_alloc : memref<!tpu.dma_semaphore, #tpu.memory_space<semaphore_mem>>
      %dma_start3A_207 = arith.constant 0 : i32
      %dma_start3A_208 = arith.constant 0 : i32
      %dma_start3A_209 = tpu.memref_slice %arg21[%dma_start3A_207, %dma_start3A_208] : memref<328x128xf32, #tpu.memory_space<vmem>> -> memref<320x128xf32, #tpu.memory_space<vmem>>
      %dma_start3A_210 = arith.constant 0 : i32
      %dma_start3A_211 = tpu.memref_slice %arg22[%mul3A_95, %dma_start3A_210] : memref<5248x128xf32, #tpu.memory_space<vmem_shared>> -> memref<320x128xf32, #tpu.memory_space<vmem_shared>>
      %dma_start3A_212 = arith.constant 0 : i32
      %dma_start3A_213 = arith.constant 0 : i32
      %dma_start3A_214 = tpu.memref_slice %arg21[%dma_start3A_212, %dma_start3A_213] : memref<328x128xf32, #tpu.memory_space<vmem>> -> memref<320x128xf32, #tpu.memory_space<vmem>>
      %dma_start3A_215 = arith.constant 0 : i32
      %dma_start3A_216 = tpu.memref_slice %arg22[%mul3A_95, %dma_start3A_215] : memref<5248x128xf32, #tpu.memory_space<vmem_shared>> -> memref<320x128xf32, #tpu.memory_space<vmem_shared>>
      tpu.enqueue_dma source(%dma_start3A_216 : memref<320x128xf32, #tpu.memory_space<vmem_shared>>) target(%dma_start3A_214 : memref<320x128xf32, #tpu.memory_space<vmem>>) target_semaphore(%run_scoped3A : memref<!tpu.dma_semaphore, #tpu.memory_space<semaphore_mem>>)
      %dma_wait3A_217 = arith.constant 0 : i32
      %dma_wait3A_218 = arith.constant 0 : i32
      %dma_wait3A_219 = tpu.memref_slice %arg21[%dma_wait3A_217, %dma_wait3A_218] : memref<328x128xf32, #tpu.memory_space<vmem>> -> memref<320x128xf32, #tpu.memory_space<vmem>>
      %dma_wait3A_220 = arith.constant 0 : i32
      %dma_wait3A_221 = tpu.memref_slice %arg22[%mul3A_95, %dma_wait3A_220] : memref<5248x128xf32, #tpu.memory_space<vmem_shared>> -> memref<320x128xf32, #tpu.memory_space<vmem_shared>>
      %dma_wait3A_222 = arith.constant 0 : i32
      %dma_wait3A_223 = arith.constant 0 : i32
      %dma_wait3A_224 = tpu.memref_slice %arg21[%dma_wait3A_222, %dma_wait3A_223] : memref<328x128xf32, #tpu.memory_space<vmem>> -> memref<320x128xf32, #tpu.memory_space<vmem>>
      %dma_wait3A_225 = arith.constant 0 : i32
      %dma_wait3A_226 = tpu.memref_slice %arg22[%mul3A_95, %dma_wait3A_225] : memref<5248x128xf32, #tpu.memory_space<vmem_shared>> -> memref<320x128xf32, #tpu.memory_space<vmem_shared>>
      tpu.wait_dma2 semaphore(%run_scoped3A : memref<!tpu.dma_semaphore, #tpu.memory_space<semaphore_mem>>) src(%dma_wait3A_226 : memref<320x128xf32, #tpu.memory_space<vmem_shared>>) dst(%dma_wait3A_224 : memref<320x128xf32, #tpu.memory_space<vmem>>)
      tpu.yield
    }) : () -> ()
    %mul3A_96 = arith.constant 320 : i32
    %mul3A_97 = arith.muli %arg1, %mul3A_96 : i32
    %add3A_98 = arith.constant 0 : i32
    %add3A_99 = arith.addi %add3A_98, %mul3A_97 : i32
    "tpu.region"() ({
      %run_scoped3A = tpu.sem_alloc : memref<!tpu.dma_semaphore, #tpu.memory_space<semaphore_mem>>
      %dma_start3A_207 = arith.constant 0 : i32
      %dma_start3A_208 = arith.constant 0 : i32
      %dma_start3A_209 = tpu.memref_slice %arg21[%dma_start3A_207, %dma_start3A_208] : memref<328x128xf32, #tpu.memory_space<vmem>> -> memref<320x128xf32, #tpu.memory_space<vmem>>
      %dma_start3A_210 = arith.constant 0 : i32
      %dma_start3A_211 = tpu.memref_slice %arg5[%add3A_99, %dma_start3A_210] : memref<10240x128xf32, #tpu.memory_space<hbm>> -> memref<320x128xf32, #tpu.memory_space<hbm>>
      %dma_start3A_212 = arith.constant 0 : i32
      %dma_start3A_213 = tpu.memref_slice %arg5[%add3A_99, %dma_start3A_212] : memref<10240x128xf32, #tpu.memory_space<hbm>> -> memref<320x128xf32, #tpu.memory_space<hbm>>
      %dma_start3A_214 = arith.constant 0 : i32
      %dma_start3A_215 = arith.constant 0 : i32
      %dma_start3A_216 = tpu.memref_slice %arg21[%dma_start3A_214, %dma_start3A_215] : memref<328x128xf32, #tpu.memory_space<vmem>> -> memref<320x128xf32, #tpu.memory_space<vmem>>
      tpu.enqueue_dma source(%dma_start3A_216 : memref<320x128xf32, #tpu.memory_space<vmem>>) target(%dma_start3A_213 : memref<320x128xf32, #tpu.memory_space<hbm>>) target_semaphore(%run_scoped3A : memref<!tpu.dma_semaphore, #tpu.memory_space<semaphore_mem>>)
      %dma_wait3A_217 = arith.constant 0 : i32
      %dma_wait3A_218 = arith.constant 0 : i32
      %dma_wait3A_219 = tpu.memref_slice %arg21[%dma_wait3A_217, %dma_wait3A_218] : memref<328x128xf32, #tpu.memory_space<vmem>> -> memref<320x128xf32, #tpu.memory_space<vmem>>
      %dma_wait3A_220 = arith.constant 0 : i32
      %dma_wait3A_221 = tpu.memref_slice %arg5[%add3A_99, %dma_wait3A_220] : memref<10240x128xf32, #tpu.memory_space<hbm>> -> memref<320x128xf32, #tpu.memory_space<hbm>>
      %dma_wait3A_222 = arith.constant 0 : i32
      %dma_wait3A_223 = tpu.memref_slice %arg5[%add3A_99, %dma_wait3A_222] : memref<10240x128xf32, #tpu.memory_space<hbm>> -> memref<320x128xf32, #tpu.memory_space<hbm>>
      %dma_wait3A_224 = arith.constant 0 : i32
      %dma_wait3A_225 = arith.constant 0 : i32
      %dma_wait3A_226 = tpu.memref_slice %arg21[%dma_wait3A_224, %dma_wait3A_225] : memref<328x128xf32, #tpu.memory_space<vmem>> -> memref<320x128xf32, #tpu.memory_space<vmem>>
      tpu.wait_dma2 semaphore(%run_scoped3A : memref<!tpu.dma_semaphore, #tpu.memory_space<semaphore_mem>>) src(%dma_wait3A_226 : memref<320x128xf32, #tpu.memory_space<vmem>>) dst(%dma_wait3A_223 : memref<320x128xf32, #tpu.memory_space<hbm>>)
      tpu.yield
    }) : () -> ()
    %mul3A_100 = arith.constant 320 : i32
    %mul3A_101 = arith.muli %arg1, %mul3A_100 : i32
    "tpu.region"() ({
      %run_scoped3A = tpu.sem_alloc : memref<!tpu.dma_semaphore, #tpu.memory_space<semaphore_mem>>
      %dma_start3A_207 = arith.constant 0 : i32
      %dma_start3A_208 = tpu.memref_slice %arg24[%dma_start3A_207] : memref<5248xf32, #tpu.memory_space<vmem>> -> memref<320xf32, #tpu.memory_space<vmem>>
      %dma_start3A_209 = tpu.memref_slice %arg25[%mul3A_101] : memref<5248xf32, #tpu.memory_space<vmem_shared>> -> memref<320xf32, #tpu.memory_space<vmem_shared>>
      %dma_start3A_210 = arith.constant 0 : i32
      %dma_start3A_211 = tpu.memref_slice %arg24[%dma_start3A_210] : memref<5248xf32, #tpu.memory_space<vmem>> -> memref<320xf32, #tpu.memory_space<vmem>>
      %dma_start3A_212 = tpu.memref_slice %arg25[%mul3A_101] : memref<5248xf32, #tpu.memory_space<vmem_shared>> -> memref<320xf32, #tpu.memory_space<vmem_shared>>
      tpu.enqueue_dma source(%dma_start3A_212 : memref<320xf32, #tpu.memory_space<vmem_shared>>) target(%dma_start3A_211 : memref<320xf32, #tpu.memory_space<vmem>>) target_semaphore(%run_scoped3A : memref<!tpu.dma_semaphore, #tpu.memory_space<semaphore_mem>>)
      %dma_wait3A_213 = arith.constant 0 : i32
      %dma_wait3A_214 = tpu.memref_slice %arg24[%dma_wait3A_213] : memref<5248xf32, #tpu.memory_space<vmem>> -> memref<320xf32, #tpu.memory_space<vmem>>
      %dma_wait3A_215 = tpu.memref_slice %arg25[%mul3A_101] : memref<5248xf32, #tpu.memory_space<vmem_shared>> -> memref<320xf32, #tpu.memory_space<vmem_shared>>
      %dma_wait3A_216 = arith.constant 0 : i32
      %dma_wait3A_217 = tpu.memref_slice %arg24[%dma_wait3A_216] : memref<5248xf32, #tpu.memory_space<vmem>> -> memref<320xf32, #tpu.memory_space<vmem>>
      %dma_wait3A_218 = tpu.memref_slice %arg25[%mul3A_101] : memref<5248xf32, #tpu.memory_space<vmem_shared>> -> memref<320xf32, #tpu.memory_space<vmem_shared>>
      tpu.wait_dma2 semaphore(%run_scoped3A : memref<!tpu.dma_semaphore, #tpu.memory_space<semaphore_mem>>) src(%dma_wait3A_218 : memref<320xf32, #tpu.memory_space<vmem_shared>>) dst(%dma_wait3A_217 : memref<320xf32, #tpu.memory_space<vmem>>)
      tpu.yield
    }) : () -> ()
    %mul3A_102 = arith.constant 320 : i32
    %mul3A_103 = arith.muli %arg1, %mul3A_102 : i32
    %add3A_104 = arith.constant 0 : i32
    %add3A_105 = arith.addi %add3A_104, %mul3A_103 : i32
    "tpu.region"() ({
      %run_scoped3A = tpu.sem_alloc : memref<!tpu.dma_semaphore, #tpu.memory_space<semaphore_mem>>
      %dma_start3A_207 = arith.constant 0 : i32
      %dma_start3A_208 = tpu.memref_slice %arg24[%dma_start3A_207] : memref<5248xf32, #tpu.memory_space<vmem>> -> memref<320xf32, #tpu.memory_space<vmem>>
      %dma_start3A_209 = tpu.memref_slice %arg6[%add3A_105] : memref<10240xf32, #tpu.memory_space<hbm>> -> memref<320xf32, #tpu.memory_space<hbm>>
      %dma_start3A_210 = tpu.memref_slice %arg6[%add3A_105] : memref<10240xf32, #tpu.memory_space<hbm>> -> memref<320xf32, #tpu.memory_space<hbm>>
      %dma_start3A_211 = arith.constant 0 : i32
      %dma_start3A_212 = tpu.memref_slice %arg24[%dma_start3A_211] : memref<5248xf32, #tpu.memory_space<vmem>> -> memref<320xf32, #tpu.memory_space<vmem>>
      tpu.enqueue_dma source(%dma_start3A_212 : memref<320xf32, #tpu.memory_space<vmem>>) target(%dma_start3A_210 : memref<320xf32, #tpu.memory_space<hbm>>) target_semaphore(%run_scoped3A : memref<!tpu.dma_semaphore, #tpu.memory_space<semaphore_mem>>)
      %dma_wait3A_213 = arith.constant 0 : i32
      %dma_wait3A_214 = tpu.memref_slice %arg24[%dma_wait3A_213] : memref<5248xf32, #tpu.memory_space<vmem>> -> memref<320xf32, #tpu.memory_space<vmem>>
      %dma_wait3A_215 = tpu.memref_slice %arg6[%add3A_105] : memref<10240xf32, #tpu.memory_space<hbm>> -> memref<320xf32, #tpu.memory_space<hbm>>
      %dma_wait3A_216 = tpu.memref_slice %arg6[%add3A_105] : memref<10240xf32, #tpu.memory_space<hbm>> -> memref<320xf32, #tpu.memory_space<hbm>>
      %dma_wait3A_217 = arith.constant 0 : i32
      %dma_wait3A_218 = tpu.memref_slice %arg24[%dma_wait3A_217] : memref<5248xf32, #tpu.memory_space<vmem>> -> memref<320xf32, #tpu.memory_space<vmem>>
      tpu.wait_dma2 semaphore(%run_scoped3A : memref<!tpu.dma_semaphore, #tpu.memory_space<semaphore_mem>>) src(%dma_wait3A_218 : memref<320xf32, #tpu.memory_space<vmem>>) dst(%dma_wait3A_216 : memref<320xf32, #tpu.memory_space<hbm>>)
      tpu.yield
    }) : () -> ()
    %barrier3A_106 = arith.constant 0 : index
    tpu.barrier barrier_id(%barrier3A_106)
    %broadcast_in_dim3A_107 = arith.constant 0.000000e+00 : f32
    %broadcast_in_dim3A_108 = vector.broadcast %broadcast_in_dim3A_107 : f32 to vector<16xf32>
    %scan3A_109 = arith.constant 0 : i32
    %scan3A_110 = arith.constant 0 : i32
    %scan3A_111 = arith.constant 328 : i32
    %scan3A_112 = arith.addi %scan3A_110, %scan3A_111 : i32
    %scan3A_113 = arith.constant 1 : i32
    scf.for %scan3A_207 = %scan3A_110 to %scan3A_112 step %scan3A_113  : i32 {
      %swap3A_208 = arith.index_cast %scan3A_207 : i32 to index
      %swap3A_209 = arith.constant 0 : index
      %swap3A_210 = tpu.vector_load %arg21[%swap3A_208, %swap3A_209] {strides = array<i32>} : memref<328x128xf32, #tpu.memory_space<vmem>>, vector<1x16xf32>,
      %swap3A_211 = vector.shape_cast %swap3A_210 : vector<1x16xf32> to vector<16xf32>
      %swap3A_212 = vector.shape_cast %broadcast_in_dim3A_108 : vector<16xf32> to vector<1x16xf32>
      tpu.vector_store %arg21[%swap3A_208, %swap3A_209], %swap3A_212 {strides = array<i32>} : memref<328x128xf32, #tpu.memory_space<vmem>>, vector<1x16xf32>,
      %swap3A_213 = arith.index_cast %scan3A_207 : i32 to index
      %swap3A_214 = arith.constant 16 : index
      %swap3A_215 = tpu.vector_load %arg21[%swap3A_213, %swap3A_214] {strides = array<i32>} : memref<328x128xf32, #tpu.memory_space<vmem>>, vector<1x16xf32>,
      %swap3A_216 = vector.shape_cast %swap3A_215 : vector<1x16xf32> to vector<16xf32>
      %swap3A_217 = vector.shape_cast %broadcast_in_dim3A_108 : vector<16xf32> to vector<1x16xf32>
      tpu.vector_store %arg21[%swap3A_213, %swap3A_214], %swap3A_217 {strides = array<i32>} : memref<328x128xf32, #tpu.memory_space<vmem>>, vector<1x16xf32>,
      %swap3A_218 = arith.index_cast %scan3A_207 : i32 to index
      %swap3A_219 = arith.constant 32 : index
      %swap3A_220 = tpu.vector_load %arg21[%swap3A_218, %swap3A_219] {strides = array<i32>} : memref<328x128xf32, #tpu.memory_space<vmem>>, vector<1x16xf32>,
      %swap3A_221 = vector.shape_cast %swap3A_220 : vector<1x16xf32> to vector<16xf32>
      %swap3A_222 = vector.shape_cast %broadcast_in_dim3A_108 : vector<16xf32> to vector<1x16xf32>
      tpu.vector_store %arg21[%swap3A_218, %swap3A_219], %swap3A_222 {strides = array<i32>} : memref<328x128xf32, #tpu.memory_space<vmem>>, vector<1x16xf32>,
      %swap3A_223 = arith.index_cast %scan3A_207 : i32 to index
      %swap3A_224 = arith.constant 48 : index
      %swap3A_225 = tpu.vector_load %arg21[%swap3A_223, %swap3A_224] {strides = array<i32>} : memref<328x128xf32, #tpu.memory_space<vmem>>, vector<1x16xf32>,
      %swap3A_226 = vector.shape_cast %swap3A_225 : vector<1x16xf32> to vector<16xf32>
      %swap3A_227 = vector.shape_cast %broadcast_in_dim3A_108 : vector<16xf32> to vector<1x16xf32>
      tpu.vector_store %arg21[%swap3A_223, %swap3A_224], %swap3A_227 {strides = array<i32>} : memref<328x128xf32, #tpu.memory_space<vmem>>, vector<1x16xf32>,
      %swap3A_228 = arith.index_cast %scan3A_207 : i32 to index
      %swap3A_229 = arith.constant 64 : index
      %swap3A_230 = tpu.vector_load %arg21[%swap3A_228, %swap3A_229] {strides = array<i32>} : memref<328x128xf32, #tpu.memory_space<vmem>>, vector<1x16xf32>,
      %swap3A_231 = vector.shape_cast %swap3A_230 : vector<1x16xf32> to vector<16xf32>
      %swap3A_232 = vector.shape_cast %broadcast_in_dim3A_108 : vector<16xf32> to vector<1x16xf32>
      tpu.vector_store %arg21[%swap3A_228, %swap3A_229], %swap3A_232 {strides = array<i32>} : memref<328x128xf32, #tpu.memory_space<vmem>>, vector<1x16xf32>,
      %swap3A_233 = arith.index_cast %scan3A_207 : i32 to index
      %swap3A_234 = arith.constant 80 : index
      %swap3A_235 = tpu.vector_load %arg21[%swap3A_233, %swap3A_234] {strides = array<i32>} : memref<328x128xf32, #tpu.memory_space<vmem>>, vector<1x16xf32>,
      %swap3A_236 = vector.shape_cast %swap3A_235 : vector<1x16xf32> to vector<16xf32>
      %swap3A_237 = vector.shape_cast %broadcast_in_dim3A_108 : vector<16xf32> to vector<1x16xf32>
      tpu.vector_store %arg21[%swap3A_233, %swap3A_234], %swap3A_237 {strides = array<i32>} : memref<328x128xf32, #tpu.memory_space<vmem>>, vector<1x16xf32>,
      %swap3A_238 = arith.index_cast %scan3A_207 : i32 to index
      %swap3A_239 = arith.constant 96 : index
      %swap3A_240 = tpu.vector_load %arg21[%swap3A_238, %swap3A_239] {strides = array<i32>} : memref<328x128xf32, #tpu.memory_space<vmem>>, vector<1x16xf32>,
      %swap3A_241 = vector.shape_cast %swap3A_240 : vector<1x16xf32> to vector<16xf32>
      %swap3A_242 = vector.shape_cast %broadcast_in_dim3A_108 : vector<16xf32> to vector<1x16xf32>
      tpu.vector_store %arg21[%swap3A_238, %swap3A_239], %swap3A_242 {strides = array<i32>} : memref<328x128xf32, #tpu.memory_space<vmem>>, vector<1x16xf32>,
      %swap3A_243 = arith.index_cast %scan3A_207 : i32 to index
      %swap3A_244 = arith.constant 112 : index
      %swap3A_245 = tpu.vector_load %arg21[%swap3A_243, %swap3A_244] {strides = array<i32>} : memref<328x128xf32, #tpu.memory_space<vmem>>, vector<1x16xf32>,
      %swap3A_246 = vector.shape_cast %swap3A_245 : vector<1x16xf32> to vector<16xf32>
      %swap3A_247 = vector.shape_cast %broadcast_in_dim3A_108 : vector<16xf32> to vector<1x16xf32>
      tpu.vector_store %arg21[%swap3A_243, %swap3A_244], %swap3A_247 {strides = array<i32>} : memref<328x128xf32, #tpu.memory_space<vmem>>, vector<1x16xf32>,
    }
    %scan3A_114 = arith.constant 328 : i32
    %broadcast_in_dim3A_115 = arith.constant 0.000000e+00 : f32
    %broadcast_in_dim3A_116 = vector.broadcast %broadcast_in_dim3A_115 : f32 to vector<16xf32>
    %scan3A_117 = arith.constant 0 : i32
    %scan3A_118 = arith.constant 0 : i32
    %scan3A_119 = arith.constant 328 : i32
    %scan3A_120 = arith.addi %scan3A_118, %scan3A_119 : i32
    %scan3A_121 = arith.constant 1 : i32
    scf.for %scan3A_207 = %scan3A_118 to %scan3A_120 step %scan3A_121  : i32 {
      %mul3A_208 = arith.constant 16 : i32
      %mul3A_209 = arith.muli %scan3A_207, %mul3A_208 : i32
      %swap3A_210 = arith.index_cast %mul3A_209 : i32 to index
      %swap3A_211 = tpu.vector_load %arg24[%swap3A_210] {strides = array<i32>} : memref<5248xf32, #tpu.memory_space<vmem>>, vector<16xf32>,
      %swap3A_212 = vector.shape_cast %swap3A_211 : vector<16xf32> to vector<16xf32>
      %swap3A_213 = vector.shape_cast %broadcast_in_dim3A_116 : vector<16xf32> to vector<16xf32>
      tpu.vector_store %arg24[%swap3A_210], %swap3A_213 {strides = array<i32>} : memref<5248xf32, #tpu.memory_space<vmem>>, vector<16xf32>,
    }
    %scan3A_122 = arith.constant 328 : i32
    %mul3A_123 = arith.constant 328 : i32
    %mul3A_124 = arith.muli %arg1, %mul3A_123 : i32
    "tpu.region"() ({
      %run_scoped3A = tpu.sem_alloc : memref<!tpu.dma_semaphore, #tpu.memory_space<semaphore_mem>>
      %dma_start3A_207 = arith.constant 0 : i32
      %dma_start3A_208 = arith.constant 0 : i32
      %dma_start3A_209 = tpu.memref_slice %arg21[%dma_start3A_207, %dma_start3A_208] : memref<328x128xf32, #tpu.memory_space<vmem>> -> memref<328x128xf32, #tpu.memory_space<vmem>>
      %dma_start3A_210 = arith.constant 0 : i32
      %dma_start3A_211 = tpu.memref_slice %arg22[%mul3A_124, %dma_start3A_210] : memref<5248x128xf32, #tpu.memory_space<vmem_shared>> -> memref<328x128xf32, #tpu.memory_space<vmem_shared>>
      %dma_start3A_212 = arith.constant 0 : i32
      %dma_start3A_213 = tpu.memref_slice %arg22[%mul3A_124, %dma_start3A_212] : memref<5248x128xf32, #tpu.memory_space<vmem_shared>> -> memref<328x128xf32, #tpu.memory_space<vmem_shared>>
      %dma_start3A_214 = arith.constant 0 : i32
      %dma_start3A_215 = arith.constant 0 : i32
      %dma_start3A_216 = tpu.memref_slice %arg21[%dma_start3A_214, %dma_start3A_215] : memref<328x128xf32, #tpu.memory_space<vmem>> -> memref<328x128xf32, #tpu.memory_space<vmem>>
      tpu.enqueue_dma source(%dma_start3A_216 : memref<328x128xf32, #tpu.memory_space<vmem>>) target(%dma_start3A_213 : memref<328x128xf32, #tpu.memory_space<vmem_shared>>) target_semaphore(%run_scoped3A : memref<!tpu.dma_semaphore, #tpu.memory_space<semaphore_mem>>)
      %dma_wait3A_217 = arith.constant 0 : i32
      %dma_wait3A_218 = arith.constant 0 : i32
      %dma_wait3A_219 = tpu.memref_slice %arg21[%dma_wait3A_217, %dma_wait3A_218] : memref<328x128xf32, #tpu.memory_space<vmem>> -> memref<328x128xf32, #tpu.memory_space<vmem>>
      %dma_wait3A_220 = arith.constant 0 : i32
      %dma_wait3A_221 = tpu.memref_slice %arg22[%mul3A_124, %dma_wait3A_220] : memref<5248x128xf32, #tpu.memory_space<vmem_shared>> -> memref<328x128xf32, #tpu.memory_space<vmem_shared>>
      %dma_wait3A_222 = arith.constant 0 : i32
      %dma_wait3A_223 = tpu.memref_slice %arg22[%mul3A_124, %dma_wait3A_222] : memref<5248x128xf32, #tpu.memory_space<vmem_shared>> -> memref<328x128xf32, #tpu.memory_space<vmem_shared>>
      %dma_wait3A_224 = arith.constant 0 : i32
      %dma_wait3A_225 = arith.constant 0 : i32
      %dma_wait3A_226 = tpu.memref_slice %arg21[%dma_wait3A_224, %dma_wait3A_225] : memref<328x128xf32, #tpu.memory_space<vmem>> -> memref<328x128xf32, #tpu.memory_space<vmem>>
      tpu.wait_dma2 semaphore(%run_scoped3A : memref<!tpu.dma_semaphore, #tpu.memory_space<semaphore_mem>>) src(%dma_wait3A_226 : memref<328x128xf32, #tpu.memory_space<vmem>>) dst(%dma_wait3A_223 : memref<328x128xf32, #tpu.memory_space<vmem_shared>>)
      tpu.yield
    }) : () -> ()
    %eq3A_125 = arith.constant 0 : i32
    %eq3A_126 = arith.cmpi eq, %arg1, %eq3A_125 : i32
    %convert_element_type3A_127 = arith.extui %eq3A_126 : i1 to i32
    %cond3A_128 = arith.constant 0 : i32
    %cond3A_129 = arith.cmpi ne, %convert_element_type3A_127, %cond3A_128 : i32
    scf.if %cond3A_129 {
      "tpu.region"() ({
        %run_scoped3A = tpu.sem_alloc : memref<!tpu.dma_semaphore, #tpu.memory_space<semaphore_mem>>
        tpu.enqueue_dma source(%arg24 : memref<5248xf32, #tpu.memory_space<vmem>>) target(%arg25 : memref<5248xf32, #tpu.memory_space<vmem_shared>>) target_semaphore(%run_scoped3A : memref<!tpu.dma_semaphore, #tpu.memory_space<semaphore_mem>>)
        tpu.wait_dma2 semaphore(%run_scoped3A : memref<!tpu.dma_semaphore, #tpu.memory_space<semaphore_mem>>) src(%arg24 : memref<5248xf32, #tpu.memory_space<vmem>>) dst(%arg25 : memref<5248xf32, #tpu.memory_space<vmem_shared>>)
        tpu.yield
      }) : () -> ()
    } else {
    }
    %barrier3A_130 = arith.constant 0 : index
    tpu.barrier barrier_id(%barrier3A_130)
    %mul3A_131 = arith.constant 160 : i32
    %mul3A_132 = arith.muli %arg1, %mul3A_131 : i32
    %add3A_133 = arith.constant 0 : i32
    %add3A_134 = arith.addi %mul3A_132, %add3A_133 : i32
    %dma_start3A_135 = arith.constant 0 : i32
    %dma_start3A_136 = tpu.memref_slice %arg3[%add3A_134, %dma_start3A_135] : memref<2560x128xi32, #tpu.memory_space<hbm>> -> memref<1x128xi32, #tpu.memory_space<hbm>>
    %dma_start3A_137 = tpu.memref_squeeze %dma_start3A_136 : memref<1x128xi32, #tpu.memory_space<hbm>> -> memref<128xi32, #tpu.memory_space<hbm>>
    %dma_start3A_138 = arith.constant 0 : i32
    %dma_start3A_139 = tpu.memref_slice %arg3[%add3A_134, %dma_start3A_138] : memref<2560x128xi32, #tpu.memory_space<hbm>> -> memref<1x128xi32, #tpu.memory_space<hbm>>
    %dma_start3A_140 = tpu.memref_squeeze %dma_start3A_139 : memref<1x128xi32, #tpu.memory_space<hbm>> -> memref<128xi32, #tpu.memory_space<hbm>>
    tpu.enqueue_dma source(%dma_start3A_140 : memref<128xi32, #tpu.memory_space<hbm>>) target(%arg7 : memref<128xi32, #tpu.memory_space<vmem>>) target_semaphore(%arg15 : memref<!tpu.dma_semaphore, #tpu.memory_space<semaphore_mem>>)
    %dma_start3A_141 = arith.constant 0 : i32
    %dma_start3A_142 = tpu.memref_slice %arg4[%add3A_134, %dma_start3A_141] : memref<2560x128xi32, #tpu.memory_space<hbm>> -> memref<1x128xi32, #tpu.memory_space<hbm>>
    %dma_start3A_143 = tpu.memref_squeeze %dma_start3A_142 : memref<1x128xi32, #tpu.memory_space<hbm>> -> memref<128xi32, #tpu.memory_space<hbm>>
    %dma_start3A_144 = arith.constant 0 : i32
    %dma_start3A_145 = tpu.memref_slice %arg4[%add3A_134, %dma_start3A_144] : memref<2560x128xi32, #tpu.memory_space<hbm>> -> memref<1x128xi32, #tpu.memory_space<hbm>>
    %dma_start3A_146 = tpu.memref_squeeze %dma_start3A_145 : memref<1x128xi32, #tpu.memory_space<hbm>> -> memref<128xi32, #tpu.memory_space<hbm>>
    tpu.enqueue_dma source(%dma_start3A_146 : memref<128xi32, #tpu.memory_space<hbm>>) target(%arg9 : memref<128xi32, #tpu.memory_space<vmem>>) target_semaphore(%arg15 : memref<!tpu.dma_semaphore, #tpu.memory_space<semaphore_mem>>)
    %add3A_147 = arith.constant 1 : i32
    %add3A_148 = arith.addi %mul3A_132, %add3A_147 : i32
    %dma_start3A_149 = arith.constant 0 : i32
    %dma_start3A_150 = tpu.memref_slice %arg3[%add3A_148, %dma_start3A_149] : memref<2560x128xi32, #tpu.memory_space<hbm>> -> memref<1x128xi32, #tpu.memory_space<hbm>>
    %dma_start3A_151 = tpu.memref_squeeze %dma_start3A_150 : memref<1x128xi32, #tpu.memory_space<hbm>> -> memref<128xi32, #tpu.memory_space<hbm>>
    %dma_start3A_152 = arith.constant 0 : i32
    %dma_start3A_153 = tpu.memref_slice %arg3[%add3A_148, %dma_start3A_152] : memref<2560x128xi32, #tpu.memory_space<hbm>> -> memref<1x128xi32, #tpu.memory_space<hbm>>
    %dma_start3A_154 = tpu.memref_squeeze %dma_start3A_153 : memref<1x128xi32, #tpu.memory_space<hbm>> -> memref<128xi32, #tpu.memory_space<hbm>>
    tpu.enqueue_dma source(%dma_start3A_154 : memref<128xi32, #tpu.memory_space<hbm>>) target(%arg8 : memref<128xi32, #tpu.memory_space<vmem>>) target_semaphore(%arg16 : memref<!tpu.dma_semaphore, #tpu.memory_space<semaphore_mem>>)
    %dma_start3A_155 = arith.constant 0 : i32
    %dma_start3A_156 = tpu.memref_slice %arg4[%add3A_148, %dma_start3A_155] : memref<2560x128xi32, #tpu.memory_space<hbm>> -> memref<1x128xi32, #tpu.memory_space<hbm>>
    %dma_start3A_157 = tpu.memref_squeeze %dma_start3A_156 : memref<1x128xi32, #tpu.memory_space<hbm>> -> memref<128xi32, #tpu.memory_space<hbm>>
    %dma_start3A_158 = arith.constant 0 : i32
    %dma_start3A_159 = tpu.memref_slice %arg4[%add3A_148, %dma_start3A_158] : memref<2560x128xi32, #tpu.memory_space<hbm>> -> memref<1x128xi32, #tpu.memory_space<hbm>>
    %dma_start3A_160 = tpu.memref_squeeze %dma_start3A_159 : memref<1x128xi32, #tpu.memory_space<hbm>> -> memref<128xi32, #tpu.memory_space<hbm>>
    tpu.enqueue_dma source(%dma_start3A_160 : memref<128xi32, #tpu.memory_space<hbm>>) target(%arg10 : memref<128xi32, #tpu.memory_space<vmem>>) target_semaphore(%arg16 : memref<!tpu.dma_semaphore, #tpu.memory_space<semaphore_mem>>)
    %scan3A_161 = arith.constant 0 : i32
    %scan3A_162 = arith.constant 0 : i32
    %scan3A_163 = arith.constant 80 : i32
    %scan3A_164 = arith.addi %scan3A_162, %scan3A_163 : i32
    %scan3A_165 = arith.constant 1 : i32
    scf.for %scan3A_207 = %scan3A_162 to %scan3A_164 step %scan3A_165  : i32 {
      %mul3A_208 = arith.constant 2 : i32
      %mul3A_209 = arith.muli %scan3A_207, %mul3A_208 : i32
      %add3A_210 = arith.constant 0 : i32
      %add3A_211 = arith.addi %mul3A_209, %add3A_210 : i32
      %gt3A = arith.constant 0 : i32
      %gt3A_212 = arith.cmpi sgt, %scan3A_207, %gt3A : i32
      %convert_element_type3A_213 = arith.extui %gt3A_212 : i1 to i32
      %cond3A_214 = arith.constant 0 : i32
      %cond3A_215 = arith.cmpi ne, %convert_element_type3A_213, %cond3A_214 : i32
      scf.if %cond3A_215 {
        %dma_wait3A_608 = arith.constant 0 : i32
        %dma_wait3A_609 = arith.constant 0 : i32
        %dma_wait3A_610 = tpu.memref_slice %arg22[%dma_wait3A_608, %dma_wait3A_609] : memref<5248x128xf32, #tpu.memory_space<vmem_shared>> -> memref<5248x128xf32, #tpu.memory_space<vmem_shared>>
        tpu.wait_indirect_dma semaphore(%arg19 : memref<!tpu.dma_semaphore, #tpu.memory_space<semaphore_mem>>) src(%arg13 : memref<128x128xf32, #tpu.memory_space<vmem>>) dst(%dma_wait3A_610 : memref<5248x128xf32, #tpu.memory_space<vmem_shared>>)
        %dma_wait3A_611 = arith.constant 0 : i32
        %dma_wait3A_612 = tpu.memref_slice %arg25[%dma_wait3A_611] : memref<5248xf32, #tpu.memory_space<vmem_shared>> -> memref<5248xf32, #tpu.memory_space<vmem_shared>>
        tpu.wait_indirect_dma semaphore(%arg19 : memref<!tpu.dma_semaphore, #tpu.memory_space<semaphore_mem>>) src(%arg23 : memref<128xf32, #tpu.memory_space<vmem>>) dst(%dma_wait3A_612 : memref<5248xf32, #tpu.memory_space<vmem_shared>>)
      } else {
      }
      %add3A_216 = arith.addi %mul3A_132, %add3A_211 : i32
      %dma_wait3A_217 = arith.constant 0 : i32
      %dma_wait3A_218 = tpu.memref_slice %arg3[%add3A_216, %dma_wait3A_217] : memref<2560x128xi32, #tpu.memory_space<hbm>> -> memref<1x128xi32, #tpu.memory_space<hbm>>
      %dma_wait3A_219 = tpu.memref_squeeze %dma_wait3A_218 : memref<1x128xi32, #tpu.memory_space<hbm>> -> memref<128xi32, #tpu.memory_space<hbm>>
      %dma_wait3A_220 = arith.constant 0 : i32
      %dma_wait3A_221 = tpu.memref_slice %arg3[%add3A_216, %dma_wait3A_220] : memref<2560x128xi32, #tpu.memory_space<hbm>> -> memref<1x128xi32, #tpu.memory_space<hbm>>
      %dma_wait3A_222 = tpu.memref_squeeze %dma_wait3A_221 : memref<1x128xi32, #tpu.memory_space<hbm>> -> memref<128xi32, #tpu.memory_space<hbm>>
      tpu.wait_dma2 semaphore(%arg15 : memref<!tpu.dma_semaphore, #tpu.memory_space<semaphore_mem>>) src(%dma_wait3A_222 : memref<128xi32, #tpu.memory_space<hbm>>) dst(%arg7 : memref<128xi32, #tpu.memory_space<vmem>>)
      %dma_wait3A_223 = arith.constant 0 : i32
      %dma_wait3A_224 = tpu.memref_slice %arg4[%add3A_216, %dma_wait3A_223] : memref<2560x128xi32, #tpu.memory_space<hbm>> -> memref<1x128xi32, #tpu.memory_space<hbm>>
      %dma_wait3A_225 = tpu.memref_squeeze %dma_wait3A_224 : memref<1x128xi32, #tpu.memory_space<hbm>> -> memref<128xi32, #tpu.memory_space<hbm>>
      %dma_wait3A_226 = arith.constant 0 : i32
      %dma_wait3A_227 = tpu.memref_slice %arg4[%add3A_216, %dma_wait3A_226] : memref<2560x128xi32, #tpu.memory_space<hbm>> -> memref<1x128xi32, #tpu.memory_space<hbm>>
      %dma_wait3A_228 = tpu.memref_squeeze %dma_wait3A_227 : memref<1x128xi32, #tpu.memory_space<hbm>> -> memref<128xi32, #tpu.memory_space<hbm>>
      tpu.wait_dma2 semaphore(%arg15 : memref<!tpu.dma_semaphore, #tpu.memory_space<semaphore_mem>>) src(%dma_wait3A_228 : memref<128xi32, #tpu.memory_space<hbm>>) dst(%arg9 : memref<128xi32, #tpu.memory_space<vmem>>)
      %get3A = arith.constant 0 : index
      %get3A_229 = tpu.vector_load %arg9[%get3A] {strides = array<i32>} : memref<128xi32, #tpu.memory_space<vmem>>, vector<16xi32>,
      %get3A_230 = vector.shape_cast %get3A_229 : vector<16xi32> to vector<16xi32>
      %ge3A = arith.constant 5120 : i32
      %ge3A_231 = vector.broadcast %ge3A : i32 to vector<16xi32>
      %ge3A_232 = arith.cmpi sge, %get3A_230, %ge3A_231 : vector<16xi32>
      %lt3A = arith.constant 10240 : i32
      %lt3A_233 = vector.broadcast %lt3A : i32 to vector<16xi32>
      %lt3A_234 = arith.cmpi slt, %get3A_230, %lt3A_233 : vector<16xi32>
      %and3A = arith.andi %ge3A_232, %lt3A_234 : vector<16xi1>
      %sub3A = arith.constant 5120 : i32
      %sub3A_235 = vector.broadcast %sub3A : i32 to vector<16xi32>
      %sub3A_236 = arith.subi %get3A_230, %sub3A_235 : vector<16xi32>
      %jit3A = arith.constant 5120 : i32
      %broadcast_in_dim3A_237 = vector.broadcast %jit3A : i32 to vector<16xi32>
      %select_n3A = arith.select %and3A, %sub3A_236, %broadcast_in_dim3A_237 : vector<16xi1>, vector<16xi32>
      %swap3A_238 = arith.constant 0 : index
      %swap3A_239 = tpu.vector_load %arg11[%swap3A_238] {strides = array<i32>} : memref<128xi32, #tpu.memory_space<vmem>>, vector<16xi32>,
      %swap3A_240 = vector.shape_cast %swap3A_239 : vector<16xi32> to vector<16xi32>
      %swap3A_241 = vector.shape_cast %select_n3A : vector<16xi32> to vector<16xi32>
      tpu.vector_store %arg11[%swap3A_238], %swap3A_241 {strides = array<i32>} : memref<128xi32, #tpu.memory_space<vmem>>, vector<16xi32>,
      %get3A_242 = arith.constant 16 : index
      %get3A_243 = tpu.vector_load %arg9[%get3A_242] {strides = array<i32>} : memref<128xi32, #tpu.memory_space<vmem>>, vector<16xi32>,
      %get3A_244 = vector.shape_cast %get3A_243 : vector<16xi32> to vector<16xi32>
      %ge3A_245 = arith.constant 5120 : i32
      %ge3A_246 = vector.broadcast %ge3A_245 : i32 to vector<16xi32>
      %ge3A_247 = arith.cmpi sge, %get3A_244, %ge3A_246 : vector<16xi32>
      %lt3A_248 = arith.constant 10240 : i32
      %lt3A_249 = vector.broadcast %lt3A_248 : i32 to vector<16xi32>
      %lt3A_250 = arith.cmpi slt, %get3A_244, %lt3A_249 : vector<16xi32>
      %and3A_251 = arith.andi %ge3A_247, %lt3A_250 : vector<16xi1>
      %sub3A_252 = arith.constant 5120 : i32
      %sub3A_253 = vector.broadcast %sub3A_252 : i32 to vector<16xi32>
      %sub3A_254 = arith.subi %get3A_244, %sub3A_253 : vector<16xi32>
      %jit3A_255 = arith.constant 5120 : i32
      %broadcast_in_dim3A_256 = vector.broadcast %jit3A_255 : i32 to vector<16xi32>
      %select_n3A_257 = arith.select %and3A_251, %sub3A_254, %broadcast_in_dim3A_256 : vector<16xi1>, vector<16xi32>
      %swap3A_258 = arith.constant 16 : index
      %swap3A_259 = tpu.vector_load %arg11[%swap3A_258] {strides = array<i32>} : memref<128xi32, #tpu.memory_space<vmem>>, vector<16xi32>,
      %swap3A_260 = vector.shape_cast %swap3A_259 : vector<16xi32> to vector<16xi32>
      %swap3A_261 = vector.shape_cast %select_n3A_257 : vector<16xi32> to vector<16xi32>
      tpu.vector_store %arg11[%swap3A_258], %swap3A_261 {strides = array<i32>} : memref<128xi32, #tpu.memory_space<vmem>>, vector<16xi32>,
      %get3A_262 = arith.constant 32 : index
      %get3A_263 = tpu.vector_load %arg9[%get3A_262] {strides = array<i32>} : memref<128xi32, #tpu.memory_space<vmem>>, vector<16xi32>,
      %get3A_264 = vector.shape_cast %get3A_263 : vector<16xi32> to vector<16xi32>
      %ge3A_265 = arith.constant 5120 : i32
      %ge3A_266 = vector.broadcast %ge3A_265 : i32 to vector<16xi32>
      %ge3A_267 = arith.cmpi sge, %get3A_264, %ge3A_266 : vector<16xi32>
      %lt3A_268 = arith.constant 10240 : i32
      %lt3A_269 = vector.broadcast %lt3A_268 : i32 to vector<16xi32>
      %lt3A_270 = arith.cmpi slt, %get3A_264, %lt3A_269 : vector<16xi32>
      %and3A_271 = arith.andi %ge3A_267, %lt3A_270 : vector<16xi1>
      %sub3A_272 = arith.constant 5120 : i32
      %sub3A_273 = vector.broadcast %sub3A_272 : i32 to vector<16xi32>
      %sub3A_274 = arith.subi %get3A_264, %sub3A_273 : vector<16xi32>
      %jit3A_275 = arith.constant 5120 : i32
      %broadcast_in_dim3A_276 = vector.broadcast %jit3A_275 : i32 to vector<16xi32>
      %select_n3A_277 = arith.select %and3A_271, %sub3A_274, %broadcast_in_dim3A_276 : vector<16xi1>, vector<16xi32>
      %swap3A_278 = arith.constant 32 : index
      %swap3A_279 = tpu.vector_load %arg11[%swap3A_278] {strides = array<i32>} : memref<128xi32, #tpu.memory_space<vmem>>, vector<16xi32>,
      %swap3A_280 = vector.shape_cast %swap3A_279 : vector<16xi32> to vector<16xi32>
      %swap3A_281 = vector.shape_cast %select_n3A_277 : vector<16xi32> to vector<16xi32>
      tpu.vector_store %arg11[%swap3A_278], %swap3A_281 {strides = array<i32>} : memref<128xi32, #tpu.memory_space<vmem>>, vector<16xi32>,
      %get3A_282 = arith.constant 48 : index
      %get3A_283 = tpu.vector_load %arg9[%get3A_282] {strides = array<i32>} : memref<128xi32, #tpu.memory_space<vmem>>, vector<16xi32>,
      %get3A_284 = vector.shape_cast %get3A_283 : vector<16xi32> to vector<16xi32>
      %ge3A_285 = arith.constant 5120 : i32
      %ge3A_286 = vector.broadcast %ge3A_285 : i32 to vector<16xi32>
      %ge3A_287 = arith.cmpi sge, %get3A_284, %ge3A_286 : vector<16xi32>
      %lt3A_288 = arith.constant 10240 : i32
      %lt3A_289 = vector.broadcast %lt3A_288 : i32 to vector<16xi32>
      %lt3A_290 = arith.cmpi slt, %get3A_284, %lt3A_289 : vector<16xi32>
      %and3A_291 = arith.andi %ge3A_287, %lt3A_290 : vector<16xi1>
      %sub3A_292 = arith.constant 5120 : i32
      %sub3A_293 = vector.broadcast %sub3A_292 : i32 to vector<16xi32>
      %sub3A_294 = arith.subi %get3A_284, %sub3A_293 : vector<16xi32>
      %jit3A_295 = arith.constant 5120 : i32
      %broadcast_in_dim3A_296 = vector.broadcast %jit3A_295 : i32 to vector<16xi32>
      %select_n3A_297 = arith.select %and3A_291, %sub3A_294, %broadcast_in_dim3A_296 : vector<16xi1>, vector<16xi32>
      %swap3A_298 = arith.constant 48 : index
      %swap3A_299 = tpu.vector_load %arg11[%swap3A_298] {strides = array<i32>} : memref<128xi32, #tpu.memory_space<vmem>>, vector<16xi32>,
      %swap3A_300 = vector.shape_cast %swap3A_299 : vector<16xi32> to vector<16xi32>
      %swap3A_301 = vector.shape_cast %select_n3A_297 : vector<16xi32> to vector<16xi32>
      tpu.vector_store %arg11[%swap3A_298], %swap3A_301 {strides = array<i32>} : memref<128xi32, #tpu.memory_space<vmem>>, vector<16xi32>,
      %get3A_302 = arith.constant 64 : index
      %get3A_303 = tpu.vector_load %arg9[%get3A_302] {strides = array<i32>} : memref<128xi32, #tpu.memory_space<vmem>>, vector<16xi32>,
      %get3A_304 = vector.shape_cast %get3A_303 : vector<16xi32> to vector<16xi32>
      %ge3A_305 = arith.constant 5120 : i32
      %ge3A_306 = vector.broadcast %ge3A_305 : i32 to vector<16xi32>
      %ge3A_307 = arith.cmpi sge, %get3A_304, %ge3A_306 : vector<16xi32>
      %lt3A_308 = arith.constant 10240 : i32
      %lt3A_309 = vector.broadcast %lt3A_308 : i32 to vector<16xi32>
      %lt3A_310 = arith.cmpi slt, %get3A_304, %lt3A_309 : vector<16xi32>
      %and3A_311 = arith.andi %ge3A_307, %lt3A_310 : vector<16xi1>
      %sub3A_312 = arith.constant 5120 : i32
      %sub3A_313 = vector.broadcast %sub3A_312 : i32 to vector<16xi32>
      %sub3A_314 = arith.subi %get3A_304, %sub3A_313 : vector<16xi32>
      %jit3A_315 = arith.constant 5120 : i32
      %broadcast_in_dim3A_316 = vector.broadcast %jit3A_315 : i32 to vector<16xi32>
      %select_n3A_317 = arith.select %and3A_311, %sub3A_314, %broadcast_in_dim3A_316 : vector<16xi1>, vector<16xi32>
      %swap3A_318 = arith.constant 64 : index
      %swap3A_319 = tpu.vector_load %arg11[%swap3A_318] {strides = array<i32>} : memref<128xi32, #tpu.memory_space<vmem>>, vector<16xi32>,
      %swap3A_320 = vector.shape_cast %swap3A_319 : vector<16xi32> to vector<16xi32>
      %swap3A_321 = vector.shape_cast %select_n3A_317 : vector<16xi32> to vector<16xi32>
      tpu.vector_store %arg11[%swap3A_318], %swap3A_321 {strides = array<i32>} : memref<128xi32, #tpu.memory_space<vmem>>, vector<16xi32>,
      %get3A_322 = arith.constant 80 : index
      %get3A_323 = tpu.vector_load %arg9[%get3A_322] {strides = array<i32>} : memref<128xi32, #tpu.memory_space<vmem>>, vector<16xi32>,
      %get3A_324 = vector.shape_cast %get3A_323 : vector<16xi32> to vector<16xi32>
      %ge3A_325 = arith.constant 5120 : i32
      %ge3A_326 = vector.broadcast %ge3A_325 : i32 to vector<16xi32>
      %ge3A_327 = arith.cmpi sge, %get3A_324, %ge3A_326 : vector<16xi32>
      %lt3A_328 = arith.constant 10240 : i32
      %lt3A_329 = vector.broadcast %lt3A_328 : i32 to vector<16xi32>
      %lt3A_330 = arith.cmpi slt, %get3A_324, %lt3A_329 : vector<16xi32>
      %and3A_331 = arith.andi %ge3A_327, %lt3A_330 : vector<16xi1>
      %sub3A_332 = arith.constant 5120 : i32
      %sub3A_333 = vector.broadcast %sub3A_332 : i32 to vector<16xi32>
      %sub3A_334 = arith.subi %get3A_324, %sub3A_333 : vector<16xi32>
      %jit3A_335 = arith.constant 5120 : i32
      %broadcast_in_dim3A_336 = vector.broadcast %jit3A_335 : i32 to vector<16xi32>
      %select_n3A_337 = arith.select %and3A_331, %sub3A_334, %broadcast_in_dim3A_336 : vector<16xi1>, vector<16xi32>
      %swap3A_338 = arith.constant 80 : index
      %swap3A_339 = tpu.vector_load %arg11[%swap3A_338] {strides = array<i32>} : memref<128xi32, #tpu.memory_space<vmem>>, vector<16xi32>,
      %swap3A_340 = vector.shape_cast %swap3A_339 : vector<16xi32> to vector<16xi32>
      %swap3A_341 = vector.shape_cast %select_n3A_337 : vector<16xi32> to vector<16xi32>
      tpu.vector_store %arg11[%swap3A_338], %swap3A_341 {strides = array<i32>} : memref<128xi32, #tpu.memory_space<vmem>>, vector<16xi32>,
      %get3A_342 = arith.constant 96 : index
      %get3A_343 = tpu.vector_load %arg9[%get3A_342] {strides = array<i32>} : memref<128xi32, #tpu.memory_space<vmem>>, vector<16xi32>,
      %get3A_344 = vector.shape_cast %get3A_343 : vector<16xi32> to vector<16xi32>
      %ge3A_345 = arith.constant 5120 : i32
      %ge3A_346 = vector.broadcast %ge3A_345 : i32 to vector<16xi32>
      %ge3A_347 = arith.cmpi sge, %get3A_344, %ge3A_346 : vector<16xi32>
      %lt3A_348 = arith.constant 10240 : i32
      %lt3A_349 = vector.broadcast %lt3A_348 : i32 to vector<16xi32>
      %lt3A_350 = arith.cmpi slt, %get3A_344, %lt3A_349 : vector<16xi32>
      %and3A_351 = arith.andi %ge3A_347, %lt3A_350 : vector<16xi1>
      %sub3A_352 = arith.constant 5120 : i32
      %sub3A_353 = vector.broadcast %sub3A_352 : i32 to vector<16xi32>
      %sub3A_354 = arith.subi %get3A_344, %sub3A_353 : vector<16xi32>
      %jit3A_355 = arith.constant 5120 : i32
      %broadcast_in_dim3A_356 = vector.broadcast %jit3A_355 : i32 to vector<16xi32>
      %select_n3A_357 = arith.select %and3A_351, %sub3A_354, %broadcast_in_dim3A_356 : vector<16xi1>, vector<16xi32>
      %swap3A_358 = arith.constant 96 : index
      %swap3A_359 = tpu.vector_load %arg11[%swap3A_358] {strides = array<i32>} : memref<128xi32, #tpu.memory_space<vmem>>, vector<16xi32>,
      %swap3A_360 = vector.shape_cast %swap3A_359 : vector<16xi32> to vector<16xi32>
      %swap3A_361 = vector.shape_cast %select_n3A_357 : vector<16xi32> to vector<16xi32>
      tpu.vector_store %arg11[%swap3A_358], %swap3A_361 {strides = array<i32>} : memref<128xi32, #tpu.memory_space<vmem>>, vector<16xi32>,
      %get3A_362 = arith.constant 112 : index
      %get3A_363 = tpu.vector_load %arg9[%get3A_362] {strides = array<i32>} : memref<128xi32, #tpu.memory_space<vmem>>, vector<16xi32>,
      %get3A_364 = vector.shape_cast %get3A_363 : vector<16xi32> to vector<16xi32>
      %ge3A_365 = arith.constant 5120 : i32
      %ge3A_366 = vector.broadcast %ge3A_365 : i32 to vector<16xi32>
      %ge3A_367 = arith.cmpi sge, %get3A_364, %ge3A_366 : vector<16xi32>
      %lt3A_368 = arith.constant 10240 : i32
      %lt3A_369 = vector.broadcast %lt3A_368 : i32 to vector<16xi32>
      %lt3A_370 = arith.cmpi slt, %get3A_364, %lt3A_369 : vector<16xi32>
      %and3A_371 = arith.andi %ge3A_367, %lt3A_370 : vector<16xi1>
      %sub3A_372 = arith.constant 5120 : i32
      %sub3A_373 = vector.broadcast %sub3A_372 : i32 to vector<16xi32>
      %sub3A_374 = arith.subi %get3A_364, %sub3A_373 : vector<16xi32>
      %jit3A_375 = arith.constant 5120 : i32
      %broadcast_in_dim3A_376 = vector.broadcast %jit3A_375 : i32 to vector<16xi32>
      %select_n3A_377 = arith.select %and3A_371, %sub3A_374, %broadcast_in_dim3A_376 : vector<16xi1>, vector<16xi32>
      %swap3A_378 = arith.constant 112 : index
      %swap3A_379 = tpu.vector_load %arg11[%swap3A_378] {strides = array<i32>} : memref<128xi32, #tpu.memory_space<vmem>>, vector<16xi32>,
      %swap3A_380 = vector.shape_cast %swap3A_379 : vector<16xi32> to vector<16xi32>
      %swap3A_381 = vector.shape_cast %select_n3A_377 : vector<16xi32> to vector<16xi32>
      tpu.vector_store %arg11[%swap3A_378], %swap3A_381 {strides = array<i32>} : memref<128xi32, #tpu.memory_space<vmem>>, vector<16xi32>,
      %dma_start3A_382 = arith.constant 0 : i32
      %dma_start3A_383 = arith.constant 0 : i32
      %dma_start3A_384 = tpu.memref_slice %arg2[%dma_start3A_382, %dma_start3A_383] : memref<10000x128xf32, #tpu.memory_space<hbm>> -> memref<10000x128xf32, #tpu.memory_space<hbm>>
      tpu.enqueue_indirect_dma source(%dma_start3A_384 : memref<10000x128xf32, #tpu.memory_space<hbm>>) target(%arg13 : memref<128x128xf32, #tpu.memory_space<vmem>>) offsets(%arg7 : memref<128xi32, #tpu.memory_space<vmem>>) semaphore(%arg17 : memref<!tpu.dma_semaphore, #tpu.memory_space<semaphore_mem>>)
      %mul3A_385 = arith.constant 2 : i32
      %mul3A_386 = arith.muli %scan3A_207, %mul3A_385 : i32
      %add3A_387 = arith.constant 1 : i32
      %add3A_388 = arith.addi %mul3A_386, %add3A_387 : i32
      %gt3A_389 = arith.constant 0 : i32
      %gt3A_390 = arith.cmpi sgt, %scan3A_207, %gt3A_389 : i32
      %convert_element_type3A_391 = arith.extui %gt3A_390 : i1 to i32
      %cond3A_392 = arith.constant 0 : i32
      %cond3A_393 = arith.cmpi ne, %convert_element_type3A_391, %cond3A_392 : i32
      scf.if %cond3A_393 {
        %dma_wait3A_608 = arith.constant 0 : i32
        %dma_wait3A_609 = arith.constant 0 : i32
        %dma_wait3A_610 = tpu.memref_slice %arg22[%dma_wait3A_608, %dma_wait3A_609] : memref<5248x128xf32, #tpu.memory_space<vmem_shared>> -> memref<5248x128xf32, #tpu.memory_space<vmem_shared>>
        tpu.wait_indirect_dma semaphore(%arg20 : memref<!tpu.dma_semaphore, #tpu.memory_space<semaphore_mem>>) src(%arg14 : memref<128x128xf32, #tpu.memory_space<vmem>>) dst(%dma_wait3A_610 : memref<5248x128xf32, #tpu.memory_space<vmem_shared>>)
        %dma_wait3A_611 = arith.constant 0 : i32
        %dma_wait3A_612 = tpu.memref_slice %arg25[%dma_wait3A_611] : memref<5248xf32, #tpu.memory_space<vmem_shared>> -> memref<5248xf32, #tpu.memory_space<vmem_shared>>
        tpu.wait_indirect_dma semaphore(%arg20 : memref<!tpu.dma_semaphore, #tpu.memory_space<semaphore_mem>>) src(%arg23 : memref<128xf32, #tpu.memory_space<vmem>>) dst(%dma_wait3A_612 : memref<5248xf32, #tpu.memory_space<vmem_shared>>)
      } else {
      }
      %add3A_394 = arith.addi %mul3A_132, %add3A_388 : i32
      %dma_wait3A_395 = arith.constant 0 : i32
      %dma_wait3A_396 = tpu.memref_slice %arg3[%add3A_394, %dma_wait3A_395] : memref<2560x128xi32, #tpu.memory_space<hbm>> -> memref<1x128xi32, #tpu.memory_space<hbm>>
      %dma_wait3A_397 = tpu.memref_squeeze %dma_wait3A_396 : memref<1x128xi32, #tpu.memory_space<hbm>> -> memref<128xi32, #tpu.memory_space<hbm>>
      %dma_wait3A_398 = arith.constant 0 : i32
      %dma_wait3A_399 = tpu.memref_slice %arg3[%add3A_394, %dma_wait3A_398] : memref<2560x128xi32, #tpu.memory_space<hbm>> -> memref<1x128xi32, #tpu.memory_space<hbm>>
      %dma_wait3A_400 = tpu.memref_squeeze %dma_wait3A_399 : memref<1x128xi32, #tpu.memory_space<hbm>> -> memref<128xi32, #tpu.memory_space<hbm>>
      tpu.wait_dma2 semaphore(%arg16 : memref<!tpu.dma_semaphore, #tpu.memory_space<semaphore_mem>>) src(%dma_wait3A_400 : memref<128xi32, #tpu.memory_space<hbm>>) dst(%arg8 : memref<128xi32, #tpu.memory_space<vmem>>)
      %dma_wait3A_401 = arith.constant 0 : i32
      %dma_wait3A_402 = tpu.memref_slice %arg4[%add3A_394, %dma_wait3A_401] : memref<2560x128xi32, #tpu.memory_space<hbm>> -> memref<1x128xi32, #tpu.memory_space<hbm>>
      %dma_wait3A_403 = tpu.memref_squeeze %dma_wait3A_402 : memref<1x128xi32, #tpu.memory_space<hbm>> -> memref<128xi32, #tpu.memory_space<hbm>>
      %dma_wait3A_404 = arith.constant 0 : i32
      %dma_wait3A_405 = tpu.memref_slice %arg4[%add3A_394, %dma_wait3A_404] : memref<2560x128xi32, #tpu.memory_space<hbm>> -> memref<1x128xi32, #tpu.memory_space<hbm>>
      %dma_wait3A_406 = tpu.memref_squeeze %dma_wait3A_405 : memref<1x128xi32, #tpu.memory_space<hbm>> -> memref<128xi32, #tpu.memory_space<hbm>>
      tpu.wait_dma2 semaphore(%arg16 : memref<!tpu.dma_semaphore, #tpu.memory_space<semaphore_mem>>) src(%dma_wait3A_406 : memref<128xi32, #tpu.memory_space<hbm>>) dst(%arg10 : memref<128xi32, #tpu.memory_space<vmem>>)
      %get3A_407 = arith.constant 0 : index
      %get3A_408 = tpu.vector_load %arg10[%get3A_407] {strides = array<i32>} : memref<128xi32, #tpu.memory_space<vmem>>, vector<16xi32>,
      %get3A_409 = vector.shape_cast %get3A_408 : vector<16xi32> to vector<16xi32>
      %ge3A_410 = arith.constant 5120 : i32
      %ge3A_411 = vector.broadcast %ge3A_410 : i32 to vector<16xi32>
      %ge3A_412 = arith.cmpi sge, %get3A_409, %ge3A_411 : vector<16xi32>
      %lt3A_413 = arith.constant 10240 : i32
      %lt3A_414 = vector.broadcast %lt3A_413 : i32 to vector<16xi32>
      %lt3A_415 = arith.cmpi slt, %get3A_409, %lt3A_414 : vector<16xi32>
      %and3A_416 = arith.andi %ge3A_412, %lt3A_415 : vector<16xi1>
      %sub3A_417 = arith.constant 5120 : i32
      %sub3A_418 = vector.broadcast %sub3A_417 : i32 to vector<16xi32>
      %sub3A_419 = arith.subi %get3A_409, %sub3A_418 : vector<16xi32>
      %jit3A_420 = arith.constant 5120 : i32
      %broadcast_in_dim3A_421 = vector.broadcast %jit3A_420 : i32 to vector<16xi32>
      %select_n3A_422 = arith.select %and3A_416, %sub3A_419, %broadcast_in_dim3A_421 : vector<16xi1>, vector<16xi32>
      %swap3A_423 = arith.constant 0 : index
      %swap3A_424 = tpu.vector_load %arg12[%swap3A_423] {strides = array<i32>} : memref<128xi32, #tpu.memory_space<vmem>>, vector<16xi32>,
      %swap3A_425 = vector.shape_cast %swap3A_424 : vector<16xi32> to vector<16xi32>
      %swap3A_426 = vector.shape_cast %select_n3A_422 : vector<16xi32> to vector<16xi32>
      tpu.vector_store %arg12[%swap3A_423], %swap3A_426 {strides = array<i32>} : memref<128xi32, #tpu.memory_space<vmem>>, vector<16xi32>,
      %get3A_427 = arith.constant 16 : index
      %get3A_428 = tpu.vector_load %arg10[%get3A_427] {strides = array<i32>} : memref<128xi32, #tpu.memory_space<vmem>>, vector<16xi32>,
      %get3A_429 = vector.shape_cast %get3A_428 : vector<16xi32> to vector<16xi32>
      %ge3A_430 = arith.constant 5120 : i32
      %ge3A_431 = vector.broadcast %ge3A_430 : i32 to vector<16xi32>
      %ge3A_432 = arith.cmpi sge, %get3A_429, %ge3A_431 : vector<16xi32>
      %lt3A_433 = arith.constant 10240 : i32
      %lt3A_434 = vector.broadcast %lt3A_433 : i32 to vector<16xi32>
      %lt3A_435 = arith.cmpi slt, %get3A_429, %lt3A_434 : vector<16xi32>
      %and3A_436 = arith.andi %ge3A_432, %lt3A_435 : vector<16xi1>
      %sub3A_437 = arith.constant 5120 : i32
      %sub3A_438 = vector.broadcast %sub3A_437 : i32 to vector<16xi32>
      %sub3A_439 = arith.subi %get3A_429, %sub3A_438 : vector<16xi32>
      %jit3A_440 = arith.constant 5120 : i32
      %broadcast_in_dim3A_441 = vector.broadcast %jit3A_440 : i32 to vector<16xi32>
      %select_n3A_442 = arith.select %and3A_436, %sub3A_439, %broadcast_in_dim3A_441 : vector<16xi1>, vector<16xi32>
      %swap3A_443 = arith.constant 16 : index
      %swap3A_444 = tpu.vector_load %arg12[%swap3A_443] {strides = array<i32>} : memref<128xi32, #tpu.memory_space<vmem>>, vector<16xi32>,
      %swap3A_445 = vector.shape_cast %swap3A_444 : vector<16xi32> to vector<16xi32>
      %swap3A_446 = vector.shape_cast %select_n3A_442 : vector<16xi32> to vector<16xi32>
      tpu.vector_store %arg12[%swap3A_443], %swap3A_446 {strides = array<i32>} : memref<128xi32, #tpu.memory_space<vmem>>, vector<16xi32>,
      %get3A_447 = arith.constant 32 : index
      %get3A_448 = tpu.vector_load %arg10[%get3A_447] {strides = array<i32>} : memref<128xi32, #tpu.memory_space<vmem>>, vector<16xi32>,
      %get3A_449 = vector.shape_cast %get3A_448 : vector<16xi32> to vector<16xi32>
      %ge3A_450 = arith.constant 5120 : i32
      %ge3A_451 = vector.broadcast %ge3A_450 : i32 to vector<16xi32>
      %ge3A_452 = arith.cmpi sge, %get3A_449, %ge3A_451 : vector<16xi32>
      %lt3A_453 = arith.constant 10240 : i32
      %lt3A_454 = vector.broadcast %lt3A_453 : i32 to vector<16xi32>
      %lt3A_455 = arith.cmpi slt, %get3A_449, %lt3A_454 : vector<16xi32>
      %and3A_456 = arith.andi %ge3A_452, %lt3A_455 : vector<16xi1>
      %sub3A_457 = arith.constant 5120 : i32
      %sub3A_458 = vector.broadcast %sub3A_457 : i32 to vector<16xi32>
      %sub3A_459 = arith.subi %get3A_449, %sub3A_458 : vector<16xi32>
      %jit3A_460 = arith.constant 5120 : i32
      %broadcast_in_dim3A_461 = vector.broadcast %jit3A_460 : i32 to vector<16xi32>
      %select_n3A_462 = arith.select %and3A_456, %sub3A_459, %broadcast_in_dim3A_461 : vector<16xi1>, vector<16xi32>
      %swap3A_463 = arith.constant 32 : index
      %swap3A_464 = tpu.vector_load %arg12[%swap3A_463] {strides = array<i32>} : memref<128xi32, #tpu.memory_space<vmem>>, vector<16xi32>,
      %swap3A_465 = vector.shape_cast %swap3A_464 : vector<16xi32> to vector<16xi32>
      %swap3A_466 = vector.shape_cast %select_n3A_462 : vector<16xi32> to vector<16xi32>
      tpu.vector_store %arg12[%swap3A_463], %swap3A_466 {strides = array<i32>} : memref<128xi32, #tpu.memory_space<vmem>>, vector<16xi32>,
      %get3A_467 = arith.constant 48 : index
      %get3A_468 = tpu.vector_load %arg10[%get3A_467] {strides = array<i32>} : memref<128xi32, #tpu.memory_space<vmem>>, vector<16xi32>,
      %get3A_469 = vector.shape_cast %get3A_468 : vector<16xi32> to vector<16xi32>
      %ge3A_470 = arith.constant 5120 : i32
      %ge3A_471 = vector.broadcast %ge3A_470 : i32 to vector<16xi32>
      %ge3A_472 = arith.cmpi sge, %get3A_469, %ge3A_471 : vector<16xi32>
      %lt3A_473 = arith.constant 10240 : i32
      %lt3A_474 = vector.broadcast %lt3A_473 : i32 to vector<16xi32>
      %lt3A_475 = arith.cmpi slt, %get3A_469, %lt3A_474 : vector<16xi32>
      %and3A_476 = arith.andi %ge3A_472, %lt3A_475 : vector<16xi1>
      %sub3A_477 = arith.constant 5120 : i32
      %sub3A_478 = vector.broadcast %sub3A_477 : i32 to vector<16xi32>
      %sub3A_479 = arith.subi %get3A_469, %sub3A_478 : vector<16xi32>
      %jit3A_480 = arith.constant 5120 : i32
      %broadcast_in_dim3A_481 = vector.broadcast %jit3A_480 : i32 to vector<16xi32>
      %select_n3A_482 = arith.select %and3A_476, %sub3A_479, %broadcast_in_dim3A_481 : vector<16xi1>, vector<16xi32>
      %swap3A_483 = arith.constant 48 : index
      %swap3A_484 = tpu.vector_load %arg12[%swap3A_483] {strides = array<i32>} : memref<128xi32, #tpu.memory_space<vmem>>, vector<16xi32>,
      %swap3A_485 = vector.shape_cast %swap3A_484 : vector<16xi32> to vector<16xi32>
      %swap3A_486 = vector.shape_cast %select_n3A_482 : vector<16xi32> to vector<16xi32>
      tpu.vector_store %arg12[%swap3A_483], %swap3A_486 {strides = array<i32>} : memref<128xi32, #tpu.memory_space<vmem>>, vector<16xi32>,
      %get3A_487 = arith.constant 64 : index
      %get3A_488 = tpu.vector_load %arg10[%get3A_487] {strides = array<i32>} : memref<128xi32, #tpu.memory_space<vmem>>, vector<16xi32>,
      %get3A_489 = vector.shape_cast %get3A_488 : vector<16xi32> to vector<16xi32>
      %ge3A_490 = arith.constant 5120 : i32
      %ge3A_491 = vector.broadcast %ge3A_490 : i32 to vector<16xi32>
      %ge3A_492 = arith.cmpi sge, %get3A_489, %ge3A_491 : vector<16xi32>
      %lt3A_493 = arith.constant 10240 : i32
      %lt3A_494 = vector.broadcast %lt3A_493 : i32 to vector<16xi32>
      %lt3A_495 = arith.cmpi slt, %get3A_489, %lt3A_494 : vector<16xi32>
      %and3A_496 = arith.andi %ge3A_492, %lt3A_495 : vector<16xi1>
      %sub3A_497 = arith.constant 5120 : i32
      %sub3A_498 = vector.broadcast %sub3A_497 : i32 to vector<16xi32>
      %sub3A_499 = arith.subi %get3A_489, %sub3A_498 : vector<16xi32>
      %jit3A_500 = arith.constant 5120 : i32
      %broadcast_in_dim3A_501 = vector.broadcast %jit3A_500 : i32 to vector<16xi32>
      %select_n3A_502 = arith.select %and3A_496, %sub3A_499, %broadcast_in_dim3A_501 : vector<16xi1>, vector<16xi32>
      %swap3A_503 = arith.constant 64 : index
      %swap3A_504 = tpu.vector_load %arg12[%swap3A_503] {strides = array<i32>} : memref<128xi32, #tpu.memory_space<vmem>>, vector<16xi32>,
      %swap3A_505 = vector.shape_cast %swap3A_504 : vector<16xi32> to vector<16xi32>
      %swap3A_506 = vector.shape_cast %select_n3A_502 : vector<16xi32> to vector<16xi32>
      tpu.vector_store %arg12[%swap3A_503], %swap3A_506 {strides = array<i32>} : memref<128xi32, #tpu.memory_space<vmem>>, vector<16xi32>,
      %get3A_507 = arith.constant 80 : index
      %get3A_508 = tpu.vector_load %arg10[%get3A_507] {strides = array<i32>} : memref<128xi32, #tpu.memory_space<vmem>>, vector<16xi32>,
      %get3A_509 = vector.shape_cast %get3A_508 : vector<16xi32> to vector<16xi32>
      %ge3A_510 = arith.constant 5120 : i32
      %ge3A_511 = vector.broadcast %ge3A_510 : i32 to vector<16xi32>
      %ge3A_512 = arith.cmpi sge, %get3A_509, %ge3A_511 : vector<16xi32>
      %lt3A_513 = arith.constant 10240 : i32
      %lt3A_514 = vector.broadcast %lt3A_513 : i32 to vector<16xi32>
      %lt3A_515 = arith.cmpi slt, %get3A_509, %lt3A_514 : vector<16xi32>
      %and3A_516 = arith.andi %ge3A_512, %lt3A_515 : vector<16xi1>
      %sub3A_517 = arith.constant 5120 : i32
      %sub3A_518 = vector.broadcast %sub3A_517 : i32 to vector<16xi32>
      %sub3A_519 = arith.subi %get3A_509, %sub3A_518 : vector<16xi32>
      %jit3A_520 = arith.constant 5120 : i32
      %broadcast_in_dim3A_521 = vector.broadcast %jit3A_520 : i32 to vector<16xi32>
      %select_n3A_522 = arith.select %and3A_516, %sub3A_519, %broadcast_in_dim3A_521 : vector<16xi1>, vector<16xi32>
      %swap3A_523 = arith.constant 80 : index
      %swap3A_524 = tpu.vector_load %arg12[%swap3A_523] {strides = array<i32>} : memref<128xi32, #tpu.memory_space<vmem>>, vector<16xi32>,
      %swap3A_525 = vector.shape_cast %swap3A_524 : vector<16xi32> to vector<16xi32>
      %swap3A_526 = vector.shape_cast %select_n3A_522 : vector<16xi32> to vector<16xi32>
      tpu.vector_store %arg12[%swap3A_523], %swap3A_526 {strides = array<i32>} : memref<128xi32, #tpu.memory_space<vmem>>, vector<16xi32>,
      %get3A_527 = arith.constant 96 : index
      %get3A_528 = tpu.vector_load %arg10[%get3A_527] {strides = array<i32>} : memref<128xi32, #tpu.memory_space<vmem>>, vector<16xi32>,
      %get3A_529 = vector.shape_cast %get3A_528 : vector<16xi32> to vector<16xi32>
      %ge3A_530 = arith.constant 5120 : i32
      %ge3A_531 = vector.broadcast %ge3A_530 : i32 to vector<16xi32>
      %ge3A_532 = arith.cmpi sge, %get3A_529, %ge3A_531 : vector<16xi32>
      %lt3A_533 = arith.constant 10240 : i32
      %lt3A_534 = vector.broadcast %lt3A_533 : i32 to vector<16xi32>
      %lt3A_535 = arith.cmpi slt, %get3A_529, %lt3A_534 : vector<16xi32>
      %and3A_536 = arith.andi %ge3A_532, %lt3A_535 : vector<16xi1>
      %sub3A_537 = arith.constant 5120 : i32
      %sub3A_538 = vector.broadcast %sub3A_537 : i32 to vector<16xi32>
      %sub3A_539 = arith.subi %get3A_529, %sub3A_538 : vector<16xi32>
      %jit3A_540 = arith.constant 5120 : i32
      %broadcast_in_dim3A_541 = vector.broadcast %jit3A_540 : i32 to vector<16xi32>
      %select_n3A_542 = arith.select %and3A_536, %sub3A_539, %broadcast_in_dim3A_541 : vector<16xi1>, vector<16xi32>
      %swap3A_543 = arith.constant 96 : index
      %swap3A_544 = tpu.vector_load %arg12[%swap3A_543] {strides = array<i32>} : memref<128xi32, #tpu.memory_space<vmem>>, vector<16xi32>,
      %swap3A_545 = vector.shape_cast %swap3A_544 : vector<16xi32> to vector<16xi32>
      %swap3A_546 = vector.shape_cast %select_n3A_542 : vector<16xi32> to vector<16xi32>
      tpu.vector_store %arg12[%swap3A_543], %swap3A_546 {strides = array<i32>} : memref<128xi32, #tpu.memory_space<vmem>>, vector<16xi32>,
      %get3A_547 = arith.constant 112 : index
      %get3A_548 = tpu.vector_load %arg10[%get3A_547] {strides = array<i32>} : memref<128xi32, #tpu.memory_space<vmem>>, vector<16xi32>,
      %get3A_549 = vector.shape_cast %get3A_548 : vector<16xi32> to vector<16xi32>
      %ge3A_550 = arith.constant 5120 : i32
      %ge3A_551 = vector.broadcast %ge3A_550 : i32 to vector<16xi32>
      %ge3A_552 = arith.cmpi sge, %get3A_549, %ge3A_551 : vector<16xi32>
      %lt3A_553 = arith.constant 10240 : i32
      %lt3A_554 = vector.broadcast %lt3A_553 : i32 to vector<16xi32>
      %lt3A_555 = arith.cmpi slt, %get3A_549, %lt3A_554 : vector<16xi32>
      %and3A_556 = arith.andi %ge3A_552, %lt3A_555 : vector<16xi1>
      %sub3A_557 = arith.constant 5120 : i32
      %sub3A_558 = vector.broadcast %sub3A_557 : i32 to vector<16xi32>
      %sub3A_559 = arith.subi %get3A_549, %sub3A_558 : vector<16xi32>
      %jit3A_560 = arith.constant 5120 : i32
      %broadcast_in_dim3A_561 = vector.broadcast %jit3A_560 : i32 to vector<16xi32>
      %select_n3A_562 = arith.select %and3A_556, %sub3A_559, %broadcast_in_dim3A_561 : vector<16xi1>, vector<16xi32>
      %swap3A_563 = arith.constant 112 : index
      %swap3A_564 = tpu.vector_load %arg12[%swap3A_563] {strides = array<i32>} : memref<128xi32, #tpu.memory_space<vmem>>, vector<16xi32>,
      %swap3A_565 = vector.shape_cast %swap3A_564 : vector<16xi32> to vector<16xi32>
      %swap3A_566 = vector.shape_cast %select_n3A_562 : vector<16xi32> to vector<16xi32>
      tpu.vector_store %arg12[%swap3A_563], %swap3A_566 {strides = array<i32>} : memref<128xi32, #tpu.memory_space<vmem>>, vector<16xi32>,
      %dma_start3A_567 = arith.constant 0 : i32
      %dma_start3A_568 = arith.constant 0 : i32
      %dma_start3A_569 = tpu.memref_slice %arg2[%dma_start3A_567, %dma_start3A_568] : memref<10000x128xf32, #tpu.memory_space<hbm>> -> memref<10000x128xf32, #tpu.memory_space<hbm>>
      tpu.enqueue_indirect_dma source(%dma_start3A_569 : memref<10000x128xf32, #tpu.memory_space<hbm>>) target(%arg14 : memref<128x128xf32, #tpu.memory_space<vmem>>) offsets(%arg8 : memref<128xi32, #tpu.memory_space<vmem>>) semaphore(%arg18 : memref<!tpu.dma_semaphore, #tpu.memory_space<semaphore_mem>>)
      %mul3A_570 = arith.constant 2 : i32
      %mul3A_571 = arith.muli %scan3A_207, %mul3A_570 : i32
      %add3A_572 = arith.constant 0 : i32
      %add3A_573 = arith.addi %mul3A_571, %add3A_572 : i32
      %dma_wait3A_574 = arith.constant 0 : i32
      %dma_wait3A_575 = arith.constant 0 : i32
      %dma_wait3A_576 = tpu.memref_slice %arg2[%dma_wait3A_574, %dma_wait3A_575] : memref<10000x128xf32, #tpu.memory_space<hbm>> -> memref<10000x128xf32, #tpu.memory_space<hbm>>
      tpu.wait_indirect_dma semaphore(%arg17 : memref<!tpu.dma_semaphore, #tpu.memory_space<semaphore_mem>>) src(%dma_wait3A_576 : memref<10000x128xf32, #tpu.memory_space<hbm>>) dst(%arg13 : memref<128x128xf32, #tpu.memory_space<vmem>>)
      %add3A_577 = arith.constant 2 : i32
      %add3A_578 = arith.addi %add3A_573, %add3A_577 : i32
      %lt3A_579 = arith.constant 160 : i32
      %lt3A_580 = arith.cmpi slt, %add3A_578, %lt3A_579 : i32
      %convert_element_type3A_581 = arith.extui %lt3A_580 : i1 to i32
      %cond3A_582 = arith.constant 0 : i32
      %cond3A_583 = arith.cmpi ne, %convert_element_type3A_581, %cond3A_582 : i32
      scf.if %cond3A_583 {
        %add3A_608 = arith.addi %mul3A_132, %add3A_573 : i32
        %add3A_609 = arith.constant 2 : i32
        %add3A_610 = arith.addi %add3A_608, %add3A_609 : i32
        %dma_start3A_611 = arith.constant 0 : i32
        %dma_start3A_612 = tpu.memref_slice %arg3[%add3A_610, %dma_start3A_611] : memref<2560x128xi32, #tpu.memory_space<hbm>> -> memref<1x128xi32, #tpu.memory_space<hbm>>
        %dma_start3A_613 = tpu.memref_squeeze %dma_start3A_612 : memref<1x128xi32, #tpu.memory_space<hbm>> -> memref<128xi32, #tpu.memory_space<hbm>>
        %dma_start3A_614 = arith.constant 0 : i32
        %dma_start3A_615 = tpu.memref_slice %arg3[%add3A_610, %dma_start3A_614] : memref<2560x128xi32, #tpu.memory_space<hbm>> -> memref<1x128xi32, #tpu.memory_space<hbm>>
        %dma_start3A_616 = tpu.memref_squeeze %dma_start3A_615 : memref<1x128xi32, #tpu.memory_space<hbm>> -> memref<128xi32, #tpu.memory_space<hbm>>
        tpu.enqueue_dma source(%dma_start3A_616 : memref<128xi32, #tpu.memory_space<hbm>>) target(%arg7 : memref<128xi32, #tpu.memory_space<vmem>>) target_semaphore(%arg15 : memref<!tpu.dma_semaphore, #tpu.memory_space<semaphore_mem>>)
        %dma_start3A_617 = arith.constant 0 : i32
        %dma_start3A_618 = tpu.memref_slice %arg4[%add3A_610, %dma_start3A_617] : memref<2560x128xi32, #tpu.memory_space<hbm>> -> memref<1x128xi32, #tpu.memory_space<hbm>>
        %dma_start3A_619 = tpu.memref_squeeze %dma_start3A_618 : memref<1x128xi32, #tpu.memory_space<hbm>> -> memref<128xi32, #tpu.memory_space<hbm>>
        %dma_start3A_620 = arith.constant 0 : i32
        %dma_start3A_621 = tpu.memref_slice %arg4[%add3A_610, %dma_start3A_620] : memref<2560x128xi32, #tpu.memory_space<hbm>> -> memref<1x128xi32, #tpu.memory_space<hbm>>
        %dma_start3A_622 = tpu.memref_squeeze %dma_start3A_621 : memref<1x128xi32, #tpu.memory_space<hbm>> -> memref<128xi32, #tpu.memory_space<hbm>>
        tpu.enqueue_dma source(%dma_start3A_622 : memref<128xi32, #tpu.memory_space<hbm>>) target(%arg9 : memref<128xi32, #tpu.memory_space<vmem>>) target_semaphore(%arg15 : memref<!tpu.dma_semaphore, #tpu.memory_space<semaphore_mem>>)
      } else {
      }
      %dma_start3A_584 = arith.constant 0 : i32
      %dma_start3A_585 = arith.constant 0 : i32
      %dma_start3A_586 = tpu.memref_slice %arg22[%dma_start3A_584, %dma_start3A_585] : memref<5248x128xf32, #tpu.memory_space<vmem_shared>> -> memref<5248x128xf32, #tpu.memory_space<vmem_shared>>
      tpu.enqueue_indirect_dma source(%arg13 : memref<128x128xf32, #tpu.memory_space<vmem>>) target(%dma_start3A_586 : memref<5248x128xf32, #tpu.memory_space<vmem_shared>>) offsets(%arg11 : memref<128xi32, #tpu.memory_space<vmem>>) semaphore(%arg19 : memref<!tpu.dma_semaphore, #tpu.memory_space<semaphore_mem>>) {add = true}
      %dma_start3A_587 = arith.constant 0 : i32
      %dma_start3A_588 = tpu.memref_slice %arg25[%dma_start3A_587] : memref<5248xf32, #tpu.memory_space<vmem_shared>> -> memref<5248xf32, #tpu.memory_space<vmem_shared>>
      tpu.enqueue_indirect_dma source(%arg23 : memref<128xf32, #tpu.memory_space<vmem>>) target(%dma_start3A_588 : memref<5248xf32, #tpu.memory_space<vmem_shared>>) offsets(%arg11 : memref<128xi32, #tpu.memory_space<vmem>>) semaphore(%arg19 : memref<!tpu.dma_semaphore, #tpu.memory_space<semaphore_mem>>) {add = true}
      %mul3A_589 = arith.constant 2 : i32
      %mul3A_590 = arith.muli %scan3A_207, %mul3A_589 : i32
      %add3A_591 = arith.constant 1 : i32
      %add3A_592 = arith.addi %mul3A_590, %add3A_591 : i32
      %dma_wait3A_593 = arith.constant 0 : i32
      %dma_wait3A_594 = arith.constant 0 : i32
      %dma_wait3A_595 = tpu.memref_slice %arg2[%dma_wait3A_593, %dma_wait3A_594] : memref<10000x128xf32, #tpu.memory_space<hbm>> -> memref<10000x128xf32, #tpu.memory_space<hbm>>
      tpu.wait_indirect_dma semaphore(%arg18 : memref<!tpu.dma_semaphore, #tpu.memory_space<semaphore_mem>>) src(%dma_wait3A_595 : memref<10000x128xf32, #tpu.memory_space<hbm>>) dst(%arg14 : memref<128x128xf32, #tpu.memory_space<vmem>>)
      %add3A_596 = arith.constant 2 : i32
      %add3A_597 = arith.addi %add3A_592, %add3A_596 : i32
      %lt3A_598 = arith.constant 160 : i32
      %lt3A_599 = arith.cmpi slt, %add3A_597, %lt3A_598 : i32
      %convert_element_type3A_600 = arith.extui %lt3A_599 : i1 to i32
      %cond3A_601 = arith.constant 0 : i32
      %cond3A_602 = arith.cmpi ne, %convert_element_type3A_600, %cond3A_601 : i32
      scf.if %cond3A_602 {
        %add3A_608 = arith.addi %mul3A_132, %add3A_592 : i32
        %add3A_609 = arith.constant 2 : i32
        %add3A_610 = arith.addi %add3A_608, %add3A_609 : i32
        %dma_start3A_611 = arith.constant 0 : i32
        %dma_start3A_612 = tpu.memref_slice %arg3[%add3A_610, %dma_start3A_611] : memref<2560x128xi32, #tpu.memory_space<hbm>> -> memref<1x128xi32, #tpu.memory_space<hbm>>
        %dma_start3A_613 = tpu.memref_squeeze %dma_start3A_612 : memref<1x128xi32, #tpu.memory_space<hbm>> -> memref<128xi32, #tpu.memory_space<hbm>>
        %dma_start3A_614 = arith.constant 0 : i32
        %dma_start3A_615 = tpu.memref_slice %arg3[%add3A_610, %dma_start3A_614] : memref<2560x128xi32, #tpu.memory_space<hbm>> -> memref<1x128xi32, #tpu.memory_space<hbm>>
        %dma_start3A_616 = tpu.memref_squeeze %dma_start3A_615 : memref<1x128xi32, #tpu.memory_space<hbm>> -> memref<128xi32, #tpu.memory_space<hbm>>
        tpu.enqueue_dma source(%dma_start3A_616 : memref<128xi32, #tpu.memory_space<hbm>>) target(%arg8 : memref<128xi32, #tpu.memory_space<vmem>>) target_semaphore(%arg16 : memref<!tpu.dma_semaphore, #tpu.memory_space<semaphore_mem>>)
        %dma_start3A_617 = arith.constant 0 : i32
        %dma_start3A_618 = tpu.memref_slice %arg4[%add3A_610, %dma_start3A_617] : memref<2560x128xi32, #tpu.memory_space<hbm>> -> memref<1x128xi32, #tpu.memory_space<hbm>>
        %dma_start3A_619 = tpu.memref_squeeze %dma_start3A_618 : memref<1x128xi32, #tpu.memory_space<hbm>> -> memref<128xi32, #tpu.memory_space<hbm>>
        %dma_start3A_620 = arith.constant 0 : i32
        %dma_start3A_621 = tpu.memref_slice %arg4[%add3A_610, %dma_start3A_620] : memref<2560x128xi32, #tpu.memory_space<hbm>> -> memref<1x128xi32, #tpu.memory_space<hbm>>
        %dma_start3A_622 = tpu.memref_squeeze %dma_start3A_621 : memref<1x128xi32, #tpu.memory_space<hbm>> -> memref<128xi32, #tpu.memory_space<hbm>>
        tpu.enqueue_dma source(%dma_start3A_622 : memref<128xi32, #tpu.memory_space<hbm>>) target(%arg10 : memref<128xi32, #tpu.memory_space<vmem>>) target_semaphore(%arg16 : memref<!tpu.dma_semaphore, #tpu.memory_space<semaphore_mem>>)
      } else {
      }
      %dma_start3A_603 = arith.constant 0 : i32
      %dma_start3A_604 = arith.constant 0 : i32
      %dma_start3A_605 = tpu.memref_slice %arg22[%dma_start3A_603, %dma_start3A_604] : memref<5248x128xf32, #tpu.memory_space<vmem_shared>> -> memref<5248x128xf32, #tpu.memory_space<vmem_shared>>
      tpu.enqueue_indirect_dma source(%arg14 : memref<128x128xf32, #tpu.memory_space<vmem>>) target(%dma_start3A_605 : memref<5248x128xf32, #tpu.memory_space<vmem_shared>>) offsets(%arg12 : memref<128xi32, #tpu.memory_space<vmem>>) semaphore(%arg20 : memref<!tpu.dma_semaphore, #tpu.memory_space<semaphore_mem>>) {add = true}
      %dma_start3A_606 = arith.constant 0 : i32
      %dma_start3A_607 = tpu.memref_slice %arg25[%dma_start3A_606] : memref<5248xf32, #tpu.memory_space<vmem_shared>> -> memref<5248xf32, #tpu.memory_space<vmem_shared>>
      tpu.enqueue_indirect_dma source(%arg23 : memref<128xf32, #tpu.memory_space<vmem>>) target(%dma_start3A_607 : memref<5248xf32, #tpu.memory_space<vmem_shared>>) offsets(%arg12 : memref<128xi32, #tpu.memory_space<vmem>>) semaphore(%arg20 : memref<!tpu.dma_semaphore, #tpu.memory_space<semaphore_mem>>) {add = true}
    }
    %scan3A_166 = arith.constant 80 : i32
    %dma_wait3A_167 = arith.constant 0 : i32
    %dma_wait3A_168 = arith.constant 0 : i32
    %dma_wait3A_169 = tpu.memref_slice %arg22[%dma_wait3A_167, %dma_wait3A_168] : memref<5248x128xf32, #tpu.memory_space<vmem_shared>> -> memref<5248x128xf32, #tpu.memory_space<vmem_shared>>
    tpu.wait_indirect_dma semaphore(%arg19 : memref<!tpu.dma_semaphore, #tpu.memory_space<semaphore_mem>>) src(%arg13 : memref<128x128xf32, #tpu.memory_space<vmem>>) dst(%dma_wait3A_169 : memref<5248x128xf32, #tpu.memory_space<vmem_shared>>)
    %dma_wait3A_170 = arith.constant 0 : i32
    %dma_wait3A_171 = tpu.memref_slice %arg25[%dma_wait3A_170] : memref<5248xf32, #tpu.memory_space<vmem_shared>> -> memref<5248xf32, #tpu.memory_space<vmem_shared>>
    tpu.wait_indirect_dma semaphore(%arg19 : memref<!tpu.dma_semaphore, #tpu.memory_space<semaphore_mem>>) src(%arg23 : memref<128xf32, #tpu.memory_space<vmem>>) dst(%dma_wait3A_171 : memref<5248xf32, #tpu.memory_space<vmem_shared>>)
    %dma_wait3A_172 = arith.constant 0 : i32
    %dma_wait3A_173 = arith.constant 0 : i32
    %dma_wait3A_174 = tpu.memref_slice %arg22[%dma_wait3A_172, %dma_wait3A_173] : memref<5248x128xf32, #tpu.memory_space<vmem_shared>> -> memref<5248x128xf32, #tpu.memory_space<vmem_shared>>
    tpu.wait_indirect_dma semaphore(%arg20 : memref<!tpu.dma_semaphore, #tpu.memory_space<semaphore_mem>>) src(%arg14 : memref<128x128xf32, #tpu.memory_space<vmem>>) dst(%dma_wait3A_174 : memref<5248x128xf32, #tpu.memory_space<vmem_shared>>)
    %dma_wait3A_175 = arith.constant 0 : i32
    %dma_wait3A_176 = tpu.memref_slice %arg25[%dma_wait3A_175] : memref<5248xf32, #tpu.memory_space<vmem_shared>> -> memref<5248xf32, #tpu.memory_space<vmem_shared>>
    tpu.wait_indirect_dma semaphore(%arg20 : memref<!tpu.dma_semaphore, #tpu.memory_space<semaphore_mem>>) src(%arg23 : memref<128xf32, #tpu.memory_space<vmem>>) dst(%dma_wait3A_176 : memref<5248xf32, #tpu.memory_space<vmem_shared>>)
    %barrier3A_177 = arith.constant 0 : index
    tpu.barrier barrier_id(%barrier3A_177)
    %mul3A_178 = arith.constant 320 : i32
    %mul3A_179 = arith.muli %arg1, %mul3A_178 : i32
    "tpu.region"() ({
      %run_scoped3A = tpu.sem_alloc : memref<!tpu.dma_semaphore, #tpu.memory_space<semaphore_mem>>
      %dma_start3A_207 = arith.constant 0 : i32
      %dma_start3A_208 = arith.constant 0 : i32
      %dma_start3A_209 = tpu.memref_slice %arg21[%dma_start3A_207, %dma_start3A_208] : memref<328x128xf32, #tpu.memory_space<vmem>> -> memref<320x128xf32, #tpu.memory_space<vmem>>
      %dma_start3A_210 = arith.constant 0 : i32
      %dma_start3A_211 = tpu.memref_slice %arg22[%mul3A_179, %dma_start3A_210] : memref<5248x128xf32, #tpu.memory_space<vmem_shared>> -> memref<320x128xf32, #tpu.memory_space<vmem_shared>>
      %dma_start3A_212 = arith.constant 0 : i32
      %dma_start3A_213 = arith.constant 0 : i32
      %dma_start3A_214 = tpu.memref_slice %arg21[%dma_start3A_212, %dma_start3A_213] : memref<328x128xf32, #tpu.memory_space<vmem>> -> memref<320x128xf32, #tpu.memory_space<vmem>>
      %dma_start3A_215 = arith.constant 0 : i32
      %dma_start3A_216 = tpu.memref_slice %arg22[%mul3A_179, %dma_start3A_215] : memref<5248x128xf32, #tpu.memory_space<vmem_shared>> -> memref<320x128xf32, #tpu.memory_space<vmem_shared>>
      tpu.enqueue_dma source(%dma_start3A_216 : memref<320x128xf32, #tpu.memory_space<vmem_shared>>) target(%dma_start3A_214 : memref<320x128xf32, #tpu.memory_space<vmem>>) target_semaphore(%run_scoped3A : memref<!tpu.dma_semaphore, #tpu.memory_space<semaphore_mem>>)
      %dma_wait3A_217 = arith.constant 0 : i32
      %dma_wait3A_218 = arith.constant 0 : i32
      %dma_wait3A_219 = tpu.memref_slice %arg21[%dma_wait3A_217, %dma_wait3A_218] : memref<328x128xf32, #tpu.memory_space<vmem>> -> memref<320x128xf32, #tpu.memory_space<vmem>>
      %dma_wait3A_220 = arith.constant 0 : i32
      %dma_wait3A_221 = tpu.memref_slice %arg22[%mul3A_179, %dma_wait3A_220] : memref<5248x128xf32, #tpu.memory_space<vmem_shared>> -> memref<320x128xf32, #tpu.memory_space<vmem_shared>>
      %dma_wait3A_222 = arith.constant 0 : i32
      %dma_wait3A_223 = arith.constant 0 : i32
      %dma_wait3A_224 = tpu.memref_slice %arg21[%dma_wait3A_222, %dma_wait3A_223] : memref<328x128xf32, #tpu.memory_space<vmem>> -> memref<320x128xf32, #tpu.memory_space<vmem>>
      %dma_wait3A_225 = arith.constant 0 : i32
      %dma_wait3A_226 = tpu.memref_slice %arg22[%mul3A_179, %dma_wait3A_225] : memref<5248x128xf32, #tpu.memory_space<vmem_shared>> -> memref<320x128xf32, #tpu.memory_space<vmem_shared>>
      tpu.wait_dma2 semaphore(%run_scoped3A : memref<!tpu.dma_semaphore, #tpu.memory_space<semaphore_mem>>) src(%dma_wait3A_226 : memref<320x128xf32, #tpu.memory_space<vmem_shared>>) dst(%dma_wait3A_224 : memref<320x128xf32, #tpu.memory_space<vmem>>)
      tpu.yield
    }) : () -> ()
    %mul3A_180 = arith.constant 320 : i32
    %mul3A_181 = arith.muli %arg1, %mul3A_180 : i32
    %add3A_182 = arith.constant 5120 : i32
    %add3A_183 = arith.addi %add3A_182, %mul3A_181 : i32
    "tpu.region"() ({
      %run_scoped3A = tpu.sem_alloc : memref<!tpu.dma_semaphore, #tpu.memory_space<semaphore_mem>>
      %dma_start3A_207 = arith.constant 0 : i32
      %dma_start3A_208 = arith.constant 0 : i32
      %dma_start3A_209 = tpu.memref_slice %arg21[%dma_start3A_207, %dma_start3A_208] : memref<328x128xf32, #tpu.memory_space<vmem>> -> memref<320x128xf32, #tpu.memory_space<vmem>>
      %dma_start3A_210 = arith.constant 0 : i32
      %dma_start3A_211 = tpu.memref_slice %arg5[%add3A_183, %dma_start3A_210] : memref<10240x128xf32, #tpu.memory_space<hbm>> -> memref<320x128xf32, #tpu.memory_space<hbm>>
      %dma_start3A_212 = arith.constant 0 : i32
      %dma_start3A_213 = tpu.memref_slice %arg5[%add3A_183, %dma_start3A_212] : memref<10240x128xf32, #tpu.memory_space<hbm>> -> memref<320x128xf32, #tpu.memory_space<hbm>>
      %dma_start3A_214 = arith.constant 0 : i32
      %dma_start3A_215 = arith.constant 0 : i32
      %dma_start3A_216 = tpu.memref_slice %arg21[%dma_start3A_214, %dma_start3A_215] : memref<328x128xf32, #tpu.memory_space<vmem>> -> memref<320x128xf32, #tpu.memory_space<vmem>>
      tpu.enqueue_dma source(%dma_start3A_216 : memref<320x128xf32, #tpu.memory_space<vmem>>) target(%dma_start3A_213 : memref<320x128xf32, #tpu.memory_space<hbm>>) target_semaphore(%run_scoped3A : memref<!tpu.dma_semaphore, #tpu.memory_space<semaphore_mem>>)
      %dma_wait3A_217 = arith.constant 0 : i32
      %dma_wait3A_218 = arith.constant 0 : i32
      %dma_wait3A_219 = tpu.memref_slice %arg21[%dma_wait3A_217, %dma_wait3A_218] : memref<328x128xf32, #tpu.memory_space<vmem>> -> memref<320x128xf32, #tpu.memory_space<vmem>>
      %dma_wait3A_220 = arith.constant 0 : i32
      %dma_wait3A_221 = tpu.memref_slice %arg5[%add3A_183, %dma_wait3A_220] : memref<10240x128xf32, #tpu.memory_space<hbm>> -> memref<320x128xf32, #tpu.memory_space<hbm>>
      %dma_wait3A_222 = arith.constant 0 : i32
      %dma_wait3A_223 = tpu.memref_slice %arg5[%add3A_183, %dma_wait3A_222] : memref<10240x128xf32, #tpu.memory_space<hbm>> -> memref<320x128xf32, #tpu.memory_space<hbm>>
      %dma_wait3A_224 = arith.constant 0 : i32
      %dma_wait3A_225 = arith.constant 0 : i32
      %dma_wait3A_226 = tpu.memref_slice %arg21[%dma_wait3A_224, %dma_wait3A_225] : memref<328x128xf32, #tpu.memory_space<vmem>> -> memref<320x128xf32, #tpu.memory_space<vmem>>
      tpu.wait_dma2 semaphore(%run_scoped3A : memref<!tpu.dma_semaphore, #tpu.memory_space<semaphore_mem>>) src(%dma_wait3A_226 : memref<320x128xf32, #tpu.memory_space<vmem>>) dst(%dma_wait3A_223 : memref<320x128xf32, #tpu.memory_space<hbm>>)
      tpu.yield
    }) : () -> ()
    %mul3A_184 = arith.constant 320 : i32
    %mul3A_185 = arith.muli %arg1, %mul3A_184 : i32
    "tpu.region"() ({
      %run_scoped3A = tpu.sem_alloc : memref<!tpu.dma_semaphore, #tpu.memory_space<semaphore_mem>>
      %dma_start3A_207 = arith.constant 0 : i32
      %dma_start3A_208 = tpu.memref_slice %arg24[%dma_start3A_207] : memref<5248xf32, #tpu.memory_space<vmem>> -> memref<320xf32, #tpu.memory_space<vmem>>
      %dma_start3A_209 = tpu.memref_slice %arg25[%mul3A_185] : memref<5248xf32, #tpu.memory_space<vmem_shared>> -> memref<320xf32, #tpu.memory_space<vmem_shared>>
      %dma_start3A_210 = arith.constant 0 : i32
      %dma_start3A_211 = tpu.memref_slice %arg24[%dma_start3A_210] : memref<5248xf32, #tpu.memory_space<vmem>> -> memref<320xf32, #tpu.memory_space<vmem>>
      %dma_start3A_212 = tpu.memref_slice %arg25[%mul3A_185] : memref<5248xf32, #tpu.memory_space<vmem_shared>> -> memref<320xf32, #tpu.memory_space<vmem_shared>>
      tpu.enqueue_dma source(%dma_start3A_212 : memref<320xf32, #tpu.memory_space<vmem_shared>>) target(%dma_start3A_211 : memref<320xf32, #tpu.memory_space<vmem>>) target_semaphore(%run_scoped3A : memref<!tpu.dma_semaphore, #tpu.memory_space<semaphore_mem>>)
      %dma_wait3A_213 = arith.constant 0 : i32
      %dma_wait3A_214 = tpu.memref_slice %arg24[%dma_wait3A_213] : memref<5248xf32, #tpu.memory_space<vmem>> -> memref<320xf32, #tpu.memory_space<vmem>>
      %dma_wait3A_215 = tpu.memref_slice %arg25[%mul3A_185] : memref<5248xf32, #tpu.memory_space<vmem_shared>> -> memref<320xf32, #tpu.memory_space<vmem_shared>>
      %dma_wait3A_216 = arith.constant 0 : i32
      %dma_wait3A_217 = tpu.memref_slice %arg24[%dma_wait3A_216] : memref<5248xf32, #tpu.memory_space<vmem>> -> memref<320xf32, #tpu.memory_space<vmem>>
      %dma_wait3A_218 = tpu.memref_slice %arg25[%mul3A_185] : memref<5248xf32, #tpu.memory_space<vmem_shared>> -> memref<320xf32, #tpu.memory_space<vmem_shared>>
      tpu.wait_dma2 semaphore(%run_scoped3A : memref<!tpu.dma_semaphore, #tpu.memory_space<semaphore_mem>>) src(%dma_wait3A_218 : memref<320xf32, #tpu.memory_space<vmem_shared>>) dst(%dma_wait3A_217 : memref<320xf32, #tpu.memory_space<vmem>>)
      tpu.yield
    }) : () -> ()
    %mul3A_186 = arith.constant 320 : i32
    %mul3A_187 = arith.muli %arg1, %mul3A_186 : i32
    %add3A_188 = arith.constant 5120 : i32
    %add3A_189 = arith.addi %add3A_188, %mul3A_187 : i32
    "tpu.region"() ({
      %run_scoped3A = tpu.sem_alloc : memref<!tpu.dma_semaphore, #tpu.memory_space<semaphore_mem>>
      %dma_start3A_207 = arith.constant 0 : i32
      %dma_start3A_208 = tpu.memref_slice %arg24[%dma_start3A_207] : memref<5248xf32, #tpu.memory_space<vmem>> -> memref<320xf32, #tpu.memory_space<vmem>>
      %dma_start3A_209 = tpu.memref_slice %arg6[%add3A_189] : memref<10240xf32, #tpu.memory_space<hbm>> -> memref<320xf32, #tpu.memory_space<hbm>>
      %dma_start3A_210 = tpu.memref_slice %arg6[%add3A_189] : memref<10240xf32, #tpu.memory_space<hbm>> -> memref<320xf32, #tpu.memory_space<hbm>>
      %dma_start3A_211 = arith.constant 0 : i32
      %dma_start3A_212 = tpu.memref_slice %arg24[%dma_start3A_211] : memref<5248xf32, #tpu.memory_space<vmem>> -> memref<320xf32, #tpu.memory_space<vmem>>
      tpu.enqueue_dma source(%dma_start3A_212 : memref<320xf32, #tpu.memory_space<vmem>>) target(%dma_start3A_210 : memref<320xf32, #tpu.memory_space<hbm>>) target_semaphore(%run_scoped3A : memref<!tpu.dma_semaphore, #tpu.memory_space<semaphore_mem>>)
      %dma_wait3A_213 = arith.constant 0 : i32
      %dma_wait3A_214 = tpu.memref_slice %arg24[%dma_wait3A_213] : memref<5248xf32, #tpu.memory_space<vmem>> -> memref<320xf32, #tpu.memory_space<vmem>>
      %dma_wait3A_215 = tpu.memref_slice %arg6[%add3A_189] : memref<10240xf32, #tpu.memory_space<hbm>> -> memref<320xf32, #tpu.memory_space<hbm>>
      %dma_wait3A_216 = tpu.memref_slice %arg6[%add3A_189] : memref<10240xf32, #tpu.memory_space<hbm>> -> memref<320xf32, #tpu.memory_space<hbm>>
      %dma_wait3A_217 = arith.constant 0 : i32
      %dma_wait3A_218 = tpu.memref_slice %arg24[%dma_wait3A_217] : memref<5248xf32, #tpu.memory_space<vmem>> -> memref<320xf32, #tpu.memory_space<vmem>>
      tpu.wait_dma2 semaphore(%run_scoped3A : memref<!tpu.dma_semaphore, #tpu.memory_space<semaphore_mem>>) src(%dma_wait3A_218 : memref<320xf32, #tpu.memory_space<vmem>>) dst(%dma_wait3A_216 : memref<320xf32, #tpu.memory_space<hbm>>)
      tpu.yield
    }) : () -> ()
    %barrier3A_190 = arith.constant 0 : index
    tpu.barrier barrier_id(%barrier3A_190)
    %broadcast_in_dim3A_191 = arith.constant 0.000000e+00 : f32
    %broadcast_in_dim3A_192 = vector.broadcast %broadcast_in_dim3A_191 : f32 to vector<16xf32>
    %scan3A_193 = arith.constant 0 : i32
    %scan3A_194 = arith.constant 0 : i32
    %scan3A_195 = arith.constant 328 : i32
    %scan3A_196 = arith.addi %scan3A_194, %scan3A_195 : i32
    %scan3A_197 = arith.constant 1 : i32
    scf.for %scan3A_207 = %scan3A_194 to %scan3A_196 step %scan3A_197  : i32 {
      %swap3A_208 = arith.index_cast %scan3A_207 : i32 to index
      %swap3A_209 = arith.constant 0 : index
      %swap3A_210 = tpu.vector_load %arg21[%swap3A_208, %swap3A_209] {strides = array<i32>} : memref<328x128xf32, #tpu.memory_space<vmem>>, vector<1x16xf32>,
      %swap3A_211 = vector.shape_cast %swap3A_210 : vector<1x16xf32> to vector<16xf32>
      %swap3A_212 = vector.shape_cast %broadcast_in_dim3A_192 : vector<16xf32> to vector<1x16xf32>
      tpu.vector_store %arg21[%swap3A_208, %swap3A_209], %swap3A_212 {strides = array<i32>} : memref<328x128xf32, #tpu.memory_space<vmem>>, vector<1x16xf32>,
      %swap3A_213 = arith.index_cast %scan3A_207 : i32 to index
      %swap3A_214 = arith.constant 16 : index
      %swap3A_215 = tpu.vector_load %arg21[%swap3A_213, %swap3A_214] {strides = array<i32>} : memref<328x128xf32, #tpu.memory_space<vmem>>, vector<1x16xf32>,
      %swap3A_216 = vector.shape_cast %swap3A_215 : vector<1x16xf32> to vector<16xf32>
      %swap3A_217 = vector.shape_cast %broadcast_in_dim3A_192 : vector<16xf32> to vector<1x16xf32>
      tpu.vector_store %arg21[%swap3A_213, %swap3A_214], %swap3A_217 {strides = array<i32>} : memref<328x128xf32, #tpu.memory_space<vmem>>, vector<1x16xf32>,
      %swap3A_218 = arith.index_cast %scan3A_207 : i32 to index
      %swap3A_219 = arith.constant 32 : index
      %swap3A_220 = tpu.vector_load %arg21[%swap3A_218, %swap3A_219] {strides = array<i32>} : memref<328x128xf32, #tpu.memory_space<vmem>>, vector<1x16xf32>,
      %swap3A_221 = vector.shape_cast %swap3A_220 : vector<1x16xf32> to vector<16xf32>
      %swap3A_222 = vector.shape_cast %broadcast_in_dim3A_192 : vector<16xf32> to vector<1x16xf32>
      tpu.vector_store %arg21[%swap3A_218, %swap3A_219], %swap3A_222 {strides = array<i32>} : memref<328x128xf32, #tpu.memory_space<vmem>>, vector<1x16xf32>,
      %swap3A_223 = arith.index_cast %scan3A_207 : i32 to index
      %swap3A_224 = arith.constant 48 : index
      %swap3A_225 = tpu.vector_load %arg21[%swap3A_223, %swap3A_224] {strides = array<i32>} : memref<328x128xf32, #tpu.memory_space<vmem>>, vector<1x16xf32>,
      %swap3A_226 = vector.shape_cast %swap3A_225 : vector<1x16xf32> to vector<16xf32>
      %swap3A_227 = vector.shape_cast %broadcast_in_dim3A_192 : vector<16xf32> to vector<1x16xf32>
      tpu.vector_store %arg21[%swap3A_223, %swap3A_224], %swap3A_227 {strides = array<i32>} : memref<328x128xf32, #tpu.memory_space<vmem>>, vector<1x16xf32>,
      %swap3A_228 = arith.index_cast %scan3A_207 : i32 to index
      %swap3A_229 = arith.constant 64 : index
      %swap3A_230 = tpu.vector_load %arg21[%swap3A_228, %swap3A_229] {strides = array<i32>} : memref<328x128xf32, #tpu.memory_space<vmem>>, vector<1x16xf32>,
      %swap3A_231 = vector.shape_cast %swap3A_230 : vector<1x16xf32> to vector<16xf32>
      %swap3A_232 = vector.shape_cast %broadcast_in_dim3A_192 : vector<16xf32> to vector<1x16xf32>
      tpu.vector_store %arg21[%swap3A_228, %swap3A_229], %swap3A_232 {strides = array<i32>} : memref<328x128xf32, #tpu.memory_space<vmem>>, vector<1x16xf32>,
      %swap3A_233 = arith.index_cast %scan3A_207 : i32 to index
      %swap3A_234 = arith.constant 80 : index
      %swap3A_235 = tpu.vector_load %arg21[%swap3A_233, %swap3A_234] {strides = array<i32>} : memref<328x128xf32, #tpu.memory_space<vmem>>, vector<1x16xf32>,
      %swap3A_236 = vector.shape_cast %swap3A_235 : vector<1x16xf32> to vector<16xf32>
      %swap3A_237 = vector.shape_cast %broadcast_in_dim3A_192 : vector<16xf32> to vector<1x16xf32>
      tpu.vector_store %arg21[%swap3A_233, %swap3A_234], %swap3A_237 {strides = array<i32>} : memref<328x128xf32, #tpu.memory_space<vmem>>, vector<1x16xf32>,
      %swap3A_238 = arith.index_cast %scan3A_207 : i32 to index
      %swap3A_239 = arith.constant 96 : index
      %swap3A_240 = tpu.vector_load %arg21[%swap3A_238, %swap3A_239] {strides = array<i32>} : memref<328x128xf32, #tpu.memory_space<vmem>>, vector<1x16xf32>,
      %swap3A_241 = vector.shape_cast %swap3A_240 : vector<1x16xf32> to vector<16xf32>
      %swap3A_242 = vector.shape_cast %broadcast_in_dim3A_192 : vector<16xf32> to vector<1x16xf32>
      tpu.vector_store %arg21[%swap3A_238, %swap3A_239], %swap3A_242 {strides = array<i32>} : memref<328x128xf32, #tpu.memory_space<vmem>>, vector<1x16xf32>,
      %swap3A_243 = arith.index_cast %scan3A_207 : i32 to index
      %swap3A_244 = arith.constant 112 : index
      %swap3A_245 = tpu.vector_load %arg21[%swap3A_243, %swap3A_244] {strides = array<i32>} : memref<328x128xf32, #tpu.memory_space<vmem>>, vector<1x16xf32>,
      %swap3A_246 = vector.shape_cast %swap3A_245 : vector<1x16xf32> to vector<16xf32>
      %swap3A_247 = vector.shape_cast %broadcast_in_dim3A_192 : vector<16xf32> to vector<1x16xf32>
      tpu.vector_store %arg21[%swap3A_243, %swap3A_244], %swap3A_247 {strides = array<i32>} : memref<328x128xf32, #tpu.memory_space<vmem>>, vector<1x16xf32>,
    }
    %scan3A_198 = arith.constant 328 : i32
    %broadcast_in_dim3A_199 = arith.constant 0.000000e+00 : f32
    %broadcast_in_dim3A_200 = vector.broadcast %broadcast_in_dim3A_199 : f32 to vector<16xf32>
    %scan3A_201 = arith.constant 0 : i32
    %scan3A_202 = arith.constant 0 : i32
    %scan3A_203 = arith.constant 328 : i32
    %scan3A_204 = arith.addi %scan3A_202, %scan3A_203 : i32
    %scan3A_205 = arith.constant 1 : i32
    scf.for %scan3A_207 = %scan3A_202 to %scan3A_204 step %scan3A_205  : i32 {
      %mul3A_208 = arith.constant 16 : i32
      %mul3A_209 = arith.muli %scan3A_207, %mul3A_208 : i32
      %swap3A_210 = arith.index_cast %mul3A_209 : i32 to index
      %swap3A_211 = tpu.vector_load %arg24[%swap3A_210] {strides = array<i32>} : memref<5248xf32, #tpu.memory_space<vmem>>, vector<16xf32>,
      %swap3A_212 = vector.shape_cast %swap3A_211 : vector<16xf32> to vector<16xf32>
      %swap3A_213 = vector.shape_cast %broadcast_in_dim3A_200 : vector<16xf32> to vector<16xf32>
      tpu.vector_store %arg24[%swap3A_210], %swap3A_213 {strides = array<i32>} : memref<5248xf32, #tpu.memory_space<vmem>>, vector<16xf32>,
    }
    %scan3A_206 = arith.constant 328 : i32
    return
  }
}

module attributes {stable_mosaic.version = 14 : i64} {
  func.func @_tc1_body(%arg0: i32, %arg1: memref<2000x128xf32, #tpu.memory_space<vmem>>, %arg2: memref<2000x1xf32, #tpu.memory_space<vmem>>, %arg3: memref<2000x128xf32, #tpu.memory_space<vmem>>, %arg4: memref<128x128xf32, #tpu.memory_space<vmem>>, %arg5: memref<128x128xf32, #tpu.memory_space<vmem>>, %arg6: memref<1x128xf32, #tpu.memory_space<vmem>>, %arg7: memref<2000x128xf32, #tpu.memory_space<vmem>>) attributes {dimension_semantics = [#tpu.dimension_semantics<arbitrary>], iteration_bounds = array<i64: 5>, scalar_prefetch = 0 : i64, scratch_operands = 0 : i64, tpu.core_type = #tpu.core_type<tc>, window_params = [{transform_indices = @transform_0, window_bounds = array<i64: 2000, 128>}, {transform_indices = @transform_1, window_bounds = array<i64: 2000, 1>}, {transform_indices = @transform_2, window_bounds = array<i64: 2000, 128>}, {pipeline_mode = #tpu.pipeline_mode<synchronous>, transform_indices = @transform_3, window_bounds = array<i64: 128, 128>}, {pipeline_mode = #tpu.pipeline_mode<synchronous>, transform_indices = @transform_4, window_bounds = array<i64: 128, 128>}, {pipeline_mode = #tpu.pipeline_mode<synchronous>, transform_indices = @transform_5, window_bounds = array<i64: 1, 128>}, {transform_indices = @transform_6, window_bounds = array<i64: 2000, 128>}]} {
    %get3A = arith.constant 0 : index
    %get3A_0 = arith.constant 0 : index
    %get3A_1 = vector.load %arg2[%get3A, %get3A_0] : memref<2000x1xf32, #tpu.memory_space<vmem>>, vector<2000x1xf32>
    %max3A = arith.constant 1.000000e+00 : f32
    %max3A_2 = vector.broadcast %max3A : f32 to vector<2000x1xf32>
    %max3A_3 = arith.maximumf %get3A_1, %max3A_2 : vector<2000x1xf32>
    %div3A = arith.constant 1.000000e+00 : f32
    %div3A_4 = vector.broadcast %div3A : f32 to vector<2000x1xf32>
    %div3A_5 = arith.divf %div3A_4, %max3A_3 : vector<2000x1xf32>
    %get3A_6 = arith.constant 0 : index
    %get3A_7 = arith.constant 0 : index
    %get3A_8 = vector.load %arg1[%get3A_6, %get3A_7] : memref<2000x128xf32, #tpu.memory_space<vmem>>, vector<2000x128xf32>
    %mul3A = vector.broadcast %div3A_5 : vector<2000x1xf32> to vector<2000x128xf32>
    %mul3A_9 = arith.mulf %get3A_8, %mul3A : vector<2000x128xf32>
    %get3A_10 = arith.constant 0 : index
    %get3A_11 = arith.constant 0 : index
    %get3A_12 = vector.load %arg4[%get3A_10, %get3A_11] : memref<128x128xf32, #tpu.memory_space<vmem>>, vector<128x128xf32>
    %dot_general3A = arith.constant dense<0.000000e+00> : vector<2000x128xf32>
    %dot_general3A_13 = tpu.matmul %mul3A_9, %get3A_12, %dot_general3A {dimension_numbers = #tpu.dot_dimension_numbers<[1], [1], [0], [0], [0, 0, 1, 0], [], []>, transpose_lhs_hint = false} : vector<2000x128xf32>, vector<128x128xf32>, vector<2000x128xf32> -> vector<2000x128xf32>
    %get3A_14 = arith.constant 0 : index
    %get3A_15 = arith.constant 0 : index
    %get3A_16 = vector.load %arg6[%get3A_14, %get3A_15] : memref<1x128xf32, #tpu.memory_space<vmem>>, vector<1x128xf32>
    %add3A = vector.broadcast %get3A_16 : vector<1x128xf32> to vector<2000x128xf32>
    %add3A_17 = arith.addf %dot_general3A_13, %add3A : vector<2000x128xf32>
    %get3A_18 = arith.constant 0 : index
    %get3A_19 = arith.constant 0 : index
    %get3A_20 = vector.load %arg3[%get3A_18, %get3A_19] : memref<2000x128xf32, #tpu.memory_space<vmem>>, vector<2000x128xf32>
    %get3A_21 = arith.constant 0 : index
    %get3A_22 = arith.constant 0 : index
    %get3A_23 = vector.load %arg5[%get3A_21, %get3A_22] : memref<128x128xf32, #tpu.memory_space<vmem>>, vector<128x128xf32>
    %dot_general3A_24 = arith.constant dense<0.000000e+00> : vector<2000x128xf32>
    %dot_general3A_25 = tpu.matmul %get3A_20, %get3A_23, %dot_general3A_24 {dimension_numbers = #tpu.dot_dimension_numbers<[1], [1], [0], [0], [0, 0, 1, 0], [], []>, transpose_lhs_hint = false} : vector<2000x128xf32>, vector<128x128xf32>, vector<2000x128xf32> -> vector<2000x128xf32>
    %add3A_26 = arith.addf %add3A_17, %dot_general3A_25 : vector<2000x128xf32>
    %max3A_27 = arith.constant 0.000000e+00 : f32
    %max3A_28 = vector.broadcast %max3A_27 : f32 to vector<2000x128xf32>
    %max3A_29 = arith.maximumf %add3A_26, %max3A_28 : vector<2000x128xf32>
    %swap3A = arith.constant 0 : index
    %swap3A_30 = arith.constant 0 : index
    %swap3A_31 = vector.load %arg7[%swap3A, %swap3A_30] : memref<2000x128xf32, #tpu.memory_space<vmem>>, vector<2000x128xf32>
    tpu.vector_store %arg7[%swap3A, %swap3A_30], %max3A_29 {strides = array<i32>} : memref<2000x128xf32, #tpu.memory_space<vmem>>, vector<2000x128xf32>,
    return
  }
  func.func @transform_0(%arg0: i32) -> (i32, i32) {
    %c0_i32 = arith.constant 0 : i32
    %c0_i32_0 = arith.constant 0 : i32
    return %arg0, %c0_i32 : i32, i32
  }
  func.func @transform_1(%arg0: i32) -> (i32, i32) {
    %c0_i32 = arith.constant 0 : i32
    %c0_i32_0 = arith.constant 0 : i32
    return %arg0, %c0_i32 : i32, i32
  }
  func.func @transform_2(%arg0: i32) -> (i32, i32) {
    %c0_i32 = arith.constant 0 : i32
    %c0_i32_0 = arith.constant 0 : i32
    return %arg0, %c0_i32 : i32, i32
  }
  func.func @transform_3(%arg0: i32) -> (i32, i32) {
    %c0_i32 = arith.constant 0 : i32
    %c0_i32_0 = arith.constant 0 : i32
    %c0_i32_1 = arith.constant 0 : i32
    return %c0_i32, %c0_i32_0 : i32, i32
  }
  func.func @transform_4(%arg0: i32) -> (i32, i32) {
    %c0_i32 = arith.constant 0 : i32
    %c0_i32_0 = arith.constant 0 : i32
    %c0_i32_1 = arith.constant 0 : i32
    return %c0_i32, %c0_i32_0 : i32, i32
  }
  func.func @transform_5(%arg0: i32) -> (i32, i32) {
    %c0_i32 = arith.constant 0 : i32
    %c0_i32_0 = arith.constant 0 : i32
    %c0_i32_1 = arith.constant 0 : i32
    return %c0_i32, %c0_i32_0 : i32, i32
  }
  func.func @transform_6(%arg0: i32) -> (i32, i32) {
    %c0_i32 = arith.constant 0 : i32
    %c0_i32_0 = arith.constant 0 : i32
    return %arg0, %c0_i32 : i32, i32
  }
}

module attributes {stable_mosaic.version = 14 : i64} {
  func.func @_tc2_body(%arg0: i32, %arg1: memref<2000x128xf32, #tpu.memory_space<vmem>>, %arg2: memref<2000x1xf32, #tpu.memory_space<vmem>>, %arg3: memref<2000x128xf32, #tpu.memory_space<vmem>>, %arg4: memref<128x128xf32, #tpu.memory_space<vmem>>, %arg5: memref<128x128xf32, #tpu.memory_space<vmem>>, %arg6: memref<1x128xf32, #tpu.memory_space<vmem>>, %arg7: memref<128x2xf32, #tpu.memory_space<vmem>>, %arg8: memref<1x2xf32, #tpu.memory_space<vmem>>, %arg9: memref<2000x2xf32, #tpu.memory_space<vmem>>) attributes {dimension_semantics = [#tpu.dimension_semantics<arbitrary>], iteration_bounds = array<i64: 5>, scalar_prefetch = 0 : i64, scratch_operands = 0 : i64, tpu.core_type = #tpu.core_type<tc>, window_params = [{transform_indices = @transform_0, window_bounds = array<i64: 2000, 128>}, {transform_indices = @transform_1, window_bounds = array<i64: 2000, 1>}, {transform_indices = @transform_2, window_bounds = array<i64: 2000, 128>}, {pipeline_mode = #tpu.pipeline_mode<synchronous>, transform_indices = @transform_3, window_bounds = array<i64: 128, 128>}, {pipeline_mode = #tpu.pipeline_mode<synchronous>, transform_indices = @transform_4, window_bounds = array<i64: 128, 128>}, {pipeline_mode = #tpu.pipeline_mode<synchronous>, transform_indices = @transform_5, window_bounds = array<i64: 1, 128>}, {pipeline_mode = #tpu.pipeline_mode<synchronous>, transform_indices = @transform_6, window_bounds = array<i64: 128, 2>}, {pipeline_mode = #tpu.pipeline_mode<synchronous>, transform_indices = @transform_7, window_bounds = array<i64: 1, 2>}, {transform_indices = @transform_8, window_bounds = array<i64: 2000, 2>}]} {
    %get3A = arith.constant 0 : index
    %get3A_0 = arith.constant 0 : index
    %get3A_1 = vector.load %arg2[%get3A, %get3A_0] : memref<2000x1xf32, #tpu.memory_space<vmem>>, vector<2000x1xf32>
    %max3A = arith.constant 1.000000e+00 : f32
    %max3A_2 = vector.broadcast %max3A : f32 to vector<2000x1xf32>
    %max3A_3 = arith.maximumf %get3A_1, %max3A_2 : vector<2000x1xf32>
    %div3A = arith.constant 1.000000e+00 : f32
    %div3A_4 = vector.broadcast %div3A : f32 to vector<2000x1xf32>
    %div3A_5 = arith.divf %div3A_4, %max3A_3 : vector<2000x1xf32>
    %get3A_6 = arith.constant 0 : index
    %get3A_7 = arith.constant 0 : index
    %get3A_8 = vector.load %arg1[%get3A_6, %get3A_7] : memref<2000x128xf32, #tpu.memory_space<vmem>>, vector<2000x128xf32>
    %mul3A = vector.broadcast %div3A_5 : vector<2000x1xf32> to vector<2000x128xf32>
    %mul3A_9 = arith.mulf %get3A_8, %mul3A : vector<2000x128xf32>
    %get3A_10 = arith.constant 0 : index
    %get3A_11 = arith.constant 0 : index
    %get3A_12 = vector.load %arg4[%get3A_10, %get3A_11] : memref<128x128xf32, #tpu.memory_space<vmem>>, vector<128x128xf32>
    %dot_general3A = arith.constant dense<0.000000e+00> : vector<2000x128xf32>
    %dot_general3A_13 = tpu.matmul %mul3A_9, %get3A_12, %dot_general3A {dimension_numbers = #tpu.dot_dimension_numbers<[1], [1], [0], [0], [0, 0, 1, 0], [], []>, transpose_lhs_hint = false} : vector<2000x128xf32>, vector<128x128xf32>, vector<2000x128xf32> -> vector<2000x128xf32>
    %get3A_14 = arith.constant 0 : index
    %get3A_15 = arith.constant 0 : index
    %get3A_16 = vector.load %arg6[%get3A_14, %get3A_15] : memref<1x128xf32, #tpu.memory_space<vmem>>, vector<1x128xf32>
    %add3A = vector.broadcast %get3A_16 : vector<1x128xf32> to vector<2000x128xf32>
    %add3A_17 = arith.addf %dot_general3A_13, %add3A : vector<2000x128xf32>
    %get3A_18 = arith.constant 0 : index
    %get3A_19 = arith.constant 0 : index
    %get3A_20 = vector.load %arg3[%get3A_18, %get3A_19] : memref<2000x128xf32, #tpu.memory_space<vmem>>, vector<2000x128xf32>
    %get3A_21 = arith.constant 0 : index
    %get3A_22 = arith.constant 0 : index
    %get3A_23 = vector.load %arg5[%get3A_21, %get3A_22] : memref<128x128xf32, #tpu.memory_space<vmem>>, vector<128x128xf32>
    %dot_general3A_24 = arith.constant dense<0.000000e+00> : vector<2000x128xf32>
    %dot_general3A_25 = tpu.matmul %get3A_20, %get3A_23, %dot_general3A_24 {dimension_numbers = #tpu.dot_dimension_numbers<[1], [1], [0], [0], [0, 0, 1, 0], [], []>, transpose_lhs_hint = false} : vector<2000x128xf32>, vector<128x128xf32>, vector<2000x128xf32> -> vector<2000x128xf32>
    %add3A_26 = arith.addf %add3A_17, %dot_general3A_25 : vector<2000x128xf32>
    %get3A_27 = arith.constant 0 : index
    %get3A_28 = arith.constant 0 : index
    %get3A_29 = vector.load %arg7[%get3A_27, %get3A_28] : memref<128x2xf32, #tpu.memory_space<vmem>>, vector<128x2xf32>
    %dot_general3A_30 = arith.constant dense<0.000000e+00> : vector<2000x2xf32>
    %dot_general3A_31 = tpu.matmul %add3A_26, %get3A_29, %dot_general3A_30 {dimension_numbers = #tpu.dot_dimension_numbers<[1], [0], [0], [1], [0, 0, 1, 1], [], []>, transpose_lhs_hint = false} : vector<2000x128xf32>, vector<128x2xf32>, vector<2000x2xf32> -> vector<2000x2xf32>
    %get3A_32 = arith.constant 0 : index
    %get3A_33 = arith.constant 0 : index
    %get3A_34 = vector.load %arg8[%get3A_32, %get3A_33] : memref<1x2xf32, #tpu.memory_space<vmem>>, vector<1x2xf32>
    %add3A_35 = vector.broadcast %get3A_34 : vector<1x2xf32> to vector<2000x2xf32>
    %add3A_36 = arith.addf %dot_general3A_31, %add3A_35 : vector<2000x2xf32>
    %swap3A = arith.constant 0 : index
    %swap3A_37 = arith.constant 0 : index
    %swap3A_38 = vector.load %arg9[%swap3A, %swap3A_37] : memref<2000x2xf32, #tpu.memory_space<vmem>>, vector<2000x2xf32>
    tpu.vector_store %arg9[%swap3A, %swap3A_37], %add3A_36 {strides = array<i32>} : memref<2000x2xf32, #tpu.memory_space<vmem>>, vector<2000x2xf32>,
    return
  }
  func.func @transform_0(%arg0: i32) -> (i32, i32) {
    %c0_i32 = arith.constant 0 : i32
    %c0_i32_0 = arith.constant 0 : i32
    return %arg0, %c0_i32 : i32, i32
  }
  func.func @transform_1(%arg0: i32) -> (i32, i32) {
    %c0_i32 = arith.constant 0 : i32
    %c0_i32_0 = arith.constant 0 : i32
    return %arg0, %c0_i32 : i32, i32
  }
  func.func @transform_2(%arg0: i32) -> (i32, i32) {
    %c0_i32 = arith.constant 0 : i32
    %c0_i32_0 = arith.constant 0 : i32
    return %arg0, %c0_i32 : i32, i32
  }
  func.func @transform_3(%arg0: i32) -> (i32, i32) {
    %c0_i32 = arith.constant 0 : i32
    %c0_i32_0 = arith.constant 0 : i32
    %c0_i32_1 = arith.constant 0 : i32
    return %c0_i32, %c0_i32_0 : i32, i32
  }
  func.func @transform_4(%arg0: i32) -> (i32, i32) {
    %c0_i32 = arith.constant 0 : i32
    %c0_i32_0 = arith.constant 0 : i32
    %c0_i32_1 = arith.constant 0 : i32
    return %c0_i32, %c0_i32_0 : i32, i32
  }
  func.func @transform_5(%arg0: i32) -> (i32, i32) {
    %c0_i32 = arith.constant 0 : i32
    %c0_i32_0 = arith.constant 0 : i32
    %c0_i32_1 = arith.constant 0 : i32
    return %c0_i32, %c0_i32_0 : i32, i32
  }
  func.func @transform_6(%arg0: i32) -> (i32, i32) {
    %c0_i32 = arith.constant 0 : i32
    %c0_i32_0 = arith.constant 0 : i32
    %c0_i32_1 = arith.constant 0 : i32
    return %c0_i32, %c0_i32_0 : i32, i32
  }
  func.func @transform_7(%arg0: i32) -> (i32, i32) {
    %c0_i32 = arith.constant 0 : i32
    %c0_i32_0 = arith.constant 0 : i32
    %c0_i32_1 = arith.constant 0 : i32
    return %c0_i32, %c0_i32_0 : i32, i32
  }
  func.func @transform_8(%arg0: i32) -> (i32, i32) {
    %c0_i32 = arith.constant 0 : i32
    %c0_i32_0 = arith.constant 0 : i32
    return %arg0, %c0_i32 : i32, i32
  }
}

</mosaic_0001>

<sc_bundles>
// kernel: kernel.10.cloned.1.call-start
scs
__scs_entry_jumppad:
0x0: {  	(pc) =	sbr.rel $0x88, $3  }
0x1: {  	(tag) =	ssettag $0x0;
	lr =	simm.s32 $0x1  }
0x2: {  	[smem:$0x3F97] =	sst lr;
	_ =	strace $0xD0000000  }
0x3: {  	_ = 	snop  }
0x4: {  	_ = 	snop  }
0x5: {  	_ = 	snop  }
0x6: {  	_ = 	snop  }
0x7: {  	_ = 	snop  }
__scs_overlays_trampoline_lowered:
0x8: {  	[smem:$0x3FA6] =	sst s0  }
0x9: {  	[smem:$0x3FA7] =	sst s1  }
0xa: {  	[smem:$0x3FA8] =	sst s2  }
0xb: {  	[smem:$0x3FA9] =	sst s3  }
0xc: {  	[smem:$0x3FAA] =	sst s4  }
0xd: {  	[smem:$0x3FAB] =	sst s5  }
0xe: {  	[smem:$0x3FAC] =	sst s6  }
0xf: {  	[smem:$0x3FAD] =	sst s7  }
0x10: {  	[smem:$0x3FAE] =	sst s8  }
0x11: {  	[smem:$0x3FAF] =	sst s9;
	s0 =	simm.s32 @!p0 $0x0  }
0x12: {  	s1 =	sld [smem:$0x3F95];
	s0 =	simm.s32 @p0 $0x1  }
0x13: {  	[smem:$0x3FB0] =	sst s0;
	s0 =	simm.s32 @!p1 $0x0  }
0x14: {  	s2 =	sld [smem:$0x3F94];
	s0 =	simm.s32 @p1 $0x1  }
0x15: {  	[smem:$0x3FB1] =	sst s0;
	s0 =	simm.s32 @!p2 $0x0  }
0x16: {  	s3 =	sld [smem:$0x3FDB];
	s0 =	simm.s32 @p2 $0x1  }
0x17: {  	s4 =	simm.s32 $0x1BF5;
	[smem:$0x3FB3] =	sst s0  }
0x18: {  	s0 =	sld [smem:$0x3F96];
	_ =	swait.ge [sflag:s4], $0x0  }
0x19: {  	s7 =	sld [smem:$0x3F97]  }
0x1a: {  	s8 =	sadd.s32 $0xFFFFE003, lr  }
0x1b: {  	s9 =	sadd.s32 $0xFFFFFEF7, lr;
	s5 =	simm.s32 $0xFFFFFFFF;
	p2 =	slt.u32 s8, $0xFFFFF086  }
0x1c: {  	p1 =	slt.u32 s9, $0xF7A;
	s5 =	simm.s32 @!p2 $0x0  }
0x1d: {  	s5 =	simm.s32 @p1 $0x1;
	p0 =	seq.s32 s7, s2  }
0x1e: {  	s7 =	smul.u32 @!p0 $0xF7A, s2;
	p2 =	seq.s32 @!p0 s5, $0x0  }
0x1f: {  	s9 =	smul.u32 $0xF7A, s1;
	s8 =	simm.s32 @!p0 $0x1BF5;
	p2 =	por !p2, p0  }
0x20: {  	[sflag:s8] =	ssyncset.s32 @!p0 $0xFFFFF086;
	s6 =	sadd.s32 @!p0 s3, s7;
	s7 =	simm.s32 @!p0 $0x108  }
0x21: {  	s3 =	sadd.s32 s3, s9;
	s6 =	sadd.s32 @!p0 $0x88, s6;
	s7 =	simm.s32 @p2 $0x1082  }
0x22: {  	[simem:s7], [sflag:s8] =	dma.local @!p0 [hbm:s6], $0xF7A  }
0x23: {  	s9 =	sor.u32 $0xD0000000, s2;
	s6 =	simm.s32 $0x108;
	_ =	swait.ge @!p0 [sflag:s8], $0x0  }
0x24: {  	s3 =	sadd.s32 $0x88, s3;
	s6 =	simm.s32 @!p1 $0x1082;
	[sflag:s4] =	ssyncset.s32 $0xFFFFF086  }
0x25: {  	[simem:s6], [sflag:s4] =	dma.local [hbm:s3], $0xF7A  }
0x26: {  	[smem:$0x3F97] =	sst s1;
	(tag) =	ssettag s2;
	_ =	strace s9  }
0x27: {  	s1 =	sld [smem:$0x3FA7]  }
0x28: {  	s2 =	sld [smem:$0x3FA8]  }
0x29: {  	s4 =	sld [smem:$0x3FAA]  }
0x2a: {  	p0 =	seq.s32 s5, $0x0;
	s5 =	sld [smem:$0x3FAB]  }
0x2b: {  	s6 =	sld [smem:$0x3FAC]  }
0x2c: {  	s7 =	sld [smem:$0x3FAD]  }
0x2d: {  	s3 =	simm.s32 $0x108;
	s8 =	sld [smem:$0x3FAE]  }
0x2e: {  	s3 =	simm.s32 @!p0 $0x1082;
	s9 =	sld [smem:$0x3FAF]  }
0x2f: {  	lr =	sadd.s32 s0, s3;
	s0 =	sld [smem:$0x3FA6]  }
0x30: {  	s3 =	sld [smem:$0x3FA9]  }
0x31: {  	[smem:$0x3FB2] =	sst s10  }
0x32: {  	s10 =	sld [smem:$0x3FB0];
	_ =	sdelay $0x3  }
0x33: {  	p0 =	seq.s32 s10, $0x1;
	s10 =	sld [smem:$0x3FB2];
	_ =	sdelay $0x3  }
0x34: {  	[smem:$0x3FB2] =	sst s10  }
0x35: {  	s10 =	sld [smem:$0x3FB1];
	_ =	sdelay $0x3  }
0x36: {  	p1 =	seq.s32 s10, $0x1;
	s10 =	sld [smem:$0x3FB2];
	_ =	sdelay $0x3  }
0x37: {  	[smem:$0x3FB2] =	sst s10  }
0x38: {  	s10 =	sld [smem:$0x3FB3]  }
0x39: {  	_ = 	snop;
	(pc) =	sbr.ind lr, $3  }
0x3a: {  	_ = 	snop  }
0x3b: {  	_ = 	snop  }
0x3c: {  	p2 =	seq.s32 s10, $0x1;
	s10 =	sld [smem:$0x3FB2]  }
0x3d: {  	_ =	shalt  }
0x3e: {  	_ =	shalt  }
0x3f: {  	_ =	shalt  }
0x40: {  	_ =	shalt  }
0x41: {  	_ =	shalt  }
0x42: {  	_ =	shalt  }
0x43: {  	_ =	shalt  }
0x44: {  	_ =	shalt  }
0x45: {  	_ =	shalt  }
0x46: {  	_ =	shalt  }
0x47: {  	_ =	shalt  }
0x48: {  	_ =	shalt  }
0x49: {  	_ =	shalt  }
0x4a: {  	_ =	shalt  }
0x4b: {  	_ =	shalt  }
0x4c: {  	_ =	shalt  }
0x4d: {  	_ =	shalt  }
0x4e: {  	_ =	shalt  }
0x4f: {  	_ =	shalt  }
0x50: {  	_ =	shalt  }
0x51: {  	_ =	shalt  }
0x52: {  	_ =	shalt  }
0x53: {  	_ =	shalt  }
0x54: {  	_ =	shalt  }
0x55: {  	_ =	shalt  }
0x56: {  	_ =	shalt  }
0x57: {  	_ =	shalt  }
0x58: {  	_ =	shalt  }
0x59: {  	_ =	shalt  }
0x5a: {  	_ =	shalt  }
0x5b: {  	_ =	shalt  }
0x5c: {  	_ =	shalt  }
0x5d: {  	_ =	shalt  }
0x5e: {  	_ =	shalt  }
0x5f: {  	_ =	shalt  }
0x60: {  	_ =	shalt  }
0x61: {  	_ =	shalt  }
0x62: {  	_ =	shalt  }
0x63: {  	_ =	shalt  }
0x64: {  	_ =	shalt  }
0x65: {  	_ =	shalt  }
0x66: {  	_ =	shalt  }
0x67: {  	_ =	shalt  }
0x68: {  	_ =	shalt  }
0x69: {  	_ =	shalt  }
0x6a: {  	_ =	shalt  }
0x6b: {  	_ =	shalt  }
0x6c: {  	_ =	shalt  }
0x6d: {  	_ =	shalt  }
0x6e: {  	_ =	shalt  }
0x6f: {  	_ =	shalt  }
0x70: {  	_ =	shalt  }
0x71: {  	_ =	shalt  }
0x72: {  	_ =	shalt  }
0x73: {  	_ =	shalt  }
0x74: {  	_ =	shalt  }
0x75: {  	_ =	shalt  }
0x76: {  	_ =	shalt  }
0x77: {  	_ =	shalt  }
0x78: {  	_ =	shalt  }
0x79: {  	_ =	shalt  }
0x7a: {  	_ =	shalt  }
0x7b: {  	_ =	shalt  }
0x7c: {  	_ =	shalt  }
0x7d: {  	_ =	shalt  }
0x7e: {  	_ =	shalt  }
0x7f: {  	_ =	shalt  }
0x80: {  	_ =	shalt  }
0x81: {  	_ =	shalt  }
0x82: {  	_ =	shalt  }
0x83: {  	_ =	shalt  }
0x84: {  	_ =	shalt  }
0x85: {  	_ =	shalt  }
0x86: {  	_ =	shalt  }
0x87: {  	_ =	shalt  }
.Lfunc_end0:
.L_simem_size_0:
called_computation.1_lowered:
.L_overlay_start_0:
0x88: {  	s0 =	sld [smem:$0x3FD9]  }
0x89: {  	s1 =	sld [smem:$0x3FFE];
	_ =	sdelay $0x3  }
0x8a: {  	s0 =	sadd.s32 s1, s0  }
0x8b: {  	[smem:$0x3FBE] =	sst s0  }
0x8c: {  	_ = 	snop  }
0x8d: {  	(tm) =	ssettm $0x1  }
0x8e: {  	s15 =	sld [smem:$0x3FFB];
	_ =	sdelay $0x3  }
0x8f: {  	_ =	strace s15  }
0x90: {  	s0 =	sld [smem:$0x3FFC];
	_ =	sdelay $0x3  }
0x91: {  	_ =	strace s0  }
0x92: {  	s0 =	sld [smem:$0x3FFD];
	_ =	sdelay $0x3  }
0x93: {  	_ =	strace s0  }
0x94: {  	_ =	strace $0x8FFFFFFF  }
0x95: {  	s16 =	sld [smem:$0x3FDB];
	_ =	sdelay $0x1  }
0x96: {  	s17 =	simm.s32 $_scs_section_size  }
0x97: {  	s2 =	simm.s32 $_size__tile_overlayer_lowered;
	s3 =	simm.s32 $_tile_overlayer_lowered  }
0x98: {  	s20 =	simm.s32 $0x1BFF;
	s19 =	sshll.u32 s3, $0x1;
	s0 =	sadd.s32 s17, s16  }
0x99: {  	s4 =	simm.s32 $0x0;
	s18 =	sshll.u32 s2, $0x1;
	s2 =	sadd.s32 s19, s0  }
0x9a: {  	[timem:s4], [sflag:s20] =	dma.local [hbm:s2], s18  }
0x9b: {  	_ =	swait.ge [sflag:s20], s18  }
0x9c: {  	s1 =	ssub.s32 $0x0, s18;
	[sflag:s20] =	ssyncset.done $0x0  }
0x9d: {  	[sflag:s20] =	ssyncadd.s32 s1;
	_ =	sdelay $0x1  }
0x9e: {  	s21 =	simm.s32 $0x1B8B  }
0x9f: {  	_ =	swait.ge [sflag:s21], $0x1  }
0xa0: {  	[sflag:s21] =	ssyncset.done $0x0  }
0xa1: {  	s23 =	simm.s32 $0x1B8E;
	s22 =	sld [smem:$0x3FFE];
	[sflag:s21] =	ssyncadd.s32 $0xFFFFFFFF  }
0xa2: {  	s24 =	simm.s32 $execute0_lowered;
	[smem:$0x3FD2] =	sst s23  }
0xa3: {  	s2 =	sshll.u32 s24, $0x1;
	_ =	strace $0x80000049;
	[dreg:$0x1] =	wrdreg $0xFFFFFFFF  }
0xa4: {  	s25 =	simm.s32 $_size_execute0_lowered;
	s0 =	sadd.s32 s0, s2;
	[dreg:$0x0] =	wrdreg $0x0  }
0xa5: {  	s2 =	sshll.u32 s25, $0x1;
	[dreg:$0x2] =	wrdreg s0  }
0xa6: {  	[dreg:$0x3] =	wrdreg s2  }
0xa7: {  	[dreg:$0x4] =	wrdreg $0xC0  }
0xa8: {  	_ =	task [dreg:s4], $0x5FFFF  }
0xa9: {  	[dreg:$0x1] =	wrdreg $0xFFFFFFFF  }
0xaa: {  	[dreg:$0x0] =	wrdreg $0x60  }
0xab: {  	[dreg:$0x2] =	wrdreg s22  }
0xac: {  	[dreg:$0x3] =	wrdreg $0x127000  }
0xad: {  	[dreg:$0x4] =	wrdreg $0x9  }
0xae: {  	_ =	task.clear_ibuf [dreg:s4], $0x5FFFF;
	_ =	strace $0x90000049  }
0xaf: {  	s26 =	simm.s32 $0x9;
	_ =	strace $0x8000004B  }
0xb0: {  	_ =	swait.ge [sflag:s26], $0x1  }
0xb1: {  	[sflag:s26] =	ssyncadd.s32 $0xFFFFFFFF  }
0xb2: {  	_ =	strace $0x9000004B  }
0xb3: {  	_ =	sfence  }
0xb4: {  	s28 =	sld [smem:$0x0];
	_ =	sdelay $0x1  }
0xb5: {  	s29 =	srdreg.scid  }
0xb6: {  	s30 =	sshll.u32 s29, $0xD;
	s31 =	sshrl.u32 s29, $0x2  }
0xb7: {  	s1 =	sand.u32 $0x1, s29;
	s2 =	sand.u32 $0x4000, s30;
	s0 =	sadd.s32 s31, s28  }
0xb8: {  	s1 =	sor.u32 s2, s1;
	s0 =	sshll.u32 s0, $0x11  }
0xb9: {  	s0 =	sor.u32 s0, s1  }
0xba: {  	s0 =	sadd.s32 $0x8F2B, s0  }
0xbb: {  	[sflag:s0] =	ssyncadd.remote.s32 $0x1  }
0xbc: {  	_ =	sfence.sel $0xFFFF  }
0xbd: {  	[dreg:$0x0] =	wrdreg $0xFFFFFFFF;
	(pc) =	sbr.abs _section_cstart, $3  }
0xbe: {  	[dreg:$0x1] =	wrdreg $0xFFFFFFFF  }
0xbf: {  	_ =	task.clear_ibuf [dreg:s4], $0x2FFFF;
	_ =	strace $0x9FFFFFFF  }
0xc0: {  	(tm) =	ssettm $0x7FFFFFFF  }
0xc1: {  	_ =	shalt  }
tec
execute0_lowered:
.L_overlay_start_1:
0x0: {  	(tag) =	ssettag $0x1  }
0x1: {  	s1 =	rddreg [dreg:$0x0]  }
0x2: {  	s3 =	rddreg [dreg:$0x1]  }
0x3: {  	s0 =	rddreg [dreg:$0x2];
	s2 =	simm.s32 $0x0  }
0x4: {  	s7 =	simm.s32 $0x0;
	s8 =	simm.s32 $0x200;
	[smem:$0x7FF] =	sst s2  }
0x5: {  	s4 =	sadd.s32 $0x16000, s1;
	s5 =	sadd.s32 $0xC000, s1;
	s6 =	sadd.s32 $0x2000, s1  }
0x6: {  	v0 =	vimm.f32 $0.0e+00;
	s2 =	sadd.s32 $0x3D200, s1;
	s1 =	stileid.u32;
	_ =	strace $0x8000004A  }
.LBB2_1:
0x7: {  	p0 =	sne.s32 s8, $0x28E00;
	[tilespmem:s7+$0x8370] =	vst v0  }
0x8: {  	[tilespmem:s7+$0x8300] =	vst v0  }
0x9: {  	[tilespmem:s7+$0x8310] =	vst v0  }
.Ltmp0:
0xa: {  	[tilespmem:s7+$0x8320] =	vst v0;
	(pc) =	sbr.rel @p0 .LBB2_1-.Ltmp0, $4  }
0xb: {  	[tilespmem:s7+$0x8330] =	vst v0  }
0xc: {  	[tilespmem:s7+$0x8340] =	vst v0  }
0xd: {  	[tilespmem:s7+$0x8350] =	vst v0  }
0xe: {  	[tilespmem:s7+$0x8360] =	vst v0;
	s7 =	sshra.s32 s8, $0x2;
	s8 =	sadd.s32 $0x200, s8  }
0xf: {  	[tilespmem:s7+$0x8370] =	vst v0  }
0x10: {  	[tilespmem:s7+$0x8300] =	vst v0  }
0x11: {  	[tilespmem:s7+$0x8310] =	vst v0  }
0x12: {  	[tilespmem:s7+$0x8320] =	vst v0  }
0x13: {  	[tilespmem:s7+$0x8330] =	vst v0;
	s8 =	smul.u32 $0x29000, s1  }
0x14: {  	[tilespmem:s7+$0x8340] =	vst v0  }
0x15: {  	[tilespmem:s7+$0x8350] =	vst v0;
	s30 =	simm.s32 $0x8300;
	s31 =	simm.s32 $0x7;
	s8 =	sshrl.u32 s8, $0x2  }
0x16: {  	[tilespmem:s7+$0x8360] =	vst v0;
	s7 =	simm.s32 $0x0;
	s14 =	simm.s32 $0x100;
	s9 =	sadd.s32 s8, s3  }
0x17: {  	[spmem:s9] =	stream.linear.scatter [tilespmem:s30], [sflag:$0x7], $0xA400, $0x38;
	[tilespmem:$0x1CB00] =	vst v63  }
0x18: {  	s15 =	simm.s32 $0x80;
	s16 =	simm.s32 $0x180;
	_ =	swait.ge [sflag:s31], $0xA400  }
0x19: {  	s17 =	simm.s32 $0x1;
	s8 =	smul.u32 $0xA00, s1;
	[sflag:s31] =	ssyncset.done $0x0  }
0x1a: {  	s18 =	simm.s32 $0x300;
	s19 =	simm.s32 $0x2;
	[sflag:s31] =	ssyncadd.s32 $0xFFFF5C00  }
0x1b: {  	s20 =	simm.s32 $0x4300;
	s10 =	sadd.s32 s5, s8;
	[bflag:$0x0] =	sbarrier.arrive $0xFFFF  }
0x1c: {  	[tilespmem:s7], [sflag:$0x1] =	stream.linear.gather [hbm4b:s10+s7], $0x80, $0x38;
	[tilespmem:$0x1CB00] =	vst v63  }
0x1d: {  	s21 =	simm.s32 $0x3;
	s11 =	sadd.s32 s6, s8;
	s13 =	sor.u32 $0x10, s8  }
0x1e: {  	[tilespmem:s14], [sflag:$0x1] =	stream.linear.gather [hbm4b:s11+s7], $0x80, $0x38;
	[tilespmem:$0x1CB00] =	vst v63  }
0x1f: {  	s22 =	simm.s32 $0x200;
	s23 =	simm.s32 $0x4;
	s12 =	sadd.s32 s5, s13  }
0x20: {  	[tilespmem:s15], [sflag:$0x2] =	stream.linear.gather [hbm4b:s12+s7], $0x80, $0x38;
	[tilespmem:$0x1CB00] =	vst v63  }
0x21: {  	s24 =	simm.s32 $0x280;
	s25 =	simm.s32 $0x0;
	s13 =	sadd.s32 s6, s13  }
0x22: {  	[tilespmem:s16], [sflag:$0x2] =	stream.linear.gather [hbm4b:s13+s7], $0x80, $0x38;
	[tilespmem:$0x1CB00] =	vst v63  }
.LBB2_3:
0x23: {  	p0 =	seq.s32 s25, $0x0  }
0x24: {  	s26 =	simm.s32 @!p0 $0x5  }
0x25: {  	_ =	swait.ge @!p0 [sflag:s26], $0x4000  }
0x26: {  	[sflag:s26] =	ssyncset.done @!p0 $0x0  }
0x27: {  	[sflag:s26] =	ssyncadd.s32 @!p0 $0xFFFFC000  }
0x28: {  	_ =	swait.ge [sflag:s17], $0x80  }
0x29: {  	[sflag:s17] =	ssyncset.done $0x0  }
0x2a: {  	[sflag:s17] =	ssyncadd.s32 $0xFFFFFF80  }
0x2b: {  	_ =	swait.ge [sflag:s17], $0x80  }
0x2c: {  	[sflag:s17] =	ssyncset.done $0x0  }
0x2d: {  	[sflag:s17] =	ssyncadd.s32 $0xFFFFFF80  }
0x2e: {  	v0 =	vld [tilespmem:$0x100]  }
0x2f: {  	v1 =	vld [tilespmem:$0x110]  }
0x30: {  	v2 =	vld [tilespmem:$0x120]  }
0x31: {  	v3 =	vld [tilespmem:$0x130]  }
0x32: {  	v4 =	vld [tilespmem:$0x140]  }
0x33: {  	v5 =	vld [tilespmem:$0x150];
	v0 =	vmin.u32 v0, $0x1400  }
0x34: {  	v41 =	vld [tilespmem:$0x160];
	v40 =	vmin.u32 v1, $0x1400;
	[tilespmem:$0x200] =	vst v0  }
0x35: {  	v43 =	vld [tilespmem:$0x170];
	v42 =	vmin.u32 v2, $0x1400;
	[tilespmem:$0x210] =	vst v40  }
0x36: {  	v44 =	vmin.u32 v3, $0x1400;
	[tilespmem:$0x220] =	vst v42  }
0x37: {  	v45 =	vmin.u32 v4, $0x1400;
	[tilespmem:$0x230] =	vst v44  }
0x38: {  	v46 =	vmin.u32 v5, $0x1400;
	[tilespmem:$0x240] =	vst v45  }
0x39: {  	v47 =	vmin.u32 v41, $0x1400;
	[tilespmem:$0x250] =	vst v46  }
0x3a: {  	v48 =	vmin.u32 v43, $0x1400;
	[tilespmem:$0x260] =	vst v47  }
0x3b: {  	s26 =	simm.s32 @!p0 $0x6;
	[tilespmem:$0x270] =	vst v48  }
0x3c: {  	[tilespmem:s18], [sflag:$0x3] =	stream.indirect.gather [hbm4b:s4+s15], $0x80, s7, s15, $0xb8;
	[tilespmem:$0x1CB00] =	vst v63  }
0x3d: {  	_ =	swait.ge @!p0 [sflag:s26], $0x4000  }
0x3e: {  	[sflag:s26] =	ssyncset.done @!p0 $0x0  }
0x3f: {  	[sflag:s26] =	ssyncadd.s32 @!p0 $0xFFFFC000  }
0x40: {  	_ =	swait.ge [sflag:s19], $0x80  }
0x41: {  	[sflag:s19] =	ssyncset.done $0x0  }
0x42: {  	[sflag:s19] =	ssyncadd.s32 $0xFFFFFF80  }
0x43: {  	_ =	swait.ge [sflag:s19], $0x80  }
0x44: {  	[sflag:s19] =	ssyncset.done $0x0  }
0x45: {  	[sflag:s19] =	ssyncadd.s32 $0xFFFFFF80  }
0x46: {  	v49 =	vld [tilespmem:$0x180]  }
0x47: {  	v50 =	vld [tilespmem:$0x190]  }
0x48: {  	v51 =	vld [tilespmem:$0x1A0]  }
0x49: {  	v52 =	vld [tilespmem:$0x1B0]  }
0x4a: {  	v53 =	vld [tilespmem:$0x1C0]  }
0x4b: {  	v54 =	vld [tilespmem:$0x1D0];
	v0 =	vmin.u32 v49, $0x1400  }
0x4c: {  	v56 =	vld [tilespmem:$0x1E0];
	v55 =	vmin.u32 v50, $0x1400;
	[tilespmem:$0x280] =	vst v0  }
0x4d: {  	v58 =	vld [tilespmem:$0x1F0];
	v57 =	vmin.u32 v51, $0x1400;
	[tilespmem:$0x290] =	vst v55  }
0x4e: {  	v59 =	vmin.u32 v52, $0x1400;
	[tilespmem:$0x2A0] =	vst v57  }
0x4f: {  	v60 =	vmin.u32 v53, $0x1400;
	[tilespmem:$0x2B0] =	vst v59  }
0x50: {  	v61 =	vmin.u32 v54, $0x1400;
	[tilespmem:$0x2C0] =	vst v60  }
0x51: {  	v62 =	vmin.u32 v56, $0x1400;
	[tilespmem:$0x2D0] =	vst v61  }
0x52: {  	p0 =	seq.s32 s25, $0x9E0;
	v63 =	vmin.u32 v58, $0x1400;
	[tilespmem:$0x2E0] =	vst v62  }
.Ltmp1:
0x53: {  	[tilespmem:$0x2F0] =	vst v63;
	(pc) =	sbr.rel @p0 .LBB2_5-.Ltmp1, $4  }
0x54: {  	[tilespmem:s20], [sflag:$0x4] =	stream.indirect.gather [hbm4b:s4+s15], $0x80, s15, s15, $0xb8;
	[tilespmem:$0x1CB00] =	vst v63  }
0x55: {  	_ =	swait.ge [sflag:s21], $0x4000  }
0x56: {  	[sflag:s21] =	ssyncset.done $0x0  }
0x57: {  	[sflag:s21] =	ssyncadd.s32 $0xFFFFC000  }
0x58: {  	s26 =	sadd.s32 s25, s10  }
0x59: {  	s30 =	sadd.s32 s25, s11;
	s28 =	sadd.s32 $0x20, s26  }
0x5a: {  	[tilespmem:s7], [sflag:$0x1] =	stream.linear.gather [hbm4b:s28+s7], $0x80, $0x38;
	[tilespmem:$0x1CB00] =	vst v63  }
0x5b: {  	s29 =	sadd.s32 $0x20, s30  }
0x5c: {  	[tilespmem:s14], [sflag:$0x1] =	stream.linear.gather [hbm4b:s29+s7], $0x80, $0x38;
	[tilespmem:$0x1CB00] =	vst v63  }
0x5d: {  	_ = 	snop  }
0x5e: {  	[spmem:s3] =	stream.indirect.scatter.add.f32 [tilespmem:s18], [sflag:$0x5], $0x80, s22, s15, $0xb8;
	[tilespmem:$0x1CB00] =	vst v63  }
0x5f: {  	_ =	swait.ge [sflag:s23], $0x4000  }
0x60: {  	[sflag:s23] =	ssyncset.done $0x0  }
0x61: {  	s26 =	sadd.s32 $0x30, s26;
	[sflag:s23] =	ssyncadd.s32 $0xFFFFC000  }
0x62: {  	[tilespmem:s15], [sflag:$0x2] =	stream.linear.gather [hbm4b:s26+s7], $0x80, $0x38;
	[tilespmem:$0x1CB00] =	vst v63  }
.Ltmp2:
0x63: {  	_ = 	snop;
	(pc) =	sbr.rel .LBB2_3-.Ltmp2, $4  }
0x64: {  	s31 =	sadd.s32 $0x30, s30  }
0x65: {  	[tilespmem:s16], [sflag:$0x2] =	stream.linear.gather [hbm4b:s31+s7], $0x80, $0x38;
	[tilespmem:$0x1CB00] =	vst v63  }
0x66: {  	s25 =	sadd.s32 $0x20, s25  }
0x67: {  	[spmem:s3] =	stream.indirect.scatter.add.f32 [tilespmem:s20], [sflag:$0x6], $0x80, s24, s15, $0xb8;
	[tilespmem:$0x1CB00] =	vst v63  }
.LBB2_5:
0x68: {  	s7 =	simm.s32 $0x80  }
0x69: {  	s14 =	simm.s32 $0x200;
	s15 =	simm.s32 $0x300;
	s23 =	simm.s32 $0x4  }
0x6a: {  	[spmem:s3] =	stream.indirect.scatter.add.f32 [tilespmem:s15], [sflag:$0x5], $0x80, s14, s7, $0xb8;
	[tilespmem:$0x1CB00] =	vst v63  }
0x6b: {  	_ =	swait.ge [sflag:s23], $0x4000  }
0x6c: {  	s24 =	simm.s32 $0x280;
	[sflag:s23] =	ssyncset.done $0x0  }
0x6d: {  	s25 =	simm.s32 $0x4300;
	s26 =	simm.s32 $0x5;
	[sflag:s23] =	ssyncadd.s32 $0xFFFFC000  }
0x6e: {  	[spmem:s3] =	stream.indirect.scatter.add.f32 [tilespmem:s25], [sflag:$0x6], $0x80, s24, s7, $0xb8;
	[tilespmem:$0x1CB00] =	vst v63  }
0x6f: {  	_ =	swait.ge [sflag:s26], $0x4000  }
0x70: {  	[sflag:s26] =	ssyncset.done $0x0  }
0x71: {  	s28 =	simm.s32 $0x6;
	[sflag:s26] =	ssyncadd.s32 $0xFFFFC000  }
0x72: {  	s29 =	smul.u32 $0x28000, s1;
	_ =	swait.ge [sflag:s28], $0x4000  }
0x73: {  	[sflag:s28] =	ssyncset.done $0x0  }
0x74: {  	s30 =	simm.s32 $0x8300;
	s14 =	sshrl.u32 s29, $0x2;
	[sflag:s28] =	ssyncadd.s32 $0xFFFFC000  }
0x75: {  	s31 =	simm.s32 $0x7;
	s7 =	sadd.s32 s14, s3;
	[bflag:$0x0] =	sbarrier.arrive $0xFFFF  }
0x76: {  	[tilespmem:s30], [sflag:$0x7] =	stream.linear.gather [spmem:s7], $0xA000, $0x38;
	[tilespmem:$0x1CB00] =	vst v63  }
0x77: {  	s16 =	smul.u32 $0x1400, s1;
	_ =	swait.ge [sflag:s31], $0xA000  }
0x78: {  	[sflag:s31] =	ssyncset.done $0x0  }
0x79: {  	s17 =	simm.s32 $0x0;
	s16 =	sadd.s32 s2, s16;
	[sflag:s31] =	ssyncadd.s32 $0xFFFF6000  }
0x7a: {  	[hbm4b:s16+s17] =	stream.linear.scatter [tilespmem:s30], [sflag:$0x7], $0xA000, $0x38;
	[tilespmem:$0x1CB00] =	vst v63  }
0x7b: {  	_ =	swait.ge [sflag:s31], $0xA000  }
0x7c: {  	[sflag:s31] =	ssyncset.done $0x0  }
0x7d: {  	[sflag:s31] =	ssyncadd.s32 $0xFFFF6000  }
0x7e: {  	v0 =	vimm.f32 $0.0e+00;
	s15 =	simm.s32 $0x200;
	s14 =	simm.s32 $0x0;
	[bflag:$0x0] =	sbarrier.arrive $0xFFFF  }
.LBB2_6:
0x7f: {  	p0 =	sne.s32 s15, $0x28E00;
	[tilespmem:s14+$0x8370] =	vst v0  }
0x80: {  	[tilespmem:s14+$0x8300] =	vst v0  }
0x81: {  	[tilespmem:s14+$0x8310] =	vst v0  }
.Ltmp3:
0x82: {  	[tilespmem:s14+$0x8320] =	vst v0;
	(pc) =	sbr.rel @p0 .LBB2_6-.Ltmp3, $4  }
0x83: {  	[tilespmem:s14+$0x8330] =	vst v0  }
0x84: {  	[tilespmem:s14+$0x8340] =	vst v0  }
0x85: {  	[tilespmem:s14+$0x8350] =	vst v0  }
0x86: {  	[tilespmem:s14+$0x8360] =	vst v0;
	s14 =	sshra.s32 s15, $0x2;
	s15 =	sadd.s32 $0x200, s15  }
0x87: {  	[tilespmem:s14+$0x8370] =	vst v0  }
0x88: {  	[tilespmem:s14+$0x8300] =	vst v0  }
0x89: {  	[tilespmem:s14+$0x8310] =	vst v0  }
0x8a: {  	[tilespmem:s14+$0x8320] =	vst v0  }
0x8b: {  	[tilespmem:s14+$0x8330] =	vst v0  }
0x8c: {  	[tilespmem:s14+$0x8340] =	vst v0  }
0x8d: {  	[tilespmem:s14+$0x8350] =	vst v0  }
0x8e: {  	[tilespmem:s14+$0x8360] =	vst v0;
	s30 =	simm.s32 $0x8300;
	s31 =	simm.s32 $0x7  }
0x8f: {  	[spmem:s9] =	stream.linear.scatter [tilespmem:s30], [sflag:$0x7], $0xA400, $0x38;
	[tilespmem:$0x1CB00] =	vst v63  }
0x90: {  	_ =	swait.ge [sflag:s31], $0xA400  }
0x91: {  	[sflag:s31] =	ssyncset.done $0x0  }
0x92: {  	s5 =	sadd.s32 s8, s5;
	[sflag:s31] =	ssyncadd.s32 $0xFFFF5C00  }
0x93: {  	s6 =	sadd.s32 s8, s6;
	s9 =	simm.s32 $0x0;
	[bflag:$0x0] =	sbarrier.arrive $0xFFFF  }
0x94: {  	[tilespmem:s9], [sflag:$0x1] =	stream.linear.gather [hbm4b:s10+s9], $0x80, $0x38;
	[tilespmem:$0x1CB00] =	vst v63  }
0x95: {  	s8 =	simm.s32 $0x1;
	s14 =	simm.s32 $0x2;
	s10 =	simm.s32 $0x100  }
0x96: {  	[tilespmem:s10], [sflag:$0x1] =	stream.linear.gather [hbm4b:s11+s9], $0x80, $0x38;
	[tilespmem:$0x1CB00] =	vst v63  }
0x97: {  	s15 =	simm.s32 $0x4300;
	s16 =	simm.s32 $0x3;
	s11 =	simm.s32 $0x80  }
0x98: {  	[tilespmem:s11], [sflag:$0x2] =	stream.linear.gather [hbm4b:s12+s9], $0x80, $0x38;
	[tilespmem:$0x1CB00] =	vst v63  }
0x99: {  	s17 =	simm.s32 $0x200;
	s18 =	simm.s32 $0x4;
	s12 =	simm.s32 $0x180  }
0x9a: {  	[tilespmem:s12], [sflag:$0x2] =	stream.linear.gather [hbm4b:s13+s9], $0x80, $0x38;
	[tilespmem:$0x1CB00] =	vst v63  }
0x9b: {  	s19 =	simm.s32 $0x280;
	s20 =	simm.s32 $0x0;
	s13 =	simm.s32 $0x300  }
.LBB2_8:
0x9c: {  	p0 =	seq.s32 s20, $0x0  }
0x9d: {  	s21 =	simm.s32 @!p0 $0x5  }
0x9e: {  	_ =	swait.ge @!p0 [sflag:s21], $0x4000  }
0x9f: {  	[sflag:s21] =	ssyncset.done @!p0 $0x0  }
0xa0: {  	[sflag:s21] =	ssyncadd.s32 @!p0 $0xFFFFC000  }
0xa1: {  	_ =	swait.ge [sflag:s8], $0x80  }
0xa2: {  	[sflag:s8] =	ssyncset.done $0x0  }
0xa3: {  	[sflag:s8] =	ssyncadd.s32 $0xFFFFFF80  }
0xa4: {  	_ =	swait.ge [sflag:s8], $0x80  }
0xa5: {  	[sflag:s8] =	ssyncset.done $0x0  }
0xa6: {  	[sflag:s8] =	ssyncadd.s32 $0xFFFFFF80  }
0xa7: {  	v0 =	vld [tilespmem:$0x100]  }
0xa8: {  	v1 =	vld [tilespmem:$0x110]  }
0xa9: {  	v2 =	vld [tilespmem:$0x120]  }
0xaa: {  	v3 =	vld [tilespmem:$0x130]  }
0xab: {  	v4 =	vld [tilespmem:$0x140]  }
0xac: {  	v5 =	vld [tilespmem:$0x150];
	v0 =	vadd.s32 $0xFFFFEC00, v0  }
0xad: {  	v6 =	vld [tilespmem:$0x160];
	v1 =	vadd.s32 $0xFFFFEC00, v1;
	v0 =	vmin.u32 v0, $0x1400  }
0xae: {  	v31 =	vld [tilespmem:$0x170];
	v30 =	vadd.s32 $0xFFFFEC00, v2;
	v29 =	vmin.u32 v1, $0x1400;
	[tilespmem:$0x200] =	vst v0  }
0xaf: {  	v33 =	vadd.s32 $0xFFFFEC00, v3;
	v32 =	vmin.u32 v30, $0x1400;
	[tilespmem:$0x210] =	vst v29  }
0xb0: {  	v35 =	vadd.s32 $0xFFFFEC00, v4;
	v34 =	vmin.u32 v33, $0x1400;
	[tilespmem:$0x220] =	vst v32  }
0xb1: {  	v37 =	vadd.s32 $0xFFFFEC00, v5;
	v36 =	vmin.u32 v35, $0x1400;
	[tilespmem:$0x230] =	vst v34  }
0xb2: {  	v39 =	vadd.s32 $0xFFFFEC00, v6;
	v38 =	vmin.u32 v37, $0x1400;
	[tilespmem:$0x240] =	vst v36  }
0xb3: {  	v41 =	vadd.s32 $0xFFFFEC00, v31;
	v40 =	vmin.u32 v39, $0x1400;
	[tilespmem:$0x250] =	vst v38  }
0xb4: {  	v42 =	vmin.u32 v41, $0x1400;
	[tilespmem:$0x260] =	vst v40  }
0xb5: {  	s21 =	simm.s32 @!p0 $0x6;
	[tilespmem:$0x270] =	vst v42  }
0xb6: {  	[tilespmem:s13], [sflag:$0x3] =	stream.indirect.gather [hbm4b:s4+s11], $0x80, s9, s11, $0xb8;
	[tilespmem:$0x1CB00] =	vst v63  }
0xb7: {  	_ =	swait.ge @!p0 [sflag:s21], $0x4000  }
0xb8: {  	[sflag:s21] =	ssyncset.done @!p0 $0x0  }
0xb9: {  	[sflag:s21] =	ssyncadd.s32 @!p0 $0xFFFFC000  }
0xba: {  	_ =	swait.ge [sflag:s14], $0x80  }
0xbb: {  	[sflag:s14] =	ssyncset.done $0x0  }
0xbc: {  	[sflag:s14] =	ssyncadd.s32 $0xFFFFFF80  }
0xbd: {  	_ =	swait.ge [sflag:s14], $0x80  }
0xbe: {  	[sflag:s14] =	ssyncset.done $0x0  }
0xbf: {  	[sflag:s14] =	ssyncadd.s32 $0xFFFFFF80  }
0xc0: {  	v43 =	vld [tilespmem:$0x180]  }
0xc1: {  	v44 =	vld [tilespmem:$0x190]  }
0xc2: {  	v45 =	vld [tilespmem:$0x1A0]  }
0xc3: {  	v46 =	vld [tilespmem:$0x1B0]  }
0xc4: {  	v47 =	vld [tilespmem:$0x1C0]  }
0xc5: {  	v48 =	vld [tilespmem:$0x1D0];
	v0 =	vadd.s32 $0xFFFFEC00, v43  }
0xc6: {  	v49 =	vld [tilespmem:$0x1E0];
	v1 =	vadd.s32 $0xFFFFEC00, v44;
	v0 =	vmin.u32 v0, $0x1400  }
0xc7: {  	v52 =	vld [tilespmem:$0x1F0];
	v51 =	vadd.s32 $0xFFFFEC00, v45;
	v50 =	vmin.u32 v1, $0x1400;
	[tilespmem:$0x280] =	vst v0  }
0xc8: {  	v54 =	vadd.s32 $0xFFFFEC00, v46;
	v53 =	vmin.u32 v51, $0x1400;
	[tilespmem:$0x290] =	vst v50  }
0xc9: {  	v56 =	vadd.s32 $0xFFFFEC00, v47;
	v55 =	vmin.u32 v54, $0x1400;
	[tilespmem:$0x2A0] =	vst v53  }
0xca: {  	v58 =	vadd.s32 $0xFFFFEC00, v48;
	v57 =	vmin.u32 v56, $0x1400;
	[tilespmem:$0x2B0] =	vst v55  }
0xcb: {  	v60 =	vadd.s32 $0xFFFFEC00, v49;
	v59 =	vmin.u32 v58, $0x1400;
	[tilespmem:$0x2C0] =	vst v57  }
0xcc: {  	v62 =	vadd.s32 $0xFFFFEC00, v52;
	v61 =	vmin.u32 v60, $0x1400;
	[tilespmem:$0x2D0] =	vst v59  }
0xcd: {  	p0 =	seq.s32 s20, $0x9E0;
	v63 =	vmin.u32 v62, $0x1400;
	[tilespmem:$0x2E0] =	vst v61  }
.Ltmp4:
0xce: {  	[tilespmem:$0x2F0] =	vst v63;
	(pc) =	sbr.rel @p0 .LBB2_10-.Ltmp4, $4  }
0xcf: {  	[tilespmem:s15], [sflag:$0x4] =	stream.indirect.gather [hbm4b:s4+s11], $0x80, s11, s11, $0xb8;
	[tilespmem:$0x1CB00] =	vst v63  }
0xd0: {  	_ =	swait.ge [sflag:s16], $0x4000  }
0xd1: {  	[sflag:s16] =	ssyncset.done $0x0  }
0xd2: {  	[sflag:s16] =	ssyncadd.s32 $0xFFFFC000  }
0xd3: {  	s21 =	sadd.s32 s20, s5  }
0xd4: {  	s30 =	sadd.s32 s20, s6;
	s22 =	sadd.s32 $0x20, s21  }
0xd5: {  	[tilespmem:s9], [sflag:$0x1] =	stream.linear.gather [hbm4b:s22+s9], $0x80, $0x38;
	[tilespmem:$0x1CB00] =	vst v63  }
0xd6: {  	s23 =	sadd.s32 $0x20, s30  }
0xd7: {  	[tilespmem:s10], [sflag:$0x1] =	stream.linear.gather [hbm4b:s23+s9], $0x80, $0x38;
	[tilespmem:$0x1CB00] =	vst v63  }
0xd8: {  	_ = 	snop  }
0xd9: {  	[spmem:s3] =	stream.indirect.scatter.add.f32 [tilespmem:s13], [sflag:$0x5], $0x80, s17, s11, $0xb8;
	[tilespmem:$0x1CB00] =	vst v63  }
0xda: {  	_ =	swait.ge [sflag:s18], $0x4000  }
0xdb: {  	[sflag:s18] =	ssyncset.done $0x0  }
0xdc: {  	s21 =	sadd.s32 $0x30, s21;
	[sflag:s18] =	ssyncadd.s32 $0xFFFFC000  }
0xdd: {  	[tilespmem:s11], [sflag:$0x2] =	stream.linear.gather [hbm4b:s21+s9], $0x80, $0x38;
	[tilespmem:$0x1CB00] =	vst v63  }
.Ltmp5:
0xde: {  	_ = 	snop;
	(pc) =	sbr.rel .LBB2_8-.Ltmp5, $4  }
0xdf: {  	s31 =	sadd.s32 $0x30, s30  }
0xe0: {  	[tilespmem:s12], [sflag:$0x2] =	stream.linear.gather [hbm4b:s31+s9], $0x80, $0x38;
	[tilespmem:$0x1CB00] =	vst v63  }
0xe1: {  	s20 =	sadd.s32 $0x20, s20  }
0xe2: {  	[spmem:s3] =	stream.indirect.scatter.add.f32 [tilespmem:s15], [sflag:$0x6], $0x80, s19, s11, $0xb8;
	[tilespmem:$0x1CB00] =	vst v63  }
.LBB2_10:
0xe3: {  	s4 =	simm.s32 $0x80  }
0xe4: {  	s5 =	simm.s32 $0x200;
	s6 =	simm.s32 $0x300;
	s22 =	simm.s32 $0x4  }
0xe5: {  	[spmem:s3] =	stream.indirect.scatter.add.f32 [tilespmem:s6], [sflag:$0x5], $0x80, s5, s4, $0xb8;
	[tilespmem:$0x1CB00] =	vst v63  }
0xe6: {  	_ =	swait.ge [sflag:s22], $0x4000  }
0xe7: {  	s23 =	simm.s32 $0x280;
	[sflag:s22] =	ssyncset.done $0x0  }
0xe8: {  	s24 =	simm.s32 $0x4300;
	s25 =	simm.s32 $0x5;
	[sflag:s22] =	ssyncadd.s32 $0xFFFFC000  }
0xe9: {  	[spmem:s3] =	stream.indirect.scatter.add.f32 [tilespmem:s24], [sflag:$0x6], $0x80, s23, s4, $0xb8;
	[tilespmem:$0x1CB00] =	vst v63  }
0xea: {  	_ =	swait.ge [sflag:s25], $0x4000  }
0xeb: {  	[sflag:s25] =	ssyncset.done $0x0  }
0xec: {  	s26 =	simm.s32 $0x6;
	[sflag:s25] =	ssyncadd.s32 $0xFFFFC000  }
0xed: {  	_ =	swait.ge [sflag:s26], $0x4000  }
0xee: {  	[sflag:s26] =	ssyncset.done $0x0  }
0xef: {  	s28 =	smul.u32 $0xA000, s1;
	[sflag:s26] =	ssyncadd.s32 $0xFFFFC000  }
0xf0: {  	s29 =	simm.s32 $0x8300;
	s30 =	simm.s32 $0x7;
	[bflag:$0x0] =	sbarrier.arrive $0xFFFF  }
0xf1: {  	[tilespmem:s29], [sflag:$0x7] =	stream.linear.gather [spmem:s7], $0xA000, $0x38;
	[tilespmem:$0x1CB00] =	vst v63  }
0xf2: {  	s3 =	sshrl.u32 s28, $0x3;
	_ =	swait.ge [sflag:s30], $0xA000  }
0xf3: {  	s2 =	sadd.s32 s2, s3;
	[sflag:s30] =	ssyncset.done $0x0  }
0xf4: {  	s31 =	simm.s32 $0x0;
	s2 =	sadd.s32 $0x14000, s2;
	[sflag:s30] =	ssyncadd.s32 $0xFFFF6000  }
0xf5: {  	[hbm4b:s2+s31] =	stream.linear.scatter [tilespmem:s29], [sflag:$0x7], $0xA000, $0x38;
	[tilespmem:$0x1CB00] =	vst v63  }
0xf6: {  	_ =	swait.ge [sflag:s30], $0xA000  }
0xf7: {  	[sflag:s30] =	ssyncset.done $0x0  }
0xf8: {  	[sflag:s30] =	ssyncadd.s32 $0xFFFF6000  }
0xf9: {  	v0 =	vimm.f32 $0.0e+00;
	s3 =	simm.s32 $0x200;
	s2 =	simm.s32 $0x0;
	[bflag:$0x0] =	sbarrier.arrive $0xFFFF  }
.LBB2_11:
0xfa: {  	p0 =	sne.s32 s3, $0x28E00;
	[tilespmem:s2+$0x8370] =	vst v0  }
0xfb: {  	[tilespmem:s2+$0x8300] =	vst v0  }
0xfc: {  	[tilespmem:s2+$0x8310] =	vst v0  }
.Ltmp6:
0xfd: {  	[tilespmem:s2+$0x8320] =	vst v0;
	(pc) =	sbr.rel @p0 .LBB2_11-.Ltmp6, $4  }
0xfe: {  	[tilespmem:s2+$0x8330] =	vst v0  }
0xff: {  	[tilespmem:s2+$0x8340] =	vst v0  }
0x100: {  	[tilespmem:s2+$0x8350] =	vst v0  }
0x101: {  	[tilespmem:s2+$0x8360] =	vst v0;
	s2 =	sshra.s32 s3, $0x2;
	s3 =	sadd.s32 $0x200, s3  }
0x102: {  	[tilespmem:s2+$0x8370] =	vst v0  }
0x103: {  	[tilespmem:s2+$0x8300] =	vst v0  }
0x104: {  	[tilespmem:s2+$0x8310] =	vst v0  }
0x105: {  	[tilespmem:s2+$0x8320] =	vst v0  }
0x106: {  	[tilespmem:s2+$0x8330] =	vst v0  }
0x107: {  	[tilespmem:s2+$0x8340] =	vst v0  }
0x108: {  	[tilespmem:s2+$0x8350] =	vst v0  }
0x109: {  	[tilespmem:s2+$0x8360] =	vst v0  }
0x10a: {  	_ =	sfence.sel $0x180000  }
0x10b: {  	[bflag:$0x0] =	sbarrier.arrive $0xFFFF  }
0x10c: {  	p0 =	sne.s32 s1, $0x0;
	_ =	strace $0x9000004A  }
0x10d: {  	s0 =	sadd.s32 @!p0 $0x100000, s0;
	[bflag:$0x2] =	sbarrier.arrive $0xFFFF  }
0x10e: {  	[sflag:s0] =	ssyncadd.tile.s32 @!p0 $0x1;
	_ =	shalt  }
.Lfunc_end2:
_tile_overlayer_lowered:
.L_overlay_start_2:
0x10f: {  	(tag) =	ssettag $0x2  }
0x110: {  	s0 =	rddreg [dreg:$0x0];
	s2 =	stileid.u32  }
0x111: {  	s1 =	rddreg [dreg:$0x1];
	p0 =	sne.s32 s2, $0x0  }
0x112: {  	s3 =	rddreg [dreg:$0x2];
	[bflag:$0x3] =	sbarrier.arrive $0xFFFF;
	s2 =	simm.s32 @!p0 $0x1C07  }
0x113: {  	[timem:s3], [sflag:s2] =	dma.local @!p0 [hbm:s0], s1  }
0x114: {  	s0 =	simm.s32 @!p0 $0x7  }
0x115: {  	_ =	swait.ge @!p0 [sflag:s0], s1  }
0x116: {  	s1 =	ssub.s32 @!p0 $0x0, s1;
	[sflag:s0] =	ssyncset.done @!p0 $0x0  }
0x117: {  	[sflag:s0] =	ssyncadd.s32 @!p0 s1  }
0x118: {  	[bflag:$0x3] =	sbarrier.arrive $0xFFFF  }
0x119: {  	_ =	shalt  }

// kernel: kernel.13.cloned.1.call-start
scs
__scs_entry_jumppad:
0x0: {  	(pc) =	sbr.rel $0x88, $3  }
0x1: {  	(tag) =	ssettag $0x0;
	lr =	simm.s32 $0x1  }
0x2: {  	[smem:$0x3F97] =	sst lr;
	_ =	strace $0xD0000000  }
0x3: {  	_ = 	snop  }
0x4: {  	_ = 	snop  }
0x5: {  	_ = 	snop  }
0x6: {  	_ = 	snop  }
0x7: {  	_ = 	snop  }
__scs_overlays_trampoline_lowered:
0x8: {  	[smem:$0x3FA6] =	sst s0  }
0x9: {  	[smem:$0x3FA7] =	sst s1  }
0xa: {  	[smem:$0x3FA8] =	sst s2  }
0xb: {  	[smem:$0x3FA9] =	sst s3  }
0xc: {  	[smem:$0x3FAA] =	sst s4  }
0xd: {  	[smem:$0x3FAB] =	sst s5  }
0xe: {  	[smem:$0x3FAC] =	sst s6  }
0xf: {  	[smem:$0x3FAD] =	sst s7  }
0x10: {  	[smem:$0x3FAE] =	sst s8  }
0x11: {  	[smem:$0x3FAF] =	sst s9;
	s0 =	simm.s32 @!p0 $0x0  }
0x12: {  	s1 =	sld [smem:$0x3F95];
	s0 =	simm.s32 @p0 $0x1  }
0x13: {  	[smem:$0x3FB0] =	sst s0;
	s0 =	simm.s32 @!p1 $0x0  }
0x14: {  	s2 =	sld [smem:$0x3F94];
	s0 =	simm.s32 @p1 $0x1  }
0x15: {  	[smem:$0x3FB1] =	sst s0;
	s0 =	simm.s32 @!p2 $0x0  }
0x16: {  	s3 =	sld [smem:$0x3FDB];
	s0 =	simm.s32 @p2 $0x1  }
0x17: {  	s4 =	simm.s32 $0x1BF5;
	[smem:$0x3FB3] =	sst s0  }
0x18: {  	s0 =	sld [smem:$0x3F96];
	_ =	swait.ge [sflag:s4], $0x0  }
0x19: {  	s7 =	sld [smem:$0x3F97]  }
0x1a: {  	s8 =	sadd.s32 $0xFFFFE003, lr  }
0x1b: {  	s9 =	sadd.s32 $0xFFFFFEF7, lr;
	s5 =	simm.s32 $0xFFFFFFFF;
	p2 =	slt.u32 s8, $0xFFFFF086  }
0x1c: {  	p1 =	slt.u32 s9, $0xF7A;
	s5 =	simm.s32 @!p2 $0x0  }
0x1d: {  	s5 =	simm.s32 @p1 $0x1;
	p0 =	seq.s32 s7, s2  }
0x1e: {  	s7 =	smul.u32 @!p0 $0xF7A, s2;
	p2 =	seq.s32 @!p0 s5, $0x0  }
0x1f: {  	s9 =	smul.u32 $0xF7A, s1;
	s8 =	simm.s32 @!p0 $0x1BF5;
	p2 =	por !p2, p0  }
0x20: {  	[sflag:s8] =	ssyncset.s32 @!p0 $0xFFFFF086;
	s6 =	sadd.s32 @!p0 s3, s7;
	s7 =	simm.s32 @!p0 $0x108  }
0x21: {  	s3 =	sadd.s32 s3, s9;
	s6 =	sadd.s32 @!p0 $0x88, s6;
	s7 =	simm.s32 @p2 $0x1082  }
0x22: {  	[simem:s7], [sflag:s8] =	dma.local @!p0 [hbm:s6], $0xF7A  }
0x23: {  	s9 =	sor.u32 $0xD0000000, s2;
	s6 =	simm.s32 $0x108;
	_ =	swait.ge @!p0 [sflag:s8], $0x0  }
0x24: {  	s3 =	sadd.s32 $0x88, s3;
	s6 =	simm.s32 @!p1 $0x1082;
	[sflag:s4] =	ssyncset.s32 $0xFFFFF086  }
0x25: {  	[simem:s6], [sflag:s4] =	dma.local [hbm:s3], $0xF7A  }
0x26: {  	[smem:$0x3F97] =	sst s1;
	(tag) =	ssettag s2;
	_ =	strace s9  }
0x27: {  	s1 =	sld [smem:$0x3FA7]  }
0x28: {  	s2 =	sld [smem:$0x3FA8]  }
0x29: {  	s4 =	sld [smem:$0x3FAA]  }
0x2a: {  	p0 =	seq.s32 s5, $0x0;
	s5 =	sld [smem:$0x3FAB]  }
0x2b: {  	s6 =	sld [smem:$0x3FAC]  }
0x2c: {  	s7 =	sld [smem:$0x3FAD]  }
0x2d: {  	s3 =	simm.s32 $0x108;
	s8 =	sld [smem:$0x3FAE]  }
0x2e: {  	s3 =	simm.s32 @!p0 $0x1082;
	s9 =	sld [smem:$0x3FAF]  }
0x2f: {  	lr =	sadd.s32 s0, s3;
	s0 =	sld [smem:$0x3FA6]  }
0x30: {  	s3 =	sld [smem:$0x3FA9]  }
0x31: {  	[smem:$0x3FB2] =	sst s10  }
0x32: {  	s10 =	sld [smem:$0x3FB0];
	_ =	sdelay $0x3  }
0x33: {  	p0 =	seq.s32 s10, $0x1;
	s10 =	sld [smem:$0x3FB2];
	_ =	sdelay $0x3  }
0x34: {  	[smem:$0x3FB2] =	sst s10  }
0x35: {  	s10 =	sld [smem:$0x3FB1];
	_ =	sdelay $0x3  }
0x36: {  	p1 =	seq.s32 s10, $0x1;
	s10 =	sld [smem:$0x3FB2];
	_ =	sdelay $0x3  }
0x37: {  	[smem:$0x3FB2] =	sst s10  }
0x38: {  	s10 =	sld [smem:$0x3FB3]  }
0x39: {  	_ = 	snop;
	(pc) =	sbr.ind lr, $3  }
0x3a: {  	_ = 	snop  }
0x3b: {  	_ = 	snop  }
0x3c: {  	p2 =	seq.s32 s10, $0x1;
	s10 =	sld [smem:$0x3FB2]  }
0x3d: {  	_ =	shalt  }
0x3e: {  	_ =	shalt  }
0x3f: {  	_ =	shalt  }
0x40: {  	_ =	shalt  }
0x41: {  	_ =	shalt  }
0x42: {  	_ =	shalt  }
0x43: {  	_ =	shalt  }
0x44: {  	_ =	shalt  }
0x45: {  	_ =	shalt  }
0x46: {  	_ =	shalt  }
0x47: {  	_ =	shalt  }
0x48: {  	_ =	shalt  }
0x49: {  	_ =	shalt  }
0x4a: {  	_ =	shalt  }
0x4b: {  	_ =	shalt  }
0x4c: {  	_ =	shalt  }
0x4d: {  	_ =	shalt  }
0x4e: {  	_ =	shalt  }
0x4f: {  	_ =	shalt  }
0x50: {  	_ =	shalt  }
0x51: {  	_ =	shalt  }
0x52: {  	_ =	shalt  }
0x53: {  	_ =	shalt  }
0x54: {  	_ =	shalt  }
0x55: {  	_ =	shalt  }
0x56: {  	_ =	shalt  }
0x57: {  	_ =	shalt  }
0x58: {  	_ =	shalt  }
0x59: {  	_ =	shalt  }
0x5a: {  	_ =	shalt  }
0x5b: {  	_ =	shalt  }
0x5c: {  	_ =	shalt  }
0x5d: {  	_ =	shalt  }
0x5e: {  	_ =	shalt  }
0x5f: {  	_ =	shalt  }
0x60: {  	_ =	shalt  }
0x61: {  	_ =	shalt  }
0x62: {  	_ =	shalt  }
0x63: {  	_ =	shalt  }
0x64: {  	_ =	shalt  }
0x65: {  	_ =	shalt  }
0x66: {  	_ =	shalt  }
0x67: {  	_ =	shalt  }
0x68: {  	_ =	shalt  }
0x69: {  	_ =	shalt  }
0x6a: {  	_ =	shalt  }
0x6b: {  	_ =	shalt  }
0x6c: {  	_ =	shalt  }
0x6d: {  	_ =	shalt  }
0x6e: {  	_ =	shalt  }
0x6f: {  	_ =	shalt  }
0x70: {  	_ =	shalt  }
0x71: {  	_ =	shalt  }
0x72: {  	_ =	shalt  }
0x73: {  	_ =	shalt  }
0x74: {  	_ =	shalt  }
0x75: {  	_ =	shalt  }
0x76: {  	_ =	shalt  }
0x77: {  	_ =	shalt  }
0x78: {  	_ =	shalt  }
0x79: {  	_ =	shalt  }
0x7a: {  	_ =	shalt  }
0x7b: {  	_ =	shalt  }
0x7c: {  	_ =	shalt  }
0x7d: {  	_ =	shalt  }
0x7e: {  	_ =	shalt  }
0x7f: {  	_ =	shalt  }
0x80: {  	_ =	shalt  }
0x81: {  	_ =	shalt  }
0x82: {  	_ =	shalt  }
0x83: {  	_ =	shalt  }
0x84: {  	_ =	shalt  }
0x85: {  	_ =	shalt  }
0x86: {  	_ =	shalt  }
0x87: {  	_ =	shalt  }
.Lfunc_end0:
.L_simem_size_0:
called_computation.2_lowered:
.L_overlay_start_0:
0x88: {  	s2 =	sld [smem:$0x3FD9]  }
0x89: {  	s3 =	sld [smem:$0x3FFE];
	_ =	sdelay $0x1  }
0x8a: {  	s1 =	srdreg.scid  }
0x8b: {  	s0 =	sand.u32 $0x1, s1  }
0x8c: {  	s17 =	sshll.u32 s0, $0xA;
	s2 =	sadd.s32 s3, s2  }
0x8d: {  	s2 =	sadd.s32 s2, s17  }
0x8e: {  	[smem:$0x3FBE] =	sst s2  }
0x8f: {  	_ = 	snop  }
0x90: {  	s2 =	sld [smem:$0x3FD0];
	(tm) =	ssettm $0x1  }
0x91: {  	s18 =	sld [smem:$0x3FFB];
	_ =	sdelay $0x3  }
0x92: {  	_ =	strace s18  }
0x93: {  	s3 =	sld [smem:$0x3FFC];
	_ =	sdelay $0x3  }
0x94: {  	_ =	strace s3  }
0x95: {  	s3 =	sld [smem:$0x3FFD];
	_ =	sdelay $0x3  }
0x96: {  	_ =	strace s3  }
0x97: {  	_ =	strace $0x8FFFFFFF  }
0x98: {  	s19 =	sld [smem:$0x3FDB];
	_ =	sdelay $0x1  }
0x99: {  	s4 =	simm.s32 $_scs_section_size  }
0x9a: {  	s5 =	simm.s32 $_size__tile_overlayer_lowered;
	s6 =	simm.s32 $_tile_overlayer_lowered  }
0x9b: {  	s22 =	simm.s32 $0x1BFF;
	s21 =	sshll.u32 s6, $0x1;
	s3 =	sadd.s32 s4, s19  }
0x9c: {  	s7 =	simm.s32 $0x0;
	s20 =	sshll.u32 s5, $0x1;
	s5 =	sadd.s32 s21, s3  }
0x9d: {  	[timem:s7], [sflag:s22] =	dma.local [hbm:s5], s20  }
0x9e: {  	_ =	swait.ge [sflag:s22], s20  }
0x9f: {  	s4 =	ssub.s32 $0x0, s20;
	[sflag:s22] =	ssyncset.done $0x0  }
0xa0: {  	[sflag:s22] =	ssyncadd.s32 s4;
	_ =	sdelay $0x1  }
0xa1: {  	s23 =	simm.s32 $0x1B8B  }
0xa2: {  	_ =	swait.ge [sflag:s23], $0x1  }
0xa3: {  	[sflag:s23] =	ssyncset.done $0x0  }
0xa4: {  	s25 =	simm.s32 $0x1B8E;
	s24 =	sld [smem:$0x3FFE];
	[sflag:s23] =	ssyncadd.s32 $0xFFFFFFFF  }
0xa5: {  	s26 =	simm.s32 $execute0_lowered;
	[smem:$0x3FD2] =	sst s25  }
0xa6: {  	s5 =	sshll.u32 s26, $0x1;
	_ =	strace $0x8000004C;
	[dreg:$0x1] =	wrdreg $0xFFFFFFFF  }
0xa7: {  	s28 =	simm.s32 $_size_execute0_lowered;
	s3 =	sadd.s32 s3, s5;
	[dreg:$0x0] =	wrdreg $0x0  }
0xa8: {  	s5 =	sshll.u32 s28, $0x1;
	[dreg:$0x2] =	wrdreg s3  }
0xa9: {  	[dreg:$0x3] =	wrdreg s5  }
0xaa: {  	[dreg:$0x4] =	wrdreg $0xC0  }
0xab: {  	_ =	task [dreg:s7], $0x5FFFF  }
0xac: {  	[dreg:$0x1] =	wrdreg $0xFFFFFFFF  }
0xad: {  	[dreg:$0x0] =	wrdreg $0x60  }
0xae: {  	[dreg:$0x2] =	wrdreg s2  }
0xaf: {  	[dreg:$0x3] =	wrdreg s24  }
0xb0: {  	[dreg:$0x4] =	wrdreg $0x9  }
0xb1: {  	_ =	task.clear_ibuf [dreg:s7], $0x5FFFF;
	_ =	strace $0x9000004C  }
0xb2: {  	s29 =	simm.s32 $0x9;
	_ =	strace $0x8000004E  }
0xb3: {  	_ =	swait.ge [sflag:s29], $0x1  }
0xb4: {  	[sflag:s29] =	ssyncadd.s32 $0xFFFFFFFF  }
0xb5: {  	_ =	strace $0x9000004E  }
0xb6: {  	_ =	sfence  }
0xb7: {  	s30 =	sld [smem:$0x0];
	_ =	sdelay $0x2  }
0xb8: {  	s31 =	sshll.u32 s1, $0xD;
	s1 =	sshrl.u32 s1, $0x2  }
0xb9: {  	s3 =	sand.u32 $0x4000, s31;
	s1 =	sadd.s32 s1, s30  }
0xba: {  	s0 =	sor.u32 s3, s0;
	s1 =	sshll.u32 s1, $0x11  }
0xbb: {  	s0 =	sor.u32 s1, s0  }
0xbc: {  	s0 =	sadd.s32 $0x8F2B, s0  }
0xbd: {  	[sflag:s0] =	ssyncadd.remote.s32 $0x1  }
0xbe: {  	_ =	sfence.sel $0xFFFF  }
0xbf: {  	[dreg:$0x0] =	wrdreg $0xFFFFFFFF;
	(pc) =	sbr.abs _section_cstart, $3  }
0xc0: {  	[dreg:$0x1] =	wrdreg $0xFFFFFFFF  }
0xc1: {  	_ =	task.clear_ibuf [dreg:s7], $0x2FFFF;
	_ =	strace $0x9FFFFFFF  }
0xc2: {  	(tm) =	ssettm $0x7FFFFFFF  }
0xc3: {  	_ =	shalt  }
tec
execute0_lowered:
.L_overlay_start_1:
0x0: {  	(tag) =	ssettag $0x1  }
0x1: {  	s1 =	rddreg [dreg:$0x0]  }
0x2: {  	s0 =	rddreg [dreg:$0x1]  }
0x3: {  	s2 =	srdreg.scid;
	s3 =	simm.s32 $0x0;
	s13 =	stileid.u32  }
0x4: {  	s14 =	simm.s32 $0x1;
	s15 =	simm.s32 $0x200;
	s16 =	simm.s32 $0x300  }
0x5: {  	s17 =	simm.s32 $0x2;
	s18 =	simm.s32 $0x280;
	s19 =	simm.s32 $0x380  }
0x6: {  	s20 =	simm.s32 $0x3;
	s21 =	simm.s32 $0x400;
	s22 =	simm.s32 $0x4  }
0x7: {  	s23 =	simm.s32 $0x480;
	s2 =	sand.u32 $0x1, s2;
	[smem:$0x7FF] =	sst s3  }
0x8: {  	s10 =	sadd.s32 $0xC000, s0;
	s11 =	sadd.s32 $0x2000, s0;
	s9 =	smul.u32 $0x50, s13  }
0x9: {  	s4 =	sshll.u32 s2, $0x4;
	_ =	strace $0x8000004D;
	s7 =	smul.u32 $0x500, s2  }
0xa: {  	s6 =	ssub.s32 $0x2, s2;
	s2 =	smul.u32 $0x5000, s2;
	s5 =	sor.u32 s13, s4  }
0xb: {  	s4 =	sadd.s32 $0x16000, s0;
	s8 =	sshrl.u32 s6, $0x1;
	s13 =	smul.u32 $0x500, s13  }
0xc: {  	s0 =	sadd.s32 $0x16600, s0;
	s5 =	smul.u32 $0x500, s5;
	s26 =	sadd.s32 s9, s7  }
0xd: {  	s12 =	ssub.s32 s6, s8;
	s30 =	sadd.s32 s2, s11;
	s9 =	sshll.u32 s26, $0x4  }
0xe: {  	s31 =	sadd.s32 s13, s30;
	s26 =	simm.s32 $0x0;
	s24 =	sadd.s32 s10, s5  }
0xf: {  	s25 =	sadd.s32 s11, s5;
	s5 =	sor.u32 $0x10, s5;
	[dreg:$0x5] =	wrdreg s31  }
0x10: {  	s28 =	sadd.s32 s9, s0;
	s9 =	smax.u32 s12, $0x1;
	[dreg:$0x6] =	wrdreg s24  }
0x11: {  	s0 =	sadd.s32 s2, s0;
	s12 =	simm.s32 $0x80;
	[dreg:$0x7] =	wrdreg s25  }
0x12: {  	s7 =	sadd.s32 s10, s5;
	s8 =	sadd.s32 s11, s5;
	s5 =	sadd.s32 $0x10, s28  }
0x13: {  	s10 =	sadd.s32 s2, s10;
	s11 =	simm.s32 $0x100;
	s24 =	simm.s32 $0x5  }
0x14: {  	s25 =	simm.s32 $0x6;
	[dreg:$0x3] =	wrdreg s5;
	s29 =	sadd.s32 s13, s10  }
0x15: {  	s10 =	sadd.s32 s13, s0;
	s13 =	simm.s32 $0x180;
	[dreg:$0x4] =	wrdreg s29  }
.LBB2_1:
0x16: {  	s0 =	rddreg [dreg:$0x6]  }
0x17: {  	[tilespmem:s3], [sflag:$0x1] =	stream.linear.gather [hbm4b:s0+s3], $0x80, $0x38;
	[tilespmem:$0x500] =	vst v63  }
0x18: {  	s5 =	rddreg [dreg:$0x7]  }
0x19: {  	[tilespmem:s11], [sflag:$0x1] =	stream.linear.gather [hbm4b:s5+s3], $0x80, $0x38;
	[tilespmem:$0x500] =	vst v63  }
0x1a: {  	_ = 	snop  }
0x1b: {  	[tilespmem:s12], [sflag:$0x2] =	stream.linear.gather [hbm4b:s7+s3], $0x80, $0x38;
	[tilespmem:$0x500] =	vst v63  }
0x1c: {  	_ = 	snop  }
0x1d: {  	[tilespmem:s13], [sflag:$0x2] =	stream.linear.gather [hbm4b:s8+s3], $0x80, $0x38;
	[tilespmem:$0x500] =	vst v63  }
0x1e: {  	_ =	swait.ge [sflag:s14], $0x80  }
0x1f: {  	[sflag:s14] =	ssyncset.done $0x0  }
0x20: {  	[sflag:s14] =	ssyncadd.s32 $0xFFFFFF80  }
0x21: {  	_ =	swait.ge [sflag:s14], $0x80  }
0x22: {  	[sflag:s14] =	ssyncset.done $0x0  }
0x23: {  	[sflag:s14] =	ssyncadd.s32 $0xFFFFFF80  }
0x24: {  	[tilespmem:s15], [sflag:$0x3] =	stream.indirect.gather [hbm4b:s1+s12], $0x1, s3, s12, $0xb8;
	[tilespmem:$0x500] =	vst v63  }
0x25: {  	_ = 	snop  }
0x26: {  	[tilespmem:s16], [sflag:$0x3] =	stream.indirect.gather [hbm4b:s4+s12], $0x1, s11, s12, $0xb8;
	[tilespmem:$0x500] =	vst v63  }
0x27: {  	_ =	swait.ge [sflag:s17], $0x80  }
0x28: {  	[sflag:s17] =	ssyncset.done $0x0  }
0x29: {  	[sflag:s17] =	ssyncadd.s32 $0xFFFFFF80  }
0x2a: {  	_ =	swait.ge [sflag:s17], $0x80  }
0x2b: {  	[sflag:s17] =	ssyncset.done $0x0  }
0x2c: {  	[sflag:s17] =	ssyncadd.s32 $0xFFFFFF80  }
0x2d: {  	[tilespmem:s18], [sflag:$0x4] =	stream.indirect.gather [hbm4b:s1+s12], $0x1, s12, s12, $0xb8;
	[tilespmem:$0x500] =	vst v63  }
0x2e: {  	_ = 	snop  }
0x2f: {  	[tilespmem:s19], [sflag:$0x4] =	stream.indirect.gather [hbm4b:s4+s12], $0x1, s13, s12, $0xb8;
	[tilespmem:$0x500] =	vst v63  }
0x30: {  	_ =	swait.ge [sflag:s20], $0x80  }
0x31: {  	[sflag:s20] =	ssyncset.done $0x0  }
0x32: {  	[sflag:s20] =	ssyncadd.s32 $0xFFFFFF80  }
0x33: {  	_ =	swait.ge [sflag:s20], $0x80  }
0x34: {  	p0 =	por $0x1, $0x1;
	[sflag:s20] =	ssyncset.done $0x0  }
0x35: {  	s0 =	simm.s32 @!p0 $0x5;
	[sflag:s20] =	ssyncadd.s32 $0xFFFFFF80  }
0x36: {  	_ =	swait.ge @!p0 [sflag:s0], $0x80  }
0x37: {  	[sflag:s0] =	ssyncset.done @!p0 $0x0  }
0x38: {  	[sflag:s0] =	ssyncadd.s32 @!p0 $0xFFFFFF80  }
0x39: {  	v0 =	vld [tilespmem:$0x360]  }
0x3a: {  	v1 =	vld [tilespmem:$0x330]  }
0x3b: {  	v2 =	vld [tilespmem:$0x370]  }
0x3c: {  	v3 =	vld [tilespmem:$0x270]  }
0x3d: {  	v4 =	vld [tilespmem:$0x350]  }
0x3e: {  	v5 =	vld [tilespmem:$0x310]  }
0x3f: {  	v6 =	vld [tilespmem:$0x260]  }
0x40: {  	v7 =	vld [tilespmem:$0x340]  }
0x41: {  	v8 =	vld [tilespmem:$0x230]  }
0x42: {  	v9 =	vld [tilespmem:$0x240]  }
0x43: {  	v10 =	vld [tilespmem:$0x320]  }
0x44: {  	v11 =	vld [tilespmem:$0x250];
	v2 =	vadd.f32 v2, v3  }
0x45: {  	v3 =	vld [tilespmem:$0x220]  }
0x46: {  	v12 =	vld [tilespmem:$0x300];
	v0 =	vadd.f32 v0, v6;
	v2 =	vsub.f32 $0.0e+00, v2  }
0x47: {  	v1 =	vadd.f32 v1, v8;
	v8 =	vld [tilespmem:$0x210]  }
0x48: {  	v6 =	vld [tilespmem:$0x200];
	v0 =	vsub.f32 $0.0e+00, v0;
	v2 =	vmul.f32 $1.442695020e+00, v2  }
0x49: {  	v7 =	vadd.f32 v7, v9;
	v1 =	vsub.f32 $0.0e+00, v1  }
0x4a: {  	v0 =	vmul.f32 $1.442695020e+00, v0;
	(erf) = vpow2.f32 v2;
	v2 =	vadd.f32 v10, v3  }
0x4b: {  	v4 =	vadd.f32 v4, v11;
	v1 =	vmul.f32 $1.442695020e+00, v1;
	v3 =	vsub.f32 $0.0e+00, v7  }
0x4c: {  	(erf) = vpow2.f32 v0;
	v0 =	vsub.f32 $0.0e+00, v2;
	v2 =	vadd.f32 v5, v8  }
0x4d: {  	v4 =	vsub.f32 $0.0e+00, v4;
	v3 =	vmul.f32 $1.442695020e+00, v3;
	v5 =	vadd.f32 v12, v6  }
0x4e: {  	(erf) = vpow2.f32 v1;
	v0 =	vmul.f32 $1.442695020e+00, v0;
	v1 =	vsub.f32 $0.0e+00, v2  }
0x4f: {  	(erf) = vpow2.f32 v3;
	v2 =	vmul.f32 $1.442695020e+00, v4;
	v3 =	vsub.f32 $0.0e+00, v5  }
0x50: {  	(erf) = vpow2.f32 v0;
	v0 =	vmul.f32 $1.442695020e+00, v1  }
0x51: {  	v1 =	vmul.f32 $1.442695020e+00, v3;
	(erf) = vpow2.f32 v2  }
0x52: {  	(erf) = vpow2.f32 v0  }
0x53: {  	(erf) = vpow2.f32 v1;
	_ =	sdelay $0x1  }
0x54: {  	v0 =	vpop (erf)  }
0x55: {  	v0 =	vadd.f32 $1.000000000e+00, v0;
	v1 =	vpop (erf)  }
0x56: {  	v1 =	vadd.f32 $1.000000000e+00, v1;
	v2 =	vpop (erf)  }
0x57: {  	(erf) = vrcp.f32 v0;
	v0 =	vadd.f32 $1.000000000e+00, v2;
	v2 =	vpop (erf)  }
0x58: {  	(erf) = vrcp.f32 v1;
	v1 =	vadd.f32 $1.000000000e+00, v2;
	v2 =	vpop (erf)  }
0x59: {  	(erf) = vrcp.f32 v0;
	v0 =	vadd.f32 $1.000000000e+00, v2;
	v2 =	vpop (erf)  }
0x5a: {  	(erf) = vrcp.f32 v1;
	v1 =	vadd.f32 $1.000000000e+00, v2;
	v2 =	vpop (erf)  }
0x5b: {  	(erf) = vrcp.f32 v0;
	v0 =	vadd.f32 $1.000000000e+00, v2;
	v2 =	vpop (erf)  }
0x5c: {  	(erf) = vrcp.f32 v1;
	v1 =	vadd.f32 $1.000000000e+00, v2  }
0x5d: {  	(erf) = vrcp.f32 v0  }
0x5e: {  	(erf) = vrcp.f32 v1;
	_ =	sdelay $0x1  }
0x5f: {  	v0 =	vpop (erf)  }
0x60: {  	[tilespmem:$0x470] =	vst v0;
	v0 =	vpop (erf)  }
0x61: {  	[tilespmem:$0x460] =	vst v0;
	v0 =	vpop (erf)  }
0x62: {  	[tilespmem:$0x430] =	vst v0;
	v0 =	vpop (erf)  }
0x63: {  	[tilespmem:$0x440] =	vst v0;
	v0 =	vpop (erf)  }
0x64: {  	[tilespmem:$0x420] =	vst v0;
	v0 =	vpop (erf)  }
0x65: {  	p1 =	por $0x0, $0x0;
	s0 =	rddreg [dreg:$0x4];
	[tilespmem:$0x450] =	vst v0;
	v0 =	vpop (erf)  }
0x66: {  	s31 =	sadd.s32 @!p1 $0x0, s0;
	[tilespmem:$0x410] =	vst v0;
	v0 =	vpop (erf)  }
0x67: {  	s30 =	simm.s32 @!p1 $0x0;
	s2 =	rddreg [dreg:$0x5];
	s0 =	sadd.s32 @!p1 $0x20, s31;
	[tilespmem:$0x400] =	vst v0  }
0x68: {  	[tilespmem:s30], [sflag:$0x1] =	stream.linear.gather @!p1 [hbm4b:s0+s30], $0x80, $0x38;
	[tilespmem:$0x500] =	vst v63  }
0x69: {  	s0 =	sadd.s32 @!p1 $0x0, s2  }
0x6a: {  	s5 =	simm.s32 @!p1 $0x100;
	s2 =	sadd.s32 @!p1 $0x20, s0  }
0x6b: {  	[tilespmem:s5], [sflag:$0x1] =	stream.linear.gather @!p1 [hbm4b:s2+s30], $0x80, $0x38;
	[tilespmem:$0x500] =	vst v63  }
0x6c: {  	s6 =	sadd.s32 $0x0, s10  }
0x6d: {  	[hbm4b:s6+s3] =	stream.linear.scatter [tilespmem:s21], [sflag:$0x5], $0x80, $0x38;
	[tilespmem:$0x500] =	vst v63  }
0x6e: {  	_ =	swait.ge [sflag:s22], $0x80  }
0x6f: {  	[sflag:s22] =	ssyncset.done $0x0  }
0x70: {  	[sflag:s22] =	ssyncadd.s32 $0xFFFFFF80  }
0x71: {  	_ =	swait.ge [sflag:s22], $0x80  }
0x72: {  	[sflag:s22] =	ssyncset.done $0x0  }
0x73: {  	s2 =	simm.s32 @!p0 $0x6;
	[sflag:s22] =	ssyncadd.s32 $0xFFFFFF80  }
0x74: {  	_ =	swait.ge @!p0 [sflag:s2], $0x80  }
0x75: {  	[sflag:s2] =	ssyncset.done @!p0 $0x0  }
0x76: {  	[sflag:s2] =	ssyncadd.s32 @!p0 $0xFFFFFF80  }
0x77: {  	v0 =	vld [tilespmem:$0x3D0]  }
0x78: {  	v2 =	vld [tilespmem:$0x2D0]  }
0x79: {  	v1 =	vld [tilespmem:$0x380]  }
0x7a: {  	v6 =	vld [tilespmem:$0x3C0]  }
0x7b: {  	v8 =	vld [tilespmem:$0x2C0]  }
0x7c: {  	v4 =	vld [tilespmem:$0x2A0]  }
0x7d: {  	v5 =	vld [tilespmem:$0x3B0]  }
0x7e: {  	v7 =	vld [tilespmem:$0x2B0]  }
0x7f: {  	v9 =	vld [tilespmem:$0x3A0]  }
0x80: {  	v3 =	vld [tilespmem:$0x290];
	v10 =	vadd.f32 v6, v8  }
0x81: {  	v8 =	vld [tilespmem:$0x280]  }
0x82: {  	s29 =	simm.s32 $0x20;
	s28 =	simm.s32 $0x0;
	s2 =	rddreg [dreg:$0x3];
	v6 =	vld [tilespmem:$0x390];
	v10 =	vsub.f32 $0.0e+00, v10  }
.LBB2_2:
0x83: {  	v11 =	vld [tilespmem:$0x3F0]  }
0x84: {  	v4 =	vadd.f32 v9, v4;
	v9 =	vld [tilespmem:$0x2F0]  }
0x85: {  	v5 =	vadd.f32 v5, v7;
	v7 =	vmul.f32 $1.442695020e+00, v10;
	v0 =	vadd.f32 v0, v2;
	v2 =	vld [tilespmem:$0x3E0]  }
0x86: {  	v1 =	vadd.f32 v1, v8;
	v8 =	vld [tilespmem:$0x2E0];
	v4 =	vsub.f32 $0.0e+00, v4  }
0x87: {  	v3 =	vadd.f32 v6, v3;
	(erf) = vpow2.f32 v7  }
0x88: {  	v0 =	vsub.f32 $0.0e+00, v0;
	v1 =	vsub.f32 $0.0e+00, v1;
	v4 =	vmul.f32 $1.442695020e+00, v4  }
0x89: {  	v5 =	vsub.f32 $0.0e+00, v5;
	v3 =	vsub.f32 $0.0e+00, v3  }
0x8a: {  	v0 =	vmul.f32 $1.442695020e+00, v0;
	v6 =	vadd.f32 v11, v9;
	(erf) = vpow2.f32 v4  }
0x8b: {  	v1 =	vmul.f32 $1.442695020e+00, v1;
	v2 =	vadd.f32 v2, v8;
	v4 =	vmul.f32 $1.442695020e+00, v5  }
0x8c: {  	(erf) = vpow2.f32 v0;
	v0 =	vmul.f32 $1.442695020e+00, v3;
	v3 =	vsub.f32 $0.0e+00, v6  }
0x8d: {  	v2 =	vsub.f32 $0.0e+00, v2;
	(erf) = vpow2.f32 v4  }
0x8e: {  	v3 =	vmul.f32 $1.442695020e+00, v3;
	(erf) = vpow2.f32 v0  }
0x8f: {  	v0 =	vmul.f32 $1.442695020e+00, v2;
	(erf) = vpow2.f32 v1  }
0x90: {  	v1 =	vpop (erf);
	(erf) = vpow2.f32 v3  }
0x91: {  	v2 =	vadd.f32 $1.000000000e+00, v1  }
0x92: {  	(erf) = vpow2.f32 v0  }
0x93: {  	v0 =	vpop (erf);
	(erf) = vrcp.f32 v2;
	_ =	sdelay $0x1  }
0x94: {  	v1 =	vpop (erf)  }
0x95: {  	v4 =	vadd.f32 $1.000000000e+00, v0;
	v0 =	vpop (erf)  }
0x96: {  	v1 =	vadd.f32 $1.000000000e+00, v1;
	v2 =	vpop (erf)  }
0x97: {  	(erf) = vrcp.f32 v4;
	v3 =	vadd.f32 $1.000000000e+00, v0;
	v4 =	vadd.f32 $1.000000000e+00, v2;
	v2 =	vpop (erf)  }
0x98: {  	(erf) = vrcp.f32 v1;
	v0 =	vpop (erf)  }
0x99: {  	(erf) = vrcp.f32 v3;
	v0 =	vadd.f32 $1.000000000e+00, v0  }
0x9a: {  	v2 =	vadd.f32 $1.000000000e+00, v2;
	(erf) = vrcp.f32 v4;
	v1 =	vpop (erf)  }
0x9b: {  	v1 =	vadd.f32 $1.000000000e+00, v1;
	v3 =	vpop (erf);
	(erf) = vrcp.f32 v0  }
0x9c: {  	(erf) = vrcp.f32 v2  }
0x9d: {  	(erf) = vrcp.f32 v1;
	_ =	sdelay $0x2  }
0x9e: {  	[tilespmem:$0x4C0] =	vst v3;
	v0 =	vpop (erf)  }
0x9f: {  	[tilespmem:$0x4A0] =	vst v0;
	v0 =	vpop (erf)  }
0xa0: {  	[tilespmem:$0x4D0] =	vst v0;
	v0 =	vpop (erf)  }
0xa1: {  	[tilespmem:$0x4B0] =	vst v0;
	v0 =	vpop (erf)  }
0xa2: {  	[tilespmem:$0x490] =	vst v0;
	v0 =	vpop (erf)  }
0xa3: {  	[tilespmem:$0x4F0] =	vst v0;
	v0 =	vpop (erf)  }
0xa4: {  	[tilespmem:$0x480] =	vst v0;
	v0 =	vpop (erf)  }
0xa5: {  	s31 =	sadd.s32 @!p1 $0x30, s31;
	s6 =	simm.s32 @!p1 $0x80;
	[tilespmem:$0x4E0] =	vst v0  }
0xa6: {  	[tilespmem:s6], [sflag:$0x2] =	stream.linear.gather @!p1 [hbm4b:s31+s30], $0x80, $0x38;
	[tilespmem:$0x500] =	vst v63  }
0xa7: {  	s0 =	sadd.s32 @!p1 $0x30, s0;
	s6 =	simm.s32 @!p1 $0x180  }
0xa8: {  	[tilespmem:s6], [sflag:$0x2] =	stream.linear.gather @!p1 [hbm4b:s0+s30], $0x80, $0x38;
	[tilespmem:$0x500] =	vst v63  }
0xa9: {  	s2 =	sadd.s32 s28, s2  }
0xaa: {  	[hbm4b:s2+s3] =	stream.linear.scatter [tilespmem:s23], [sflag:$0x6], $0x80, $0x38;
	[tilespmem:$0x500] =	vst v63  }
0xab: {  	_ =	swait.ge [sflag:s14], $0x80  }
0xac: {  	[sflag:s14] =	ssyncset.done $0x0  }
0xad: {  	[sflag:s14] =	ssyncadd.s32 $0xFFFFFF80  }
0xae: {  	_ =	swait.ge [sflag:s14], $0x80  }
0xaf: {  	[sflag:s14] =	ssyncset.done $0x0  }
0xb0: {  	[sflag:s14] =	ssyncadd.s32 $0xFFFFFF80  }
0xb1: {  	[tilespmem:s15], [sflag:$0x3] =	stream.indirect.gather [hbm4b:s1+s12], $0x1, s3, s12, $0xb8;
	[tilespmem:$0x500] =	vst v63  }
0xb2: {  	_ = 	snop  }
0xb3: {  	[tilespmem:s16], [sflag:$0x3] =	stream.indirect.gather [hbm4b:s4+s12], $0x1, s11, s12, $0xb8;
	[tilespmem:$0x500] =	vst v63  }
0xb4: {  	_ =	swait.ge [sflag:s17], $0x80  }
0xb5: {  	[sflag:s17] =	ssyncset.done $0x0  }
0xb6: {  	[sflag:s17] =	ssyncadd.s32 $0xFFFFFF80  }
0xb7: {  	_ =	swait.ge [sflag:s17], $0x80  }
0xb8: {  	[sflag:s17] =	ssyncset.done $0x0  }
0xb9: {  	[sflag:s17] =	ssyncadd.s32 $0xFFFFFF80  }
0xba: {  	[tilespmem:s18], [sflag:$0x4] =	stream.indirect.gather [hbm4b:s1+s12], $0x1, s12, s12, $0xb8;
	[tilespmem:$0x500] =	vst v63  }
0xbb: {  	_ = 	snop  }
0xbc: {  	[tilespmem:s19], [sflag:$0x4] =	stream.indirect.gather [hbm4b:s4+s12], $0x1, s13, s12, $0xb8;
	[tilespmem:$0x500] =	vst v63  }
0xbd: {  	_ =	swait.ge [sflag:s20], $0x80  }
0xbe: {  	[sflag:s20] =	ssyncset.done $0x0  }
0xbf: {  	s5 =	smov.u32 s29;
	[sflag:s20] =	ssyncadd.s32 $0xFFFFFF80  }
0xc0: {  	s28 =	smov.u32 s5;
	_ =	swait.ge [sflag:s20], $0x80  }
0xc1: {  	p2 =	seq.s32 s28, $0x0;
	[sflag:s20] =	ssyncset.done $0x0  }
0xc2: {  	s0 =	simm.s32 @!p2 $0x5;
	[sflag:s20] =	ssyncadd.s32 $0xFFFFFF80  }
0xc3: {  	_ =	swait.ge @!p2 [sflag:s0], $0x80  }
0xc4: {  	[sflag:s0] =	ssyncset.done @!p2 $0x0  }
0xc5: {  	[sflag:s0] =	ssyncadd.s32 @!p2 $0xFFFFFF80  }
0xc6: {  	v0 =	vld [tilespmem:$0x360]  }
0xc7: {  	v1 =	vld [tilespmem:$0x330]  }
0xc8: {  	v2 =	vld [tilespmem:$0x370]  }
0xc9: {  	v3 =	vld [tilespmem:$0x270]  }
0xca: {  	v4 =	vld [tilespmem:$0x350]  }
0xcb: {  	v5 =	vld [tilespmem:$0x310]  }
0xcc: {  	v6 =	vld [tilespmem:$0x260]  }
0xcd: {  	v7 =	vld [tilespmem:$0x340]  }
0xce: {  	v8 =	vld [tilespmem:$0x230]  }
0xcf: {  	v9 =	vld [tilespmem:$0x320];
	v2 =	vadd.f32 v2, v3  }
0xd0: {  	v10 =	vld [tilespmem:$0x220]  }
0xd1: {  	v3 =	vld [tilespmem:$0x240];
	v2 =	vsub.f32 $0.0e+00, v2  }
0xd2: {  	v0 =	vadd.f32 v0, v6;
	v6 =	vld [tilespmem:$0x250]  }
0xd3: {  	v1 =	vadd.f32 v1, v8;
	v8 =	vld [tilespmem:$0x210];
	v2 =	vmul.f32 $1.442695020e+00, v2  }
0xd4: {  	v11 =	vld [tilespmem:$0x200]  }
0xd5: {  	v0 =	vsub.f32 $0.0e+00, v0;
	(erf) = vpow2.f32 v2;
	v2 =	vld [tilespmem:$0x300]  }
0xd6: {  	v1 =	vsub.f32 $0.0e+00, v1;
	v3 =	vadd.f32 v7, v3  }
0xd7: {  	v0 =	vmul.f32 $1.442695020e+00, v0;
	v7 =	vadd.f32 v9, v10;
	v4 =	vadd.f32 v4, v6  }
0xd8: {  	v1 =	vmul.f32 $1.442695020e+00, v1;
	v5 =	vadd.f32 v5, v8;
	v3 =	vsub.f32 $0.0e+00, v3  }
0xd9: {  	(erf) = vpow2.f32 v0;
	v0 =	vsub.f32 $0.0e+00, v7;
	v4 =	vsub.f32 $0.0e+00, v4  }
0xda: {  	(erf) = vpow2.f32 v1;
	v3 =	vmul.f32 $1.442695020e+00, v3;
	v1 =	vadd.f32 v2, v11  }
0xdb: {  	v5 =	vsub.f32 $0.0e+00, v5;
	v0 =	vmul.f32 $1.442695020e+00, v0  }
0xdc: {  	(erf) = vpow2.f32 v3;
	v3 =	vmul.f32 $1.442695020e+00, v4;
	v1 =	vsub.f32 $0.0e+00, v1  }
0xdd: {  	v4 =	vmul.f32 $1.442695020e+00, v5;
	(erf) = vpow2.f32 v0  }
0xde: {  	(erf) = vpow2.f32 v3;
	v1 =	vmul.f32 $1.442695020e+00, v1  }
0xdf: {  	v2 =	vpop (erf);
	(erf) = vpow2.f32 v4  }
0xe0: {  	v2 =	vadd.f32 $1.000000000e+00, v2;
	(erf) = vpow2.f32 v1;
	_ =	sdelay $0x1  }
0xe1: {  	v0 =	vpop (erf);
	(erf) = vrcp.f32 v2  }
0xe2: {  	v0 =	vadd.f32 $1.000000000e+00, v0  }
0xe3: {  	v1 =	vpop (erf)  }
0xe4: {  	v1 =	vadd.f32 $1.000000000e+00, v1;
	v2 =	vpop (erf)  }
0xe5: {  	(erf) = vrcp.f32 v0;
	v3 =	vadd.f32 $1.000000000e+00, v2;
	v2 =	vpop (erf)  }
0xe6: {  	(erf) = vrcp.f32 v1;
	v1 =	vadd.f32 $1.000000000e+00, v2;
	v0 =	vpop (erf)  }
0xe7: {  	(erf) = vrcp.f32 v3;
	v0 =	vadd.f32 $1.000000000e+00, v0;
	v2 =	vpop (erf)  }
0xe8: {  	(erf) = vrcp.f32 v1;
	v1 =	vadd.f32 $1.000000000e+00, v2;
	v2 =	vpop (erf)  }
0xe9: {  	(erf) = vrcp.f32 v0;
	v3 =	vadd.f32 $1.000000000e+00, v2  }
0xea: {  	v2 =	vpop (erf);
	(erf) = vrcp.f32 v1  }
0xeb: {  	(erf) = vrcp.f32 v3;
	_ =	sdelay $0x2  }
0xec: {  	[tilespmem:$0x470] =	vst v2;
	v0 =	vpop (erf)  }
0xed: {  	[tilespmem:$0x460] =	vst v0;
	v0 =	vpop (erf)  }
0xee: {  	[tilespmem:$0x430] =	vst v0;
	v0 =	vpop (erf)  }
0xef: {  	[tilespmem:$0x440] =	vst v0;
	v0 =	vpop (erf)  }
0xf0: {  	[tilespmem:$0x420] =	vst v0;
	v0 =	vpop (erf)  }
0xf1: {  	p1 =	seq.s32 s28, $0x4E0;
	s0 =	rddreg [dreg:$0x4];
	[tilespmem:$0x450] =	vst v0;
	v0 =	vpop (erf)  }
0xf2: {  	s31 =	sadd.s32 @!p1 s28, s0;
	[tilespmem:$0x410] =	vst v0;
	v0 =	vpop (erf)  }
0xf3: {  	s30 =	simm.s32 @!p1 $0x0;
	s2 =	rddreg [dreg:$0x5];
	s0 =	sadd.s32 @!p1 $0x20, s31;
	[tilespmem:$0x400] =	vst v0  }
0xf4: {  	[tilespmem:s30], [sflag:$0x1] =	stream.linear.gather @!p1 [hbm4b:s0+s30], $0x80, $0x38;
	[tilespmem:$0x500] =	vst v63  }
0xf5: {  	s0 =	sadd.s32 @!p1 s28, s2  }
0xf6: {  	s5 =	simm.s32 @!p1 $0x100;
	s2 =	sadd.s32 @!p1 $0x20, s0  }
0xf7: {  	[tilespmem:s5], [sflag:$0x1] =	stream.linear.gather @!p1 [hbm4b:s2+s30], $0x80, $0x38;
	[tilespmem:$0x500] =	vst v63  }
0xf8: {  	s6 =	sadd.s32 s28, s10  }
0xf9: {  	[hbm4b:s6+s3] =	stream.linear.scatter [tilespmem:s21], [sflag:$0x5], $0x80, $0x38;
	[tilespmem:$0x500] =	vst v63  }
0xfa: {  	_ =	swait.ge [sflag:s22], $0x80  }
0xfb: {  	[sflag:s22] =	ssyncset.done $0x0  }
0xfc: {  	[sflag:s22] =	ssyncadd.s32 $0xFFFFFF80  }
0xfd: {  	_ =	swait.ge [sflag:s22], $0x80  }
0xfe: {  	[sflag:s22] =	ssyncset.done $0x0  }
0xff: {  	s5 =	simm.s32 @!p2 $0x6;
	[sflag:s22] =	ssyncadd.s32 $0xFFFFFF80  }
0x100: {  	_ =	swait.ge @!p2 [sflag:s5], $0x80  }
0x101: {  	[sflag:s5] =	ssyncset.done @!p2 $0x0  }
0x102: {  	[sflag:s5] =	ssyncadd.s32 @!p2 $0xFFFFFF80  }
0x103: {  	v0 =	vld [tilespmem:$0x3D0]  }
0x104: {  	v2 =	vld [tilespmem:$0x2D0]  }
0x105: {  	v1 =	vld [tilespmem:$0x380]  }
0x106: {  	v6 =	vld [tilespmem:$0x3C0]  }
0x107: {  	v8 =	vld [tilespmem:$0x2C0]  }
0x108: {  	s29 =	sadd.s32 $0x20, s29;
	v4 =	vld [tilespmem:$0x2A0]  }
0x109: {  	p0 =	sne.s32 s29, $0x500;
	v5 =	vld [tilespmem:$0x3B0]  }
.Ltmp0:
0x10a: {  	v7 =	vld [tilespmem:$0x2B0];
	(pc) =	sbr.rel @p0 .LBB2_2-.Ltmp0, $4  }
0x10b: {  	v9 =	vld [tilespmem:$0x3A0]  }
0x10c: {  	v3 =	vld [tilespmem:$0x290];
	v10 =	vadd.f32 v6, v8  }
0x10d: {  	v8 =	vld [tilespmem:$0x280]  }
0x10e: {  	s2 =	rddreg [dreg:$0x3];
	v6 =	vld [tilespmem:$0x390];
	v10 =	vsub.f32 $0.0e+00, v10  }
0x10f: {  	v11 =	vld [tilespmem:$0x3F0]  }
0x110: {  	v12 =	vld [tilespmem:$0x2F0]  }
0x111: {  	v35 =	vld [tilespmem:$0x3E0];
	v0 =	vadd.f32 v0, v2;
	v4 =	vadd.f32 v9, v4  }
0x112: {  	v5 =	vadd.f32 v5, v7;
	v37 =	vld [tilespmem:$0x2E0];
	v36 =	vmul.f32 $1.442695020e+00, v10  }
0x113: {  	v0 =	vsub.f32 $0.0e+00, v0;
	v4 =	vsub.f32 $0.0e+00, v4  }
0x114: {  	v5 =	vsub.f32 $0.0e+00, v5;
	(erf) = vpow2.f32 v36;
	v3 =	vadd.f32 v6, v3  }
0x115: {  	v1 =	vadd.f32 v1, v8;
	v0 =	vmul.f32 $1.442695020e+00, v0;
	v4 =	vmul.f32 $1.442695020e+00, v4  }
0x116: {  	v39 =	vmul.f32 $1.442695020e+00, v5;
	v38 =	vadd.f32 v11, v12;
	v3 =	vsub.f32 $0.0e+00, v3  }
0x117: {  	v1 =	vsub.f32 $0.0e+00, v1;
	v2 =	vadd.f32 v35, v37;
	(erf) = vpow2.f32 v4  }
0x118: {  	v41 =	vsub.f32 $0.0e+00, v38;
	(erf) = vpow2.f32 v0;
	v40 =	vmul.f32 $1.442695020e+00, v3  }
0x119: {  	v1 =	vmul.f32 $1.442695020e+00, v1;
	(erf) = vpow2.f32 v39  }
0x11a: {  	v2 =	vsub.f32 $0.0e+00, v2;
	v3 =	vmul.f32 $1.442695020e+00, v41;
	(erf) = vpow2.f32 v40  }
0x11b: {  	(erf) = vpow2.f32 v1  }
0x11c: {  	v42 =	vmul.f32 $1.442695020e+00, v2;
	(erf) = vpow2.f32 v3;
	_ =	sdelay $0x1  }
0x11d: {  	(erf) = vpow2.f32 v42  }
0x11e: {  	v43 =	vpop (erf)  }
0x11f: {  	v44 =	vpop (erf)  }
0x120: {  	v0 =	vadd.f32 $1.000000000e+00, v43;
	v45 =	vpop (erf)  }
0x121: {  	v1 =	vadd.f32 $1.000000000e+00, v44;
	v46 =	vpop (erf)  }
0x122: {  	(erf) = vrcp.f32 v0;
	v47 =	vadd.f32 $1.000000000e+00, v45;
	v48 =	vpop (erf)  }
0x123: {  	(erf) = vrcp.f32 v1;
	v49 =	vadd.f32 $1.000000000e+00, v46;
	v50 =	vpop (erf)  }
0x124: {  	(erf) = vrcp.f32 v47;
	v51 =	vadd.f32 $1.000000000e+00, v48;
	v52 =	vpop (erf)  }
0x125: {  	(erf) = vrcp.f32 v49;
	v53 =	vadd.f32 $1.000000000e+00, v52  }
0x126: {  	v55 =	vadd.f32 $1.000000000e+00, v50;
	(erf) = vrcp.f32 v51;
	v54 =	vpop (erf)  }
0x127: {  	v0 =	vadd.f32 $1.000000000e+00, v54;
	(erf) = vrcp.f32 v53  }
0x128: {  	(erf) = vrcp.f32 v55  }
0x129: {  	(erf) = vrcp.f32 v0;
	_ =	sdelay $0x1  }
0x12a: {  	v56 =	vpop (erf)  }
0x12b: {  	[tilespmem:$0x4C0] =	vst v56;
	v57 =	vpop (erf)  }
0x12c: {  	[tilespmem:$0x4A0] =	vst v57;
	v58 =	vpop (erf)  }
0x12d: {  	[tilespmem:$0x4D0] =	vst v58;
	v59 =	vpop (erf)  }
0x12e: {  	[tilespmem:$0x4B0] =	vst v59;
	v60 =	vpop (erf)  }
0x12f: {  	[tilespmem:$0x490] =	vst v60;
	v61 =	vpop (erf)  }
0x130: {  	[tilespmem:$0x4F0] =	vst v61;
	v62 =	vpop (erf)  }
0x131: {  	[tilespmem:$0x480] =	vst v62;
	v63 =	vpop (erf)  }
0x132: {  	s5 =	sadd.s32 @!p1 $0x30, s31;
	s6 =	simm.s32 @!p1 $0x80;
	[tilespmem:$0x4E0] =	vst v63  }
0x133: {  	[tilespmem:s6], [sflag:$0x2] =	stream.linear.gather @!p1 [hbm4b:s5+s30], $0x80, $0x38;
	[tilespmem:$0x500] =	vst v63  }
0x134: {  	s0 =	sadd.s32 @!p1 $0x30, s0;
	s5 =	simm.s32 @!p1 $0x180  }
0x135: {  	[tilespmem:s5], [sflag:$0x2] =	stream.linear.gather @!p1 [hbm4b:s0+s30], $0x80, $0x38;
	[tilespmem:$0x500] =	vst v63  }
0x136: {  	s31 =	sadd.s32 s28, s2;
	s26 =	sadd.s32 $0x1, s26  }
0x137: {  	[hbm4b:s31+s3] =	stream.linear.scatter [tilespmem:s23], [sflag:$0x6], $0x80, $0x38;
	[tilespmem:$0x500] =	vst v63  }
0x138: {  	p0 =	sne.s32 s26, s9;
	_ =	swait.ge [sflag:s24], $0x80  }
.Ltmp1:
0x139: {  	[sflag:s24] =	ssyncset.done $0x0;
	(pc) =	sbr.rel @p0 .LBB2_1-.Ltmp1, $4  }
0x13a: {  	[sflag:s24] =	ssyncadd.s32 $0xFFFFFF80  }
0x13b: {  	_ =	swait.ge [sflag:s25], $0x80  }
0x13c: {  	[sflag:s25] =	ssyncset.done $0x0  }
0x13d: {  	[sflag:s25] =	ssyncadd.s32 $0xFFFFFF80  }
0x13e: {  	_ =	sfence.sel $0x180000  }
0x13f: {  	[bflag:$0x0] =	sbarrier.arrive $0xFFFF  }
0x140: {  	_ =	strace $0x9000004D  }
0x141: {  	s0 =	stileid.u32;
	[bflag:$0x2] =	sbarrier.arrive $0xFFFF  }
0x142: {  	p0 =	sne.s32 s0, $0x0;
	s0 =	rddreg [dreg:$0x2]  }
0x143: {  	s0 =	sadd.s32 @!p0 $0x100000, s0  }
0x144: {  	[sflag:s0] =	ssyncadd.tile.s32 @!p0 $0x1;
	_ =	shalt  }
.Lfunc_end2:
_tile_overlayer_lowered:
.L_overlay_start_2:
0x145: {  	(tag) =	ssettag $0x2  }
0x146: {  	s0 =	rddreg [dreg:$0x0];
	s2 =	stileid.u32  }
0x147: {  	s1 =	rddreg [dreg:$0x1];
	p0 =	sne.s32 s2, $0x0  }
0x148: {  	s3 =	rddreg [dreg:$0x2];
	[bflag:$0x3] =	sbarrier.arrive $0xFFFF;
	s2 =	simm.s32 @!p0 $0x1C07  }
0x149: {  	[timem:s3], [sflag:s2] =	dma.local @!p0 [hbm:s0], s1  }
0x14a: {  	s0 =	simm.s32 @!p0 $0x7  }
0x14b: {  	_ =	swait.ge @!p0 [sflag:s0], s1  }
0x14c: {  	s1 =	ssub.s32 @!p0 $0x0, s1;
	[sflag:s0] =	ssyncset.done @!p0 $0x0  }
0x14d: {  	[sflag:s0] =	ssyncadd.s32 @!p0 s1  }
0x14e: {  	[bflag:$0x3] =	sbarrier.arrive $0xFFFF  }
0x14f: {  	_ =	shalt  }

// kernel: kernel.7.cloned.1.call-start
scs
__scs_entry_jumppad:
0x0: {  	(pc) =	sbr.rel $0x88, $3  }
0x1: {  	(tag) =	ssettag $0x0;
	lr =	simm.s32 $0x1  }
0x2: {  	[smem:$0x3F97] =	sst lr;
	_ =	strace $0xD0000000  }
0x3: {  	_ = 	snop  }
0x4: {  	_ = 	snop  }
0x5: {  	_ = 	snop  }
0x6: {  	_ = 	snop  }
0x7: {  	_ = 	snop  }
__scs_overlays_trampoline_lowered:
0x8: {  	[smem:$0x3FA6] =	sst s0  }
0x9: {  	[smem:$0x3FA7] =	sst s1  }
0xa: {  	[smem:$0x3FA8] =	sst s2  }
0xb: {  	[smem:$0x3FA9] =	sst s3  }
0xc: {  	[smem:$0x3FAA] =	sst s4  }
0xd: {  	[smem:$0x3FAB] =	sst s5  }
0xe: {  	[smem:$0x3FAC] =	sst s6  }
0xf: {  	[smem:$0x3FAD] =	sst s7  }
0x10: {  	[smem:$0x3FAE] =	sst s8  }
0x11: {  	[smem:$0x3FAF] =	sst s9;
	s0 =	simm.s32 @!p0 $0x0  }
0x12: {  	s1 =	sld [smem:$0x3F95];
	s0 =	simm.s32 @p0 $0x1  }
0x13: {  	[smem:$0x3FB0] =	sst s0;
	s0 =	simm.s32 @!p1 $0x0  }
0x14: {  	s2 =	sld [smem:$0x3F94];
	s0 =	simm.s32 @p1 $0x1  }
0x15: {  	[smem:$0x3FB1] =	sst s0;
	s0 =	simm.s32 @!p2 $0x0  }
0x16: {  	s3 =	sld [smem:$0x3FDB];
	s0 =	simm.s32 @p2 $0x1  }
0x17: {  	s4 =	simm.s32 $0x1BF5;
	[smem:$0x3FB3] =	sst s0  }
0x18: {  	s0 =	sld [smem:$0x3F96];
	_ =	swait.ge [sflag:s4], $0x0  }
0x19: {  	s7 =	sld [smem:$0x3F97]  }
0x1a: {  	s8 =	sadd.s32 $0xFFFFE003, lr  }
0x1b: {  	s9 =	sadd.s32 $0xFFFFFEF7, lr;
	s5 =	simm.s32 $0xFFFFFFFF;
	p2 =	slt.u32 s8, $0xFFFFF086  }
0x1c: {  	p1 =	slt.u32 s9, $0xF7A;
	s5 =	simm.s32 @!p2 $0x0  }
0x1d: {  	s5 =	simm.s32 @p1 $0x1;
	p0 =	seq.s32 s7, s2  }
0x1e: {  	s7 =	smul.u32 @!p0 $0xF7A, s2;
	p2 =	seq.s32 @!p0 s5, $0x0  }
0x1f: {  	s9 =	smul.u32 $0xF7A, s1;
	s8 =	simm.s32 @!p0 $0x1BF5;
	p2 =	por !p2, p0  }
0x20: {  	[sflag:s8] =	ssyncset.s32 @!p0 $0xFFFFF086;
	s6 =	sadd.s32 @!p0 s3, s7;
	s7 =	simm.s32 @!p0 $0x108  }
0x21: {  	s3 =	sadd.s32 s3, s9;
	s6 =	sadd.s32 @!p0 $0x88, s6;
	s7 =	simm.s32 @p2 $0x1082  }
0x22: {  	[simem:s7], [sflag:s8] =	dma.local @!p0 [hbm:s6], $0xF7A  }
0x23: {  	s9 =	sor.u32 $0xD0000000, s2;
	s6 =	simm.s32 $0x108;
	_ =	swait.ge @!p0 [sflag:s8], $0x0  }
0x24: {  	s3 =	sadd.s32 $0x88, s3;
	s6 =	simm.s32 @!p1 $0x1082;
	[sflag:s4] =	ssyncset.s32 $0xFFFFF086  }
0x25: {  	[simem:s6], [sflag:s4] =	dma.local [hbm:s3], $0xF7A  }
0x26: {  	[smem:$0x3F97] =	sst s1;
	(tag) =	ssettag s2;
	_ =	strace s9  }
0x27: {  	s1 =	sld [smem:$0x3FA7]  }
0x28: {  	s2 =	sld [smem:$0x3FA8]  }
0x29: {  	s4 =	sld [smem:$0x3FAA]  }
0x2a: {  	p0 =	seq.s32 s5, $0x0;
	s5 =	sld [smem:$0x3FAB]  }
0x2b: {  	s6 =	sld [smem:$0x3FAC]  }
0x2c: {  	s7 =	sld [smem:$0x3FAD]  }
0x2d: {  	s3 =	simm.s32 $0x108;
	s8 =	sld [smem:$0x3FAE]  }
0x2e: {  	s3 =	simm.s32 @!p0 $0x1082;
	s9 =	sld [smem:$0x3FAF]  }
0x2f: {  	lr =	sadd.s32 s0, s3;
	s0 =	sld [smem:$0x3FA6]  }
0x30: {  	s3 =	sld [smem:$0x3FA9]  }
0x31: {  	[smem:$0x3FB2] =	sst s10  }
0x32: {  	s10 =	sld [smem:$0x3FB0];
	_ =	sdelay $0x3  }
0x33: {  	p0 =	seq.s32 s10, $0x1;
	s10 =	sld [smem:$0x3FB2];
	_ =	sdelay $0x3  }
0x34: {  	[smem:$0x3FB2] =	sst s10  }
0x35: {  	s10 =	sld [smem:$0x3FB1];
	_ =	sdelay $0x3  }
0x36: {  	p1 =	seq.s32 s10, $0x1;
	s10 =	sld [smem:$0x3FB2];
	_ =	sdelay $0x3  }
0x37: {  	[smem:$0x3FB2] =	sst s10  }
0x38: {  	s10 =	sld [smem:$0x3FB3]  }
0x39: {  	_ = 	snop;
	(pc) =	sbr.ind lr, $3  }
0x3a: {  	_ = 	snop  }
0x3b: {  	_ = 	snop  }
0x3c: {  	p2 =	seq.s32 s10, $0x1;
	s10 =	sld [smem:$0x3FB2]  }
0x3d: {  	_ =	shalt  }
0x3e: {  	_ =	shalt  }
0x3f: {  	_ =	shalt  }
0x40: {  	_ =	shalt  }
0x41: {  	_ =	shalt  }
0x42: {  	_ =	shalt  }
0x43: {  	_ =	shalt  }
0x44: {  	_ =	shalt  }
0x45: {  	_ =	shalt  }
0x46: {  	_ =	shalt  }
0x47: {  	_ =	shalt  }
0x48: {  	_ =	shalt  }
0x49: {  	_ =	shalt  }
0x4a: {  	_ =	shalt  }
0x4b: {  	_ =	shalt  }
0x4c: {  	_ =	shalt  }
0x4d: {  	_ =	shalt  }
0x4e: {  	_ =	shalt  }
0x4f: {  	_ =	shalt  }
0x50: {  	_ =	shalt  }
0x51: {  	_ =	shalt  }
0x52: {  	_ =	shalt  }
0x53: {  	_ =	shalt  }
0x54: {  	_ =	shalt  }
0x55: {  	_ =	shalt  }
0x56: {  	_ =	shalt  }
0x57: {  	_ =	shalt  }
0x58: {  	_ =	shalt  }
0x59: {  	_ =	shalt  }
0x5a: {  	_ =	shalt  }
0x5b: {  	_ =	shalt  }
0x5c: {  	_ =	shalt  }
0x5d: {  	_ =	shalt  }
0x5e: {  	_ =	shalt  }
0x5f: {  	_ =	shalt  }
0x60: {  	_ =	shalt  }
0x61: {  	_ =	shalt  }
0x62: {  	_ =	shalt  }
0x63: {  	_ =	shalt  }
0x64: {  	_ =	shalt  }
0x65: {  	_ =	shalt  }
0x66: {  	_ =	shalt  }
0x67: {  	_ =	shalt  }
0x68: {  	_ =	shalt  }
0x69: {  	_ =	shalt  }
0x6a: {  	_ =	shalt  }
0x6b: {  	_ =	shalt  }
0x6c: {  	_ =	shalt  }
0x6d: {  	_ =	shalt  }
0x6e: {  	_ =	shalt  }
0x6f: {  	_ =	shalt  }
0x70: {  	_ =	shalt  }
0x71: {  	_ =	shalt  }
0x72: {  	_ =	shalt  }
0x73: {  	_ =	shalt  }
0x74: {  	_ =	shalt  }
0x75: {  	_ =	shalt  }
0x76: {  	_ =	shalt  }
0x77: {  	_ =	shalt  }
0x78: {  	_ =	shalt  }
0x79: {  	_ =	shalt  }
0x7a: {  	_ =	shalt  }
0x7b: {  	_ =	shalt  }
0x7c: {  	_ =	shalt  }
0x7d: {  	_ =	shalt  }
0x7e: {  	_ =	shalt  }
0x7f: {  	_ =	shalt  }
0x80: {  	_ =	shalt  }
0x81: {  	_ =	shalt  }
0x82: {  	_ =	shalt  }
0x83: {  	_ =	shalt  }
0x84: {  	_ =	shalt  }
0x85: {  	_ =	shalt  }
0x86: {  	_ =	shalt  }
0x87: {  	_ =	shalt  }
.Lfunc_end0:
.L_simem_size_0:
called_computation_lowered:
.L_overlay_start_0:
0x88: {  	s0 =	sld [smem:$0x3FD9]  }
0x89: {  	s1 =	sld [smem:$0x3FFE];
	_ =	sdelay $0x3  }
0x8a: {  	s0 =	sadd.s32 s1, s0  }
0x8b: {  	[smem:$0x3FBE] =	sst s0  }
0x8c: {  	_ = 	snop  }
0x8d: {  	s0 =	sld [smem:$0x3FC9]  }
0x8e: {  	s16 =	sld [smem:$0x3FD0];
	(tm) =	ssettm $0x1  }
0x8f: {  	s2 =	sld [smem:$0x3FFB];
	_ =	sdelay $0x3  }
0x90: {  	_ =	strace s2  }
0x91: {  	s2 =	sld [smem:$0x3FFC];
	_ =	sdelay $0x3  }
0x92: {  	_ =	strace s2  }
0x93: {  	s2 =	sld [smem:$0x3FFD];
	_ =	sdelay $0x3  }
0x94: {  	_ =	strace s2  }
0x95: {  	_ =	strace $0x8FFFFFFF  }
0x96: {  	s17 =	sld [smem:$0x3FDB];
	_ =	sdelay $0x1  }
0x97: {  	s3 =	simm.s32 $_scs_section_size  }
0x98: {  	s4 =	simm.s32 $_size__tile_overlayer_lowered;
	s5 =	simm.s32 $_tile_overlayer_lowered  }
0x99: {  	s20 =	simm.s32 $0x1BFF;
	s19 =	sshll.u32 s5, $0x1;
	s2 =	sadd.s32 s3, s17  }
0x9a: {  	s6 =	simm.s32 $0x0;
	s18 =	sshll.u32 s4, $0x1;
	s4 =	sadd.s32 s19, s2  }
0x9b: {  	[timem:s6], [sflag:s20] =	dma.local [hbm:s4], s18  }
0x9c: {  	_ =	swait.ge [sflag:s20], s18  }
0x9d: {  	s3 =	ssub.s32 $0x0, s18;
	[sflag:s20] =	ssyncset.done $0x0  }
0x9e: {  	[sflag:s20] =	ssyncadd.s32 s3;
	_ =	sdelay $0x1  }
0x9f: {  	s21 =	simm.s32 $0x1B8B  }
0xa0: {  	_ =	swait.ge [sflag:s21], $0x1  }
0xa1: {  	[sflag:s21] =	ssyncset.done $0x0  }
0xa2: {  	s23 =	simm.s32 $0x1B8E;
	s22 =	sld [smem:$0x3FFE];
	[sflag:s21] =	ssyncadd.s32 $0xFFFFFFFF  }
0xa3: {  	s24 =	simm.s32 $execute0_lowered;
	[smem:$0x3FD2] =	sst s23  }
0xa4: {  	s4 =	sshll.u32 s24, $0x1;
	_ =	strace $0x80000046;
	[dreg:$0x1] =	wrdreg $0xFFFFFFFF  }
0xa5: {  	s25 =	simm.s32 $_size_execute0_lowered;
	s2 =	sadd.s32 s2, s4;
	[dreg:$0x0] =	wrdreg $0x0  }
0xa6: {  	s4 =	sshll.u32 s25, $0x1;
	[dreg:$0x2] =	wrdreg s2  }
0xa7: {  	[dreg:$0x3] =	wrdreg s4  }
0xa8: {  	[dreg:$0x4] =	wrdreg $0xC0  }
0xa9: {  	_ =	task [dreg:s6], $0x5FFFF  }
0xaa: {  	[dreg:$0x1] =	wrdreg $0xFFFFFFFF  }
0xab: {  	[dreg:$0x0] =	wrdreg $0x60  }
0xac: {  	[dreg:$0x2] =	wrdreg s0  }
0xad: {  	[dreg:$0x3] =	wrdreg s22  }
0xae: {  	[dreg:$0x4] =	wrdreg s16  }
0xaf: {  	[dreg:$0x5] =	wrdreg $0x127000  }
0xb0: {  	[dreg:$0x6] =	wrdreg $0x1E0000  }
0xb1: {  	[dreg:$0x7] =	wrdreg $0x9  }
0xb2: {  	_ =	task.clear_ibuf [dreg:s6], $0x8FFFF;
	_ =	strace $0x90000046  }
0xb3: {  	s26 =	simm.s32 $0x9;
	_ =	strace $0x80000048  }
0xb4: {  	_ =	swait.ge [sflag:s26], $0x1  }
0xb5: {  	[sflag:s26] =	ssyncadd.s32 $0xFFFFFFFF  }
0xb6: {  	_ =	strace $0x90000048  }
0xb7: {  	_ =	sfence  }
0xb8: {  	s28 =	sld [smem:$0x0];
	_ =	sdelay $0x1  }
0xb9: {  	s29 =	srdreg.scid  }
0xba: {  	s30 =	sshll.u32 s29, $0xD;
	s31 =	sshrl.u32 s29, $0x2  }
0xbb: {  	s1 =	sand.u32 $0x1, s29;
	s2 =	sand.u32 $0x4000, s30;
	s0 =	sadd.s32 s31, s28  }
0xbc: {  	s1 =	sor.u32 s2, s1;
	s0 =	sshll.u32 s0, $0x11  }
0xbd: {  	s0 =	sor.u32 s0, s1  }
0xbe: {  	s0 =	sadd.s32 $0x8F2B, s0  }
0xbf: {  	[sflag:s0] =	ssyncadd.remote.s32 $0x1  }
0xc0: {  	_ =	sfence.sel $0xFFFF  }
0xc1: {  	[dreg:$0x0] =	wrdreg $0xFFFFFFFF;
	(pc) =	sbr.abs _section_cstart, $3  }
0xc2: {  	[dreg:$0x1] =	wrdreg $0xFFFFFFFF  }
0xc3: {  	_ =	task.clear_ibuf [dreg:s6], $0x2FFFF;
	_ =	strace $0x9FFFFFFF  }
0xc4: {  	(tm) =	ssettm $0x7FFFFFFF  }
0xc5: {  	_ =	shalt  }
tec
execute0_lowered:
.L_overlay_start_1:
0x0: {  	(tag) =	ssettag $0x1  }
0x1: {  	s3 =	rddreg [dreg:$0x0]  }
0x2: {  	s4 =	rddreg [dreg:$0x1]  }
0x3: {  	s6 =	rddreg [dreg:$0x2]  }
0x4: {  	s1 =	rddreg [dreg:$0x3];
	s5 =	simm.s32 $0x0  }
0x5: {  	v0 =	vimm.f32 $1.000000000e+00;
	[smem:$0x7FF] =	sst s5  }
0x6: {  	s2 =	rddreg [dreg:$0x4];
	_ =	strace $0x80000047;
	[tilespmem:$0x1CB00] =	vst v0  }
0x7: {  	[tilespmem:$0x1CB10] =	vst v0  }
0x8: {  	[tilespmem:$0x1CB20] =	vst v0  }
0x9: {  	[tilespmem:$0x1CB30] =	vst v0  }
0xa: {  	[tilespmem:$0x1CB40] =	vst v0  }
0xb: {  	[tilespmem:$0x1CB50] =	vst v0  }
0xc: {  	s10 =	simm.s32 $0x200;
	s8 =	sadd.s32 $0xC000, s4;
	s9 =	sadd.s32 $0x2000, s4;
	[tilespmem:$0x1CB60] =	vst v0  }
0xd: {  	s7 =	sadd.s32 $0x16000, s4;
	s4 =	stileid.u32;
	s5 =	simm.s32 $0x0;
	[tilespmem:$0x1CB70] =	vst v0;
	v0 =	vimm.f32 $0.0e+00  }
.LBB2_1:
0xe: {  	p0 =	sne.s32 s10, $0x28E00;
	[tilespmem:s5+$0x8370] =	vst v0  }
0xf: {  	[tilespmem:s5+$0x8300] =	vst v0  }
0x10: {  	[tilespmem:s5+$0x8310] =	vst v0  }
.Ltmp0:
0x11: {  	[tilespmem:s5+$0x8320] =	vst v0;
	(pc) =	sbr.rel @p0 .LBB2_1-.Ltmp0, $4  }
0x12: {  	[tilespmem:s5+$0x8330] =	vst v0  }
0x13: {  	[tilespmem:s5+$0x8340] =	vst v0  }
0x14: {  	[tilespmem:s5+$0x8350] =	vst v0  }
0x15: {  	[tilespmem:s5+$0x8360] =	vst v0;
	s5 =	sshra.s32 s10, $0x2;
	s10 =	sadd.s32 $0x200, s10  }
0x16: {  	[tilespmem:s5+$0x8370] =	vst v0  }
0x17: {  	[tilespmem:s5+$0x8300] =	vst v0  }
0x18: {  	[tilespmem:s5+$0x8310] =	vst v0  }
0x19: {  	[tilespmem:s5+$0x8320] =	vst v0  }
0x1a: {  	[tilespmem:s5+$0x8330] =	vst v0  }
0x1b: {  	[tilespmem:s5+$0x8340] =	vst v0  }
0x1c: {  	[tilespmem:s5+$0x8350] =	vst v0  }
0x1d: {  	[tilespmem:s5+$0x8360] =	vst v0;
	v0 =	vimm.f32 $0.0e+00;
	s5 =	simm.s32 $0x40;
	s10 =	simm.s32 $0x0  }
.LBB2_3:
0x1e: {  	p0 =	sne.s32 s5, $0x51C0;
	[tilespmem:s10+$0x1CB80] =	vst v0;
	s10 =	smov.u32 s5;
	s5 =	sadd.s32 $0x40, s5  }
.Ltmp1:
0x1f: {  	(pc) =	sbr.rel @p0 .LBB2_3-.Ltmp1, $2  }
0x20: {  	_ =	sdelay $0x2  }
0x21: {  	s10 =	sshra.s32 s10, $0x2  }
0x22: {  	s5 =	smul.u32 $0x29000, s4  }
0x23: {  	s21 =	smul.u32 $0xA00, s4  }
0x24: {  	s15 =	smul.u32 $0x28000, s4  }
0x25: {  	s20 =	simm.s32 $0x8300;
	s18 =	smul.u32 $0x140, s4  }
0x26: {  	s22 =	simm.s32 $0x7;
	p0 =	sne.s32 s4, $0x0;
	s24 =	smul.u32 $0x1400, s4  }
0x27: {  	s28 =	simm.s32 $0x1CB00;
	s29 =	simm.s32 $0x4;
	s30 =	simm.s32 $0x280  }
0x28: {  	s31 =	simm.s32 $0x0;
	s17 =	simm.s32 @!p0 $0x7;
	s5 =	sshrl.u32 s5, $0x2  }
0x29: {  	[tilespmem:s10+$0x1CB80] =	vst v0;
	s10 =	sadd.s32 s8, s21;
	s11 =	sadd.s32 s9, s21;
	s14 =	sor.u32 $0x10, s21  }
0x2a: {  	s23 =	sshrl.u32 s15, $0x2;
	s16 =	sadd.s32 s7, s24;
	s4 =	sadd.s32 s18, s2  }
0x2b: {  	s25 =	sshrl.u32 s18, $0x3;
	s19 =	sadd.s32 $0x1400, s18;
	s13 =	sadd.s32 s5, s1  }
0x2c: {  	[spmem:s13] =	stream.linear.scatter [tilespmem:s20], [sflag:$0x7], $0xA400, $0x38;
	[tilespmem:$0x1E148] =	vst v63  }
0x2d: {  	s18 =	simm.s32 $0x100;
	s24 =	simm.s32 $0x4300;
	_ =	swait.ge [sflag:s22], $0xA400  }
0x2e: {  	s5 =	simm.s32 @!p0 $0x1CB80;
	s12 =	sadd.s32 s8, s14;
	[sflag:s22] =	ssyncset.done $0x0  }
0x2f: {  	s14 =	sadd.s32 s9, s14;
	s15 =	sadd.s32 s6, s25;
	[sflag:s22] =	ssyncadd.s32 $0xFFFF5C00  }
0x30: {  	[spmem:s2] =	stream.linear.scatter @!p0 [tilespmem:s5], [sflag:$0x7], $0x1480, $0x38;
	[tilespmem:$0x1E148] =	vst v63  }
0x31: {  	s8 =	sadd.s32 s21, s8;
	s9 =	sadd.s32 s21, s9;
	_ =	swait.ge @!p0 [sflag:s17], $0x1480  }
0x32: {  	s21 =	simm.s32 $0x1;
	s20 =	sshll.u32 s19, $0x4;
	[sflag:s17] =	ssyncset.done @!p0 $0x0  }
0x33: {  	s25 =	simm.s32 $0x3;
	s0 =	sadd.s32 s7, s20;
	[sflag:s17] =	ssyncadd.s32 @!p0 $0xFFFFEB80  }
0x34: {  	s20 =	simm.s32 $0x180;
	s17 =	simm.s32 $0x0;
	[bflag:$0x0] =	sbarrier.arrive $0xFFFF  }
0x35: {  	[tilespmem:s17], [sflag:$0x1] =	stream.linear.gather [hbm4b:s10+s17], $0x80, $0x38;
	[tilespmem:$0x1E148] =	vst v63  }
0x36: {  	s22 =	sshrl.u32 s19, $0x3;
	s19 =	simm.s32 $0x80;
	s5 =	sadd.s32 s23, s1  }
0x37: {  	[tilespmem:s18], [sflag:$0x1] =	stream.linear.gather [hbm4b:s11+s17], $0x80, $0x38;
	[tilespmem:$0x1E148] =	vst v63  }
0x38: {  	s26 =	sadd.s32 s6, s22;
	s22 =	simm.s32 $0x300;
	[dreg:$0x7] =	wrdreg s0  }
0x39: {  	[tilespmem:s19], [sflag:$0x2] =	stream.linear.gather [hbm4b:s12+s17], $0x80, $0x38;
	[tilespmem:$0x1E148] =	vst v63  }
0x3a: {  	s23 =	simm.s32 $0x2;
	[dreg:$0x6] =	wrdreg s26;
	s26 =	simm.s32 $0x200  }
0x3b: {  	[tilespmem:s20], [sflag:$0x2] =	stream.linear.gather [hbm4b:s14+s17], $0x80, $0x38;
	[tilespmem:$0x1E148] =	vst v63  }
.LBB2_5:
0x3c: {  	p1 =	seq.s32 s31, $0x0  }
0x3d: {  	s0 =	simm.s32 @!p1 $0x5  }
0x3e: {  	_ =	swait.ge @!p1 [sflag:s0], $0x4000  }
0x3f: {  	[sflag:s0] =	ssyncset.done @!p1 $0x0  }
0x40: {  	[sflag:s0] =	ssyncadd.s32 @!p1 $0xFFFFC000  }
0x41: {  	_ =	swait.ge @!p1 [sflag:s0], $0x80  }
0x42: {  	[sflag:s0] =	ssyncset.done @!p1 $0x0  }
0x43: {  	[sflag:s0] =	ssyncadd.s32 @!p1 $0xFFFFFF80  }
0x44: {  	_ =	swait.ge [sflag:s21], $0x80  }
0x45: {  	[sflag:s21] =	ssyncset.done $0x0  }
0x46: {  	[sflag:s21] =	ssyncadd.s32 $0xFFFFFF80  }
0x47: {  	_ =	swait.ge [sflag:s21], $0x80  }
0x48: {  	[sflag:s21] =	ssyncset.done $0x0  }
0x49: {  	[sflag:s21] =	ssyncadd.s32 $0xFFFFFF80  }
0x4a: {  	v0 =	vld [tilespmem:$0x100]  }
0x4b: {  	v1 =	vld [tilespmem:$0x110]  }
0x4c: {  	v2 =	vld [tilespmem:$0x120]  }
0x4d: {  	v3 =	vld [tilespmem:$0x130]  }
0x4e: {  	v4 =	vld [tilespmem:$0x140]  }
0x4f: {  	v5 =	vld [tilespmem:$0x150];
	v0 =	vmin.u32 v0, $0x1400  }
0x50: {  	v41 =	vld [tilespmem:$0x160];
	v40 =	vmin.u32 v1, $0x1400;
	[tilespmem:$0x200] =	vst v0  }
0x51: {  	v43 =	vld [tilespmem:$0x170];
	v42 =	vmin.u32 v2, $0x1400;
	[tilespmem:$0x210] =	vst v40  }
0x52: {  	v44 =	vmin.u32 v3, $0x1400;
	[tilespmem:$0x220] =	vst v42  }
0x53: {  	v45 =	vmin.u32 v4, $0x1400;
	[tilespmem:$0x230] =	vst v44  }
0x54: {  	v46 =	vmin.u32 v5, $0x1400;
	[tilespmem:$0x240] =	vst v45  }
0x55: {  	v47 =	vmin.u32 v41, $0x1400;
	[tilespmem:$0x250] =	vst v46  }
0x56: {  	v48 =	vmin.u32 v43, $0x1400;
	[tilespmem:$0x260] =	vst v47  }
0x57: {  	s0 =	simm.s32 @!p1 $0x6;
	[tilespmem:$0x270] =	vst v48  }
0x58: {  	[tilespmem:s22], [sflag:$0x3] =	stream.indirect.gather [hbm4b:s3+s19], $0x80, s17, s19, $0xb8;
	[tilespmem:$0x1E148] =	vst v63  }
0x59: {  	_ =	swait.ge @!p1 [sflag:s0], $0x4000  }
0x5a: {  	[sflag:s0] =	ssyncset.done @!p1 $0x0  }
0x5b: {  	[sflag:s0] =	ssyncadd.s32 @!p1 $0xFFFFC000  }
0x5c: {  	_ =	swait.ge @!p1 [sflag:s0], $0x80  }
0x5d: {  	[sflag:s0] =	ssyncset.done @!p1 $0x0  }
0x5e: {  	[sflag:s0] =	ssyncadd.s32 @!p1 $0xFFFFFF80  }
0x5f: {  	_ =	swait.ge [sflag:s23], $0x80  }
0x60: {  	[sflag:s23] =	ssyncset.done $0x0  }
0x61: {  	[sflag:s23] =	ssyncadd.s32 $0xFFFFFF80  }
0x62: {  	_ =	swait.ge [sflag:s23], $0x80  }
0x63: {  	[sflag:s23] =	ssyncset.done $0x0  }
0x64: {  	[sflag:s23] =	ssyncadd.s32 $0xFFFFFF80  }
0x65: {  	v49 =	vld [tilespmem:$0x180]  }
0x66: {  	v50 =	vld [tilespmem:$0x190]  }
0x67: {  	v51 =	vld [tilespmem:$0x1A0]  }
0x68: {  	v52 =	vld [tilespmem:$0x1B0]  }
0x69: {  	v53 =	vld [tilespmem:$0x1C0]  }
0x6a: {  	v54 =	vld [tilespmem:$0x1D0];
	v0 =	vmin.u32 v49, $0x1400  }
0x6b: {  	v56 =	vld [tilespmem:$0x1E0];
	v55 =	vmin.u32 v50, $0x1400;
	[tilespmem:$0x280] =	vst v0  }
0x6c: {  	v58 =	vld [tilespmem:$0x1F0];
	v57 =	vmin.u32 v51, $0x1400;
	[tilespmem:$0x290] =	vst v55  }
0x6d: {  	v59 =	vmin.u32 v52, $0x1400;
	[tilespmem:$0x2A0] =	vst v57  }
0x6e: {  	v60 =	vmin.u32 v53, $0x1400;
	[tilespmem:$0x2B0] =	vst v59  }
0x6f: {  	v61 =	vmin.u32 v54, $0x1400;
	[tilespmem:$0x2C0] =	vst v60  }
0x70: {  	v62 =	vmin.u32 v56, $0x1400;
	[tilespmem:$0x2D0] =	vst v61  }
0x71: {  	p1 =	seq.s32 s31, $0x9E0;
	v63 =	vmin.u32 v58, $0x1400;
	[tilespmem:$0x2E0] =	vst v62  }
.Ltmp2:
0x72: {  	[tilespmem:$0x2F0] =	vst v63;
	(pc) =	sbr.rel @p1 .LBB2_7-.Ltmp2, $4  }
0x73: {  	[tilespmem:s24], [sflag:$0x4] =	stream.indirect.gather [hbm4b:s3+s19], $0x80, s19, s19, $0xb8;
	[tilespmem:$0x1E148] =	vst v63  }
0x74: {  	_ =	swait.ge [sflag:s25], $0x4000  }
0x75: {  	[sflag:s25] =	ssyncset.done $0x0  }
0x76: {  	[sflag:s25] =	ssyncadd.s32 $0xFFFFC000  }
0x77: {  	s0 =	sadd.s32 s31, s8  }
0x78: {  	s6 =	sadd.s32 $0x20, s0  }
0x79: {  	[tilespmem:s17], [sflag:$0x1] =	stream.linear.gather [hbm4b:s6+s17], $0x80, $0x38;
	[tilespmem:$0x1E148] =	vst v63  }
0x7a: {  	s6 =	sadd.s32 s31, s9  }
0x7b: {  	s7 =	sadd.s32 $0x20, s6  }
0x7c: {  	[tilespmem:s18], [sflag:$0x1] =	stream.linear.gather [hbm4b:s7+s17], $0x80, $0x38;
	[tilespmem:$0x1E148] =	vst v63  }
0x7d: {  	_ = 	snop  }
0x7e: {  	[spmem:s1] =	stream.indirect.scatter.add.f32 [tilespmem:s22], [sflag:$0x5], $0x80, s26, s19, $0xb8;
	[tilespmem:$0x1E148] =	vst v63  }
0x7f: {  	_ = 	snop  }
0x80: {  	[spmem:s2] =	stream.indirect.scatter.add.f32 [tilespmem:s28], [sflag:$0x5], $0x1, s26, s19, $0xb8;
	[tilespmem:$0x1E148] =	vst v63  }
0x81: {  	_ =	swait.ge [sflag:s29], $0x4000  }
0x82: {  	[sflag:s29] =	ssyncset.done $0x0  }
0x83: {  	s0 =	sadd.s32 $0x30, s0;
	[sflag:s29] =	ssyncadd.s32 $0xFFFFC000  }
0x84: {  	[tilespmem:s19], [sflag:$0x2] =	stream.linear.gather [hbm4b:s0+s17], $0x80, $0x38;
	[tilespmem:$0x1E148] =	vst v63  }
0x85: {  	s7 =	sadd.s32 $0x30, s6  }
0x86: {  	[tilespmem:s20], [sflag:$0x2] =	stream.linear.gather [hbm4b:s7+s17], $0x80, $0x38;
	[tilespmem:$0x1E148] =	vst v63  }
.Ltmp3:
0x87: {  	_ = 	snop;
	(pc) =	sbr.rel .LBB2_5-.Ltmp3, $4  }
0x88: {  	_ = 	snop  }
0x89: {  	[spmem:s1] =	stream.indirect.scatter.add.f32 [tilespmem:s24], [sflag:$0x6], $0x80, s30, s19, $0xb8;
	[tilespmem:$0x1E148] =	vst v63  }
0x8a: {  	s31 =	sadd.s32 $0x20, s31  }
0x8b: {  	[spmem:s2] =	stream.indirect.scatter.add.f32 [tilespmem:s28], [sflag:$0x6], $0x1, s30, s19, $0xb8;
	[tilespmem:$0x1E148] =	vst v63  }
.LBB2_7:
0x8c: {  	s0 =	simm.s32 $0x80;
	s6 =	simm.s32 $0x200;
	s7 =	simm.s32 $0x300  }
0x8d: {  	[spmem:s1] =	stream.indirect.scatter.add.f32 [tilespmem:s7], [sflag:$0x5], $0x80, s6, s0, $0xb8;
	[tilespmem:$0x1E148] =	vst v63  }
0x8e: {  	s22 =	simm.s32 $0x1CB00;
	s23 =	simm.s32 $0x4  }
0x8f: {  	[spmem:s2] =	stream.indirect.scatter.add.f32 [tilespmem:s22], [sflag:$0x5], $0x1, s6, s0, $0xb8;
	[tilespmem:$0x1E148] =	vst v63  }
0x90: {  	_ =	swait.ge [sflag:s23], $0x4000  }
0x91: {  	[sflag:s23] =	ssyncset.done $0x0  }
0x92: {  	s24 =	simm.s32 $0x280;
	s17 =	simm.s32 $0x4300;
	[sflag:s23] =	ssyncadd.s32 $0xFFFFC000  }
0x93: {  	[spmem:s1] =	stream.indirect.scatter.add.f32 [tilespmem:s17], [sflag:$0x6], $0x80, s24, s0, $0xb8;
	[tilespmem:$0x1E148] =	vst v63  }
0x94: {  	s25 =	simm.s32 $0x5  }
0x95: {  	[spmem:s2] =	stream.indirect.scatter.add.f32 [tilespmem:s22], [sflag:$0x6], $0x1, s24, s0, $0xb8;
	[tilespmem:$0x1E148] =	vst v63  }
0x96: {  	_ =	swait.ge [sflag:s25], $0x4000  }
0x97: {  	[sflag:s25] =	ssyncset.done $0x0  }
0x98: {  	[sflag:s25] =	ssyncadd.s32 $0xFFFFC000  }
0x99: {  	_ =	swait.ge [sflag:s25], $0x80  }
0x9a: {  	[sflag:s25] =	ssyncset.done $0x0  }
0x9b: {  	s26 =	simm.s32 $0x6;
	[sflag:s25] =	ssyncadd.s32 $0xFFFFFF80  }
0x9c: {  	_ =	swait.ge [sflag:s26], $0x4000  }
0x9d: {  	[sflag:s26] =	ssyncset.done $0x0  }
0x9e: {  	[sflag:s26] =	ssyncadd.s32 $0xFFFFC000  }
0x9f: {  	_ =	swait.ge [sflag:s26], $0x80  }
0xa0: {  	[sflag:s26] =	ssyncset.done $0x0  }
0xa1: {  	[sflag:s26] =	ssyncadd.s32 $0xFFFFFF80  }
0xa2: {  	s28 =	simm.s32 $0x8300;
	s29 =	simm.s32 $0x7;
	[bflag:$0x0] =	sbarrier.arrive $0xFFFF  }
0xa3: {  	[tilespmem:s28], [sflag:$0x7] =	stream.linear.gather [spmem:s5], $0xA000, $0x38;
	[tilespmem:$0x1E148] =	vst v63  }
0xa4: {  	_ =	swait.ge [sflag:s29], $0xA000  }
0xa5: {  	[sflag:s29] =	ssyncset.done $0x0  }
0xa6: {  	s30 =	simm.s32 $0x0;
	[sflag:s29] =	ssyncadd.s32 $0xFFFF6000  }
0xa7: {  	[hbm4b:s16+s30] =	stream.linear.scatter [tilespmem:s28], [sflag:$0x7], $0xA000, $0x38;
	[tilespmem:$0x1E148] =	vst v63  }
0xa8: {  	_ =	swait.ge [sflag:s29], $0xA000  }
0xa9: {  	[sflag:s29] =	ssyncset.done $0x0  }
0xaa: {  	s31 =	simm.s32 $0x1CB80;
	[sflag:s29] =	ssyncadd.s32 $0xFFFF6000  }
0xab: {  	[tilespmem:s31], [sflag:$0x7] =	stream.linear.gather [spmem:s4], $0x140, $0x38;
	[tilespmem:$0x1E148] =	vst v63  }
0xac: {  	_ =	swait.ge [sflag:s29], $0x140  }
0xad: {  	[sflag:s29] =	ssyncset.done $0x0  }
0xae: {  	[sflag:s29] =	ssyncadd.s32 $0xFFFFFEC0  }
0xaf: {  	[hbm4b:s15+s30] =	stream.linear.scatter [tilespmem:s31], [sflag:$0x7], $0x140, $0x38;
	[tilespmem:$0x1E148] =	vst v63  }
0xb0: {  	_ =	swait.ge [sflag:s29], $0x140  }
0xb1: {  	[sflag:s29] =	ssyncset.done $0x0  }
0xb2: {  	[sflag:s29] =	ssyncadd.s32 $0xFFFFFEC0  }
0xb3: {  	v0 =	vimm.f32 $0.0e+00;
	s16 =	simm.s32 $0x200;
	s15 =	simm.s32 $0x0;
	[bflag:$0x0] =	sbarrier.arrive $0xFFFF  }
.LBB2_8:
0xb4: {  	p1 =	sne.s32 s16, $0x28E00;
	[tilespmem:s15+$0x8370] =	vst v0  }
0xb5: {  	[tilespmem:s15+$0x8300] =	vst v0  }
0xb6: {  	[tilespmem:s15+$0x8310] =	vst v0  }
.Ltmp4:
0xb7: {  	[tilespmem:s15+$0x8320] =	vst v0;
	(pc) =	sbr.rel @p1 .LBB2_8-.Ltmp4, $4  }
0xb8: {  	[tilespmem:s15+$0x8330] =	vst v0  }
0xb9: {  	[tilespmem:s15+$0x8340] =	vst v0  }
0xba: {  	[tilespmem:s15+$0x8350] =	vst v0  }
0xbb: {  	[tilespmem:s15+$0x8360] =	vst v0;
	s15 =	sshra.s32 s16, $0x2;
	s16 =	sadd.s32 $0x200, s16  }
0xbc: {  	[tilespmem:s15+$0x8370] =	vst v0  }
0xbd: {  	[tilespmem:s15+$0x8300] =	vst v0  }
0xbe: {  	[tilespmem:s15+$0x8310] =	vst v0  }
0xbf: {  	[tilespmem:s15+$0x8320] =	vst v0  }
0xc0: {  	[tilespmem:s15+$0x8330] =	vst v0  }
0xc1: {  	[tilespmem:s15+$0x8340] =	vst v0  }
0xc2: {  	[tilespmem:s15+$0x8350] =	vst v0  }
0xc3: {  	[tilespmem:s15+$0x8360] =	vst v0;
	v0 =	vimm.f32 $0.0e+00;
	s15 =	simm.s32 $0x40;
	s16 =	simm.s32 $0x0  }
.LBB2_10:
0xc4: {  	p1 =	sne.s32 s15, $0x51C0;
	[tilespmem:s16+$0x1CB80] =	vst v0;
	s0 =	smov.u32 s15;
	s15 =	sadd.s32 $0x40, s15  }
.Ltmp5:
0xc5: {  	(pc) =	sbr.rel @p1 .LBB2_10-.Ltmp5, $2  }
0xc6: {  	_ =	sdelay $0x2  }
0xc7: {  	s16 =	sshra.s32 s0, $0x2  }
0xc8: {  	[tilespmem:s16+$0x1CB80] =	vst v0;
	s0 =	simm.s32 $0x8300;
	s31 =	simm.s32 $0x7  }
0xc9: {  	[spmem:s13] =	stream.linear.scatter [tilespmem:s0], [sflag:$0x7], $0xA400, $0x38;
	[tilespmem:$0x1E148] =	vst v63  }
0xca: {  	_ =	swait.ge [sflag:s31], $0xA400  }
0xcb: {  	[sflag:s31] =	ssyncset.done $0x0  }
0xcc: {  	s0 =	simm.s32 @!p0 $0x1CB80;
	[sflag:s31] =	ssyncadd.s32 $0xFFFF5C00  }
0xcd: {  	[spmem:s2] =	stream.linear.scatter @!p0 [tilespmem:s0], [sflag:$0x7], $0x1480, $0x38;
	[tilespmem:$0x1E148] =	vst v63  }
0xce: {  	s0 =	simm.s32 @!p0 $0x7  }
0xcf: {  	_ =	swait.ge @!p0 [sflag:s0], $0x1480  }
0xd0: {  	[sflag:s0] =	ssyncset.done @!p0 $0x0  }
0xd1: {  	[sflag:s0] =	ssyncadd.s32 @!p0 $0xFFFFEB80  }
0xd2: {  	s15 =	simm.s32 $0x300;
	s13 =	simm.s32 $0x0;
	[bflag:$0x0] =	sbarrier.arrive $0xFFFF  }
0xd3: {  	[tilespmem:s13], [sflag:$0x1] =	stream.linear.gather [hbm4b:s10+s13], $0x80, $0x38;
	[tilespmem:$0x1E148] =	vst v63  }
0xd4: {  	s16 =	simm.s32 $0x2;
	s17 =	simm.s32 $0x4300;
	s10 =	simm.s32 $0x100  }
0xd5: {  	[tilespmem:s10], [sflag:$0x1] =	stream.linear.gather [hbm4b:s11+s13], $0x80, $0x38;
	[tilespmem:$0x1E148] =	vst v63  }
0xd6: {  	s18 =	simm.s32 $0x3;
	s19 =	simm.s32 $0x200;
	s11 =	simm.s32 $0x80  }
0xd7: {  	[tilespmem:s11], [sflag:$0x2] =	stream.linear.gather [hbm4b:s12+s13], $0x80, $0x38;
	[tilespmem:$0x1E148] =	vst v63  }
0xd8: {  	s20 =	simm.s32 $0x1CB00;
	s21 =	simm.s32 $0x4;
	s12 =	simm.s32 $0x180  }
0xd9: {  	[tilespmem:s12], [sflag:$0x2] =	stream.linear.gather [hbm4b:s14+s13], $0x80, $0x38;
	[tilespmem:$0x1E148] =	vst v63  }
0xda: {  	s22 =	simm.s32 $0x280;
	s23 =	simm.s32 $0x0;
	s14 =	simm.s32 $0x1  }
.LBB2_12:
0xdb: {  	p1 =	seq.s32 s23, $0x0  }
0xdc: {  	s0 =	simm.s32 @!p1 $0x5  }
0xdd: {  	_ =	swait.ge @!p1 [sflag:s0], $0x4000  }
0xde: {  	[sflag:s0] =	ssyncset.done @!p1 $0x0  }
0xdf: {  	[sflag:s0] =	ssyncadd.s32 @!p1 $0xFFFFC000  }
0xe0: {  	_ =	swait.ge @!p1 [sflag:s0], $0x80  }
0xe1: {  	[sflag:s0] =	ssyncset.done @!p1 $0x0  }
0xe2: {  	[sflag:s0] =	ssyncadd.s32 @!p1 $0xFFFFFF80  }
0xe3: {  	_ =	swait.ge [sflag:s14], $0x80  }
0xe4: {  	[sflag:s14] =	ssyncset.done $0x0  }
0xe5: {  	[sflag:s14] =	ssyncadd.s32 $0xFFFFFF80  }
0xe6: {  	_ =	swait.ge [sflag:s14], $0x80  }
0xe7: {  	[sflag:s14] =	ssyncset.done $0x0  }
0xe8: {  	[sflag:s14] =	ssyncadd.s32 $0xFFFFFF80  }
0xe9: {  	v0 =	vld [tilespmem:$0x100]  }
0xea: {  	v1 =	vld [tilespmem:$0x110]  }
0xeb: {  	v2 =	vld [tilespmem:$0x120]  }
0xec: {  	v3 =	vld [tilespmem:$0x130]  }
0xed: {  	v4 =	vld [tilespmem:$0x140]  }
0xee: {  	v5 =	vld [tilespmem:$0x150];
	v0 =	vadd.s32 $0xFFFFEC00, v0  }
0xef: {  	v6 =	vld [tilespmem:$0x160];
	v1 =	vadd.s32 $0xFFFFEC00, v1;
	v0 =	vmin.u32 v0, $0x1400  }
0xf0: {  	v31 =	vld [tilespmem:$0x170];
	v30 =	vadd.s32 $0xFFFFEC00, v2;
	v29 =	vmin.u32 v1, $0x1400;
	[tilespmem:$0x200] =	vst v0  }
0xf1: {  	v33 =	vadd.s32 $0xFFFFEC00, v3;
	v32 =	vmin.u32 v30, $0x1400;
	[tilespmem:$0x210] =	vst v29  }
0xf2: {  	v35 =	vadd.s32 $0xFFFFEC00, v4;
	v34 =	vmin.u32 v33, $0x1400;
	[tilespmem:$0x220] =	vst v32  }
0xf3: {  	v37 =	vadd.s32 $0xFFFFEC00, v5;
	v36 =	vmin.u32 v35, $0x1400;
	[tilespmem:$0x230] =	vst v34  }
0xf4: {  	v39 =	vadd.s32 $0xFFFFEC00, v6;
	v38 =	vmin.u32 v37, $0x1400;
	[tilespmem:$0x240] =	vst v36  }
0xf5: {  	v41 =	vadd.s32 $0xFFFFEC00, v31;
	v40 =	vmin.u32 v39, $0x1400;
	[tilespmem:$0x250] =	vst v38  }
0xf6: {  	v42 =	vmin.u32 v41, $0x1400;
	[tilespmem:$0x260] =	vst v40  }
0xf7: {  	s0 =	simm.s32 @!p1 $0x6;
	[tilespmem:$0x270] =	vst v42  }
0xf8: {  	[tilespmem:s15], [sflag:$0x3] =	stream.indirect.gather [hbm4b:s3+s11], $0x80, s13, s11, $0xb8;
	[tilespmem:$0x1E148] =	vst v63  }
0xf9: {  	_ =	swait.ge @!p1 [sflag:s0], $0x4000  }
0xfa: {  	[sflag:s0] =	ssyncset.done @!p1 $0x0  }
0xfb: {  	[sflag:s0] =	ssyncadd.s32 @!p1 $0xFFFFC000  }
0xfc: {  	_ =	swait.ge @!p1 [sflag:s0], $0x80  }
0xfd: {  	[sflag:s0] =	ssyncset.done @!p1 $0x0  }
0xfe: {  	[sflag:s0] =	ssyncadd.s32 @!p1 $0xFFFFFF80  }
0xff: {  	_ =	swait.ge [sflag:s16], $0x80  }
0x100: {  	[sflag:s16] =	ssyncset.done $0x0  }
0x101: {  	[sflag:s16] =	ssyncadd.s32 $0xFFFFFF80  }
0x102: {  	_ =	swait.ge [sflag:s16], $0x80  }
0x103: {  	[sflag:s16] =	ssyncset.done $0x0  }
0x104: {  	[sflag:s16] =	ssyncadd.s32 $0xFFFFFF80  }
0x105: {  	v43 =	vld [tilespmem:$0x180]  }
0x106: {  	v44 =	vld [tilespmem:$0x190]  }
0x107: {  	v45 =	vld [tilespmem:$0x1A0]  }
0x108: {  	v46 =	vld [tilespmem:$0x1B0]  }
0x109: {  	v47 =	vld [tilespmem:$0x1C0]  }
0x10a: {  	v48 =	vld [tilespmem:$0x1D0];
	v0 =	vadd.s32 $0xFFFFEC00, v43  }
0x10b: {  	v49 =	vld [tilespmem:$0x1E0];
	v1 =	vadd.s32 $0xFFFFEC00, v44;
	v0 =	vmin.u32 v0, $0x1400  }
0x10c: {  	v52 =	vld [tilespmem:$0x1F0];
	v51 =	vadd.s32 $0xFFFFEC00, v45;
	v50 =	vmin.u32 v1, $0x1400;
	[tilespmem:$0x280] =	vst v0  }
0x10d: {  	v54 =	vadd.s32 $0xFFFFEC00, v46;
	v53 =	vmin.u32 v51, $0x1400;
	[tilespmem:$0x290] =	vst v50  }
0x10e: {  	v56 =	vadd.s32 $0xFFFFEC00, v47;
	v55 =	vmin.u32 v54, $0x1400;
	[tilespmem:$0x2A0] =	vst v53  }
0x10f: {  	v58 =	vadd.s32 $0xFFFFEC00, v48;
	v57 =	vmin.u32 v56, $0x1400;
	[tilespmem:$0x2B0] =	vst v55  }
0x110: {  	v60 =	vadd.s32 $0xFFFFEC00, v49;
	v59 =	vmin.u32 v58, $0x1400;
	[tilespmem:$0x2C0] =	vst v57  }
0x111: {  	v62 =	vadd.s32 $0xFFFFEC00, v52;
	v61 =	vmin.u32 v60, $0x1400;
	[tilespmem:$0x2D0] =	vst v59  }
0x112: {  	p1 =	seq.s32 s23, $0x9E0;
	v63 =	vmin.u32 v62, $0x1400;
	[tilespmem:$0x2E0] =	vst v61  }
.Ltmp6:
0x113: {  	[tilespmem:$0x2F0] =	vst v63;
	(pc) =	sbr.rel @p1 .LBB2_14-.Ltmp6, $4  }
0x114: {  	[tilespmem:s17], [sflag:$0x4] =	stream.indirect.gather [hbm4b:s3+s11], $0x80, s11, s11, $0xb8;
	[tilespmem:$0x1E148] =	vst v63  }
0x115: {  	_ =	swait.ge [sflag:s18], $0x4000  }
0x116: {  	[sflag:s18] =	ssyncset.done $0x0  }
0x117: {  	[sflag:s18] =	ssyncadd.s32 $0xFFFFC000  }
0x118: {  	s0 =	sadd.s32 s23, s8  }
0x119: {  	s30 =	sadd.s32 s23, s9;
	s6 =	sadd.s32 $0x20, s0  }
0x11a: {  	[tilespmem:s13], [sflag:$0x1] =	stream.linear.gather [hbm4b:s6+s13], $0x80, $0x38;
	[tilespmem:$0x1E148] =	vst v63  }
0x11b: {  	s7 =	sadd.s32 $0x20, s30  }
0x11c: {  	[tilespmem:s10], [sflag:$0x1] =	stream.linear.gather [hbm4b:s7+s13], $0x80, $0x38;
	[tilespmem:$0x1E148] =	vst v63  }
0x11d: {  	_ = 	snop  }
0x11e: {  	[spmem:s1] =	stream.indirect.scatter.add.f32 [tilespmem:s15], [sflag:$0x5], $0x80, s19, s11, $0xb8;
	[tilespmem:$0x1E148] =	vst v63  }
0x11f: {  	_ = 	snop  }
0x120: {  	[spmem:s2] =	stream.indirect.scatter.add.f32 [tilespmem:s20], [sflag:$0x5], $0x1, s19, s11, $0xb8;
	[tilespmem:$0x1E148] =	vst v63  }
0x121: {  	_ =	swait.ge [sflag:s21], $0x4000  }
0x122: {  	[sflag:s21] =	ssyncset.done $0x0  }
0x123: {  	s0 =	sadd.s32 $0x30, s0;
	[sflag:s21] =	ssyncadd.s32 $0xFFFFC000  }
0x124: {  	[tilespmem:s11], [sflag:$0x2] =	stream.linear.gather [hbm4b:s0+s13], $0x80, $0x38;
	[tilespmem:$0x1E148] =	vst v63  }
0x125: {  	s31 =	sadd.s32 $0x30, s30  }
0x126: {  	[tilespmem:s12], [sflag:$0x2] =	stream.linear.gather [hbm4b:s31+s13], $0x80, $0x38;
	[tilespmem:$0x1E148] =	vst v63  }
.Ltmp7:
0x127: {  	_ = 	snop;
	(pc) =	sbr.rel .LBB2_12-.Ltmp7, $4  }
0x128: {  	_ = 	snop  }
0x129: {  	[spmem:s1] =	stream.indirect.scatter.add.f32 [tilespmem:s17], [sflag:$0x6], $0x80, s22, s11, $0xb8;
	[tilespmem:$0x1E148] =	vst v63  }
0x12a: {  	s23 =	sadd.s32 $0x20, s23  }
0x12b: {  	[spmem:s2] =	stream.indirect.scatter.add.f32 [tilespmem:s20], [sflag:$0x6], $0x1, s22, s11, $0xb8;
	[tilespmem:$0x1E148] =	vst v63  }
.LBB2_14:
0x12c: {  	s0 =	simm.s32 $0x80;
	s3 =	simm.s32 $0x200;
	s6 =	simm.s32 $0x300  }
0x12d: {  	[spmem:s1] =	stream.indirect.scatter.add.f32 [tilespmem:s6], [sflag:$0x5], $0x80, s3, s0, $0xb8;
	[tilespmem:$0x1E148] =	vst v63  }
0x12e: {  	s20 =	simm.s32 $0x1CB00;
	s21 =	simm.s32 $0x4  }
0x12f: {  	[spmem:s2] =	stream.indirect.scatter.add.f32 [tilespmem:s20], [sflag:$0x5], $0x1, s3, s0, $0xb8;
	[tilespmem:$0x1E148] =	vst v63  }
0x130: {  	_ =	swait.ge [sflag:s21], $0x4000  }
0x131: {  	[sflag:s21] =	ssyncset.done $0x0  }
0x132: {  	s22 =	simm.s32 $0x280;
	s7 =	simm.s32 $0x4300;
	[sflag:s21] =	ssyncadd.s32 $0xFFFFC000  }
0x133: {  	[spmem:s1] =	stream.indirect.scatter.add.f32 [tilespmem:s7], [sflag:$0x6], $0x80, s22, s0, $0xb8;
	[tilespmem:$0x1E148] =	vst v63  }
0x134: {  	s23 =	simm.s32 $0x5  }
0x135: {  	[spmem:s2] =	stream.indirect.scatter.add.f32 [tilespmem:s20], [sflag:$0x6], $0x1, s22, s0, $0xb8;
	[tilespmem:$0x1E148] =	vst v63  }
0x136: {  	_ =	swait.ge [sflag:s23], $0x4000  }
0x137: {  	[sflag:s23] =	ssyncset.done $0x0  }
0x138: {  	[sflag:s23] =	ssyncadd.s32 $0xFFFFC000  }
0x139: {  	_ =	swait.ge [sflag:s23], $0x80  }
0x13a: {  	[sflag:s23] =	ssyncset.done $0x0  }
0x13b: {  	s24 =	simm.s32 $0x6;
	[sflag:s23] =	ssyncadd.s32 $0xFFFFFF80  }
0x13c: {  	_ =	swait.ge [sflag:s24], $0x4000  }
0x13d: {  	[sflag:s24] =	ssyncset.done $0x0  }
0x13e: {  	[sflag:s24] =	ssyncadd.s32 $0xFFFFC000  }
0x13f: {  	_ =	swait.ge [sflag:s24], $0x80  }
0x140: {  	[sflag:s24] =	ssyncset.done $0x0  }
0x141: {  	[sflag:s24] =	ssyncadd.s32 $0xFFFFFF80  }
0x142: {  	s25 =	simm.s32 $0x8300;
	s26 =	simm.s32 $0x7;
	[bflag:$0x0] =	sbarrier.arrive $0xFFFF  }
0x143: {  	[tilespmem:s25], [sflag:$0x7] =	stream.linear.gather [spmem:s5], $0xA000, $0x38;
	[tilespmem:$0x1E148] =	vst v63  }
0x144: {  	_ =	swait.ge [sflag:s26], $0xA000  }
0x145: {  	[sflag:s26] =	ssyncset.done $0x0  }
0x146: {  	s28 =	simm.s32 $0x0;
	s29 =	rddreg [dreg:$0x7];
	[sflag:s26] =	ssyncadd.s32 $0xFFFF6000  }
0x147: {  	[hbm4b:s29+s28] =	stream.linear.scatter [tilespmem:s25], [sflag:$0x7], $0xA000, $0x38;
	[tilespmem:$0x1E148] =	vst v63  }
0x148: {  	_ =	swait.ge [sflag:s26], $0xA000  }
0x149: {  	[sflag:s26] =	ssyncset.done $0x0  }
0x14a: {  	s30 =	simm.s32 $0x1CB80;
	[sflag:s26] =	ssyncadd.s32 $0xFFFF6000  }
0x14b: {  	[tilespmem:s30], [sflag:$0x7] =	stream.linear.gather [spmem:s4], $0x140, $0x38;
	[tilespmem:$0x1E148] =	vst v63  }
0x14c: {  	_ =	swait.ge [sflag:s26], $0x140  }
0x14d: {  	[sflag:s26] =	ssyncset.done $0x0  }
0x14e: {  	s31 =	rddreg [dreg:$0x6];
	[sflag:s26] =	ssyncadd.s32 $0xFFFFFEC0  }
0x14f: {  	[hbm4b:s31+s28] =	stream.linear.scatter [tilespmem:s30], [sflag:$0x7], $0x140, $0x38;
	[tilespmem:$0x1E148] =	vst v63  }
0x150: {  	_ =	swait.ge [sflag:s26], $0x140  }
0x151: {  	[sflag:s26] =	ssyncset.done $0x0  }
0x152: {  	[sflag:s26] =	ssyncadd.s32 $0xFFFFFEC0  }
0x153: {  	v0 =	vimm.f32 $0.0e+00;
	s1 =	simm.s32 $0x0;
	s2 =	simm.s32 $0x200;
	[bflag:$0x0] =	sbarrier.arrive $0xFFFF  }
.LBB2_15:
0x154: {  	p1 =	sne.s32 s2, $0x28E00;
	[tilespmem:s1+$0x8370] =	vst v0  }
0x155: {  	[tilespmem:s1+$0x8300] =	vst v0  }
0x156: {  	[tilespmem:s1+$0x8310] =	vst v0  }
.Ltmp8:
0x157: {  	[tilespmem:s1+$0x8320] =	vst v0;
	(pc) =	sbr.rel @p1 .LBB2_15-.Ltmp8, $4  }
0x158: {  	[tilespmem:s1+$0x8330] =	vst v0  }
0x159: {  	[tilespmem:s1+$0x8340] =	vst v0  }
0x15a: {  	[tilespmem:s1+$0x8350] =	vst v0  }
0x15b: {  	[tilespmem:s1+$0x8360] =	vst v0;
	s1 =	sshra.s32 s2, $0x2;
	s2 =	sadd.s32 $0x200, s2  }
0x15c: {  	[tilespmem:s1+$0x8370] =	vst v0  }
0x15d: {  	[tilespmem:s1+$0x8300] =	vst v0  }
0x15e: {  	[tilespmem:s1+$0x8310] =	vst v0  }
0x15f: {  	[tilespmem:s1+$0x8320] =	vst v0  }
0x160: {  	[tilespmem:s1+$0x8330] =	vst v0  }
0x161: {  	[tilespmem:s1+$0x8340] =	vst v0  }
0x162: {  	[tilespmem:s1+$0x8350] =	vst v0  }
0x163: {  	[tilespmem:s1+$0x8360] =	vst v0;
	v0 =	vimm.f32 $0.0e+00;
	s1 =	simm.s32 $0x40;
	s2 =	simm.s32 $0x0  }
.LBB2_17:
0x164: {  	p1 =	sne.s32 s1, $0x51C0;
	[tilespmem:s2+$0x1CB80] =	vst v0;
	s0 =	smov.u32 s1;
	s1 =	sadd.s32 $0x40, s1  }
.Ltmp9:
0x165: {  	(pc) =	sbr.rel @p1 .LBB2_17-.Ltmp9, $2  }
0x166: {  	_ =	sdelay $0x2  }
0x167: {  	s2 =	sshra.s32 s0, $0x2  }
0x168: {  	[tilespmem:s2+$0x1CB80] =	vst v0  }
0x169: {  	_ =	sfence.sel $0x180000  }
0x16a: {  	[bflag:$0x0] =	sbarrier.arrive $0xFFFF  }
0x16b: {  	_ =	strace $0x90000047  }
0x16c: {  	[bflag:$0x2] =	sbarrier.arrive $0xFFFF  }
0x16d: {  	s0 =	rddreg [dreg:$0x5]  }
0x16e: {  	s0 =	sadd.s32 @!p0 $0x100000, s0  }
0x16f: {  	[sflag:s0] =	ssyncadd.tile.s32 @!p0 $0x1;
	_ =	shalt  }
.Lfunc_end2:
_tile_overlayer_lowered:
.L_overlay_start_2:
0x170: {  	(tag) =	ssettag $0x2  }
0x171: {  	s0 =	rddreg [dreg:$0x0];
	s2 =	stileid.u32  }
0x172: {  	s1 =	rddreg [dreg:$0x1];
	p0 =	sne.s32 s2, $0x0  }
0x173: {  	s3 =	rddreg [dreg:$0x2];
	[bflag:$0x3] =	sbarrier.arrive $0xFFFF;
	s2 =	simm.s32 @!p0 $0x1C07  }
0x174: {  	[timem:s3], [sflag:s2] =	dma.local @!p0 [hbm:s0], s1  }
0x175: {  	s0 =	simm.s32 @!p0 $0x7  }
0x176: {  	_ =	swait.ge @!p0 [sflag:s0], s1  }
0x177: {  	s1 =	ssub.s32 @!p0 $0x0, s1;
	[sflag:s0] =	ssyncset.done @!p0 $0x0  }
0x178: {  	[sflag:s0] =	ssyncadd.s32 @!p0 s1  }
0x179: {  	[bflag:$0x3] =	sbarrier.arrive $0xFFFF  }
0x17a: {  	_ =	shalt  }

</sc_bundles>
